<compile_context>
chip_gen: v7x
topology: tpu7x:2x2x1
jax: 0.10.2.dev20260603
libtpu: 0.0.44.dev20260713+nightly
codegen_flags: <defaults>
</compile_context>

<pallas_src>
import functools

import jax
import jax.numpy as jnp
from jax import lax
from jax.experimental import pallas as pl
from jax.experimental.pallas import tpu as pltpu
from jax.experimental.pallas import tpu_sc as plsc

_B = 4
_L = 4
_P = 128
_M = 192 * 256
_NC = 2
_NS = 16
_NW = _NC * _NS
_CPB = _NW // _B
_MW = _M // _CPB
_NV = _MW // 16
_NBKT = 136
_DUMMY = 129
_BKTN = _NBKT * 16
_REG = _L * _BKTN
_BIG = 1e10


def _sort16(x):
    return lax.sort(x, dimension=0)


def _bitonic(vs):
    if len(vs) == 1:
        return [_sort16(vs[0])]
    h = len(vs) // 2
    los = [jnp.minimum(a, b) for a, b in zip(vs[:h], vs[h:])]
    his = [jnp.maximum(a, b) for a, b in zip(vs[:h], vs[h:])]
    return _bitonic(los) + _bitonic(his)


def _merge(a, b):
    rb = [lax.rev(x, (0,)) for x in reversed(b)]
    los = [jnp.minimum(x, y) for x, y in zip(a, rb)]
    his = [jnp.maximum(x, y) for x, y in zip(a, rb)]
    return _bitonic(los) + _bitonic(his)


def _sort_vregs(vs):
    blocks = [[_sort16(v)] for v in vs]
    while len(blocks) > 1:
        blocks = [_merge(blocks[i], blocks[i + 1])
                  for i in range(0, len(blocks), 2)]
    return blocks[0]


def _sc_body(y_hbm, eb_hbm, omax_hbm, omin_hbm, otail_hbm, ocs_hbm, yv, ev,
             cv, s0, s1, s2, s3,
             mxe0, mxe1, mxe2, mxe3, mxo0, mxo1, mxo2, mxo3,
             mne0, mne1, mne2, mne3, mno0, mno1, mno2, mno3, tail):
    wid = lax.axis_index("s") * _NC + lax.axis_index("c")
    b = wid // _CPB
    chunk = wid % _CPB
    rows = 192 // _CPB
    pltpu.sync_copy(y_hbm.at[b, pl.ds(chunk * rows, rows)], yv)
    pltpu.sync_copy(eb_hbm.at[b], ev)

    srefs = (s0, s1, s2, s3)
    mxrefs = ((mxe0, mxe1, mxe2, mxe3), (mxo0, mxo1, mxo2, mxo3))
    mnrefs = ((mne0, mne1, mne2, mne3), (mno0, mno1, mno2, mno3))
    lane = lax.iota(jnp.int32, 16)
    neg1 = jnp.full((16,), -1.0, jnp.float32)
    two = jnp.full((16,), 2.0, jnp.float32)

    for l in range(_L):
        cvs = [0.5 * (ev[l, pl.ds(k * 16, 16)] + ev[l, pl.ds(k * 16 + 1, 16)])
               for k in range(_P // 16)]
        svs = _sort_vregs(cvs)
        for k, v in enumerate(svs):
            cv[pl.ds(l * _P + k * 16, 16)] = v

    @pl.when(chunk == 0)
    def _write_csort():
        pltpu.sync_copy(cv, ocs_hbm.at[b])

    def init_step(i, carry):
        off = pl.multiple_of(i * 16, 16)
        for par in range(2):
            for l in range(_L):
                mxrefs[par][l][pl.ds(off, 16)] = neg1
                mnrefs[par][l][pl.ds(off, 16)] = two
        return carry
    lax.fori_loop(0, _NBKT, init_step, 0)

    zero = jnp.zeros((16,), jnp.float32)

    topv = []
    for l in range(_L):
        lb = l * _P
        tv = {}
        for ti in (127, 63, 31, 95, 15, 47, 79, 111):
            tv[ti] = plsc.load_gather(
                cv, [jnp.full((16,), lb + ti, jnp.int32)])
        topv.append(tv)

    chy_res = []
    cnt_res = None
    for lev in range(_L):
        def _loop1(g, carry, lev=lev):
            lbase = lev * _P
            tv = topv[lev]
            off = pl.multiple_of(g * 16, 16)
            y16 = yv[g // 16, pl.ds(pl.multiple_of((g % 16) * 16, 16), 16)]
            valid = y16 >= 0.001
            pos = jnp.where(tv[127] <= y16, 128, 0).astype(jnp.int32)
            pos = jnp.where((pos == 0) & (tv[63] <= y16), 64, pos)
            pv = jnp.where(pos == 64, tv[95], tv[31])
            pos = jnp.where((pos <= 64) & (pv <= y16), pos + 32, pos)
            pv = jnp.where(pos >= 64,
                           jnp.where(pos >= 96, tv[111], tv[79]),
                           jnp.where(pos >= 32, tv[47], tv[15]))
            pos = jnp.where((pos <= 96) & (pv <= y16), pos + 16, pos)
            for bit in (8, 4, 2, 1):
                nxt = pos + bit
                cidx = jnp.minimum(nxt - 1, _P - 1)
                cval = plsc.load_gather(cv, [lbase + cidx])
                pos = jnp.where((nxt <= _P) & (cval <= y16), nxt, pos)
            clo = plsc.load_gather(cv, [lbase + jnp.maximum(pos - 1, 0)])
            chi = plsc.load_gather(cv, [lbase + jnp.minimum(pos, _P - 1)])
            dl = y16 - clo
            dh = chi - y16
            dlo = jnp.where(pos > 0, dl * dl, _BIG)
            dhi = jnp.where(pos < _P, dh * dh, _BIG)
            dmin = jnp.minimum(dlo, dhi)
            chy = carry[0] + jnp.where(valid, dmin, 0.0)
            sbkt = jnp.where(valid, pos, _DUMMY)
            srefs[lev][pl.ds(off, 16)] = sbkt * 16 + lane
            if lev == 0:
                cnt = carry[1] + jnp.where(valid, 1.0, 0.0).astype(jnp.float32)
                return (chy, cnt)
            return (chy,)
        carry0 = (zero, zero) if lev == 0 else (zero,)
        out = plsc.parallel_loop(0, _NV, unroll=2, carry=carry0)(_loop1)
        chy_res.append(out[0])
        if lev == 0:
            cnt_res = out[1]
    res = tuple(chy_res) + (cnt_res,)

    def step2(g, carry):
        updates = []
        for par in range(2):
            g2 = 2 * g + par
            off = pl.multiple_of(g2 * 16, 16)
            y16 = yv[g2 // 16, pl.ds(pl.multiple_of((g2 % 16) * 16, 16), 16)]
            for l in range(_L):
                idx = srefs[l][pl.ds(off, 16)]
                curmax = plsc.load_gather(mxrefs[par][l], [idx])
                curmin = plsc.load_gather(mnrefs[par][l], [idx])
                updates.append((par, l, idx, jnp.maximum(curmax, y16),
                                jnp.minimum(curmin, y16)))
        for par, l, idx, newmax, newmin in updates:
            plsc.store_scatter(mxrefs[par][l], [idx], newmax)
            plsc.store_scatter(mnrefs[par][l], [idx], newmin)
        return carry
    lax.fori_loop(0, _NV // 2, step2, 0)

    def merge_step(i, carry):
        off = pl.multiple_of(i * 16, 16)
        for l in range(_L):
            mxrefs[0][l][pl.ds(off, 16)] = jnp.maximum(
                mxrefs[0][l][pl.ds(off, 16)], mxrefs[1][l][pl.ds(off, 16)])
            mnrefs[0][l][pl.ds(off, 16)] = jnp.minimum(
                mnrefs[0][l][pl.ds(off, 16)], mnrefs[1][l][pl.ds(off, 16)])
        return carry
    lax.fori_loop(0, _NBKT, merge_step, 0)

    for l in range(_L):
        tail[pl.ds(l * 16, 16)] = res[l]
    tail[pl.ds(_L * 16, 16)] = res[_L]
    for l in range(_L):
        pltpu.sync_copy(mxrefs[0][l], omax_hbm.at[wid, pl.ds(l * _BKTN, _BKTN)])
        pltpu.sync_copy(mnrefs[0][l], omin_hbm.at[wid, pl.ds(l * _BKTN, _BKTN)])
    pltpu.sync_copy(tail, otail_hbm.at[wid])


@functools.lru_cache(maxsize=1)
def _sc_call_cached():
    return functools.partial(
        pl.kernel,
        out_type=(
            jax.ShapeDtypeStruct((_NW, _REG), jnp.float32),
            jax.ShapeDtypeStruct((_NW, _REG), jnp.float32),
            jax.ShapeDtypeStruct((_NW, (_L + 1) * 16), jnp.float32),
            jax.ShapeDtypeStruct((_B, _L * _P), jnp.float32),
        ),
        mesh=plsc.VectorSubcoreMesh(
            core_axis_name="c", subcore_axis_name="s",
            num_cores=_NC, num_subcores=_NS),
        scratch_types=[
            pltpu.VMEM((192 // _CPB, 256), jnp.float32),
            pltpu.VMEM((_L, _P + 1), jnp.float32),
            pltpu.VMEM((_L * _P,), jnp.float32),
        ] + [pltpu.VMEM((_MW,), jnp.int32)] * _L
          + [pltpu.VMEM((_BKTN,), jnp.float32)] * (4 * _L)
          + [pltpu.VMEM(((_L + 1) * 16,), jnp.float32)],
        compiler_params=pltpu.CompilerParams(
            needs_layout_passes=False, use_tc_tiling_on_sc=False),
    )(_sc_body)


def _ep_body(maxb_ref, minb_ref, cnt_ref, cs_ref, out_ref):
    mx = maxb_ref[...]
    mn = minb_ref[...]
    mxr = jnp.concatenate(
        [jnp.max(mx[b * _CPB:(b + 1) * _CPB], axis=0, keepdims=True)
         for b in range(_B)], axis=0)
    mnr = jnp.concatenate(
        [jnp.min(mn[b * _CPB:(b + 1) * _CPB], axis=0, keepdims=True)
         for b in range(_B)], axis=0)
    for k in (1, 2, 4, 8):
        mxr = jnp.maximum(mxr, pltpu.roll(mxr, _REG - k, axis=1))
        mnr = jnp.minimum(mnr, pltpu.roll(mnr, _REG - k, axis=1))
    col = lax.broadcasted_iota(jnp.int32, (_P, _BKTN), 1)
    p_i = lax.broadcasted_iota(jnp.int32, (_P, _BKTN), 0)
    s_i = col // 16
    is_b = (col % 16) == 0
    predm = is_b & (s_i <= p_i)
    succm = is_b & (s_i > p_i) & (s_i <= _P)
    c = cs_ref[...]
    t = cnt_ref[...]
    tr = jnp.concatenate(
        [jnp.sum(t[b * _CPB:(b + 1) * _CPB], axis=0, keepdims=True)
         for b in range(_B)], axis=0)
    lanes80 = lax.broadcasted_iota(jnp.int32, (_B, 80), 1)
    lengths = jnp.sum(jnp.where(lanes80 >= _L * 16, tr, 0.0), axis=1)
    loss = jnp.float32(0.0)
    for l in range(_L):
        slab_x = mxr[:, l * _BKTN:(l + 1) * _BKTN]
        slab_n = mnr[:, l * _BKTN:(l + 1) * _BKTN]
        pred = jnp.max(jnp.where(predm[None], slab_x[:, None, :], -1.0),
                       axis=2)
        succ = jnp.min(jnp.where(succm[None], slab_n[:, None, :], 2.0),
                       axis=2)
        cl = c[:, l, :]
        dx = jnp.minimum(
            jnp.where(pred > -0.5, (cl - pred) ** 2, _BIG),
            jnp.where(succ < 1.5, (succ - cl) ** 2, _BIG))
        chamx = jnp.mean(dx, axis=1)
        chy_l = jnp.sum(
            jnp.where((lanes80 >= l * 16) & (lanes80 < (l + 1) * 16), tr, 0.0),
            axis=1)
        loss = loss + jnp.sum(chamx + chy_l / lengths)
    out_ref[...] = (loss / jnp.float32(_B))[None, None]


def kernel(bins, target_depth_maps):
    edges = bins.transpose(1, 0, 2)
    omax, omin, otail, ocs = _sc_call_cached()(target_depth_maps, edges)
    out = pl.pallas_call(
        _ep_body,
        out_shape=jax.ShapeDtypeStruct((1, 1), jnp.float32),
    )(omax, omin, otail, ocs.reshape(_B, _L, _P))
    return out[0, 0]

# --- scband reference (transcript-rebuilt; emitter-appended) ---
"""Pipeline reference for scband-bins-chamfer-loss-16200616640818 (READ-ONLY COPY).

The authoritative reference and input builder live on the scoring server;
editing this copy changes nothing except your own understanding.
"""

import jax, jax.numpy as jnp
import numpy as np


def setup_inputs(seed: int = 0) -> dict:
    key = jax.random.key(seed)
    k1, k2 = jax.random.split(key)
    bins = jax.random.uniform(k1, (4, 4, 129), dtype=jnp.float32)
    target_depth_maps = jax.random.uniform(k2, (4, 192, 256), dtype=jnp.float32)
    return {"bins": bins, "target_depth_maps": target_depth_maps}


def _chamfer(x, y, mask, lengths):
    # x: [B, P] bin centers (1-D points), y: [B, M] flattened target depths,
    # mask: [B, M] bool validity (ragged lengths), lengths: [B] float counts.
    # Faithful to pytorch3d chamfer_distance with y_lengths, point_reduction='mean',
    # batch_reduction='mean': loss = mean_b( mean_i min_j d2 + (1/len_b) sum_{valid j} min_i d2 ).
    d2 = (x[:, :, None] - y[:, None, :]) ** 2  # [B, P, M]
    BIG = jnp.float32(1e10)
    d2_masked = jnp.where(mask[:, None, :], d2, BIG)
    cham_x = jnp.min(d2_masked, axis=2).mean(axis=1)  # [B]
    min_over_x = jnp.min(d2, axis=1)  # [B, M]
    cham_y = jnp.sum(jnp.where(mask, min_over_x, 0.0), axis=1) / lengths  # [B]
    return jnp.mean(cham_x + cham_y)


def reference(bins, target_depth_maps):
    # Equivalent to extracting ragged valid points per image and pad_sequence:
    # padding is irrelevant for min/sum provided padded entries are masked out,
    # so we keep the full flattened [B, M] tensor plus a validity mask.
    B = target_depth_maps.shape[0]
    y = target_depth_maps.reshape(B, -1)  # [B, M]
    mask = y >= 0.001  # .ge(0.001).detach()
    lengths = jnp.sum(mask, axis=1).astype(jnp.float32)  # ragged lengths
    loss = jnp.float32(0.0)
    for l in range(bins.shape[0]):  # multi=True: iterate over bin levels
        bin_edges = bins[l]  # [B, P+1]
        bin_center = 0.5 * (bin_edges[:, 1:] + bin_edges[:, :-1])  # [B, P]
        loss = loss + _chamfer(bin_center, y, mask, lengths)
    return loss

if __name__ == "__main__":
    import jax
    _d = setup_inputs()
    print(jax.jit(kernel)(*tuple(_d.values())))

</pallas_src>

<mosaic_0001>
#map = affine_map<(d0, d1) -> (0, 0, 0)>
#map1 = affine_map<(d0, d1) -> (0, 0)>
module attributes {stable_mosaic.version = 14 : i64} {
  func.func @_sc_body(%arg0: i32, %arg1: i32, %arg2: memref<4x192x256xf32, #tpu.memory_space<hbm>>, %arg3: memref<4x4x129xf32, #tpu.memory_space<hbm>>, %arg4: memref<32x8704xf32, #tpu.memory_space<hbm>>, %arg5: memref<32x8704xf32, #tpu.memory_space<hbm>>, %arg6: memref<32x80xf32, #tpu.memory_space<hbm>>, %arg7: memref<4x512xf32, #tpu.memory_space<hbm>>, %arg8: memref<24x256xf32, #tpu.memory_space<vmem>>, %arg9: memref<4x129xf32, #tpu.memory_space<vmem>>, %arg10: memref<512xf32, #tpu.memory_space<vmem>>, %arg11: memref<6144xi32, #tpu.memory_space<vmem>>, %arg12: memref<6144xi32, #tpu.memory_space<vmem>>, %arg13: memref<6144xi32, #tpu.memory_space<vmem>>, %arg14: memref<6144xi32, #tpu.memory_space<vmem>>, %arg15: memref<2176xf32, #tpu.memory_space<vmem>>, %arg16: memref<2176xf32, #tpu.memory_space<vmem>>, %arg17: memref<2176xf32, #tpu.memory_space<vmem>>, %arg18: memref<2176xf32, #tpu.memory_space<vmem>>, %arg19: memref<2176xf32, #tpu.memory_space<vmem>>, %arg20: memref<2176xf32, #tpu.memory_space<vmem>>, %arg21: memref<2176xf32, #tpu.memory_space<vmem>>, %arg22: memref<2176xf32, #tpu.memory_space<vmem>>, %arg23: memref<2176xf32, #tpu.memory_space<vmem>>, %arg24: memref<2176xf32, #tpu.memory_space<vmem>>, %arg25: memref<2176xf32, #tpu.memory_space<vmem>>, %arg26: memref<2176xf32, #tpu.memory_space<vmem>>, %arg27: memref<2176xf32, #tpu.memory_space<vmem>>, %arg28: memref<2176xf32, #tpu.memory_space<vmem>>, %arg29: memref<2176xf32, #tpu.memory_space<vmem>>, %arg30: memref<2176xf32, #tpu.memory_space<vmem>>, %arg31: memref<80xf32, #tpu.memory_space<vmem>>) attributes {dimension_semantics = [#tpu.dimension_semantics<core_parallel>, #tpu.dimension_semantics<subcore_parallel>], iteration_bounds = array<i64: 2, 16>, scalar_prefetch = 0 : i64, scratch_operands = 24 : i64, tpu.core_type = #tpu.core_type<sc_vector_subcore>, window_params = [{transform_indices = #map}, {transform_indices = #map}, {transform_indices = #map1}, {transform_indices = #map1}, {transform_indices = #map1}, {transform_indices = #map1}]} {
    %mul3A = arith.constant 2 : i32
    %mul3A_0 = arith.muli %arg1, %mul3A : i32
    %add3A = arith.addi %mul3A_0, %arg0 : i32
    %jit3A = arith.constant 8 : i32
    %div3A = arith.divsi %add3A, %jit3A : i32
    %sign3A = arith.constant 0 : i32
    %sign3A_1 = arith.cmpi sgt, %add3A, %sign3A : i32
    %sign3A_2 = arith.extui %sign3A_1 : i1 to i32
    %sign3A_3 = arith.constant 0 : i32
    %sign3A_4 = arith.cmpi slt, %add3A, %sign3A_3 : i32
    %sign3A_5 = arith.extui %sign3A_4 : i1 to i32
    %sign3A_6 = arith.subi %sign3A_2, %sign3A_5 : i32
    %sign3A_7 = arith.constant 0 : i32
    %sign3A_8 = arith.cmpi sgt, %jit3A, %sign3A_7 : i32
    %sign3A_9 = arith.extui %sign3A_8 : i1 to i32
    %sign3A_10 = arith.constant 0 : i32
    %sign3A_11 = arith.cmpi slt, %jit3A, %sign3A_10 : i32
    %sign3A_12 = arith.extui %sign3A_11 : i1 to i32
    %sign3A_13 = arith.subi %sign3A_9, %sign3A_12 : i32
    %ne3A = arith.cmpi ne, %sign3A_6, %sign3A_13 : i32
    %rem3A = arith.remsi %add3A, %jit3A : i32
    %ne3A_14 = arith.constant 0 : i32
    %ne3A_15 = arith.cmpi ne, %rem3A, %ne3A_14 : i32
    %and3A = arith.andi %ne3A, %ne3A_15 : i1
    %sub3A = arith.constant 1 : i32
    %sub3A_16 = arith.subi %div3A, %sub3A : i32
    %select_n3A = arith.select %and3A, %sub3A_16, %div3A : i32
    %jit3A_17 = arith.constant 8 : i32
    %eq3A = arith.constant 0 : i32
    %eq3A_18 = arith.cmpi eq, %jit3A_17, %eq3A : i32
    %jit3A_19 = arith.constant 1 : i32
    %select_n3A_20 = arith.select %eq3A_18, %jit3A_19, %jit3A_17 : i32
    %rem3A_21 = arith.remsi %add3A, %select_n3A_20 : i32
    %ne3A_22 = arith.constant 0 : i32
    %ne3A_23 = arith.cmpi ne, %rem3A_21, %ne3A_22 : i32
    %lt3A = arith.constant 0 : i32
    %lt3A_24 = arith.cmpi slt, %rem3A_21, %lt3A : i32
    %lt3A_25 = arith.constant 0 : i32
    %lt3A_26 = arith.cmpi slt, %select_n3A_20, %lt3A_25 : i32
    %ne3A_27 = arith.xori %lt3A_24, %lt3A_26 : i1
    %and3A_28 = arith.andi %ne3A_27, %ne3A_23 : i1
    %add3A_29 = arith.addi %rem3A_21, %select_n3A_20 : i32
    %select_n3A_30 = arith.select %and3A_28, %add3A_29, %rem3A_21 : i32
    %mul3A_31 = arith.constant 24 : i32
    %mul3A_32 = arith.muli %select_n3A_30, %mul3A_31 : i32
    "tpu.region"() ({
      %run_scoped3A = tpu.sem_alloc : memref<!tpu.dma_semaphore, #tpu.memory_space<semaphore_mem>>
      %dma_start3A = arith.constant 0 : i32
      %dma_start3A_1564 = tpu.memref_slice %arg2[%select_n3A, %mul3A_32, %dma_start3A] : memref<4x192x256xf32, #tpu.memory_space<hbm>> -> memref<1x24x256xf32, #tpu.memory_space<hbm>>
      %dma_start3A_1565 = tpu.memref_squeeze %dma_start3A_1564 : memref<1x24x256xf32, #tpu.memory_space<hbm>> -> memref<24x256xf32, #tpu.memory_space<hbm>>
      %dma_start3A_1566 = arith.constant 0 : i32
      %dma_start3A_1567 = tpu.memref_slice %arg2[%select_n3A, %mul3A_32, %dma_start3A_1566] : memref<4x192x256xf32, #tpu.memory_space<hbm>> -> memref<1x24x256xf32, #tpu.memory_space<hbm>>
      %dma_start3A_1568 = tpu.memref_squeeze %dma_start3A_1567 : memref<1x24x256xf32, #tpu.memory_space<hbm>> -> memref<24x256xf32, #tpu.memory_space<hbm>>
      tpu.enqueue_dma source(%dma_start3A_1568 : memref<24x256xf32, #tpu.memory_space<hbm>>) target(%arg8 : memref<24x256xf32, #tpu.memory_space<vmem>>) target_semaphore(%run_scoped3A : memref<!tpu.dma_semaphore, #tpu.memory_space<semaphore_mem>>)
      %dma_wait3A = arith.constant 0 : i32
      %dma_wait3A_1569 = tpu.memref_slice %arg2[%select_n3A, %mul3A_32, %dma_wait3A] : memref<4x192x256xf32, #tpu.memory_space<hbm>> -> memref<1x24x256xf32, #tpu.memory_space<hbm>>
      %dma_wait3A_1570 = tpu.memref_squeeze %dma_wait3A_1569 : memref<1x24x256xf32, #tpu.memory_space<hbm>> -> memref<24x256xf32, #tpu.memory_space<hbm>>
      %dma_wait3A_1571 = arith.constant 0 : i32
      %dma_wait3A_1572 = tpu.memref_slice %arg2[%select_n3A, %mul3A_32, %dma_wait3A_1571] : memref<4x192x256xf32, #tpu.memory_space<hbm>> -> memref<1x24x256xf32, #tpu.memory_space<hbm>>
      %dma_wait3A_1573 = tpu.memref_squeeze %dma_wait3A_1572 : memref<1x24x256xf32, #tpu.memory_space<hbm>> -> memref<24x256xf32, #tpu.memory_space<hbm>>
      tpu.wait_dma2 semaphore(%run_scoped3A : memref<!tpu.dma_semaphore, #tpu.memory_space<semaphore_mem>>) src(%dma_wait3A_1573 : memref<24x256xf32, #tpu.memory_space<hbm>>) dst(%arg8 : memref<24x256xf32, #tpu.memory_space<vmem>>)
      tpu.yield
    }) : () -> ()
    "tpu.region"() ({
      %run_scoped3A = tpu.sem_alloc : memref<!tpu.dma_semaphore, #tpu.memory_space<semaphore_mem>>
      %dma_start3A = arith.constant 0 : i32
      %dma_start3A_1564 = arith.constant 0 : i32
      %dma_start3A_1565 = tpu.memref_slice %arg3[%select_n3A, %dma_start3A, %dma_start3A_1564] : memref<4x4x129xf32, #tpu.memory_space<hbm>> -> memref<1x4x129xf32, #tpu.memory_space<hbm>>
      %dma_start3A_1566 = tpu.memref_squeeze %dma_start3A_1565 : memref<1x4x129xf32, #tpu.memory_space<hbm>> -> memref<4x129xf32, #tpu.memory_space<hbm>>
      %dma_start3A_1567 = arith.constant 0 : i32
      %dma_start3A_1568 = arith.constant 0 : i32
      %dma_start3A_1569 = tpu.memref_slice %arg3[%select_n3A, %dma_start3A_1567, %dma_start3A_1568] : memref<4x4x129xf32, #tpu.memory_space<hbm>> -> memref<1x4x129xf32, #tpu.memory_space<hbm>>
      %dma_start3A_1570 = tpu.memref_squeeze %dma_start3A_1569 : memref<1x4x129xf32, #tpu.memory_space<hbm>> -> memref<4x129xf32, #tpu.memory_space<hbm>>
      tpu.enqueue_dma source(%dma_start3A_1570 : memref<4x129xf32, #tpu.memory_space<hbm>>) target(%arg9 : memref<4x129xf32, #tpu.memory_space<vmem>>) target_semaphore(%run_scoped3A : memref<!tpu.dma_semaphore, #tpu.memory_space<semaphore_mem>>)
      %dma_wait3A = arith.constant 0 : i32
      %dma_wait3A_1571 = arith.constant 0 : i32
      %dma_wait3A_1572 = tpu.memref_slice %arg3[%select_n3A, %dma_wait3A, %dma_wait3A_1571] : memref<4x4x129xf32, #tpu.memory_space<hbm>> -> memref<1x4x129xf32, #tpu.memory_space<hbm>>
      %dma_wait3A_1573 = tpu.memref_squeeze %dma_wait3A_1572 : memref<1x4x129xf32, #tpu.memory_space<hbm>> -> memref<4x129xf32, #tpu.memory_space<hbm>>
      %dma_wait3A_1574 = arith.constant 0 : i32
      %dma_wait3A_1575 = arith.constant 0 : i32
      %dma_wait3A_1576 = tpu.memref_slice %arg3[%select_n3A, %dma_wait3A_1574, %dma_wait3A_1575] : memref<4x4x129xf32, #tpu.memory_space<hbm>> -> memref<1x4x129xf32, #tpu.memory_space<hbm>>
      %dma_wait3A_1577 = tpu.memref_squeeze %dma_wait3A_1576 : memref<1x4x129xf32, #tpu.memory_space<hbm>> -> memref<4x129xf32, #tpu.memory_space<hbm>>
      tpu.wait_dma2 semaphore(%run_scoped3A : memref<!tpu.dma_semaphore, #tpu.memory_space<semaphore_mem>>) src(%dma_wait3A_1577 : memref<4x129xf32, #tpu.memory_space<hbm>>) dst(%arg9 : memref<4x129xf32, #tpu.memory_space<vmem>>)
      tpu.yield
    }) : () -> ()
    %iota3A = tpu.iota {dimensions = array<i32: 0>} : vector<16xi32>
    %broadcast_in_dim3A = arith.constant -1.000000e+00 : f32
    %broadcast_in_dim3A_33 = vector.broadcast %broadcast_in_dim3A : f32 to vector<16xf32>
    %broadcast_in_dim3A_34 = arith.constant 2.000000e+00 : f32
    %broadcast_in_dim3A_35 = vector.broadcast %broadcast_in_dim3A_34 : f32 to vector<16xf32>
    %get3A = arith.constant 0 : i32
    %get3A_36 = arith.index_cast %get3A : i32 to index
    %get3A_37 = arith.constant 0 : index
    %get3A_38 = tpu.vector_load %arg9[%get3A_36, %get3A_37] {strides = array<i32>} : memref<4x129xf32, #tpu.memory_space<vmem>>, vector<16xf32>,
    %get3A_39 = arith.constant 0 : i32
    %get3A_40 = arith.index_cast %get3A_39 : i32 to index
    %get3A_41 = arith.constant 1 : index
    %get3A_42 = tpu.vector_load %arg9[%get3A_40, %get3A_41] {strides = array<i32>} : memref<4x129xf32, #tpu.memory_space<vmem>>, vector<16xf32>,
    %add3A_43 = arith.addf %get3A_38, %get3A_42 : vector<16xf32>
    %mul3A_44 = arith.constant 5.000000e-01 : f32
    %mul3A_45 = vector.broadcast %mul3A_44 : f32 to vector<16xf32>
    %mul3A_46 = arith.mulf %mul3A_45, %add3A_43 : vector<16xf32>
    %get3A_47 = arith.constant 0 : i32
    %get3A_48 = arith.index_cast %get3A_47 : i32 to index
    %get3A_49 = arith.constant 16 : index
    %get3A_50 = tpu.vector_load %arg9[%get3A_48, %get3A_49] {strides = array<i32>} : memref<4x129xf32, #tpu.memory_space<vmem>>, vector<16xf32>,
    %get3A_51 = arith.constant 0 : i32
    %get3A_52 = arith.index_cast %get3A_51 : i32 to index
    %get3A_53 = arith.constant 17 : index
    %get3A_54 = tpu.vector_load %arg9[%get3A_52, %get3A_53] {strides = array<i32>} : memref<4x129xf32, #tpu.memory_space<vmem>>, vector<16xf32>,
    %add3A_55 = arith.addf %get3A_50, %get3A_54 : vector<16xf32>
    %mul3A_56 = arith.constant 5.000000e-01 : f32
    %mul3A_57 = vector.broadcast %mul3A_56 : f32 to vector<16xf32>
    %mul3A_58 = arith.mulf %mul3A_57, %add3A_55 : vector<16xf32>
    %get3A_59 = arith.constant 0 : i32
    %get3A_60 = arith.index_cast %get3A_59 : i32 to index
    %get3A_61 = arith.constant 32 : index
    %get3A_62 = tpu.vector_load %arg9[%get3A_60, %get3A_61] {strides = array<i32>} : memref<4x129xf32, #tpu.memory_space<vmem>>, vector<16xf32>,
    %get3A_63 = arith.constant 0 : i32
    %get3A_64 = arith.index_cast %get3A_63 : i32 to index
    %get3A_65 = arith.constant 33 : index
    %get3A_66 = tpu.vector_load %arg9[%get3A_64, %get3A_65] {strides = array<i32>} : memref<4x129xf32, #tpu.memory_space<vmem>>, vector<16xf32>,
    %add3A_67 = arith.addf %get3A_62, %get3A_66 : vector<16xf32>
    %mul3A_68 = arith.constant 5.000000e-01 : f32
    %mul3A_69 = vector.broadcast %mul3A_68 : f32 to vector<16xf32>
    %mul3A_70 = arith.mulf %mul3A_69, %add3A_67 : vector<16xf32>
    %get3A_71 = arith.constant 0 : i32
    %get3A_72 = arith.index_cast %get3A_71 : i32 to index
    %get3A_73 = arith.constant 48 : index
    %get3A_74 = tpu.vector_load %arg9[%get3A_72, %get3A_73] {strides = array<i32>} : memref<4x129xf32, #tpu.memory_space<vmem>>, vector<16xf32>,
    %get3A_75 = arith.constant 0 : i32
    %get3A_76 = arith.index_cast %get3A_75 : i32 to index
    %get3A_77 = arith.constant 49 : index
    %get3A_78 = tpu.vector_load %arg9[%get3A_76, %get3A_77] {strides = array<i32>} : memref<4x129xf32, #tpu.memory_space<vmem>>, vector<16xf32>,
    %add3A_79 = arith.addf %get3A_74, %get3A_78 : vector<16xf32>
    %mul3A_80 = arith.constant 5.000000e-01 : f32
    %mul3A_81 = vector.broadcast %mul3A_80 : f32 to vector<16xf32>
    %mul3A_82 = arith.mulf %mul3A_81, %add3A_79 : vector<16xf32>
    %get3A_83 = arith.constant 0 : i32
    %get3A_84 = arith.index_cast %get3A_83 : i32 to index
    %get3A_85 = arith.constant 64 : index
    %get3A_86 = tpu.vector_load %arg9[%get3A_84, %get3A_85] {strides = array<i32>} : memref<4x129xf32, #tpu.memory_space<vmem>>, vector<16xf32>,
    %get3A_87 = arith.constant 0 : i32
    %get3A_88 = arith.index_cast %get3A_87 : i32 to index
    %get3A_89 = arith.constant 65 : index
    %get3A_90 = tpu.vector_load %arg9[%get3A_88, %get3A_89] {strides = array<i32>} : memref<4x129xf32, #tpu.memory_space<vmem>>, vector<16xf32>,
    %add3A_91 = arith.addf %get3A_86, %get3A_90 : vector<16xf32>
    %mul3A_92 = arith.constant 5.000000e-01 : f32
    %mul3A_93 = vector.broadcast %mul3A_92 : f32 to vector<16xf32>
    %mul3A_94 = arith.mulf %mul3A_93, %add3A_91 : vector<16xf32>
    %get3A_95 = arith.constant 0 : i32
    %get3A_96 = arith.index_cast %get3A_95 : i32 to index
    %get3A_97 = arith.constant 80 : index
    %get3A_98 = tpu.vector_load %arg9[%get3A_96, %get3A_97] {strides = array<i32>} : memref<4x129xf32, #tpu.memory_space<vmem>>, vector<16xf32>,
    %get3A_99 = arith.constant 0 : i32
    %get3A_100 = arith.index_cast %get3A_99 : i32 to index
    %get3A_101 = arith.constant 81 : index
    %get3A_102 = tpu.vector_load %arg9[%get3A_100, %get3A_101] {strides = array<i32>} : memref<4x129xf32, #tpu.memory_space<vmem>>, vector<16xf32>,
    %add3A_103 = arith.addf %get3A_98, %get3A_102 : vector<16xf32>
    %mul3A_104 = arith.constant 5.000000e-01 : f32
    %mul3A_105 = vector.broadcast %mul3A_104 : f32 to vector<16xf32>
    %mul3A_106 = arith.mulf %mul3A_105, %add3A_103 : vector<16xf32>
    %get3A_107 = arith.constant 0 : i32
    %get3A_108 = arith.index_cast %get3A_107 : i32 to index
    %get3A_109 = arith.constant 96 : index
    %get3A_110 = tpu.vector_load %arg9[%get3A_108, %get3A_109] {strides = array<i32>} : memref<4x129xf32, #tpu.memory_space<vmem>>, vector<16xf32>,
    %get3A_111 = arith.constant 0 : i32
    %get3A_112 = arith.index_cast %get3A_111 : i32 to index
    %get3A_113 = arith.constant 97 : index
    %get3A_114 = tpu.vector_load %arg9[%get3A_112, %get3A_113] {strides = array<i32>} : memref<4x129xf32, #tpu.memory_space<vmem>>, vector<16xf32>,
    %add3A_115 = arith.addf %get3A_110, %get3A_114 : vector<16xf32>
    %mul3A_116 = arith.constant 5.000000e-01 : f32
    %mul3A_117 = vector.broadcast %mul3A_116 : f32 to vector<16xf32>
    %mul3A_118 = arith.mulf %mul3A_117, %add3A_115 : vector<16xf32>
    %get3A_119 = arith.constant 0 : i32
    %get3A_120 = arith.index_cast %get3A_119 : i32 to index
    %get3A_121 = arith.constant 112 : index
    %get3A_122 = tpu.vector_load %arg9[%get3A_120, %get3A_121] {strides = array<i32>} : memref<4x129xf32, #tpu.memory_space<vmem>>, vector<16xf32>,
    %get3A_123 = arith.constant 0 : i32
    %get3A_124 = arith.index_cast %get3A_123 : i32 to index
    %get3A_125 = arith.constant 113 : index
    %get3A_126 = tpu.vector_load %arg9[%get3A_124, %get3A_125] {strides = array<i32>} : memref<4x129xf32, #tpu.memory_space<vmem>>, vector<16xf32>,
    %add3A_127 = arith.addf %get3A_122, %get3A_126 : vector<16xf32>
    %mul3A_128 = arith.constant 5.000000e-01 : f32
    %mul3A_129 = vector.broadcast %mul3A_128 : f32 to vector<16xf32>
    %mul3A_130 = arith.mulf %mul3A_129, %add3A_127 : vector<16xf32>
    %sort3A = arith.constant dense<true> : vector<16xi1>
    %sort3A_131, %sort3A_132, %sort3A_133 = tpu.sort %mul3A_46, %mul3A_46 masked %sort3A : (vector<16xf32>, vector<16xf32>, vector<16xi1>) -> (vector<16xi1>, vector<16xf32>, vector<16xf32>)
    %sort3A_134 = arith.constant dense<true> : vector<16xi1>
    %sort3A_135, %sort3A_136, %sort3A_137 = tpu.sort %mul3A_58, %mul3A_58 masked %sort3A_134 : (vector<16xf32>, vector<16xf32>, vector<16xi1>) -> (vector<16xi1>, vector<16xf32>, vector<16xf32>)
    %sort3A_138 = arith.constant dense<true> : vector<16xi1>
    %sort3A_139, %sort3A_140, %sort3A_141 = tpu.sort %mul3A_70, %mul3A_70 masked %sort3A_138 : (vector<16xf32>, vector<16xf32>, vector<16xi1>) -> (vector<16xi1>, vector<16xf32>, vector<16xf32>)
    %sort3A_142 = arith.constant dense<true> : vector<16xi1>
    %sort3A_143, %sort3A_144, %sort3A_145 = tpu.sort %mul3A_82, %mul3A_82 masked %sort3A_142 : (vector<16xf32>, vector<16xf32>, vector<16xi1>) -> (vector<16xi1>, vector<16xf32>, vector<16xf32>)
    %sort3A_146 = arith.constant dense<true> : vector<16xi1>
    %sort3A_147, %sort3A_148, %sort3A_149 = tpu.sort %mul3A_94, %mul3A_94 masked %sort3A_146 : (vector<16xf32>, vector<16xf32>, vector<16xi1>) -> (vector<16xi1>, vector<16xf32>, vector<16xf32>)
    %sort3A_150 = arith.constant dense<true> : vector<16xi1>
    %sort3A_151, %sort3A_152, %sort3A_153 = tpu.sort %mul3A_106, %mul3A_106 masked %sort3A_150 : (vector<16xf32>, vector<16xf32>, vector<16xi1>) -> (vector<16xi1>, vector<16xf32>, vector<16xf32>)
    %sort3A_154 = arith.constant dense<true> : vector<16xi1>
    %sort3A_155, %sort3A_156, %sort3A_157 = tpu.sort %mul3A_118, %mul3A_118 masked %sort3A_154 : (vector<16xf32>, vector<16xf32>, vector<16xi1>) -> (vector<16xi1>, vector<16xf32>, vector<16xf32>)
    %sort3A_158 = arith.constant dense<true> : vector<16xi1>
    %sort3A_159, %sort3A_160, %sort3A_161 = tpu.sort %mul3A_130, %mul3A_130 masked %sort3A_158 : (vector<16xf32>, vector<16xf32>, vector<16xi1>) -> (vector<16xi1>, vector<16xf32>, vector<16xf32>)
    %rev3A = arith.constant 15 : i32
    %rev3A_162 = vector.broadcast %rev3A : i32 to vector<16xi32>
    %rev3A_163 = tpu.iota {dimensions = array<i32: 0>} : vector<16xi32>
    %rev3A_164 = arith.subi %rev3A_162, %rev3A_163 : vector<16xi32>
    %rev3A_165 = tpu.dynamic_gather %sort3A_136[%rev3A_164] in [0] : vector<16xf32>, vector<16xi32> -> vector<16xf32>
    %min3A = arith.minimumf %sort3A_132, %rev3A_165 : vector<16xf32>
    %max3A = arith.maximumf %sort3A_132, %rev3A_165 : vector<16xf32>
    %sort3A_166 = arith.constant dense<true> : vector<16xi1>
    %sort3A_167, %sort3A_168, %sort3A_169 = tpu.sort %min3A, %min3A masked %sort3A_166 : (vector<16xf32>, vector<16xf32>, vector<16xi1>) -> (vector<16xi1>, vector<16xf32>, vector<16xf32>)
    %sort3A_170 = arith.constant dense<true> : vector<16xi1>
    %sort3A_171, %sort3A_172, %sort3A_173 = tpu.sort %max3A, %max3A masked %sort3A_170 : (vector<16xf32>, vector<16xf32>, vector<16xi1>) -> (vector<16xi1>, vector<16xf32>, vector<16xf32>)
    %rev3A_174 = arith.constant 15 : i32
    %rev3A_175 = vector.broadcast %rev3A_174 : i32 to vector<16xi32>
    %rev3A_176 = tpu.iota {dimensions = array<i32: 0>} : vector<16xi32>
    %rev3A_177 = arith.subi %rev3A_175, %rev3A_176 : vector<16xi32>
    %rev3A_178 = tpu.dynamic_gather %sort3A_144[%rev3A_177] in [0] : vector<16xf32>, vector<16xi32> -> vector<16xf32>
    %min3A_179 = arith.minimumf %sort3A_140, %rev3A_178 : vector<16xf32>
    %max3A_180 = arith.maximumf %sort3A_140, %rev3A_178 : vector<16xf32>
    %sort3A_181 = arith.constant dense<true> : vector<16xi1>
    %sort3A_182, %sort3A_183, %sort3A_184 = tpu.sort %min3A_179, %min3A_179 masked %sort3A_181 : (vector<16xf32>, vector<16xf32>, vector<16xi1>) -> (vector<16xi1>, vector<16xf32>, vector<16xf32>)
    %sort3A_185 = arith.constant dense<true> : vector<16xi1>
    %sort3A_186, %sort3A_187, %sort3A_188 = tpu.sort %max3A_180, %max3A_180 masked %sort3A_185 : (vector<16xf32>, vector<16xf32>, vector<16xi1>) -> (vector<16xi1>, vector<16xf32>, vector<16xf32>)
    %rev3A_189 = arith.constant 15 : i32
    %rev3A_190 = vector.broadcast %rev3A_189 : i32 to vector<16xi32>
    %rev3A_191 = tpu.iota {dimensions = array<i32: 0>} : vector<16xi32>
    %rev3A_192 = arith.subi %rev3A_190, %rev3A_191 : vector<16xi32>
    %rev3A_193 = tpu.dynamic_gather %sort3A_152[%rev3A_192] in [0] : vector<16xf32>, vector<16xi32> -> vector<16xf32>
    %min3A_194 = arith.minimumf %sort3A_148, %rev3A_193 : vector<16xf32>
    %max3A_195 = arith.maximumf %sort3A_148, %rev3A_193 : vector<16xf32>
    %sort3A_196 = arith.constant dense<true> : vector<16xi1>
    %sort3A_197, %sort3A_198, %sort3A_199 = tpu.sort %min3A_194, %min3A_194 masked %sort3A_196 : (vector<16xf32>, vector<16xf32>, vector<16xi1>) -> (vector<16xi1>, vector<16xf32>, vector<16xf32>)
    %sort3A_200 = arith.constant dense<true> : vector<16xi1>
    %sort3A_201, %sort3A_202, %sort3A_203 = tpu.sort %max3A_195, %max3A_195 masked %sort3A_200 : (vector<16xf32>, vector<16xf32>, vector<16xi1>) -> (vector<16xi1>, vector<16xf32>, vector<16xf32>)
    %rev3A_204 = arith.constant 15 : i32
    %rev3A_205 = vector.broadcast %rev3A_204 : i32 to vector<16xi32>
    %rev3A_206 = tpu.iota {dimensions = array<i32: 0>} : vector<16xi32>
    %rev3A_207 = arith.subi %rev3A_205, %rev3A_206 : vector<16xi32>
    %rev3A_208 = tpu.dynamic_gather %sort3A_160[%rev3A_207] in [0] : vector<16xf32>, vector<16xi32> -> vector<16xf32>
    %min3A_209 = arith.minimumf %sort3A_156, %rev3A_208 : vector<16xf32>
    %max3A_210 = arith.maximumf %sort3A_156, %rev3A_208 : vector<16xf32>
    %sort3A_211 = arith.constant dense<true> : vector<16xi1>
    %sort3A_212, %sort3A_213, %sort3A_214 = tpu.sort %min3A_209, %min3A_209 masked %sort3A_211 : (vector<16xf32>, vector<16xf32>, vector<16xi1>) -> (vector<16xi1>, vector<16xf32>, vector<16xf32>)
    %sort3A_215 = arith.constant dense<true> : vector<16xi1>
    %sort3A_216, %sort3A_217, %sort3A_218 = tpu.sort %max3A_210, %max3A_210 masked %sort3A_215 : (vector<16xf32>, vector<16xf32>, vector<16xi1>) -> (vector<16xi1>, vector<16xf32>, vector<16xf32>)
    %rev3A_219 = arith.constant 15 : i32
    %rev3A_220 = vector.broadcast %rev3A_219 : i32 to vector<16xi32>
    %rev3A_221 = tpu.iota {dimensions = array<i32: 0>} : vector<16xi32>
    %rev3A_222 = arith.subi %rev3A_220, %rev3A_221 : vector<16xi32>
    %rev3A_223 = tpu.dynamic_gather %sort3A_187[%rev3A_222] in [0] : vector<16xf32>, vector<16xi32> -> vector<16xf32>
    %rev3A_224 = arith.constant 15 : i32
    %rev3A_225 = vector.broadcast %rev3A_224 : i32 to vector<16xi32>
    %rev3A_226 = tpu.iota {dimensions = array<i32: 0>} : vector<16xi32>
    %rev3A_227 = arith.subi %rev3A_225, %rev3A_226 : vector<16xi32>
    %rev3A_228 = tpu.dynamic_gather %sort3A_183[%rev3A_227] in [0] : vector<16xf32>, vector<16xi32> -> vector<16xf32>
    %min3A_229 = arith.minimumf %sort3A_168, %rev3A_223 : vector<16xf32>
    %min3A_230 = arith.minimumf %sort3A_172, %rev3A_228 : vector<16xf32>
    %max3A_231 = arith.maximumf %sort3A_168, %rev3A_223 : vector<16xf32>
    %max3A_232 = arith.maximumf %sort3A_172, %rev3A_228 : vector<16xf32>
    %min3A_233 = arith.minimumf %min3A_229, %min3A_230 : vector<16xf32>
    %max3A_234 = arith.maximumf %min3A_229, %min3A_230 : vector<16xf32>
    %sort3A_235 = arith.constant dense<true> : vector<16xi1>
    %sort3A_236, %sort3A_237, %sort3A_238 = tpu.sort %min3A_233, %min3A_233 masked %sort3A_235 : (vector<16xf32>, vector<16xf32>, vector<16xi1>) -> (vector<16xi1>, vector<16xf32>, vector<16xf32>)
    %sort3A_239 = arith.constant dense<true> : vector<16xi1>
    %sort3A_240, %sort3A_241, %sort3A_242 = tpu.sort %max3A_234, %max3A_234 masked %sort3A_239 : (vector<16xf32>, vector<16xf32>, vector<16xi1>) -> (vector<16xi1>, vector<16xf32>, vector<16xf32>)
    %min3A_243 = arith.minimumf %max3A_231, %max3A_232 : vector<16xf32>
    %max3A_244 = arith.maximumf %max3A_231, %max3A_232 : vector<16xf32>
    %sort3A_245 = arith.constant dense<true> : vector<16xi1>
    %sort3A_246, %sort3A_247, %sort3A_248 = tpu.sort %min3A_243, %min3A_243 masked %sort3A_245 : (vector<16xf32>, vector<16xf32>, vector<16xi1>) -> (vector<16xi1>, vector<16xf32>, vector<16xf32>)
    %sort3A_249 = arith.constant dense<true> : vector<16xi1>
    %sort3A_250, %sort3A_251, %sort3A_252 = tpu.sort %max3A_244, %max3A_244 masked %sort3A_249 : (vector<16xf32>, vector<16xf32>, vector<16xi1>) -> (vector<16xi1>, vector<16xf32>, vector<16xf32>)
    %rev3A_253 = arith.constant 15 : i32
    %rev3A_254 = vector.broadcast %rev3A_253 : i32 to vector<16xi32>
    %rev3A_255 = tpu.iota {dimensions = array<i32: 0>} : vector<16xi32>
    %rev3A_256 = arith.subi %rev3A_254, %rev3A_255 : vector<16xi32>
    %rev3A_257 = tpu.dynamic_gather %sort3A_217[%rev3A_256] in [0] : vector<16xf32>, vector<16xi32> -> vector<16xf32>
    %rev3A_258 = arith.constant 15 : i32
    %rev3A_259 = vector.broadcast %rev3A_258 : i32 to vector<16xi32>
    %rev3A_260 = tpu.iota {dimensions = array<i32: 0>} : vector<16xi32>
    %rev3A_261 = arith.subi %rev3A_259, %rev3A_260 : vector<16xi32>
    %rev3A_262 = tpu.dynamic_gather %sort3A_213[%rev3A_261] in [0] : vector<16xf32>, vector<16xi32> -> vector<16xf32>
    %min3A_263 = arith.minimumf %sort3A_198, %rev3A_257 : vector<16xf32>
    %min3A_264 = arith.minimumf %sort3A_202, %rev3A_262 : vector<16xf32>
    %max3A_265 = arith.maximumf %sort3A_198, %rev3A_257 : vector<16xf32>
    %max3A_266 = arith.maximumf %sort3A_202, %rev3A_262 : vector<16xf32>
    %min3A_267 = arith.minimumf %min3A_263, %min3A_264 : vector<16xf32>
    %max3A_268 = arith.maximumf %min3A_263, %min3A_264 : vector<16xf32>
    %sort3A_269 = arith.constant dense<true> : vector<16xi1>
    %sort3A_270, %sort3A_271, %sort3A_272 = tpu.sort %min3A_267, %min3A_267 masked %sort3A_269 : (vector<16xf32>, vector<16xf32>, vector<16xi1>) -> (vector<16xi1>, vector<16xf32>, vector<16xf32>)
    %sort3A_273 = arith.constant dense<true> : vector<16xi1>
    %sort3A_274, %sort3A_275, %sort3A_276 = tpu.sort %max3A_268, %max3A_268 masked %sort3A_273 : (vector<16xf32>, vector<16xf32>, vector<16xi1>) -> (vector<16xi1>, vector<16xf32>, vector<16xf32>)
    %min3A_277 = arith.minimumf %max3A_265, %max3A_266 : vector<16xf32>
    %max3A_278 = arith.maximumf %max3A_265, %max3A_266 : vector<16xf32>
    %sort3A_279 = arith.constant dense<true> : vector<16xi1>
    %sort3A_280, %sort3A_281, %sort3A_282 = tpu.sort %min3A_277, %min3A_277 masked %sort3A_279 : (vector<16xf32>, vector<16xf32>, vector<16xi1>) -> (vector<16xi1>, vector<16xf32>, vector<16xf32>)
    %sort3A_283 = arith.constant dense<true> : vector<16xi1>
    %sort3A_284, %sort3A_285, %sort3A_286 = tpu.sort %max3A_278, %max3A_278 masked %sort3A_283 : (vector<16xf32>, vector<16xf32>, vector<16xi1>) -> (vector<16xi1>, vector<16xf32>, vector<16xf32>)
    %rev3A_287 = arith.constant 15 : i32
    %rev3A_288 = vector.broadcast %rev3A_287 : i32 to vector<16xi32>
    %rev3A_289 = tpu.iota {dimensions = array<i32: 0>} : vector<16xi32>
    %rev3A_290 = arith.subi %rev3A_288, %rev3A_289 : vector<16xi32>
    %rev3A_291 = tpu.dynamic_gather %sort3A_285[%rev3A_290] in [0] : vector<16xf32>, vector<16xi32> -> vector<16xf32>
    %rev3A_292 = arith.constant 15 : i32
    %rev3A_293 = vector.broadcast %rev3A_292 : i32 to vector<16xi32>
    %rev3A_294 = tpu.iota {dimensions = array<i32: 0>} : vector<16xi32>
    %rev3A_295 = arith.subi %rev3A_293, %rev3A_294 : vector<16xi32>
    %rev3A_296 = tpu.dynamic_gather %sort3A_281[%rev3A_295] in [0] : vector<16xf32>, vector<16xi32> -> vector<16xf32>
    %rev3A_297 = arith.constant 15 : i32
    %rev3A_298 = vector.broadcast %rev3A_297 : i32 to vector<16xi32>
    %rev3A_299 = tpu.iota {dimensions = array<i32: 0>} : vector<16xi32>
    %rev3A_300 = arith.subi %rev3A_298, %rev3A_299 : vector<16xi32>
    %rev3A_301 = tpu.dynamic_gather %sort3A_275[%rev3A_300] in [0] : vector<16xf32>, vector<16xi32> -> vector<16xf32>
    %rev3A_302 = arith.constant 15 : i32
    %rev3A_303 = vector.broadcast %rev3A_302 : i32 to vector<16xi32>
    %rev3A_304 = tpu.iota {dimensions = array<i32: 0>} : vector<16xi32>
    %rev3A_305 = arith.subi %rev3A_303, %rev3A_304 : vector<16xi32>
    %rev3A_306 = tpu.dynamic_gather %sort3A_271[%rev3A_305] in [0] : vector<16xf32>, vector<16xi32> -> vector<16xf32>
    %min3A_307 = arith.minimumf %sort3A_237, %rev3A_291 : vector<16xf32>
    %min3A_308 = arith.minimumf %sort3A_241, %rev3A_296 : vector<16xf32>
    %min3A_309 = arith.minimumf %sort3A_247, %rev3A_301 : vector<16xf32>
    %min3A_310 = arith.minimumf %sort3A_251, %rev3A_306 : vector<16xf32>
    %max3A_311 = arith.maximumf %sort3A_237, %rev3A_291 : vector<16xf32>
    %max3A_312 = arith.maximumf %sort3A_241, %rev3A_296 : vector<16xf32>
    %max3A_313 = arith.maximumf %sort3A_247, %rev3A_301 : vector<16xf32>
    %max3A_314 = arith.maximumf %sort3A_251, %rev3A_306 : vector<16xf32>
    %min3A_315 = arith.minimumf %min3A_307, %min3A_309 : vector<16xf32>
    %min3A_316 = arith.minimumf %min3A_308, %min3A_310 : vector<16xf32>
    %max3A_317 = arith.maximumf %min3A_307, %min3A_309 : vector<16xf32>
    %max3A_318 = arith.maximumf %min3A_308, %min3A_310 : vector<16xf32>
    %min3A_319 = arith.minimumf %min3A_315, %min3A_316 : vector<16xf32>
    %max3A_320 = arith.maximumf %min3A_315, %min3A_316 : vector<16xf32>
    %sort3A_321 = arith.constant dense<true> : vector<16xi1>
    %sort3A_322, %sort3A_323, %sort3A_324 = tpu.sort %min3A_319, %min3A_319 masked %sort3A_321 : (vector<16xf32>, vector<16xf32>, vector<16xi1>) -> (vector<16xi1>, vector<16xf32>, vector<16xf32>)
    %sort3A_325 = arith.constant dense<true> : vector<16xi1>
    %sort3A_326, %sort3A_327, %sort3A_328 = tpu.sort %max3A_320, %max3A_320 masked %sort3A_325 : (vector<16xf32>, vector<16xf32>, vector<16xi1>) -> (vector<16xi1>, vector<16xf32>, vector<16xf32>)
    %min3A_329 = arith.minimumf %max3A_317, %max3A_318 : vector<16xf32>
    %max3A_330 = arith.maximumf %max3A_317, %max3A_318 : vector<16xf32>
    %sort3A_331 = arith.constant dense<true> : vector<16xi1>
    %sort3A_332, %sort3A_333, %sort3A_334 = tpu.sort %min3A_329, %min3A_329 masked %sort3A_331 : (vector<16xf32>, vector<16xf32>, vector<16xi1>) -> (vector<16xi1>, vector<16xf32>, vector<16xf32>)
    %sort3A_335 = arith.constant dense<true> : vector<16xi1>
    %sort3A_336, %sort3A_337, %sort3A_338 = tpu.sort %max3A_330, %max3A_330 masked %sort3A_335 : (vector<16xf32>, vector<16xf32>, vector<16xi1>) -> (vector<16xi1>, vector<16xf32>, vector<16xf32>)
    %min3A_339 = arith.minimumf %max3A_311, %max3A_313 : vector<16xf32>
    %min3A_340 = arith.minimumf %max3A_312, %max3A_314 : vector<16xf32>
    %max3A_341 = arith.maximumf %max3A_311, %max3A_313 : vector<16xf32>
    %max3A_342 = arith.maximumf %max3A_312, %max3A_314 : vector<16xf32>
    %min3A_343 = arith.minimumf %min3A_339, %min3A_340 : vector<16xf32>
    %max3A_344 = arith.maximumf %min3A_339, %min3A_340 : vector<16xf32>
    %sort3A_345 = arith.constant dense<true> : vector<16xi1>
    %sort3A_346, %sort3A_347, %sort3A_348 = tpu.sort %min3A_343, %min3A_343 masked %sort3A_345 : (vector<16xf32>, vector<16xf32>, vector<16xi1>) -> (vector<16xi1>, vector<16xf32>, vector<16xf32>)
    %sort3A_349 = arith.constant dense<true> : vector<16xi1>
    %sort3A_350, %sort3A_351, %sort3A_352 = tpu.sort %max3A_344, %max3A_344 masked %sort3A_349 : (vector<16xf32>, vector<16xf32>, vector<16xi1>) -> (vector<16xi1>, vector<16xf32>, vector<16xf32>)
    %min3A_353 = arith.minimumf %max3A_341, %max3A_342 : vector<16xf32>
    %max3A_354 = arith.maximumf %max3A_341, %max3A_342 : vector<16xf32>
    %sort3A_355 = arith.constant dense<true> : vector<16xi1>
    %sort3A_356, %sort3A_357, %sort3A_358 = tpu.sort %min3A_353, %min3A_353 masked %sort3A_355 : (vector<16xf32>, vector<16xf32>, vector<16xi1>) -> (vector<16xi1>, vector<16xf32>, vector<16xf32>)
    %sort3A_359 = arith.constant dense<true> : vector<16xi1>
    %sort3A_360, %sort3A_361, %sort3A_362 = tpu.sort %max3A_354, %max3A_354 masked %sort3A_359 : (vector<16xf32>, vector<16xf32>, vector<16xi1>) -> (vector<16xi1>, vector<16xf32>, vector<16xf32>)
    %swap3A = arith.constant 0 : index
    %swap3A_363 = tpu.vector_load %arg10[%swap3A] {strides = array<i32>} : memref<512xf32, #tpu.memory_space<vmem>>, vector<16xf32>,
    tpu.vector_store %arg10[%swap3A], %sort3A_323 {strides = array<i32>} : memref<512xf32, #tpu.memory_space<vmem>>, vector<16xf32>,
    %swap3A_364 = arith.constant 16 : index
    %swap3A_365 = tpu.vector_load %arg10[%swap3A_364] {strides = array<i32>} : memref<512xf32, #tpu.memory_space<vmem>>, vector<16xf32>,
    tpu.vector_store %arg10[%swap3A_364], %sort3A_327 {strides = array<i32>} : memref<512xf32, #tpu.memory_space<vmem>>, vector<16xf32>,
    %swap3A_366 = arith.constant 32 : index
    %swap3A_367 = tpu.vector_load %arg10[%swap3A_366] {strides = array<i32>} : memref<512xf32, #tpu.memory_space<vmem>>, vector<16xf32>,
    tpu.vector_store %arg10[%swap3A_366], %sort3A_333 {strides = array<i32>} : memref<512xf32, #tpu.memory_space<vmem>>, vector<16xf32>,
    %swap3A_368 = arith.constant 48 : index
    %swap3A_369 = tpu.vector_load %arg10[%swap3A_368] {strides = array<i32>} : memref<512xf32, #tpu.memory_space<vmem>>, vector<16xf32>,
    tpu.vector_store %arg10[%swap3A_368], %sort3A_337 {strides = array<i32>} : memref<512xf32, #tpu.memory_space<vmem>>, vector<16xf32>,
    %swap3A_370 = arith.constant 64 : index
    %swap3A_371 = tpu.vector_load %arg10[%swap3A_370] {strides = array<i32>} : memref<512xf32, #tpu.memory_space<vmem>>, vector<16xf32>,
    tpu.vector_store %arg10[%swap3A_370], %sort3A_347 {strides = array<i32>} : memref<512xf32, #tpu.memory_space<vmem>>, vector<16xf32>,
    %swap3A_372 = arith.constant 80 : index
    %swap3A_373 = tpu.vector_load %arg10[%swap3A_372] {strides = array<i32>} : memref<512xf32, #tpu.memory_space<vmem>>, vector<16xf32>,
    tpu.vector_store %arg10[%swap3A_372], %sort3A_351 {strides = array<i32>} : memref<512xf32, #tpu.memory_space<vmem>>, vector<16xf32>,
    %swap3A_374 = arith.constant 96 : index
    %swap3A_375 = tpu.vector_load %arg10[%swap3A_374] {strides = array<i32>} : memref<512xf32, #tpu.memory_space<vmem>>, vector<16xf32>,
    tpu.vector_store %arg10[%swap3A_374], %sort3A_357 {strides = array<i32>} : memref<512xf32, #tpu.memory_space<vmem>>, vector<16xf32>,
    %swap3A_376 = arith.constant 112 : index
    %swap3A_377 = tpu.vector_load %arg10[%swap3A_376] {strides = array<i32>} : memref<512xf32, #tpu.memory_space<vmem>>, vector<16xf32>,
    tpu.vector_store %arg10[%swap3A_376], %sort3A_361 {strides = array<i32>} : memref<512xf32, #tpu.memory_space<vmem>>, vector<16xf32>,
    %get3A_378 = arith.constant 1 : i32
    %get3A_379 = arith.index_cast %get3A_378 : i32 to index
    %get3A_380 = arith.constant 0 : index
    %get3A_381 = tpu.vector_load %arg9[%get3A_379, %get3A_380] {strides = array<i32>} : memref<4x129xf32, #tpu.memory_space<vmem>>, vector<16xf32>,
    %get3A_382 = arith.constant 1 : i32
    %get3A_383 = arith.index_cast %get3A_382 : i32 to index
    %get3A_384 = arith.constant 1 : index
    %get3A_385 = tpu.vector_load %arg9[%get3A_383, %get3A_384] {strides = array<i32>} : memref<4x129xf32, #tpu.memory_space<vmem>>, vector<16xf32>,
    %add3A_386 = arith.addf %get3A_381, %get3A_385 : vector<16xf32>
    %mul3A_387 = arith.constant 5.000000e-01 : f32
    %mul3A_388 = vector.broadcast %mul3A_387 : f32 to vector<16xf32>
    %mul3A_389 = arith.mulf %mul3A_388, %add3A_386 : vector<16xf32>
    %get3A_390 = arith.constant 1 : i32
    %get3A_391 = arith.index_cast %get3A_390 : i32 to index
    %get3A_392 = arith.constant 16 : index
    %get3A_393 = tpu.vector_load %arg9[%get3A_391, %get3A_392] {strides = array<i32>} : memref<4x129xf32, #tpu.memory_space<vmem>>, vector<16xf32>,
    %get3A_394 = arith.constant 1 : i32
    %get3A_395 = arith.index_cast %get3A_394 : i32 to index
    %get3A_396 = arith.constant 17 : index
    %get3A_397 = tpu.vector_load %arg9[%get3A_395, %get3A_396] {strides = array<i32>} : memref<4x129xf32, #tpu.memory_space<vmem>>, vector<16xf32>,
    %add3A_398 = arith.addf %get3A_393, %get3A_397 : vector<16xf32>
    %mul3A_399 = arith.constant 5.000000e-01 : f32
    %mul3A_400 = vector.broadcast %mul3A_399 : f32 to vector<16xf32>
    %mul3A_401 = arith.mulf %mul3A_400, %add3A_398 : vector<16xf32>
    %get3A_402 = arith.constant 1 : i32
    %get3A_403 = arith.index_cast %get3A_402 : i32 to index
    %get3A_404 = arith.constant 32 : index
    %get3A_405 = tpu.vector_load %arg9[%get3A_403, %get3A_404] {strides = array<i32>} : memref<4x129xf32, #tpu.memory_space<vmem>>, vector<16xf32>,
    %get3A_406 = arith.constant 1 : i32
    %get3A_407 = arith.index_cast %get3A_406 : i32 to index
    %get3A_408 = arith.constant 33 : index
    %get3A_409 = tpu.vector_load %arg9[%get3A_407, %get3A_408] {strides = array<i32>} : memref<4x129xf32, #tpu.memory_space<vmem>>, vector<16xf32>,
    %add3A_410 = arith.addf %get3A_405, %get3A_409 : vector<16xf32>
    %mul3A_411 = arith.constant 5.000000e-01 : f32
    %mul3A_412 = vector.broadcast %mul3A_411 : f32 to vector<16xf32>
    %mul3A_413 = arith.mulf %mul3A_412, %add3A_410 : vector<16xf32>
    %get3A_414 = arith.constant 1 : i32
    %get3A_415 = arith.index_cast %get3A_414 : i32 to index
    %get3A_416 = arith.constant 48 : index
    %get3A_417 = tpu.vector_load %arg9[%get3A_415, %get3A_416] {strides = array<i32>} : memref<4x129xf32, #tpu.memory_space<vmem>>, vector<16xf32>,
    %get3A_418 = arith.constant 1 : i32
    %get3A_419 = arith.index_cast %get3A_418 : i32 to index
    %get3A_420 = arith.constant 49 : index
    %get3A_421 = tpu.vector_load %arg9[%get3A_419, %get3A_420] {strides = array<i32>} : memref<4x129xf32, #tpu.memory_space<vmem>>, vector<16xf32>,
    %add3A_422 = arith.addf %get3A_417, %get3A_421 : vector<16xf32>
    %mul3A_423 = arith.constant 5.000000e-01 : f32
    %mul3A_424 = vector.broadcast %mul3A_423 : f32 to vector<16xf32>
    %mul3A_425 = arith.mulf %mul3A_424, %add3A_422 : vector<16xf32>
    %get3A_426 = arith.constant 1 : i32
    %get3A_427 = arith.index_cast %get3A_426 : i32 to index
    %get3A_428 = arith.constant 64 : index
    %get3A_429 = tpu.vector_load %arg9[%get3A_427, %get3A_428] {strides = array<i32>} : memref<4x129xf32, #tpu.memory_space<vmem>>, vector<16xf32>,
    %get3A_430 = arith.constant 1 : i32
    %get3A_431 = arith.index_cast %get3A_430 : i32 to index
    %get3A_432 = arith.constant 65 : index
    %get3A_433 = tpu.vector_load %arg9[%get3A_431, %get3A_432] {strides = array<i32>} : memref<4x129xf32, #tpu.memory_space<vmem>>, vector<16xf32>,
    %add3A_434 = arith.addf %get3A_429, %get3A_433 : vector<16xf32>
    %mul3A_435 = arith.constant 5.000000e-01 : f32
    %mul3A_436 = vector.broadcast %mul3A_435 : f32 to vector<16xf32>
    %mul3A_437 = arith.mulf %mul3A_436, %add3A_434 : vector<16xf32>
    %get3A_438 = arith.constant 1 : i32
    %get3A_439 = arith.index_cast %get3A_438 : i32 to index
    %get3A_440 = arith.constant 80 : index
    %get3A_441 = tpu.vector_load %arg9[%get3A_439, %get3A_440] {strides = array<i32>} : memref<4x129xf32, #tpu.memory_space<vmem>>, vector<16xf32>,
    %get3A_442 = arith.constant 1 : i32
    %get3A_443 = arith.index_cast %get3A_442 : i32 to index
    %get3A_444 = arith.constant 81 : index
    %get3A_445 = tpu.vector_load %arg9[%get3A_443, %get3A_444] {strides = array<i32>} : memref<4x129xf32, #tpu.memory_space<vmem>>, vector<16xf32>,
    %add3A_446 = arith.addf %get3A_441, %get3A_445 : vector<16xf32>
    %mul3A_447 = arith.constant 5.000000e-01 : f32
    %mul3A_448 = vector.broadcast %mul3A_447 : f32 to vector<16xf32>
    %mul3A_449 = arith.mulf %mul3A_448, %add3A_446 : vector<16xf32>
    %get3A_450 = arith.constant 1 : i32
    %get3A_451 = arith.index_cast %get3A_450 : i32 to index
    %get3A_452 = arith.constant 96 : index
    %get3A_453 = tpu.vector_load %arg9[%get3A_451, %get3A_452] {strides = array<i32>} : memref<4x129xf32, #tpu.memory_space<vmem>>, vector<16xf32>,
    %get3A_454 = arith.constant 1 : i32
    %get3A_455 = arith.index_cast %get3A_454 : i32 to index
    %get3A_456 = arith.constant 97 : index
    %get3A_457 = tpu.vector_load %arg9[%get3A_455, %get3A_456] {strides = array<i32>} : memref<4x129xf32, #tpu.memory_space<vmem>>, vector<16xf32>,
    %add3A_458 = arith.addf %get3A_453, %get3A_457 : vector<16xf32>
    %mul3A_459 = arith.constant 5.000000e-01 : f32
    %mul3A_460 = vector.broadcast %mul3A_459 : f32 to vector<16xf32>
    %mul3A_461 = arith.mulf %mul3A_460, %add3A_458 : vector<16xf32>
    %get3A_462 = arith.constant 1 : i32
    %get3A_463 = arith.index_cast %get3A_462 : i32 to index
    %get3A_464 = arith.constant 112 : index
    %get3A_465 = tpu.vector_load %arg9[%get3A_463, %get3A_464] {strides = array<i32>} : memref<4x129xf32, #tpu.memory_space<vmem>>, vector<16xf32>,
    %get3A_466 = arith.constant 1 : i32
    %get3A_467 = arith.index_cast %get3A_466 : i32 to index
    %get3A_468 = arith.constant 113 : index
    %get3A_469 = tpu.vector_load %arg9[%get3A_467, %get3A_468] {strides = array<i32>} : memref<4x129xf32, #tpu.memory_space<vmem>>, vector<16xf32>,
    %add3A_470 = arith.addf %get3A_465, %get3A_469 : vector<16xf32>
    %mul3A_471 = arith.constant 5.000000e-01 : f32
    %mul3A_472 = vector.broadcast %mul3A_471 : f32 to vector<16xf32>
    %mul3A_473 = arith.mulf %mul3A_472, %add3A_470 : vector<16xf32>
    %sort3A_474 = arith.constant dense<true> : vector<16xi1>
    %sort3A_475, %sort3A_476, %sort3A_477 = tpu.sort %mul3A_389, %mul3A_389 masked %sort3A_474 : (vector<16xf32>, vector<16xf32>, vector<16xi1>) -> (vector<16xi1>, vector<16xf32>, vector<16xf32>)
    %sort3A_478 = arith.constant dense<true> : vector<16xi1>
    %sort3A_479, %sort3A_480, %sort3A_481 = tpu.sort %mul3A_401, %mul3A_401 masked %sort3A_478 : (vector<16xf32>, vector<16xf32>, vector<16xi1>) -> (vector<16xi1>, vector<16xf32>, vector<16xf32>)
    %sort3A_482 = arith.constant dense<true> : vector<16xi1>
    %sort3A_483, %sort3A_484, %sort3A_485 = tpu.sort %mul3A_413, %mul3A_413 masked %sort3A_482 : (vector<16xf32>, vector<16xf32>, vector<16xi1>) -> (vector<16xi1>, vector<16xf32>, vector<16xf32>)
    %sort3A_486 = arith.constant dense<true> : vector<16xi1>
    %sort3A_487, %sort3A_488, %sort3A_489 = tpu.sort %mul3A_425, %mul3A_425 masked %sort3A_486 : (vector<16xf32>, vector<16xf32>, vector<16xi1>) -> (vector<16xi1>, vector<16xf32>, vector<16xf32>)
    %sort3A_490 = arith.constant dense<true> : vector<16xi1>
    %sort3A_491, %sort3A_492, %sort3A_493 = tpu.sort %mul3A_437, %mul3A_437 masked %sort3A_490 : (vector<16xf32>, vector<16xf32>, vector<16xi1>) -> (vector<16xi1>, vector<16xf32>, vector<16xf32>)
    %sort3A_494 = arith.constant dense<true> : vector<16xi1>
    %sort3A_495, %sort3A_496, %sort3A_497 = tpu.sort %mul3A_449, %mul3A_449 masked %sort3A_494 : (vector<16xf32>, vector<16xf32>, vector<16xi1>) -> (vector<16xi1>, vector<16xf32>, vector<16xf32>)
    %sort3A_498 = arith.constant dense<true> : vector<16xi1>
    %sort3A_499, %sort3A_500, %sort3A_501 = tpu.sort %mul3A_461, %mul3A_461 masked %sort3A_498 : (vector<16xf32>, vector<16xf32>, vector<16xi1>) -> (vector<16xi1>, vector<16xf32>, vector<16xf32>)
    %sort3A_502 = arith.constant dense<true> : vector<16xi1>
    %sort3A_503, %sort3A_504, %sort3A_505 = tpu.sort %mul3A_473, %mul3A_473 masked %sort3A_502 : (vector<16xf32>, vector<16xf32>, vector<16xi1>) -> (vector<16xi1>, vector<16xf32>, vector<16xf32>)
    %rev3A_506 = arith.constant 15 : i32
    %rev3A_507 = vector.broadcast %rev3A_506 : i32 to vector<16xi32>
    %rev3A_508 = tpu.iota {dimensions = array<i32: 0>} : vector<16xi32>
    %rev3A_509 = arith.subi %rev3A_507, %rev3A_508 : vector<16xi32>
    %rev3A_510 = tpu.dynamic_gather %sort3A_480[%rev3A_509] in [0] : vector<16xf32>, vector<16xi32> -> vector<16xf32>
    %min3A_511 = arith.minimumf %sort3A_476, %rev3A_510 : vector<16xf32>
    %max3A_512 = arith.maximumf %sort3A_476, %rev3A_510 : vector<16xf32>
    %sort3A_513 = arith.constant dense<true> : vector<16xi1>
    %sort3A_514, %sort3A_515, %sort3A_516 = tpu.sort %min3A_511, %min3A_511 masked %sort3A_513 : (vector<16xf32>, vector<16xf32>, vector<16xi1>) -> (vector<16xi1>, vector<16xf32>, vector<16xf32>)
    %sort3A_517 = arith.constant dense<true> : vector<16xi1>
    %sort3A_518, %sort3A_519, %sort3A_520 = tpu.sort %max3A_512, %max3A_512 masked %sort3A_517 : (vector<16xf32>, vector<16xf32>, vector<16xi1>) -> (vector<16xi1>, vector<16xf32>, vector<16xf32>)
    %rev3A_521 = arith.constant 15 : i32
    %rev3A_522 = vector.broadcast %rev3A_521 : i32 to vector<16xi32>
    %rev3A_523 = tpu.iota {dimensions = array<i32: 0>} : vector<16xi32>
    %rev3A_524 = arith.subi %rev3A_522, %rev3A_523 : vector<16xi32>
    %rev3A_525 = tpu.dynamic_gather %sort3A_488[%rev3A_524] in [0] : vector<16xf32>, vector<16xi32> -> vector<16xf32>
    %min3A_526 = arith.minimumf %sort3A_484, %rev3A_525 : vector<16xf32>
    %max3A_527 = arith.maximumf %sort3A_484, %rev3A_525 : vector<16xf32>
    %sort3A_528 = arith.constant dense<true> : vector<16xi1>
    %sort3A_529, %sort3A_530, %sort3A_531 = tpu.sort %min3A_526, %min3A_526 masked %sort3A_528 : (vector<16xf32>, vector<16xf32>, vector<16xi1>) -> (vector<16xi1>, vector<16xf32>, vector<16xf32>)
    %sort3A_532 = arith.constant dense<true> : vector<16xi1>
    %sort3A_533, %sort3A_534, %sort3A_535 = tpu.sort %max3A_527, %max3A_527 masked %sort3A_532 : (vector<16xf32>, vector<16xf32>, vector<16xi1>) -> (vector<16xi1>, vector<16xf32>, vector<16xf32>)
    %rev3A_536 = arith.constant 15 : i32
    %rev3A_537 = vector.broadcast %rev3A_536 : i32 to vector<16xi32>
    %rev3A_538 = tpu.iota {dimensions = array<i32: 0>} : vector<16xi32>
    %rev3A_539 = arith.subi %rev3A_537, %rev3A_538 : vector<16xi32>
    %rev3A_540 = tpu.dynamic_gather %sort3A_496[%rev3A_539] in [0] : vector<16xf32>, vector<16xi32> -> vector<16xf32>
    %min3A_541 = arith.minimumf %sort3A_492, %rev3A_540 : vector<16xf32>
    %max3A_542 = arith.maximumf %sort3A_492, %rev3A_540 : vector<16xf32>
    %sort3A_543 = arith.constant dense<true> : vector<16xi1>
    %sort3A_544, %sort3A_545, %sort3A_546 = tpu.sort %min3A_541, %min3A_541 masked %sort3A_543 : (vector<16xf32>, vector<16xf32>, vector<16xi1>) -> (vector<16xi1>, vector<16xf32>, vector<16xf32>)
    %sort3A_547 = arith.constant dense<true> : vector<16xi1>
    %sort3A_548, %sort3A_549, %sort3A_550 = tpu.sort %max3A_542, %max3A_542 masked %sort3A_547 : (vector<16xf32>, vector<16xf32>, vector<16xi1>) -> (vector<16xi1>, vector<16xf32>, vector<16xf32>)
    %rev3A_551 = arith.constant 15 : i32
    %rev3A_552 = vector.broadcast %rev3A_551 : i32 to vector<16xi32>
    %rev3A_553 = tpu.iota {dimensions = array<i32: 0>} : vector<16xi32>
    %rev3A_554 = arith.subi %rev3A_552, %rev3A_553 : vector<16xi32>
    %rev3A_555 = tpu.dynamic_gather %sort3A_504[%rev3A_554] in [0] : vector<16xf32>, vector<16xi32> -> vector<16xf32>
    %min3A_556 = arith.minimumf %sort3A_500, %rev3A_555 : vector<16xf32>
    %max3A_557 = arith.maximumf %sort3A_500, %rev3A_555 : vector<16xf32>
    %sort3A_558 = arith.constant dense<true> : vector<16xi1>
    %sort3A_559, %sort3A_560, %sort3A_561 = tpu.sort %min3A_556, %min3A_556 masked %sort3A_558 : (vector<16xf32>, vector<16xf32>, vector<16xi1>) -> (vector<16xi1>, vector<16xf32>, vector<16xf32>)
    %sort3A_562 = arith.constant dense<true> : vector<16xi1>
    %sort3A_563, %sort3A_564, %sort3A_565 = tpu.sort %max3A_557, %max3A_557 masked %sort3A_562 : (vector<16xf32>, vector<16xf32>, vector<16xi1>) -> (vector<16xi1>, vector<16xf32>, vector<16xf32>)
    %rev3A_566 = arith.constant 15 : i32
    %rev3A_567 = vector.broadcast %rev3A_566 : i32 to vector<16xi32>
    %rev3A_568 = tpu.iota {dimensions = array<i32: 0>} : vector<16xi32>
    %rev3A_569 = arith.subi %rev3A_567, %rev3A_568 : vector<16xi32>
    %rev3A_570 = tpu.dynamic_gather %sort3A_534[%rev3A_569] in [0] : vector<16xf32>, vector<16xi32> -> vector<16xf32>
    %rev3A_571 = arith.constant 15 : i32
    %rev3A_572 = vector.broadcast %rev3A_571 : i32 to vector<16xi32>
    %rev3A_573 = tpu.iota {dimensions = array<i32: 0>} : vector<16xi32>
    %rev3A_574 = arith.subi %rev3A_572, %rev3A_573 : vector<16xi32>
    %rev3A_575 = tpu.dynamic_gather %sort3A_530[%rev3A_574] in [0] : vector<16xf32>, vector<16xi32> -> vector<16xf32>
    %min3A_576 = arith.minimumf %sort3A_515, %rev3A_570 : vector<16xf32>
    %min3A_577 = arith.minimumf %sort3A_519, %rev3A_575 : vector<16xf32>
    %max3A_578 = arith.maximumf %sort3A_515, %rev3A_570 : vector<16xf32>
    %max3A_579 = arith.maximumf %sort3A_519, %rev3A_575 : vector<16xf32>
    %min3A_580 = arith.minimumf %min3A_576, %min3A_577 : vector<16xf32>
    %max3A_581 = arith.maximumf %min3A_576, %min3A_577 : vector<16xf32>
    %sort3A_582 = arith.constant dense<true> : vector<16xi1>
    %sort3A_583, %sort3A_584, %sort3A_585 = tpu.sort %min3A_580, %min3A_580 masked %sort3A_582 : (vector<16xf32>, vector<16xf32>, vector<16xi1>) -> (vector<16xi1>, vector<16xf32>, vector<16xf32>)
    %sort3A_586 = arith.constant dense<true> : vector<16xi1>
    %sort3A_587, %sort3A_588, %sort3A_589 = tpu.sort %max3A_581, %max3A_581 masked %sort3A_586 : (vector<16xf32>, vector<16xf32>, vector<16xi1>) -> (vector<16xi1>, vector<16xf32>, vector<16xf32>)
    %min3A_590 = arith.minimumf %max3A_578, %max3A_579 : vector<16xf32>
    %max3A_591 = arith.maximumf %max3A_578, %max3A_579 : vector<16xf32>
    %sort3A_592 = arith.constant dense<true> : vector<16xi1>
    %sort3A_593, %sort3A_594, %sort3A_595 = tpu.sort %min3A_590, %min3A_590 masked %sort3A_592 : (vector<16xf32>, vector<16xf32>, vector<16xi1>) -> (vector<16xi1>, vector<16xf32>, vector<16xf32>)
    %sort3A_596 = arith.constant dense<true> : vector<16xi1>
    %sort3A_597, %sort3A_598, %sort3A_599 = tpu.sort %max3A_591, %max3A_591 masked %sort3A_596 : (vector<16xf32>, vector<16xf32>, vector<16xi1>) -> (vector<16xi1>, vector<16xf32>, vector<16xf32>)
    %rev3A_600 = arith.constant 15 : i32
    %rev3A_601 = vector.broadcast %rev3A_600 : i32 to vector<16xi32>
    %rev3A_602 = tpu.iota {dimensions = array<i32: 0>} : vector<16xi32>
    %rev3A_603 = arith.subi %rev3A_601, %rev3A_602 : vector<16xi32>
    %rev3A_604 = tpu.dynamic_gather %sort3A_564[%rev3A_603] in [0] : vector<16xf32>, vector<16xi32> -> vector<16xf32>
    %rev3A_605 = arith.constant 15 : i32
    %rev3A_606 = vector.broadcast %rev3A_605 : i32 to vector<16xi32>
    %rev3A_607 = tpu.iota {dimensions = array<i32: 0>} : vector<16xi32>
    %rev3A_608 = arith.subi %rev3A_606, %rev3A_607 : vector<16xi32>
    %rev3A_609 = tpu.dynamic_gather %sort3A_560[%rev3A_608] in [0] : vector<16xf32>, vector<16xi32> -> vector<16xf32>
    %min3A_610 = arith.minimumf %sort3A_545, %rev3A_604 : vector<16xf32>
    %min3A_611 = arith.minimumf %sort3A_549, %rev3A_609 : vector<16xf32>
    %max3A_612 = arith.maximumf %sort3A_545, %rev3A_604 : vector<16xf32>
    %max3A_613 = arith.maximumf %sort3A_549, %rev3A_609 : vector<16xf32>
    %min3A_614 = arith.minimumf %min3A_610, %min3A_611 : vector<16xf32>
    %max3A_615 = arith.maximumf %min3A_610, %min3A_611 : vector<16xf32>
    %sort3A_616 = arith.constant dense<true> : vector<16xi1>
    %sort3A_617, %sort3A_618, %sort3A_619 = tpu.sort %min3A_614, %min3A_614 masked %sort3A_616 : (vector<16xf32>, vector<16xf32>, vector<16xi1>) -> (vector<16xi1>, vector<16xf32>, vector<16xf32>)
    %sort3A_620 = arith.constant dense<true> : vector<16xi1>
    %sort3A_621, %sort3A_622, %sort3A_623 = tpu.sort %max3A_615, %max3A_615 masked %sort3A_620 : (vector<16xf32>, vector<16xf32>, vector<16xi1>) -> (vector<16xi1>, vector<16xf32>, vector<16xf32>)
    %min3A_624 = arith.minimumf %max3A_612, %max3A_613 : vector<16xf32>
    %max3A_625 = arith.maximumf %max3A_612, %max3A_613 : vector<16xf32>
    %sort3A_626 = arith.constant dense<true> : vector<16xi1>
    %sort3A_627, %sort3A_628, %sort3A_629 = tpu.sort %min3A_624, %min3A_624 masked %sort3A_626 : (vector<16xf32>, vector<16xf32>, vector<16xi1>) -> (vector<16xi1>, vector<16xf32>, vector<16xf32>)
    %sort3A_630 = arith.constant dense<true> : vector<16xi1>
    %sort3A_631, %sort3A_632, %sort3A_633 = tpu.sort %max3A_625, %max3A_625 masked %sort3A_630 : (vector<16xf32>, vector<16xf32>, vector<16xi1>) -> (vector<16xi1>, vector<16xf32>, vector<16xf32>)
    %rev3A_634 = arith.constant 15 : i32
    %rev3A_635 = vector.broadcast %rev3A_634 : i32 to vector<16xi32>
    %rev3A_636 = tpu.iota {dimensions = array<i32: 0>} : vector<16xi32>
    %rev3A_637 = arith.subi %rev3A_635, %rev3A_636 : vector<16xi32>
    %rev3A_638 = tpu.dynamic_gather %sort3A_632[%rev3A_637] in [0] : vector<16xf32>, vector<16xi32> -> vector<16xf32>
    %rev3A_639 = arith.constant 15 : i32
    %rev3A_640 = vector.broadcast %rev3A_639 : i32 to vector<16xi32>
    %rev3A_641 = tpu.iota {dimensions = array<i32: 0>} : vector<16xi32>
    %rev3A_642 = arith.subi %rev3A_640, %rev3A_641 : vector<16xi32>
    %rev3A_643 = tpu.dynamic_gather %sort3A_628[%rev3A_642] in [0] : vector<16xf32>, vector<16xi32> -> vector<16xf32>
    %rev3A_644 = arith.constant 15 : i32
    %rev3A_645 = vector.broadcast %rev3A_644 : i32 to vector<16xi32>
    %rev3A_646 = tpu.iota {dimensions = array<i32: 0>} : vector<16xi32>
    %rev3A_647 = arith.subi %rev3A_645, %rev3A_646 : vector<16xi32>
    %rev3A_648 = tpu.dynamic_gather %sort3A_622[%rev3A_647] in [0] : vector<16xf32>, vector<16xi32> -> vector<16xf32>
    %rev3A_649 = arith.constant 15 : i32
    %rev3A_650 = vector.broadcast %rev3A_649 : i32 to vector<16xi32>
    %rev3A_651 = tpu.iota {dimensions = array<i32: 0>} : vector<16xi32>
    %rev3A_652 = arith.subi %rev3A_650, %rev3A_651 : vector<16xi32>
    %rev3A_653 = tpu.dynamic_gather %sort3A_618[%rev3A_652] in [0] : vector<16xf32>, vector<16xi32> -> vector<16xf32>
    %min3A_654 = arith.minimumf %sort3A_584, %rev3A_638 : vector<16xf32>
    %min3A_655 = arith.minimumf %sort3A_588, %rev3A_643 : vector<16xf32>
    %min3A_656 = arith.minimumf %sort3A_594, %rev3A_648 : vector<16xf32>
    %min3A_657 = arith.minimumf %sort3A_598, %rev3A_653 : vector<16xf32>
    %max3A_658 = arith.maximumf %sort3A_584, %rev3A_638 : vector<16xf32>
    %max3A_659 = arith.maximumf %sort3A_588, %rev3A_643 : vector<16xf32>
    %max3A_660 = arith.maximumf %sort3A_594, %rev3A_648 : vector<16xf32>
    %max3A_661 = arith.maximumf %sort3A_598, %rev3A_653 : vector<16xf32>
    %min3A_662 = arith.minimumf %min3A_654, %min3A_656 : vector<16xf32>
    %min3A_663 = arith.minimumf %min3A_655, %min3A_657 : vector<16xf32>
    %max3A_664 = arith.maximumf %min3A_654, %min3A_656 : vector<16xf32>
    %max3A_665 = arith.maximumf %min3A_655, %min3A_657 : vector<16xf32>
    %min3A_666 = arith.minimumf %min3A_662, %min3A_663 : vector<16xf32>
    %max3A_667 = arith.maximumf %min3A_662, %min3A_663 : vector<16xf32>
    %sort3A_668 = arith.constant dense<true> : vector<16xi1>
    %sort3A_669, %sort3A_670, %sort3A_671 = tpu.sort %min3A_666, %min3A_666 masked %sort3A_668 : (vector<16xf32>, vector<16xf32>, vector<16xi1>) -> (vector<16xi1>, vector<16xf32>, vector<16xf32>)
    %sort3A_672 = arith.constant dense<true> : vector<16xi1>
    %sort3A_673, %sort3A_674, %sort3A_675 = tpu.sort %max3A_667, %max3A_667 masked %sort3A_672 : (vector<16xf32>, vector<16xf32>, vector<16xi1>) -> (vector<16xi1>, vector<16xf32>, vector<16xf32>)
    %min3A_676 = arith.minimumf %max3A_664, %max3A_665 : vector<16xf32>
    %max3A_677 = arith.maximumf %max3A_664, %max3A_665 : vector<16xf32>
    %sort3A_678 = arith.constant dense<true> : vector<16xi1>
    %sort3A_679, %sort3A_680, %sort3A_681 = tpu.sort %min3A_676, %min3A_676 masked %sort3A_678 : (vector<16xf32>, vector<16xf32>, vector<16xi1>) -> (vector<16xi1>, vector<16xf32>, vector<16xf32>)
    %sort3A_682 = arith.constant dense<true> : vector<16xi1>
    %sort3A_683, %sort3A_684, %sort3A_685 = tpu.sort %max3A_677, %max3A_677 masked %sort3A_682 : (vector<16xf32>, vector<16xf32>, vector<16xi1>) -> (vector<16xi1>, vector<16xf32>, vector<16xf32>)
    %min3A_686 = arith.minimumf %max3A_658, %max3A_660 : vector<16xf32>
    %min3A_687 = arith.minimumf %max3A_659, %max3A_661 : vector<16xf32>
    %max3A_688 = arith.maximumf %max3A_658, %max3A_660 : vector<16xf32>
    %max3A_689 = arith.maximumf %max3A_659, %max3A_661 : vector<16xf32>
    %min3A_690 = arith.minimumf %min3A_686, %min3A_687 : vector<16xf32>
    %max3A_691 = arith.maximumf %min3A_686, %min3A_687 : vector<16xf32>
    %sort3A_692 = arith.constant dense<true> : vector<16xi1>
    %sort3A_693, %sort3A_694, %sort3A_695 = tpu.sort %min3A_690, %min3A_690 masked %sort3A_692 : (vector<16xf32>, vector<16xf32>, vector<16xi1>) -> (vector<16xi1>, vector<16xf32>, vector<16xf32>)
    %sort3A_696 = arith.constant dense<true> : vector<16xi1>
    %sort3A_697, %sort3A_698, %sort3A_699 = tpu.sort %max3A_691, %max3A_691 masked %sort3A_696 : (vector<16xf32>, vector<16xf32>, vector<16xi1>) -> (vector<16xi1>, vector<16xf32>, vector<16xf32>)
    %min3A_700 = arith.minimumf %max3A_688, %max3A_689 : vector<16xf32>
    %max3A_701 = arith.maximumf %max3A_688, %max3A_689 : vector<16xf32>
    %sort3A_702 = arith.constant dense<true> : vector<16xi1>
    %sort3A_703, %sort3A_704, %sort3A_705 = tpu.sort %min3A_700, %min3A_700 masked %sort3A_702 : (vector<16xf32>, vector<16xf32>, vector<16xi1>) -> (vector<16xi1>, vector<16xf32>, vector<16xf32>)
    %sort3A_706 = arith.constant dense<true> : vector<16xi1>
    %sort3A_707, %sort3A_708, %sort3A_709 = tpu.sort %max3A_701, %max3A_701 masked %sort3A_706 : (vector<16xf32>, vector<16xf32>, vector<16xi1>) -> (vector<16xi1>, vector<16xf32>, vector<16xf32>)
    %swap3A_710 = arith.constant 128 : index
    %swap3A_711 = tpu.vector_load %arg10[%swap3A_710] {strides = array<i32>} : memref<512xf32, #tpu.memory_space<vmem>>, vector<16xf32>,
    tpu.vector_store %arg10[%swap3A_710], %sort3A_670 {strides = array<i32>} : memref<512xf32, #tpu.memory_space<vmem>>, vector<16xf32>,
    %swap3A_712 = arith.constant 144 : index
    %swap3A_713 = tpu.vector_load %arg10[%swap3A_712] {strides = array<i32>} : memref<512xf32, #tpu.memory_space<vmem>>, vector<16xf32>,
    tpu.vector_store %arg10[%swap3A_712], %sort3A_674 {strides = array<i32>} : memref<512xf32, #tpu.memory_space<vmem>>, vector<16xf32>,
    %swap3A_714 = arith.constant 160 : index
    %swap3A_715 = tpu.vector_load %arg10[%swap3A_714] {strides = array<i32>} : memref<512xf32, #tpu.memory_space<vmem>>, vector<16xf32>,
    tpu.vector_store %arg10[%swap3A_714], %sort3A_680 {strides = array<i32>} : memref<512xf32, #tpu.memory_space<vmem>>, vector<16xf32>,
    %swap3A_716 = arith.constant 176 : index
    %swap3A_717 = tpu.vector_load %arg10[%swap3A_716] {strides = array<i32>} : memref<512xf32, #tpu.memory_space<vmem>>, vector<16xf32>,
    tpu.vector_store %arg10[%swap3A_716], %sort3A_684 {strides = array<i32>} : memref<512xf32, #tpu.memory_space<vmem>>, vector<16xf32>,
    %swap3A_718 = arith.constant 192 : index
    %swap3A_719 = tpu.vector_load %arg10[%swap3A_718] {strides = array<i32>} : memref<512xf32, #tpu.memory_space<vmem>>, vector<16xf32>,
    tpu.vector_store %arg10[%swap3A_718], %sort3A_694 {strides = array<i32>} : memref<512xf32, #tpu.memory_space<vmem>>, vector<16xf32>,
    %swap3A_720 = arith.constant 208 : index
    %swap3A_721 = tpu.vector_load %arg10[%swap3A_720] {strides = array<i32>} : memref<512xf32, #tpu.memory_space<vmem>>, vector<16xf32>,
    tpu.vector_store %arg10[%swap3A_720], %sort3A_698 {strides = array<i32>} : memref<512xf32, #tpu.memory_space<vmem>>, vector<16xf32>,
    %swap3A_722 = arith.constant 224 : index
    %swap3A_723 = tpu.vector_load %arg10[%swap3A_722] {strides = array<i32>} : memref<512xf32, #tpu.memory_space<vmem>>, vector<16xf32>,
    tpu.vector_store %arg10[%swap3A_722], %sort3A_704 {strides = array<i32>} : memref<512xf32, #tpu.memory_space<vmem>>, vector<16xf32>,
    %swap3A_724 = arith.constant 240 : index
    %swap3A_725 = tpu.vector_load %arg10[%swap3A_724] {strides = array<i32>} : memref<512xf32, #tpu.memory_space<vmem>>, vector<16xf32>,
    tpu.vector_store %arg10[%swap3A_724], %sort3A_708 {strides = array<i32>} : memref<512xf32, #tpu.memory_space<vmem>>, vector<16xf32>,
    %get3A_726 = arith.constant 2 : i32
    %get3A_727 = arith.index_cast %get3A_726 : i32 to index
    %get3A_728 = arith.constant 0 : index
    %get3A_729 = tpu.vector_load %arg9[%get3A_727, %get3A_728] {strides = array<i32>} : memref<4x129xf32, #tpu.memory_space<vmem>>, vector<16xf32>,
    %get3A_730 = arith.constant 2 : i32
    %get3A_731 = arith.index_cast %get3A_730 : i32 to index
    %get3A_732 = arith.constant 1 : index
    %get3A_733 = tpu.vector_load %arg9[%get3A_731, %get3A_732] {strides = array<i32>} : memref<4x129xf32, #tpu.memory_space<vmem>>, vector<16xf32>,
    %add3A_734 = arith.addf %get3A_729, %get3A_733 : vector<16xf32>
    %mul3A_735 = arith.constant 5.000000e-01 : f32
    %mul3A_736 = vector.broadcast %mul3A_735 : f32 to vector<16xf32>
    %mul3A_737 = arith.mulf %mul3A_736, %add3A_734 : vector<16xf32>
    %get3A_738 = arith.constant 2 : i32
    %get3A_739 = arith.index_cast %get3A_738 : i32 to index
    %get3A_740 = arith.constant 16 : index
    %get3A_741 = tpu.vector_load %arg9[%get3A_739, %get3A_740] {strides = array<i32>} : memref<4x129xf32, #tpu.memory_space<vmem>>, vector<16xf32>,
    %get3A_742 = arith.constant 2 : i32
    %get3A_743 = arith.index_cast %get3A_742 : i32 to index
    %get3A_744 = arith.constant 17 : index
    %get3A_745 = tpu.vector_load %arg9[%get3A_743, %get3A_744] {strides = array<i32>} : memref<4x129xf32, #tpu.memory_space<vmem>>, vector<16xf32>,
    %add3A_746 = arith.addf %get3A_741, %get3A_745 : vector<16xf32>
    %mul3A_747 = arith.constant 5.000000e-01 : f32
    %mul3A_748 = vector.broadcast %mul3A_747 : f32 to vector<16xf32>
    %mul3A_749 = arith.mulf %mul3A_748, %add3A_746 : vector<16xf32>
    %get3A_750 = arith.constant 2 : i32
    %get3A_751 = arith.index_cast %get3A_750 : i32 to index
    %get3A_752 = arith.constant 32 : index
    %get3A_753 = tpu.vector_load %arg9[%get3A_751, %get3A_752] {strides = array<i32>} : memref<4x129xf32, #tpu.memory_space<vmem>>, vector<16xf32>,
    %get3A_754 = arith.constant 2 : i32
    %get3A_755 = arith.index_cast %get3A_754 : i32 to index
    %get3A_756 = arith.constant 33 : index
    %get3A_757 = tpu.vector_load %arg9[%get3A_755, %get3A_756] {strides = array<i32>} : memref<4x129xf32, #tpu.memory_space<vmem>>, vector<16xf32>,
    %add3A_758 = arith.addf %get3A_753, %get3A_757 : vector<16xf32>
    %mul3A_759 = arith.constant 5.000000e-01 : f32
    %mul3A_760 = vector.broadcast %mul3A_759 : f32 to vector<16xf32>
    %mul3A_761 = arith.mulf %mul3A_760, %add3A_758 : vector<16xf32>
    %get3A_762 = arith.constant 2 : i32
    %get3A_763 = arith.index_cast %get3A_762 : i32 to index
    %get3A_764 = arith.constant 48 : index
    %get3A_765 = tpu.vector_load %arg9[%get3A_763, %get3A_764] {strides = array<i32>} : memref<4x129xf32, #tpu.memory_space<vmem>>, vector<16xf32>,
    %get3A_766 = arith.constant 2 : i32
    %get3A_767 = arith.index_cast %get3A_766 : i32 to index
    %get3A_768 = arith.constant 49 : index
    %get3A_769 = tpu.vector_load %arg9[%get3A_767, %get3A_768] {strides = array<i32>} : memref<4x129xf32, #tpu.memory_space<vmem>>, vector<16xf32>,
    %add3A_770 = arith.addf %get3A_765, %get3A_769 : vector<16xf32>
    %mul3A_771 = arith.constant 5.000000e-01 : f32
    %mul3A_772 = vector.broadcast %mul3A_771 : f32 to vector<16xf32>
    %mul3A_773 = arith.mulf %mul3A_772, %add3A_770 : vector<16xf32>
    %get3A_774 = arith.constant 2 : i32
    %get3A_775 = arith.index_cast %get3A_774 : i32 to index
    %get3A_776 = arith.constant 64 : index
    %get3A_777 = tpu.vector_load %arg9[%get3A_775, %get3A_776] {strides = array<i32>} : memref<4x129xf32, #tpu.memory_space<vmem>>, vector<16xf32>,
    %get3A_778 = arith.constant 2 : i32
    %get3A_779 = arith.index_cast %get3A_778 : i32 to index
    %get3A_780 = arith.constant 65 : index
    %get3A_781 = tpu.vector_load %arg9[%get3A_779, %get3A_780] {strides = array<i32>} : memref<4x129xf32, #tpu.memory_space<vmem>>, vector<16xf32>,
    %add3A_782 = arith.addf %get3A_777, %get3A_781 : vector<16xf32>
    %mul3A_783 = arith.constant 5.000000e-01 : f32
    %mul3A_784 = vector.broadcast %mul3A_783 : f32 to vector<16xf32>
    %mul3A_785 = arith.mulf %mul3A_784, %add3A_782 : vector<16xf32>
    %get3A_786 = arith.constant 2 : i32
    %get3A_787 = arith.index_cast %get3A_786 : i32 to index
    %get3A_788 = arith.constant 80 : index
    %get3A_789 = tpu.vector_load %arg9[%get3A_787, %get3A_788] {strides = array<i32>} : memref<4x129xf32, #tpu.memory_space<vmem>>, vector<16xf32>,
    %get3A_790 = arith.constant 2 : i32
    %get3A_791 = arith.index_cast %get3A_790 : i32 to index
    %get3A_792 = arith.constant 81 : index
    %get3A_793 = tpu.vector_load %arg9[%get3A_791, %get3A_792] {strides = array<i32>} : memref<4x129xf32, #tpu.memory_space<vmem>>, vector<16xf32>,
    %add3A_794 = arith.addf %get3A_789, %get3A_793 : vector<16xf32>
    %mul3A_795 = arith.constant 5.000000e-01 : f32
    %mul3A_796 = vector.broadcast %mul3A_795 : f32 to vector<16xf32>
    %mul3A_797 = arith.mulf %mul3A_796, %add3A_794 : vector<16xf32>
    %get3A_798 = arith.constant 2 : i32
    %get3A_799 = arith.index_cast %get3A_798 : i32 to index
    %get3A_800 = arith.constant 96 : index
    %get3A_801 = tpu.vector_load %arg9[%get3A_799, %get3A_800] {strides = array<i32>} : memref<4x129xf32, #tpu.memory_space<vmem>>, vector<16xf32>,
    %get3A_802 = arith.constant 2 : i32
    %get3A_803 = arith.index_cast %get3A_802 : i32 to index
    %get3A_804 = arith.constant 97 : index
    %get3A_805 = tpu.vector_load %arg9[%get3A_803, %get3A_804] {strides = array<i32>} : memref<4x129xf32, #tpu.memory_space<vmem>>, vector<16xf32>,
    %add3A_806 = arith.addf %get3A_801, %get3A_805 : vector<16xf32>
    %mul3A_807 = arith.constant 5.000000e-01 : f32
    %mul3A_808 = vector.broadcast %mul3A_807 : f32 to vector<16xf32>
    %mul3A_809 = arith.mulf %mul3A_808, %add3A_806 : vector<16xf32>
    %get3A_810 = arith.constant 2 : i32
    %get3A_811 = arith.index_cast %get3A_810 : i32 to index
    %get3A_812 = arith.constant 112 : index
    %get3A_813 = tpu.vector_load %arg9[%get3A_811, %get3A_812] {strides = array<i32>} : memref<4x129xf32, #tpu.memory_space<vmem>>, vector<16xf32>,
    %get3A_814 = arith.constant 2 : i32
    %get3A_815 = arith.index_cast %get3A_814 : i32 to index
    %get3A_816 = arith.constant 113 : index
    %get3A_817 = tpu.vector_load %arg9[%get3A_815, %get3A_816] {strides = array<i32>} : memref<4x129xf32, #tpu.memory_space<vmem>>, vector<16xf32>,
    %add3A_818 = arith.addf %get3A_813, %get3A_817 : vector<16xf32>
    %mul3A_819 = arith.constant 5.000000e-01 : f32
    %mul3A_820 = vector.broadcast %mul3A_819 : f32 to vector<16xf32>
    %mul3A_821 = arith.mulf %mul3A_820, %add3A_818 : vector<16xf32>
    %sort3A_822 = arith.constant dense<true> : vector<16xi1>
    %sort3A_823, %sort3A_824, %sort3A_825 = tpu.sort %mul3A_737, %mul3A_737 masked %sort3A_822 : (vector<16xf32>, vector<16xf32>, vector<16xi1>) -> (vector<16xi1>, vector<16xf32>, vector<16xf32>)
    %sort3A_826 = arith.constant dense<true> : vector<16xi1>
    %sort3A_827, %sort3A_828, %sort3A_829 = tpu.sort %mul3A_749, %mul3A_749 masked %sort3A_826 : (vector<16xf32>, vector<16xf32>, vector<16xi1>) -> (vector<16xi1>, vector<16xf32>, vector<16xf32>)
    %sort3A_830 = arith.constant dense<true> : vector<16xi1>
    %sort3A_831, %sort3A_832, %sort3A_833 = tpu.sort %mul3A_761, %mul3A_761 masked %sort3A_830 : (vector<16xf32>, vector<16xf32>, vector<16xi1>) -> (vector<16xi1>, vector<16xf32>, vector<16xf32>)
    %sort3A_834 = arith.constant dense<true> : vector<16xi1>
    %sort3A_835, %sort3A_836, %sort3A_837 = tpu.sort %mul3A_773, %mul3A_773 masked %sort3A_834 : (vector<16xf32>, vector<16xf32>, vector<16xi1>) -> (vector<16xi1>, vector<16xf32>, vector<16xf32>)
    %sort3A_838 = arith.constant dense<true> : vector<16xi1>
    %sort3A_839, %sort3A_840, %sort3A_841 = tpu.sort %mul3A_785, %mul3A_785 masked %sort3A_838 : (vector<16xf32>, vector<16xf32>, vector<16xi1>) -> (vector<16xi1>, vector<16xf32>, vector<16xf32>)
    %sort3A_842 = arith.constant dense<true> : vector<16xi1>
    %sort3A_843, %sort3A_844, %sort3A_845 = tpu.sort %mul3A_797, %mul3A_797 masked %sort3A_842 : (vector<16xf32>, vector<16xf32>, vector<16xi1>) -> (vector<16xi1>, vector<16xf32>, vector<16xf32>)
    %sort3A_846 = arith.constant dense<true> : vector<16xi1>
    %sort3A_847, %sort3A_848, %sort3A_849 = tpu.sort %mul3A_809, %mul3A_809 masked %sort3A_846 : (vector<16xf32>, vector<16xf32>, vector<16xi1>) -> (vector<16xi1>, vector<16xf32>, vector<16xf32>)
    %sort3A_850 = arith.constant dense<true> : vector<16xi1>
    %sort3A_851, %sort3A_852, %sort3A_853 = tpu.sort %mul3A_821, %mul3A_821 masked %sort3A_850 : (vector<16xf32>, vector<16xf32>, vector<16xi1>) -> (vector<16xi1>, vector<16xf32>, vector<16xf32>)
    %rev3A_854 = arith.constant 15 : i32
    %rev3A_855 = vector.broadcast %rev3A_854 : i32 to vector<16xi32>
    %rev3A_856 = tpu.iota {dimensions = array<i32: 0>} : vector<16xi32>
    %rev3A_857 = arith.subi %rev3A_855, %rev3A_856 : vector<16xi32>
    %rev3A_858 = tpu.dynamic_gather %sort3A_828[%rev3A_857] in [0] : vector<16xf32>, vector<16xi32> -> vector<16xf32>
    %min3A_859 = arith.minimumf %sort3A_824, %rev3A_858 : vector<16xf32>
    %max3A_860 = arith.maximumf %sort3A_824, %rev3A_858 : vector<16xf32>
    %sort3A_861 = arith.constant dense<true> : vector<16xi1>
    %sort3A_862, %sort3A_863, %sort3A_864 = tpu.sort %min3A_859, %min3A_859 masked %sort3A_861 : (vector<16xf32>, vector<16xf32>, vector<16xi1>) -> (vector<16xi1>, vector<16xf32>, vector<16xf32>)
    %sort3A_865 = arith.constant dense<true> : vector<16xi1>
    %sort3A_866, %sort3A_867, %sort3A_868 = tpu.sort %max3A_860, %max3A_860 masked %sort3A_865 : (vector<16xf32>, vector<16xf32>, vector<16xi1>) -> (vector<16xi1>, vector<16xf32>, vector<16xf32>)
    %rev3A_869 = arith.constant 15 : i32
    %rev3A_870 = vector.broadcast %rev3A_869 : i32 to vector<16xi32>
    %rev3A_871 = tpu.iota {dimensions = array<i32: 0>} : vector<16xi32>
    %rev3A_872 = arith.subi %rev3A_870, %rev3A_871 : vector<16xi32>
    %rev3A_873 = tpu.dynamic_gather %sort3A_836[%rev3A_872] in [0] : vector<16xf32>, vector<16xi32> -> vector<16xf32>
    %min3A_874 = arith.minimumf %sort3A_832, %rev3A_873 : vector<16xf32>
    %max3A_875 = arith.maximumf %sort3A_832, %rev3A_873 : vector<16xf32>
    %sort3A_876 = arith.constant dense<true> : vector<16xi1>
    %sort3A_877, %sort3A_878, %sort3A_879 = tpu.sort %min3A_874, %min3A_874 masked %sort3A_876 : (vector<16xf32>, vector<16xf32>, vector<16xi1>) -> (vector<16xi1>, vector<16xf32>, vector<16xf32>)
    %sort3A_880 = arith.constant dense<true> : vector<16xi1>
    %sort3A_881, %sort3A_882, %sort3A_883 = tpu.sort %max3A_875, %max3A_875 masked %sort3A_880 : (vector<16xf32>, vector<16xf32>, vector<16xi1>) -> (vector<16xi1>, vector<16xf32>, vector<16xf32>)
    %rev3A_884 = arith.constant 15 : i32
    %rev3A_885 = vector.broadcast %rev3A_884 : i32 to vector<16xi32>
    %rev3A_886 = tpu.iota {dimensions = array<i32: 0>} : vector<16xi32>
    %rev3A_887 = arith.subi %rev3A_885, %rev3A_886 : vector<16xi32>
    %rev3A_888 = tpu.dynamic_gather %sort3A_844[%rev3A_887] in [0] : vector<16xf32>, vector<16xi32> -> vector<16xf32>
    %min3A_889 = arith.minimumf %sort3A_840, %rev3A_888 : vector<16xf32>
    %max3A_890 = arith.maximumf %sort3A_840, %rev3A_888 : vector<16xf32>
    %sort3A_891 = arith.constant dense<true> : vector<16xi1>
    %sort3A_892, %sort3A_893, %sort3A_894 = tpu.sort %min3A_889, %min3A_889 masked %sort3A_891 : (vector<16xf32>, vector<16xf32>, vector<16xi1>) -> (vector<16xi1>, vector<16xf32>, vector<16xf32>)
    %sort3A_895 = arith.constant dense<true> : vector<16xi1>
    %sort3A_896, %sort3A_897, %sort3A_898 = tpu.sort %max3A_890, %max3A_890 masked %sort3A_895 : (vector<16xf32>, vector<16xf32>, vector<16xi1>) -> (vector<16xi1>, vector<16xf32>, vector<16xf32>)
    %rev3A_899 = arith.constant 15 : i32
    %rev3A_900 = vector.broadcast %rev3A_899 : i32 to vector<16xi32>
    %rev3A_901 = tpu.iota {dimensions = array<i32: 0>} : vector<16xi32>
    %rev3A_902 = arith.subi %rev3A_900, %rev3A_901 : vector<16xi32>
    %rev3A_903 = tpu.dynamic_gather %sort3A_852[%rev3A_902] in [0] : vector<16xf32>, vector<16xi32> -> vector<16xf32>
    %min3A_904 = arith.minimumf %sort3A_848, %rev3A_903 : vector<16xf32>
    %max3A_905 = arith.maximumf %sort3A_848, %rev3A_903 : vector<16xf32>
    %sort3A_906 = arith.constant dense<true> : vector<16xi1>
    %sort3A_907, %sort3A_908, %sort3A_909 = tpu.sort %min3A_904, %min3A_904 masked %sort3A_906 : (vector<16xf32>, vector<16xf32>, vector<16xi1>) -> (vector<16xi1>, vector<16xf32>, vector<16xf32>)
    %sort3A_910 = arith.constant dense<true> : vector<16xi1>
    %sort3A_911, %sort3A_912, %sort3A_913 = tpu.sort %max3A_905, %max3A_905 masked %sort3A_910 : (vector<16xf32>, vector<16xf32>, vector<16xi1>) -> (vector<16xi1>, vector<16xf32>, vector<16xf32>)
    %rev3A_914 = arith.constant 15 : i32
    %rev3A_915 = vector.broadcast %rev3A_914 : i32 to vector<16xi32>
    %rev3A_916 = tpu.iota {dimensions = array<i32: 0>} : vector<16xi32>
    %rev3A_917 = arith.subi %rev3A_915, %rev3A_916 : vector<16xi32>
    %rev3A_918 = tpu.dynamic_gather %sort3A_882[%rev3A_917] in [0] : vector<16xf32>, vector<16xi32> -> vector<16xf32>
    %rev3A_919 = arith.constant 15 : i32
    %rev3A_920 = vector.broadcast %rev3A_919 : i32 to vector<16xi32>
    %rev3A_921 = tpu.iota {dimensions = array<i32: 0>} : vector<16xi32>
    %rev3A_922 = arith.subi %rev3A_920, %rev3A_921 : vector<16xi32>
    %rev3A_923 = tpu.dynamic_gather %sort3A_878[%rev3A_922] in [0] : vector<16xf32>, vector<16xi32> -> vector<16xf32>
    %min3A_924 = arith.minimumf %sort3A_863, %rev3A_918 : vector<16xf32>
    %min3A_925 = arith.minimumf %sort3A_867, %rev3A_923 : vector<16xf32>
    %max3A_926 = arith.maximumf %sort3A_863, %rev3A_918 : vector<16xf32>
    %max3A_927 = arith.maximumf %sort3A_867, %rev3A_923 : vector<16xf32>
    %min3A_928 = arith.minimumf %min3A_924, %min3A_925 : vector<16xf32>
    %max3A_929 = arith.maximumf %min3A_924, %min3A_925 : vector<16xf32>
    %sort3A_930 = arith.constant dense<true> : vector<16xi1>
    %sort3A_931, %sort3A_932, %sort3A_933 = tpu.sort %min3A_928, %min3A_928 masked %sort3A_930 : (vector<16xf32>, vector<16xf32>, vector<16xi1>) -> (vector<16xi1>, vector<16xf32>, vector<16xf32>)
    %sort3A_934 = arith.constant dense<true> : vector<16xi1>
    %sort3A_935, %sort3A_936, %sort3A_937 = tpu.sort %max3A_929, %max3A_929 masked %sort3A_934 : (vector<16xf32>, vector<16xf32>, vector<16xi1>) -> (vector<16xi1>, vector<16xf32>, vector<16xf32>)
    %min3A_938 = arith.minimumf %max3A_926, %max3A_927 : vector<16xf32>
    %max3A_939 = arith.maximumf %max3A_926, %max3A_927 : vector<16xf32>
    %sort3A_940 = arith.constant dense<true> : vector<16xi1>
    %sort3A_941, %sort3A_942, %sort3A_943 = tpu.sort %min3A_938, %min3A_938 masked %sort3A_940 : (vector<16xf32>, vector<16xf32>, vector<16xi1>) -> (vector<16xi1>, vector<16xf32>, vector<16xf32>)
    %sort3A_944 = arith.constant dense<true> : vector<16xi1>
    %sort3A_945, %sort3A_946, %sort3A_947 = tpu.sort %max3A_939, %max3A_939 masked %sort3A_944 : (vector<16xf32>, vector<16xf32>, vector<16xi1>) -> (vector<16xi1>, vector<16xf32>, vector<16xf32>)
    %rev3A_948 = arith.constant 15 : i32
    %rev3A_949 = vector.broadcast %rev3A_948 : i32 to vector<16xi32>
    %rev3A_950 = tpu.iota {dimensions = array<i32: 0>} : vector<16xi32>
    %rev3A_951 = arith.subi %rev3A_949, %rev3A_950 : vector<16xi32>
    %rev3A_952 = tpu.dynamic_gather %sort3A_912[%rev3A_951] in [0] : vector<16xf32>, vector<16xi32> -> vector<16xf32>
    %rev3A_953 = arith.constant 15 : i32
    %rev3A_954 = vector.broadcast %rev3A_953 : i32 to vector<16xi32>
    %rev3A_955 = tpu.iota {dimensions = array<i32: 0>} : vector<16xi32>
    %rev3A_956 = arith.subi %rev3A_954, %rev3A_955 : vector<16xi32>
    %rev3A_957 = tpu.dynamic_gather %sort3A_908[%rev3A_956] in [0] : vector<16xf32>, vector<16xi32> -> vector<16xf32>
    %min3A_958 = arith.minimumf %sort3A_893, %rev3A_952 : vector<16xf32>
    %min3A_959 = arith.minimumf %sort3A_897, %rev3A_957 : vector<16xf32>
    %max3A_960 = arith.maximumf %sort3A_893, %rev3A_952 : vector<16xf32>
    %max3A_961 = arith.maximumf %sort3A_897, %rev3A_957 : vector<16xf32>
    %min3A_962 = arith.minimumf %min3A_958, %min3A_959 : vector<16xf32>
    %max3A_963 = arith.maximumf %min3A_958, %min3A_959 : vector<16xf32>
    %sort3A_964 = arith.constant dense<true> : vector<16xi1>
    %sort3A_965, %sort3A_966, %sort3A_967 = tpu.sort %min3A_962, %min3A_962 masked %sort3A_964 : (vector<16xf32>, vector<16xf32>, vector<16xi1>) -> (vector<16xi1>, vector<16xf32>, vector<16xf32>)
    %sort3A_968 = arith.constant dense<true> : vector<16xi1>
    %sort3A_969, %sort3A_970, %sort3A_971 = tpu.sort %max3A_963, %max3A_963 masked %sort3A_968 : (vector<16xf32>, vector<16xf32>, vector<16xi1>) -> (vector<16xi1>, vector<16xf32>, vector<16xf32>)
    %min3A_972 = arith.minimumf %max3A_960, %max3A_961 : vector<16xf32>
    %max3A_973 = arith.maximumf %max3A_960, %max3A_961 : vector<16xf32>
    %sort3A_974 = arith.constant dense<true> : vector<16xi1>
    %sort3A_975, %sort3A_976, %sort3A_977 = tpu.sort %min3A_972, %min3A_972 masked %sort3A_974 : (vector<16xf32>, vector<16xf32>, vector<16xi1>) -> (vector<16xi1>, vector<16xf32>, vector<16xf32>)
    %sort3A_978 = arith.constant dense<true> : vector<16xi1>
    %sort3A_979, %sort3A_980, %sort3A_981 = tpu.sort %max3A_973, %max3A_973 masked %sort3A_978 : (vector<16xf32>, vector<16xf32>, vector<16xi1>) -> (vector<16xi1>, vector<16xf32>, vector<16xf32>)
    %rev3A_982 = arith.constant 15 : i32
    %rev3A_983 = vector.broadcast %rev3A_982 : i32 to vector<16xi32>
    %rev3A_984 = tpu.iota {dimensions = array<i32: 0>} : vector<16xi32>
    %rev3A_985 = arith.subi %rev3A_983, %rev3A_984 : vector<16xi32>
    %rev3A_986 = tpu.dynamic_gather %sort3A_980[%rev3A_985] in [0] : vector<16xf32>, vector<16xi32> -> vector<16xf32>
    %rev3A_987 = arith.constant 15 : i32
    %rev3A_988 = vector.broadcast %rev3A_987 : i32 to vector<16xi32>
    %rev3A_989 = tpu.iota {dimensions = array<i32: 0>} : vector<16xi32>
    %rev3A_990 = arith.subi %rev3A_988, %rev3A_989 : vector<16xi32>
    %rev3A_991 = tpu.dynamic_gather %sort3A_976[%rev3A_990] in [0] : vector<16xf32>, vector<16xi32> -> vector<16xf32>
    %rev3A_992 = arith.constant 15 : i32
    %rev3A_993 = vector.broadcast %rev3A_992 : i32 to vector<16xi32>
    %rev3A_994 = tpu.iota {dimensions = array<i32: 0>} : vector<16xi32>
    %rev3A_995 = arith.subi %rev3A_993, %rev3A_994 : vector<16xi32>
    %rev3A_996 = tpu.dynamic_gather %sort3A_970[%rev3A_995] in [0] : vector<16xf32>, vector<16xi32> -> vector<16xf32>
    %rev3A_997 = arith.constant 15 : i32
    %rev3A_998 = vector.broadcast %rev3A_997 : i32 to vector<16xi32>
    %rev3A_999 = tpu.iota {dimensions = array<i32: 0>} : vector<16xi32>
    %rev3A_1000 = arith.subi %rev3A_998, %rev3A_999 : vector<16xi32>
    %rev3A_1001 = tpu.dynamic_gather %sort3A_966[%rev3A_1000] in [0] : vector<16xf32>, vector<16xi32> -> vector<16xf32>
    %min3A_1002 = arith.minimumf %sort3A_932, %rev3A_986 : vector<16xf32>
    %min3A_1003 = arith.minimumf %sort3A_936, %rev3A_991 : vector<16xf32>
    %min3A_1004 = arith.minimumf %sort3A_942, %rev3A_996 : vector<16xf32>
    %min3A_1005 = arith.minimumf %sort3A_946, %rev3A_1001 : vector<16xf32>
    %max3A_1006 = arith.maximumf %sort3A_932, %rev3A_986 : vector<16xf32>
    %max3A_1007 = arith.maximumf %sort3A_936, %rev3A_991 : vector<16xf32>
    %max3A_1008 = arith.maximumf %sort3A_942, %rev3A_996 : vector<16xf32>
    %max3A_1009 = arith.maximumf %sort3A_946, %rev3A_1001 : vector<16xf32>
    %min3A_1010 = arith.minimumf %min3A_1002, %min3A_1004 : vector<16xf32>
    %min3A_1011 = arith.minimumf %min3A_1003, %min3A_1005 : vector<16xf32>
    %max3A_1012 = arith.maximumf %min3A_1002, %min3A_1004 : vector<16xf32>
    %max3A_1013 = arith.maximumf %min3A_1003, %min3A_1005 : vector<16xf32>
    %min3A_1014 = arith.minimumf %min3A_1010, %min3A_1011 : vector<16xf32>
    %max3A_1015 = arith.maximumf %min3A_1010, %min3A_1011 : vector<16xf32>
    %sort3A_1016 = arith.constant dense<true> : vector<16xi1>
    %sort3A_1017, %sort3A_1018, %sort3A_1019 = tpu.sort %min3A_1014, %min3A_1014 masked %sort3A_1016 : (vector<16xf32>, vector<16xf32>, vector<16xi1>) -> (vector<16xi1>, vector<16xf32>, vector<16xf32>)
    %sort3A_1020 = arith.constant dense<true> : vector<16xi1>
    %sort3A_1021, %sort3A_1022, %sort3A_1023 = tpu.sort %max3A_1015, %max3A_1015 masked %sort3A_1020 : (vector<16xf32>, vector<16xf32>, vector<16xi1>) -> (vector<16xi1>, vector<16xf32>, vector<16xf32>)
    %min3A_1024 = arith.minimumf %max3A_1012, %max3A_1013 : vector<16xf32>
    %max3A_1025 = arith.maximumf %max3A_1012, %max3A_1013 : vector<16xf32>
    %sort3A_1026 = arith.constant dense<true> : vector<16xi1>
    %sort3A_1027, %sort3A_1028, %sort3A_1029 = tpu.sort %min3A_1024, %min3A_1024 masked %sort3A_1026 : (vector<16xf32>, vector<16xf32>, vector<16xi1>) -> (vector<16xi1>, vector<16xf32>, vector<16xf32>)
    %sort3A_1030 = arith.constant dense<true> : vector<16xi1>
    %sort3A_1031, %sort3A_1032, %sort3A_1033 = tpu.sort %max3A_1025, %max3A_1025 masked %sort3A_1030 : (vector<16xf32>, vector<16xf32>, vector<16xi1>) -> (vector<16xi1>, vector<16xf32>, vector<16xf32>)
    %min3A_1034 = arith.minimumf %max3A_1006, %max3A_1008 : vector<16xf32>
    %min3A_1035 = arith.minimumf %max3A_1007, %max3A_1009 : vector<16xf32>
    %max3A_1036 = arith.maximumf %max3A_1006, %max3A_1008 : vector<16xf32>
    %max3A_1037 = arith.maximumf %max3A_1007, %max3A_1009 : vector<16xf32>
    %min3A_1038 = arith.minimumf %min3A_1034, %min3A_1035 : vector<16xf32>
    %max3A_1039 = arith.maximumf %min3A_1034, %min3A_1035 : vector<16xf32>
    %sort3A_1040 = arith.constant dense<true> : vector<16xi1>
    %sort3A_1041, %sort3A_1042, %sort3A_1043 = tpu.sort %min3A_1038, %min3A_1038 masked %sort3A_1040 : (vector<16xf32>, vector<16xf32>, vector<16xi1>) -> (vector<16xi1>, vector<16xf32>, vector<16xf32>)
    %sort3A_1044 = arith.constant dense<true> : vector<16xi1>
    %sort3A_1045, %sort3A_1046, %sort3A_1047 = tpu.sort %max3A_1039, %max3A_1039 masked %sort3A_1044 : (vector<16xf32>, vector<16xf32>, vector<16xi1>) -> (vector<16xi1>, vector<16xf32>, vector<16xf32>)
    %min3A_1048 = arith.minimumf %max3A_1036, %max3A_1037 : vector<16xf32>
    %max3A_1049 = arith.maximumf %max3A_1036, %max3A_1037 : vector<16xf32>
    %sort3A_1050 = arith.constant dense<true> : vector<16xi1>
    %sort3A_1051, %sort3A_1052, %sort3A_1053 = tpu.sort %min3A_1048, %min3A_1048 masked %sort3A_1050 : (vector<16xf32>, vector<16xf32>, vector<16xi1>) -> (vector<16xi1>, vector<16xf32>, vector<16xf32>)
    %sort3A_1054 = arith.constant dense<true> : vector<16xi1>
    %sort3A_1055, %sort3A_1056, %sort3A_1057 = tpu.sort %max3A_1049, %max3A_1049 masked %sort3A_1054 : (vector<16xf32>, vector<16xf32>, vector<16xi1>) -> (vector<16xi1>, vector<16xf32>, vector<16xf32>)
    %swap3A_1058 = arith.constant 256 : index
    %swap3A_1059 = tpu.vector_load %arg10[%swap3A_1058] {strides = array<i32>} : memref<512xf32, #tpu.memory_space<vmem>>, vector<16xf32>,
    tpu.vector_store %arg10[%swap3A_1058], %sort3A_1018 {strides = array<i32>} : memref<512xf32, #tpu.memory_space<vmem>>, vector<16xf32>,
    %swap3A_1060 = arith.constant 272 : index
    %swap3A_1061 = tpu.vector_load %arg10[%swap3A_1060] {strides = array<i32>} : memref<512xf32, #tpu.memory_space<vmem>>, vector<16xf32>,
    tpu.vector_store %arg10[%swap3A_1060], %sort3A_1022 {strides = array<i32>} : memref<512xf32, #tpu.memory_space<vmem>>, vector<16xf32>,
    %swap3A_1062 = arith.constant 288 : index
    %swap3A_1063 = tpu.vector_load %arg10[%swap3A_1062] {strides = array<i32>} : memref<512xf32, #tpu.memory_space<vmem>>, vector<16xf32>,
    tpu.vector_store %arg10[%swap3A_1062], %sort3A_1028 {strides = array<i32>} : memref<512xf32, #tpu.memory_space<vmem>>, vector<16xf32>,
    %swap3A_1064 = arith.constant 304 : index
    %swap3A_1065 = tpu.vector_load %arg10[%swap3A_1064] {strides = array<i32>} : memref<512xf32, #tpu.memory_space<vmem>>, vector<16xf32>,
    tpu.vector_store %arg10[%swap3A_1064], %sort3A_1032 {strides = array<i32>} : memref<512xf32, #tpu.memory_space<vmem>>, vector<16xf32>,
    %swap3A_1066 = arith.constant 320 : index
    %swap3A_1067 = tpu.vector_load %arg10[%swap3A_1066] {strides = array<i32>} : memref<512xf32, #tpu.memory_space<vmem>>, vector<16xf32>,
    tpu.vector_store %arg10[%swap3A_1066], %sort3A_1042 {strides = array<i32>} : memref<512xf32, #tpu.memory_space<vmem>>, vector<16xf32>,
    %swap3A_1068 = arith.constant 336 : index
    %swap3A_1069 = tpu.vector_load %arg10[%swap3A_1068] {strides = array<i32>} : memref<512xf32, #tpu.memory_space<vmem>>, vector<16xf32>,
    tpu.vector_store %arg10[%swap3A_1068], %sort3A_1046 {strides = array<i32>} : memref<512xf32, #tpu.memory_space<vmem>>, vector<16xf32>,
    %swap3A_1070 = arith.constant 352 : index
    %swap3A_1071 = tpu.vector_load %arg10[%swap3A_1070] {strides = array<i32>} : memref<512xf32, #tpu.memory_space<vmem>>, vector<16xf32>,
    tpu.vector_store %arg10[%swap3A_1070], %sort3A_1052 {strides = array<i32>} : memref<512xf32, #tpu.memory_space<vmem>>, vector<16xf32>,
    %swap3A_1072 = arith.constant 368 : index
    %swap3A_1073 = tpu.vector_load %arg10[%swap3A_1072] {strides = array<i32>} : memref<512xf32, #tpu.memory_space<vmem>>, vector<16xf32>,
    tpu.vector_store %arg10[%swap3A_1072], %sort3A_1056 {strides = array<i32>} : memref<512xf32, #tpu.memory_space<vmem>>, vector<16xf32>,
    %get3A_1074 = arith.constant 3 : i32
    %get3A_1075 = arith.index_cast %get3A_1074 : i32 to index
    %get3A_1076 = arith.constant 0 : index
    %get3A_1077 = tpu.vector_load %arg9[%get3A_1075, %get3A_1076] {strides = array<i32>} : memref<4x129xf32, #tpu.memory_space<vmem>>, vector<16xf32>,
    %get3A_1078 = arith.constant 3 : i32
    %get3A_1079 = arith.index_cast %get3A_1078 : i32 to index
    %get3A_1080 = arith.constant 1 : index
    %get3A_1081 = tpu.vector_load %arg9[%get3A_1079, %get3A_1080] {strides = array<i32>} : memref<4x129xf32, #tpu.memory_space<vmem>>, vector<16xf32>,
    %add3A_1082 = arith.addf %get3A_1077, %get3A_1081 : vector<16xf32>
    %mul3A_1083 = arith.constant 5.000000e-01 : f32
    %mul3A_1084 = vector.broadcast %mul3A_1083 : f32 to vector<16xf32>
    %mul3A_1085 = arith.mulf %mul3A_1084, %add3A_1082 : vector<16xf32>
    %get3A_1086 = arith.constant 3 : i32
    %get3A_1087 = arith.index_cast %get3A_1086 : i32 to index
    %get3A_1088 = arith.constant 16 : index
    %get3A_1089 = tpu.vector_load %arg9[%get3A_1087, %get3A_1088] {strides = array<i32>} : memref<4x129xf32, #tpu.memory_space<vmem>>, vector<16xf32>,
    %get3A_1090 = arith.constant 3 : i32
    %get3A_1091 = arith.index_cast %get3A_1090 : i32 to index
    %get3A_1092 = arith.constant 17 : index
    %get3A_1093 = tpu.vector_load %arg9[%get3A_1091, %get3A_1092] {strides = array<i32>} : memref<4x129xf32, #tpu.memory_space<vmem>>, vector<16xf32>,
    %add3A_1094 = arith.addf %get3A_1089, %get3A_1093 : vector<16xf32>
    %mul3A_1095 = arith.constant 5.000000e-01 : f32
    %mul3A_1096 = vector.broadcast %mul3A_1095 : f32 to vector<16xf32>
    %mul3A_1097 = arith.mulf %mul3A_1096, %add3A_1094 : vector<16xf32>
    %get3A_1098 = arith.constant 3 : i32
    %get3A_1099 = arith.index_cast %get3A_1098 : i32 to index
    %get3A_1100 = arith.constant 32 : index
    %get3A_1101 = tpu.vector_load %arg9[%get3A_1099, %get3A_1100] {strides = array<i32>} : memref<4x129xf32, #tpu.memory_space<vmem>>, vector<16xf32>,
    %get3A_1102 = arith.constant 3 : i32
    %get3A_1103 = arith.index_cast %get3A_1102 : i32 to index
    %get3A_1104 = arith.constant 33 : index
    %get3A_1105 = tpu.vector_load %arg9[%get3A_1103, %get3A_1104] {strides = array<i32>} : memref<4x129xf32, #tpu.memory_space<vmem>>, vector<16xf32>,
    %add3A_1106 = arith.addf %get3A_1101, %get3A_1105 : vector<16xf32>
    %mul3A_1107 = arith.constant 5.000000e-01 : f32
    %mul3A_1108 = vector.broadcast %mul3A_1107 : f32 to vector<16xf32>
    %mul3A_1109 = arith.mulf %mul3A_1108, %add3A_1106 : vector<16xf32>
    %get3A_1110 = arith.constant 3 : i32
    %get3A_1111 = arith.index_cast %get3A_1110 : i32 to index
    %get3A_1112 = arith.constant 48 : index
    %get3A_1113 = tpu.vector_load %arg9[%get3A_1111, %get3A_1112] {strides = array<i32>} : memref<4x129xf32, #tpu.memory_space<vmem>>, vector<16xf32>,
    %get3A_1114 = arith.constant 3 : i32
    %get3A_1115 = arith.index_cast %get3A_1114 : i32 to index
    %get3A_1116 = arith.constant 49 : index
    %get3A_1117 = tpu.vector_load %arg9[%get3A_1115, %get3A_1116] {strides = array<i32>} : memref<4x129xf32, #tpu.memory_space<vmem>>, vector<16xf32>,
    %add3A_1118 = arith.addf %get3A_1113, %get3A_1117 : vector<16xf32>
    %mul3A_1119 = arith.constant 5.000000e-01 : f32
    %mul3A_1120 = vector.broadcast %mul3A_1119 : f32 to vector<16xf32>
    %mul3A_1121 = arith.mulf %mul3A_1120, %add3A_1118 : vector<16xf32>
    %get3A_1122 = arith.constant 3 : i32
    %get3A_1123 = arith.index_cast %get3A_1122 : i32 to index
    %get3A_1124 = arith.constant 64 : index
    %get3A_1125 = tpu.vector_load %arg9[%get3A_1123, %get3A_1124] {strides = array<i32>} : memref<4x129xf32, #tpu.memory_space<vmem>>, vector<16xf32>,
    %get3A_1126 = arith.constant 3 : i32
    %get3A_1127 = arith.index_cast %get3A_1126 : i32 to index
    %get3A_1128 = arith.constant 65 : index
    %get3A_1129 = tpu.vector_load %arg9[%get3A_1127, %get3A_1128] {strides = array<i32>} : memref<4x129xf32, #tpu.memory_space<vmem>>, vector<16xf32>,
    %add3A_1130 = arith.addf %get3A_1125, %get3A_1129 : vector<16xf32>
    %mul3A_1131 = arith.constant 5.000000e-01 : f32
    %mul3A_1132 = vector.broadcast %mul3A_1131 : f32 to vector<16xf32>
    %mul3A_1133 = arith.mulf %mul3A_1132, %add3A_1130 : vector<16xf32>
    %get3A_1134 = arith.constant 3 : i32
    %get3A_1135 = arith.index_cast %get3A_1134 : i32 to index
    %get3A_1136 = arith.constant 80 : index
    %get3A_1137 = tpu.vector_load %arg9[%get3A_1135, %get3A_1136] {strides = array<i32>} : memref<4x129xf32, #tpu.memory_space<vmem>>, vector<16xf32>,
    %get3A_1138 = arith.constant 3 : i32
    %get3A_1139 = arith.index_cast %get3A_1138 : i32 to index
    %get3A_1140 = arith.constant 81 : index
    %get3A_1141 = tpu.vector_load %arg9[%get3A_1139, %get3A_1140] {strides = array<i32>} : memref<4x129xf32, #tpu.memory_space<vmem>>, vector<16xf32>,
    %add3A_1142 = arith.addf %get3A_1137, %get3A_1141 : vector<16xf32>
    %mul3A_1143 = arith.constant 5.000000e-01 : f32
    %mul3A_1144 = vector.broadcast %mul3A_1143 : f32 to vector<16xf32>
    %mul3A_1145 = arith.mulf %mul3A_1144, %add3A_1142 : vector<16xf32>
    %get3A_1146 = arith.constant 3 : i32
    %get3A_1147 = arith.index_cast %get3A_1146 : i32 to index
    %get3A_1148 = arith.constant 96 : index
    %get3A_1149 = tpu.vector_load %arg9[%get3A_1147, %get3A_1148] {strides = array<i32>} : memref<4x129xf32, #tpu.memory_space<vmem>>, vector<16xf32>,
    %get3A_1150 = arith.constant 3 : i32
    %get3A_1151 = arith.index_cast %get3A_1150 : i32 to index
    %get3A_1152 = arith.constant 97 : index
    %get3A_1153 = tpu.vector_load %arg9[%get3A_1151, %get3A_1152] {strides = array<i32>} : memref<4x129xf32, #tpu.memory_space<vmem>>, vector<16xf32>,
    %add3A_1154 = arith.addf %get3A_1149, %get3A_1153 : vector<16xf32>
    %mul3A_1155 = arith.constant 5.000000e-01 : f32
    %mul3A_1156 = vector.broadcast %mul3A_1155 : f32 to vector<16xf32>
    %mul3A_1157 = arith.mulf %mul3A_1156, %add3A_1154 : vector<16xf32>
    %get3A_1158 = arith.constant 3 : i32
    %get3A_1159 = arith.index_cast %get3A_1158 : i32 to index
    %get3A_1160 = arith.constant 112 : index
    %get3A_1161 = tpu.vector_load %arg9[%get3A_1159, %get3A_1160] {strides = array<i32>} : memref<4x129xf32, #tpu.memory_space<vmem>>, vector<16xf32>,
    %get3A_1162 = arith.constant 3 : i32
    %get3A_1163 = arith.index_cast %get3A_1162 : i32 to index
    %get3A_1164 = arith.constant 113 : index
    %get3A_1165 = tpu.vector_load %arg9[%get3A_1163, %get3A_1164] {strides = array<i32>} : memref<4x129xf32, #tpu.memory_space<vmem>>, vector<16xf32>,
    %add3A_1166 = arith.addf %get3A_1161, %get3A_1165 : vector<16xf32>
    %mul3A_1167 = arith.constant 5.000000e-01 : f32
    %mul3A_1168 = vector.broadcast %mul3A_1167 : f32 to vector<16xf32>
    %mul3A_1169 = arith.mulf %mul3A_1168, %add3A_1166 : vector<16xf32>
    %sort3A_1170 = arith.constant dense<true> : vector<16xi1>
    %sort3A_1171, %sort3A_1172, %sort3A_1173 = tpu.sort %mul3A_1085, %mul3A_1085 masked %sort3A_1170 : (vector<16xf32>, vector<16xf32>, vector<16xi1>) -> (vector<16xi1>, vector<16xf32>, vector<16xf32>)
    %sort3A_1174 = arith.constant dense<true> : vector<16xi1>
    %sort3A_1175, %sort3A_1176, %sort3A_1177 = tpu.sort %mul3A_1097, %mul3A_1097 masked %sort3A_1174 : (vector<16xf32>, vector<16xf32>, vector<16xi1>) -> (vector<16xi1>, vector<16xf32>, vector<16xf32>)
    %sort3A_1178 = arith.constant dense<true> : vector<16xi1>
    %sort3A_1179, %sort3A_1180, %sort3A_1181 = tpu.sort %mul3A_1109, %mul3A_1109 masked %sort3A_1178 : (vector<16xf32>, vector<16xf32>, vector<16xi1>) -> (vector<16xi1>, vector<16xf32>, vector<16xf32>)
    %sort3A_1182 = arith.constant dense<true> : vector<16xi1>
    %sort3A_1183, %sort3A_1184, %sort3A_1185 = tpu.sort %mul3A_1121, %mul3A_1121 masked %sort3A_1182 : (vector<16xf32>, vector<16xf32>, vector<16xi1>) -> (vector<16xi1>, vector<16xf32>, vector<16xf32>)
    %sort3A_1186 = arith.constant dense<true> : vector<16xi1>
    %sort3A_1187, %sort3A_1188, %sort3A_1189 = tpu.sort %mul3A_1133, %mul3A_1133 masked %sort3A_1186 : (vector<16xf32>, vector<16xf32>, vector<16xi1>) -> (vector<16xi1>, vector<16xf32>, vector<16xf32>)
    %sort3A_1190 = arith.constant dense<true> : vector<16xi1>
    %sort3A_1191, %sort3A_1192, %sort3A_1193 = tpu.sort %mul3A_1145, %mul3A_1145 masked %sort3A_1190 : (vector<16xf32>, vector<16xf32>, vector<16xi1>) -> (vector<16xi1>, vector<16xf32>, vector<16xf32>)
    %sort3A_1194 = arith.constant dense<true> : vector<16xi1>
    %sort3A_1195, %sort3A_1196, %sort3A_1197 = tpu.sort %mul3A_1157, %mul3A_1157 masked %sort3A_1194 : (vector<16xf32>, vector<16xf32>, vector<16xi1>) -> (vector<16xi1>, vector<16xf32>, vector<16xf32>)
    %sort3A_1198 = arith.constant dense<true> : vector<16xi1>
    %sort3A_1199, %sort3A_1200, %sort3A_1201 = tpu.sort %mul3A_1169, %mul3A_1169 masked %sort3A_1198 : (vector<16xf32>, vector<16xf32>, vector<16xi1>) -> (vector<16xi1>, vector<16xf32>, vector<16xf32>)
    %rev3A_1202 = arith.constant 15 : i32
    %rev3A_1203 = vector.broadcast %rev3A_1202 : i32 to vector<16xi32>
    %rev3A_1204 = tpu.iota {dimensions = array<i32: 0>} : vector<16xi32>
    %rev3A_1205 = arith.subi %rev3A_1203, %rev3A_1204 : vector<16xi32>
    %rev3A_1206 = tpu.dynamic_gather %sort3A_1176[%rev3A_1205] in [0] : vector<16xf32>, vector<16xi32> -> vector<16xf32>
    %min3A_1207 = arith.minimumf %sort3A_1172, %rev3A_1206 : vector<16xf32>
    %max3A_1208 = arith.maximumf %sort3A_1172, %rev3A_1206 : vector<16xf32>
    %sort3A_1209 = arith.constant dense<true> : vector<16xi1>
    %sort3A_1210, %sort3A_1211, %sort3A_1212 = tpu.sort %min3A_1207, %min3A_1207 masked %sort3A_1209 : (vector<16xf32>, vector<16xf32>, vector<16xi1>) -> (vector<16xi1>, vector<16xf32>, vector<16xf32>)
    %sort3A_1213 = arith.constant dense<true> : vector<16xi1>
    %sort3A_1214, %sort3A_1215, %sort3A_1216 = tpu.sort %max3A_1208, %max3A_1208 masked %sort3A_1213 : (vector<16xf32>, vector<16xf32>, vector<16xi1>) -> (vector<16xi1>, vector<16xf32>, vector<16xf32>)
    %rev3A_1217 = arith.constant 15 : i32
    %rev3A_1218 = vector.broadcast %rev3A_1217 : i32 to vector<16xi32>
    %rev3A_1219 = tpu.iota {dimensions = array<i32: 0>} : vector<16xi32>
    %rev3A_1220 = arith.subi %rev3A_1218, %rev3A_1219 : vector<16xi32>
    %rev3A_1221 = tpu.dynamic_gather %sort3A_1184[%rev3A_1220] in [0] : vector<16xf32>, vector<16xi32> -> vector<16xf32>
    %min3A_1222 = arith.minimumf %sort3A_1180, %rev3A_1221 : vector<16xf32>
    %max3A_1223 = arith.maximumf %sort3A_1180, %rev3A_1221 : vector<16xf32>
    %sort3A_1224 = arith.constant dense<true> : vector<16xi1>
    %sort3A_1225, %sort3A_1226, %sort3A_1227 = tpu.sort %min3A_1222, %min3A_1222 masked %sort3A_1224 : (vector<16xf32>, vector<16xf32>, vector<16xi1>) -> (vector<16xi1>, vector<16xf32>, vector<16xf32>)
    %sort3A_1228 = arith.constant dense<true> : vector<16xi1>
    %sort3A_1229, %sort3A_1230, %sort3A_1231 = tpu.sort %max3A_1223, %max3A_1223 masked %sort3A_1228 : (vector<16xf32>, vector<16xf32>, vector<16xi1>) -> (vector<16xi1>, vector<16xf32>, vector<16xf32>)
    %rev3A_1232 = arith.constant 15 : i32
    %rev3A_1233 = vector.broadcast %rev3A_1232 : i32 to vector<16xi32>
    %rev3A_1234 = tpu.iota {dimensions = array<i32: 0>} : vector<16xi32>
    %rev3A_1235 = arith.subi %rev3A_1233, %rev3A_1234 : vector<16xi32>
    %rev3A_1236 = tpu.dynamic_gather %sort3A_1192[%rev3A_1235] in [0] : vector<16xf32>, vector<16xi32> -> vector<16xf32>
    %min3A_1237 = arith.minimumf %sort3A_1188, %rev3A_1236 : vector<16xf32>
    %max3A_1238 = arith.maximumf %sort3A_1188, %rev3A_1236 : vector<16xf32>
    %sort3A_1239 = arith.constant dense<true> : vector<16xi1>
    %sort3A_1240, %sort3A_1241, %sort3A_1242 = tpu.sort %min3A_1237, %min3A_1237 masked %sort3A_1239 : (vector<16xf32>, vector<16xf32>, vector<16xi1>) -> (vector<16xi1>, vector<16xf32>, vector<16xf32>)
    %sort3A_1243 = arith.constant dense<true> : vector<16xi1>
    %sort3A_1244, %sort3A_1245, %sort3A_1246 = tpu.sort %max3A_1238, %max3A_1238 masked %sort3A_1243 : (vector<16xf32>, vector<16xf32>, vector<16xi1>) -> (vector<16xi1>, vector<16xf32>, vector<16xf32>)
    %rev3A_1247 = arith.constant 15 : i32
    %rev3A_1248 = vector.broadcast %rev3A_1247 : i32 to vector<16xi32>
    %rev3A_1249 = tpu.iota {dimensions = array<i32: 0>} : vector<16xi32>
    %rev3A_1250 = arith.subi %rev3A_1248, %rev3A_1249 : vector<16xi32>
    %rev3A_1251 = tpu.dynamic_gather %sort3A_1200[%rev3A_1250] in [0] : vector<16xf32>, vector<16xi32> -> vector<16xf32>
    %min3A_1252 = arith.minimumf %sort3A_1196, %rev3A_1251 : vector<16xf32>
    %max3A_1253 = arith.maximumf %sort3A_1196, %rev3A_1251 : vector<16xf32>
    %sort3A_1254 = arith.constant dense<true> : vector<16xi1>
    %sort3A_1255, %sort3A_1256, %sort3A_1257 = tpu.sort %min3A_1252, %min3A_1252 masked %sort3A_1254 : (vector<16xf32>, vector<16xf32>, vector<16xi1>) -> (vector<16xi1>, vector<16xf32>, vector<16xf32>)
    %sort3A_1258 = arith.constant dense<true> : vector<16xi1>
    %sort3A_1259, %sort3A_1260, %sort3A_1261 = tpu.sort %max3A_1253, %max3A_1253 masked %sort3A_1258 : (vector<16xf32>, vector<16xf32>, vector<16xi1>) -> (vector<16xi1>, vector<16xf32>, vector<16xf32>)
    %rev3A_1262 = arith.constant 15 : i32
    %rev3A_1263 = vector.broadcast %rev3A_1262 : i32 to vector<16xi32>
    %rev3A_1264 = tpu.iota {dimensions = array<i32: 0>} : vector<16xi32>
    %rev3A_1265 = arith.subi %rev3A_1263, %rev3A_1264 : vector<16xi32>
    %rev3A_1266 = tpu.dynamic_gather %sort3A_1230[%rev3A_1265] in [0] : vector<16xf32>, vector<16xi32> -> vector<16xf32>
    %rev3A_1267 = arith.constant 15 : i32
    %rev3A_1268 = vector.broadcast %rev3A_1267 : i32 to vector<16xi32>
    %rev3A_1269 = tpu.iota {dimensions = array<i32: 0>} : vector<16xi32>
    %rev3A_1270 = arith.subi %rev3A_1268, %rev3A_1269 : vector<16xi32>
    %rev3A_1271 = tpu.dynamic_gather %sort3A_1226[%rev3A_1270] in [0] : vector<16xf32>, vector<16xi32> -> vector<16xf32>
    %min3A_1272 = arith.minimumf %sort3A_1211, %rev3A_1266 : vector<16xf32>
    %min3A_1273 = arith.minimumf %sort3A_1215, %rev3A_1271 : vector<16xf32>
    %max3A_1274 = arith.maximumf %sort3A_1211, %rev3A_1266 : vector<16xf32>
    %max3A_1275 = arith.maximumf %sort3A_1215, %rev3A_1271 : vector<16xf32>
    %min3A_1276 = arith.minimumf %min3A_1272, %min3A_1273 : vector<16xf32>
    %max3A_1277 = arith.maximumf %min3A_1272, %min3A_1273 : vector<16xf32>
    %sort3A_1278 = arith.constant dense<true> : vector<16xi1>
    %sort3A_1279, %sort3A_1280, %sort3A_1281 = tpu.sort %min3A_1276, %min3A_1276 masked %sort3A_1278 : (vector<16xf32>, vector<16xf32>, vector<16xi1>) -> (vector<16xi1>, vector<16xf32>, vector<16xf32>)
    %sort3A_1282 = arith.constant dense<true> : vector<16xi1>
    %sort3A_1283, %sort3A_1284, %sort3A_1285 = tpu.sort %max3A_1277, %max3A_1277 masked %sort3A_1282 : (vector<16xf32>, vector<16xf32>, vector<16xi1>) -> (vector<16xi1>, vector<16xf32>, vector<16xf32>)
    %min3A_1286 = arith.minimumf %max3A_1274, %max3A_1275 : vector<16xf32>
    %max3A_1287 = arith.maximumf %max3A_1274, %max3A_1275 : vector<16xf32>
    %sort3A_1288 = arith.constant dense<true> : vector<16xi1>
    %sort3A_1289, %sort3A_1290, %sort3A_1291 = tpu.sort %min3A_1286, %min3A_1286 masked %sort3A_1288 : (vector<16xf32>, vector<16xf32>, vector<16xi1>) -> (vector<16xi1>, vector<16xf32>, vector<16xf32>)
    %sort3A_1292 = arith.constant dense<true> : vector<16xi1>
    %sort3A_1293, %sort3A_1294, %sort3A_1295 = tpu.sort %max3A_1287, %max3A_1287 masked %sort3A_1292 : (vector<16xf32>, vector<16xf32>, vector<16xi1>) -> (vector<16xi1>, vector<16xf32>, vector<16xf32>)
    %rev3A_1296 = arith.constant 15 : i32
    %rev3A_1297 = vector.broadcast %rev3A_1296 : i32 to vector<16xi32>
    %rev3A_1298 = tpu.iota {dimensions = array<i32: 0>} : vector<16xi32>
    %rev3A_1299 = arith.subi %rev3A_1297, %rev3A_1298 : vector<16xi32>
    %rev3A_1300 = tpu.dynamic_gather %sort3A_1260[%rev3A_1299] in [0] : vector<16xf32>, vector<16xi32> -> vector<16xf32>
    %rev3A_1301 = arith.constant 15 : i32
    %rev3A_1302 = vector.broadcast %rev3A_1301 : i32 to vector<16xi32>
    %rev3A_1303 = tpu.iota {dimensions = array<i32: 0>} : vector<16xi32>
    %rev3A_1304 = arith.subi %rev3A_1302, %rev3A_1303 : vector<16xi32>
    %rev3A_1305 = tpu.dynamic_gather %sort3A_1256[%rev3A_1304] in [0] : vector<16xf32>, vector<16xi32> -> vector<16xf32>
    %min3A_1306 = arith.minimumf %sort3A_1241, %rev3A_1300 : vector<16xf32>
    %min3A_1307 = arith.minimumf %sort3A_1245, %rev3A_1305 : vector<16xf32>
    %max3A_1308 = arith.maximumf %sort3A_1241, %rev3A_1300 : vector<16xf32>
    %max3A_1309 = arith.maximumf %sort3A_1245, %rev3A_1305 : vector<16xf32>
    %min3A_1310 = arith.minimumf %min3A_1306, %min3A_1307 : vector<16xf32>
    %max3A_1311 = arith.maximumf %min3A_1306, %min3A_1307 : vector<16xf32>
    %sort3A_1312 = arith.constant dense<true> : vector<16xi1>
    %sort3A_1313, %sort3A_1314, %sort3A_1315 = tpu.sort %min3A_1310, %min3A_1310 masked %sort3A_1312 : (vector<16xf32>, vector<16xf32>, vector<16xi1>) -> (vector<16xi1>, vector<16xf32>, vector<16xf32>)
    %sort3A_1316 = arith.constant dense<true> : vector<16xi1>
    %sort3A_1317, %sort3A_1318, %sort3A_1319 = tpu.sort %max3A_1311, %max3A_1311 masked %sort3A_1316 : (vector<16xf32>, vector<16xf32>, vector<16xi1>) -> (vector<16xi1>, vector<16xf32>, vector<16xf32>)
    %min3A_1320 = arith.minimumf %max3A_1308, %max3A_1309 : vector<16xf32>
    %max3A_1321 = arith.maximumf %max3A_1308, %max3A_1309 : vector<16xf32>
    %sort3A_1322 = arith.constant dense<true> : vector<16xi1>
    %sort3A_1323, %sort3A_1324, %sort3A_1325 = tpu.sort %min3A_1320, %min3A_1320 masked %sort3A_1322 : (vector<16xf32>, vector<16xf32>, vector<16xi1>) -> (vector<16xi1>, vector<16xf32>, vector<16xf32>)
    %sort3A_1326 = arith.constant dense<true> : vector<16xi1>
    %sort3A_1327, %sort3A_1328, %sort3A_1329 = tpu.sort %max3A_1321, %max3A_1321 masked %sort3A_1326 : (vector<16xf32>, vector<16xf32>, vector<16xi1>) -> (vector<16xi1>, vector<16xf32>, vector<16xf32>)
    %rev3A_1330 = arith.constant 15 : i32
    %rev3A_1331 = vector.broadcast %rev3A_1330 : i32 to vector<16xi32>
    %rev3A_1332 = tpu.iota {dimensions = array<i32: 0>} : vector<16xi32>
    %rev3A_1333 = arith.subi %rev3A_1331, %rev3A_1332 : vector<16xi32>
    %rev3A_1334 = tpu.dynamic_gather %sort3A_1328[%rev3A_1333] in [0] : vector<16xf32>, vector<16xi32> -> vector<16xf32>
    %rev3A_1335 = arith.constant 15 : i32
    %rev3A_1336 = vector.broadcast %rev3A_1335 : i32 to vector<16xi32>
    %rev3A_1337 = tpu.iota {dimensions = array<i32: 0>} : vector<16xi32>
    %rev3A_1338 = arith.subi %rev3A_1336, %rev3A_1337 : vector<16xi32>
    %rev3A_1339 = tpu.dynamic_gather %sort3A_1324[%rev3A_1338] in [0] : vector<16xf32>, vector<16xi32> -> vector<16xf32>
    %rev3A_1340 = arith.constant 15 : i32
    %rev3A_1341 = vector.broadcast %rev3A_1340 : i32 to vector<16xi32>
    %rev3A_1342 = tpu.iota {dimensions = array<i32: 0>} : vector<16xi32>
    %rev3A_1343 = arith.subi %rev3A_1341, %rev3A_1342 : vector<16xi32>
    %rev3A_1344 = tpu.dynamic_gather %sort3A_1318[%rev3A_1343] in [0] : vector<16xf32>, vector<16xi32> -> vector<16xf32>
    %rev3A_1345 = arith.constant 15 : i32
    %rev3A_1346 = vector.broadcast %rev3A_1345 : i32 to vector<16xi32>
    %rev3A_1347 = tpu.iota {dimensions = array<i32: 0>} : vector<16xi32>
    %rev3A_1348 = arith.subi %rev3A_1346, %rev3A_1347 : vector<16xi32>
    %rev3A_1349 = tpu.dynamic_gather %sort3A_1314[%rev3A_1348] in [0] : vector<16xf32>, vector<16xi32> -> vector<16xf32>
    %min3A_1350 = arith.minimumf %sort3A_1280, %rev3A_1334 : vector<16xf32>
    %min3A_1351 = arith.minimumf %sort3A_1284, %rev3A_1339 : vector<16xf32>
    %min3A_1352 = arith.minimumf %sort3A_1290, %rev3A_1344 : vector<16xf32>
    %min3A_1353 = arith.minimumf %sort3A_1294, %rev3A_1349 : vector<16xf32>
    %max3A_1354 = arith.maximumf %sort3A_1280, %rev3A_1334 : vector<16xf32>
    %max3A_1355 = arith.maximumf %sort3A_1284, %rev3A_1339 : vector<16xf32>
    %max3A_1356 = arith.maximumf %sort3A_1290, %rev3A_1344 : vector<16xf32>
    %max3A_1357 = arith.maximumf %sort3A_1294, %rev3A_1349 : vector<16xf32>
    %min3A_1358 = arith.minimumf %min3A_1350, %min3A_1352 : vector<16xf32>
    %min3A_1359 = arith.minimumf %min3A_1351, %min3A_1353 : vector<16xf32>
    %max3A_1360 = arith.maximumf %min3A_1350, %min3A_1352 : vector<16xf32>
    %max3A_1361 = arith.maximumf %min3A_1351, %min3A_1353 : vector<16xf32>
    %min3A_1362 = arith.minimumf %min3A_1358, %min3A_1359 : vector<16xf32>
    %max3A_1363 = arith.maximumf %min3A_1358, %min3A_1359 : vector<16xf32>
    %sort3A_1364 = arith.constant dense<true> : vector<16xi1>
    %sort3A_1365, %sort3A_1366, %sort3A_1367 = tpu.sort %min3A_1362, %min3A_1362 masked %sort3A_1364 : (vector<16xf32>, vector<16xf32>, vector<16xi1>) -> (vector<16xi1>, vector<16xf32>, vector<16xf32>)
    %sort3A_1368 = arith.constant dense<true> : vector<16xi1>
    %sort3A_1369, %sort3A_1370, %sort3A_1371 = tpu.sort %max3A_1363, %max3A_1363 masked %sort3A_1368 : (vector<16xf32>, vector<16xf32>, vector<16xi1>) -> (vector<16xi1>, vector<16xf32>, vector<16xf32>)
    %min3A_1372 = arith.minimumf %max3A_1360, %max3A_1361 : vector<16xf32>
    %max3A_1373 = arith.maximumf %max3A_1360, %max3A_1361 : vector<16xf32>
    %sort3A_1374 = arith.constant dense<true> : vector<16xi1>
    %sort3A_1375, %sort3A_1376, %sort3A_1377 = tpu.sort %min3A_1372, %min3A_1372 masked %sort3A_1374 : (vector<16xf32>, vector<16xf32>, vector<16xi1>) -> (vector<16xi1>, vector<16xf32>, vector<16xf32>)
    %sort3A_1378 = arith.constant dense<true> : vector<16xi1>
    %sort3A_1379, %sort3A_1380, %sort3A_1381 = tpu.sort %max3A_1373, %max3A_1373 masked %sort3A_1378 : (vector<16xf32>, vector<16xf32>, vector<16xi1>) -> (vector<16xi1>, vector<16xf32>, vector<16xf32>)
    %min3A_1382 = arith.minimumf %max3A_1354, %max3A_1356 : vector<16xf32>
    %min3A_1383 = arith.minimumf %max3A_1355, %max3A_1357 : vector<16xf32>
    %max3A_1384 = arith.maximumf %max3A_1354, %max3A_1356 : vector<16xf32>
    %max3A_1385 = arith.maximumf %max3A_1355, %max3A_1357 : vector<16xf32>
    %min3A_1386 = arith.minimumf %min3A_1382, %min3A_1383 : vector<16xf32>
    %max3A_1387 = arith.maximumf %min3A_1382, %min3A_1383 : vector<16xf32>
    %sort3A_1388 = arith.constant dense<true> : vector<16xi1>
    %sort3A_1389, %sort3A_1390, %sort3A_1391 = tpu.sort %min3A_1386, %min3A_1386 masked %sort3A_1388 : (vector<16xf32>, vector<16xf32>, vector<16xi1>) -> (vector<16xi1>, vector<16xf32>, vector<16xf32>)
    %sort3A_1392 = arith.constant dense<true> : vector<16xi1>
    %sort3A_1393, %sort3A_1394, %sort3A_1395 = tpu.sort %max3A_1387, %max3A_1387 masked %sort3A_1392 : (vector<16xf32>, vector<16xf32>, vector<16xi1>) -> (vector<16xi1>, vector<16xf32>, vector<16xf32>)
    %min3A_1396 = arith.minimumf %max3A_1384, %max3A_1385 : vector<16xf32>
    %max3A_1397 = arith.maximumf %max3A_1384, %max3A_1385 : vector<16xf32>
    %sort3A_1398 = arith.constant dense<true> : vector<16xi1>
    %sort3A_1399, %sort3A_1400, %sort3A_1401 = tpu.sort %min3A_1396, %min3A_1396 masked %sort3A_1398 : (vector<16xf32>, vector<16xf32>, vector<16xi1>) -> (vector<16xi1>, vector<16xf32>, vector<16xf32>)
    %sort3A_1402 = arith.constant dense<true> : vector<16xi1>
    %sort3A_1403, %sort3A_1404, %sort3A_1405 = tpu.sort %max3A_1397, %max3A_1397 masked %sort3A_1402 : (vector<16xf32>, vector<16xf32>, vector<16xi1>) -> (vector<16xi1>, vector<16xf32>, vector<16xf32>)
    %swap3A_1406 = arith.constant 384 : index
    %swap3A_1407 = tpu.vector_load %arg10[%swap3A_1406] {strides = array<i32>} : memref<512xf32, #tpu.memory_space<vmem>>, vector<16xf32>,
    tpu.vector_store %arg10[%swap3A_1406], %sort3A_1366 {strides = array<i32>} : memref<512xf32, #tpu.memory_space<vmem>>, vector<16xf32>,
    %swap3A_1408 = arith.constant 400 : index
    %swap3A_1409 = tpu.vector_load %arg10[%swap3A_1408] {strides = array<i32>} : memref<512xf32, #tpu.memory_space<vmem>>, vector<16xf32>,
    tpu.vector_store %arg10[%swap3A_1408], %sort3A_1370 {strides = array<i32>} : memref<512xf32, #tpu.memory_space<vmem>>, vector<16xf32>,
    %swap3A_1410 = arith.constant 416 : index
    %swap3A_1411 = tpu.vector_load %arg10[%swap3A_1410] {strides = array<i32>} : memref<512xf32, #tpu.memory_space<vmem>>, vector<16xf32>,
    tpu.vector_store %arg10[%swap3A_1410], %sort3A_1376 {strides = array<i32>} : memref<512xf32, #tpu.memory_space<vmem>>, vector<16xf32>,
    %swap3A_1412 = arith.constant 432 : index
    %swap3A_1413 = tpu.vector_load %arg10[%swap3A_1412] {strides = array<i32>} : memref<512xf32, #tpu.memory_space<vmem>>, vector<16xf32>,
    tpu.vector_store %arg10[%swap3A_1412], %sort3A_1380 {strides = array<i32>} : memref<512xf32, #tpu.memory_space<vmem>>, vector<16xf32>,
    %swap3A_1414 = arith.constant 448 : index
    %swap3A_1415 = tpu.vector_load %arg10[%swap3A_1414] {strides = array<i32>} : memref<512xf32, #tpu.memory_space<vmem>>, vector<16xf32>,
    tpu.vector_store %arg10[%swap3A_1414], %sort3A_1390 {strides = array<i32>} : memref<512xf32, #tpu.memory_space<vmem>>, vector<16xf32>,
    %swap3A_1416 = arith.constant 464 : index
    %swap3A_1417 = tpu.vector_load %arg10[%swap3A_1416] {strides = array<i32>} : memref<512xf32, #tpu.memory_space<vmem>>, vector<16xf32>,
    tpu.vector_store %arg10[%swap3A_1416], %sort3A_1394 {strides = array<i32>} : memref<512xf32, #tpu.memory_space<vmem>>, vector<16xf32>,
    %swap3A_1418 = arith.constant 480 : index
    %swap3A_1419 = tpu.vector_load %arg10[%swap3A_1418] {strides = array<i32>} : memref<512xf32, #tpu.memory_space<vmem>>, vector<16xf32>,
    tpu.vector_store %arg10[%swap3A_1418], %sort3A_1400 {strides = array<i32>} : memref<512xf32, #tpu.memory_space<vmem>>, vector<16xf32>,
    %swap3A_1420 = arith.constant 496 : index
    %swap3A_1421 = tpu.vector_load %arg10[%swap3A_1420] {strides = array<i32>} : memref<512xf32, #tpu.memory_space<vmem>>, vector<16xf32>,
    tpu.vector_store %arg10[%swap3A_1420], %sort3A_1404 {strides = array<i32>} : memref<512xf32, #tpu.memory_space<vmem>>, vector<16xf32>,
    %eq3A_1422 = arith.constant 0 : i32
    %eq3A_1423 = arith.cmpi eq, %select_n3A_30, %eq3A_1422 : i32
    %convert_element_type3A = arith.extui %eq3A_1423 : i1 to i32
    %cond3A = arith.constant 0 : i32
    %cond3A_1424 = arith.cmpi ne, %convert_element_type3A, %cond3A : i32
    scf.if %cond3A_1424 {
      "tpu.region"() ({
        %run_scoped3A = tpu.sem_alloc : memref<!tpu.dma_semaphore, #tpu.memory_space<semaphore_mem>>
        %dma_start3A = arith.constant 0 : i32
        %dma_start3A_1564 = tpu.memref_slice %arg7[%select_n3A, %dma_start3A] : memref<4x512xf32, #tpu.memory_space<hbm>> -> memref<1x512xf32, #tpu.memory_space<hbm>>
        %dma_start3A_1565 = tpu.memref_squeeze %dma_start3A_1564 : memref<1x512xf32, #tpu.memory_space<hbm>> -> memref<512xf32, #tpu.memory_space<hbm>>
        %dma_start3A_1566 = arith.constant 0 : i32
        %dma_start3A_1567 = tpu.memref_slice %arg7[%select_n3A, %dma_start3A_1566] : memref<4x512xf32, #tpu.memory_space<hbm>> -> memref<1x512xf32, #tpu.memory_space<hbm>>
        %dma_start3A_1568 = tpu.memref_squeeze %dma_start3A_1567 : memref<1x512xf32, #tpu.memory_space<hbm>> -> memref<512xf32, #tpu.memory_space<hbm>>
        tpu.enqueue_dma source(%arg10 : memref<512xf32, #tpu.memory_space<vmem>>) target(%dma_start3A_1568 : memref<512xf32, #tpu.memory_space<hbm>>) target_semaphore(%run_scoped3A : memref<!tpu.dma_semaphore, #tpu.memory_space<semaphore_mem>>)
        %dma_wait3A = arith.constant 0 : i32
        %dma_wait3A_1569 = tpu.memref_slice %arg7[%select_n3A, %dma_wait3A] : memref<4x512xf32, #tpu.memory_space<hbm>> -> memref<1x512xf32, #tpu.memory_space<hbm>>
        %dma_wait3A_1570 = tpu.memref_squeeze %dma_wait3A_1569 : memref<1x512xf32, #tpu.memory_space<hbm>> -> memref<512xf32, #tpu.memory_space<hbm>>
        %dma_wait3A_1571 = arith.constant 0 : i32
        %dma_wait3A_1572 = tpu.memref_slice %arg7[%select_n3A, %dma_wait3A_1571] : memref<4x512xf32, #tpu.memory_space<hbm>> -> memref<1x512xf32, #tpu.memory_space<hbm>>
        %dma_wait3A_1573 = tpu.memref_squeeze %dma_wait3A_1572 : memref<1x512xf32, #tpu.memory_space<hbm>> -> memref<512xf32, #tpu.memory_space<hbm>>
        tpu.wait_dma2 semaphore(%run_scoped3A : memref<!tpu.dma_semaphore, #tpu.memory_space<semaphore_mem>>) src(%arg10 : memref<512xf32, #tpu.memory_space<vmem>>) dst(%dma_wait3A_1573 : memref<512xf32, #tpu.memory_space<hbm>>)
        tpu.yield
      }) : () -> ()
    } else {
    }
    %scan3A = arith.constant 0 : i32
    %scan3A_1425 = arith.constant 0 : i32
    %scan3A_1426 = arith.constant 136 : i32
    %scan3A_1427 = arith.addi %scan3A_1425, %scan3A_1426 : i32
    %scan3A_1428 = arith.constant 1 : i32
    scf.for %scan3A_1564 = %scan3A_1425 to %scan3A_1427 step %scan3A_1428  : i32 {
      %mul3A_1565 = arith.constant 16 : i32
      %mul3A_1566 = arith.muli %scan3A_1564, %mul3A_1565 : i32
      %multiple_of3A = tpu.assume_multiple %mul3A_1566, 16 : i32
      %swap3A_1567 = arith.index_cast %multiple_of3A : i32 to index
      %swap3A_1568 = tpu.vector_load %arg15[%swap3A_1567] {strides = array<i32>} : memref<2176xf32, #tpu.memory_space<vmem>>, vector<16xf32>,
      tpu.vector_store %arg15[%swap3A_1567], %broadcast_in_dim3A_33 {strides = array<i32>} : memref<2176xf32, #tpu.memory_space<vmem>>, vector<16xf32>,
      %swap3A_1569 = arith.index_cast %multiple_of3A : i32 to index
      %swap3A_1570 = tpu.vector_load %arg23[%swap3A_1569] {strides = array<i32>} : memref<2176xf32, #tpu.memory_space<vmem>>, vector<16xf32>,
      tpu.vector_store %arg23[%swap3A_1569], %broadcast_in_dim3A_35 {strides = array<i32>} : memref<2176xf32, #tpu.memory_space<vmem>>, vector<16xf32>,
      %swap3A_1571 = arith.index_cast %multiple_of3A : i32 to index
      %swap3A_1572 = tpu.vector_load %arg16[%swap3A_1571] {strides = array<i32>} : memref<2176xf32, #tpu.memory_space<vmem>>, vector<16xf32>,
      tpu.vector_store %arg16[%swap3A_1571], %broadcast_in_dim3A_33 {strides = array<i32>} : memref<2176xf32, #tpu.memory_space<vmem>>, vector<16xf32>,
      %swap3A_1573 = arith.index_cast %multiple_of3A : i32 to index
      %swap3A_1574 = tpu.vector_load %arg24[%swap3A_1573] {strides = array<i32>} : memref<2176xf32, #tpu.memory_space<vmem>>, vector<16xf32>,
      tpu.vector_store %arg24[%swap3A_1573], %broadcast_in_dim3A_35 {strides = array<i32>} : memref<2176xf32, #tpu.memory_space<vmem>>, vector<16xf32>,
      %swap3A_1575 = arith.index_cast %multiple_of3A : i32 to index
      %swap3A_1576 = tpu.vector_load %arg17[%swap3A_1575] {strides = array<i32>} : memref<2176xf32, #tpu.memory_space<vmem>>, vector<16xf32>,
      tpu.vector_store %arg17[%swap3A_1575], %broadcast_in_dim3A_33 {strides = array<i32>} : memref<2176xf32, #tpu.memory_space<vmem>>, vector<16xf32>,
      %swap3A_1577 = arith.index_cast %multiple_of3A : i32 to index
      %swap3A_1578 = tpu.vector_load %arg25[%swap3A_1577] {strides = array<i32>} : memref<2176xf32, #tpu.memory_space<vmem>>, vector<16xf32>,
      tpu.vector_store %arg25[%swap3A_1577], %broadcast_in_dim3A_35 {strides = array<i32>} : memref<2176xf32, #tpu.memory_space<vmem>>, vector<16xf32>,
      %swap3A_1579 = arith.index_cast %multiple_of3A : i32 to index
      %swap3A_1580 = tpu.vector_load %arg18[%swap3A_1579] {strides = array<i32>} : memref<2176xf32, #tpu.memory_space<vmem>>, vector<16xf32>,
      tpu.vector_store %arg18[%swap3A_1579], %broadcast_in_dim3A_33 {strides = array<i32>} : memref<2176xf32, #tpu.memory_space<vmem>>, vector<16xf32>,
      %swap3A_1581 = arith.index_cast %multiple_of3A : i32 to index
      %swap3A_1582 = tpu.vector_load %arg26[%swap3A_1581] {strides = array<i32>} : memref<2176xf32, #tpu.memory_space<vmem>>, vector<16xf32>,
      tpu.vector_store %arg26[%swap3A_1581], %broadcast_in_dim3A_35 {strides = array<i32>} : memref<2176xf32, #tpu.memory_space<vmem>>, vector<16xf32>,
      %swap3A_1583 = arith.index_cast %multiple_of3A : i32 to index
      %swap3A_1584 = tpu.vector_load %arg19[%swap3A_1583] {strides = array<i32>} : memref<2176xf32, #tpu.memory_space<vmem>>, vector<16xf32>,
      tpu.vector_store %arg19[%swap3A_1583], %broadcast_in_dim3A_33 {strides = array<i32>} : memref<2176xf32, #tpu.memory_space<vmem>>, vector<16xf32>,
      %swap3A_1585 = arith.index_cast %multiple_of3A : i32 to index
      %swap3A_1586 = tpu.vector_load %arg27[%swap3A_1585] {strides = array<i32>} : memref<2176xf32, #tpu.memory_space<vmem>>, vector<16xf32>,
      tpu.vector_store %arg27[%swap3A_1585], %broadcast_in_dim3A_35 {strides = array<i32>} : memref<2176xf32, #tpu.memory_space<vmem>>, vector<16xf32>,
      %swap3A_1587 = arith.index_cast %multiple_of3A : i32 to index
      %swap3A_1588 = tpu.vector_load %arg20[%swap3A_1587] {strides = array<i32>} : memref<2176xf32, #tpu.memory_space<vmem>>, vector<16xf32>,
      tpu.vector_store %arg20[%swap3A_1587], %broadcast_in_dim3A_33 {strides = array<i32>} : memref<2176xf32, #tpu.memory_space<vmem>>, vector<16xf32>,
      %swap3A_1589 = arith.index_cast %multiple_of3A : i32 to index
      %swap3A_1590 = tpu.vector_load %arg28[%swap3A_1589] {strides = array<i32>} : memref<2176xf32, #tpu.memory_space<vmem>>, vector<16xf32>,
      tpu.vector_store %arg28[%swap3A_1589], %broadcast_in_dim3A_35 {strides = array<i32>} : memref<2176xf32, #tpu.memory_space<vmem>>, vector<16xf32>,
      %swap3A_1591 = arith.index_cast %multiple_of3A : i32 to index
      %swap3A_1592 = tpu.vector_load %arg21[%swap3A_1591] {strides = array<i32>} : memref<2176xf32, #tpu.memory_space<vmem>>, vector<16xf32>,
      tpu.vector_store %arg21[%swap3A_1591], %broadcast_in_dim3A_33 {strides = array<i32>} : memref<2176xf32, #tpu.memory_space<vmem>>, vector<16xf32>,
      %swap3A_1593 = arith.index_cast %multiple_of3A : i32 to index
      %swap3A_1594 = tpu.vector_load %arg29[%swap3A_1593] {strides = array<i32>} : memref<2176xf32, #tpu.memory_space<vmem>>, vector<16xf32>,
      tpu.vector_store %arg29[%swap3A_1593], %broadcast_in_dim3A_35 {strides = array<i32>} : memref<2176xf32, #tpu.memory_space<vmem>>, vector<16xf32>,
      %swap3A_1595 = arith.index_cast %multiple_of3A : i32 to index
      %swap3A_1596 = tpu.vector_load %arg22[%swap3A_1595] {strides = array<i32>} : memref<2176xf32, #tpu.memory_space<vmem>>, vector<16xf32>,
      tpu.vector_store %arg22[%swap3A_1595], %broadcast_in_dim3A_33 {strides = array<i32>} : memref<2176xf32, #tpu.memory_space<vmem>>, vector<16xf32>,
      %swap3A_1597 = arith.index_cast %multiple_of3A : i32 to index
      %swap3A_1598 = tpu.vector_load %arg30[%swap3A_1597] {strides = array<i32>} : memref<2176xf32, #tpu.memory_space<vmem>>, vector<16xf32>,
      tpu.vector_store %arg30[%swap3A_1597], %broadcast_in_dim3A_35 {strides = array<i32>} : memref<2176xf32, #tpu.memory_space<vmem>>, vector<16xf32>,
    }
    %scan3A_1429 = arith.constant 136 : i32
    %broadcast_in_dim3A_1430 = arith.constant 0.000000e+00 : f32
    %broadcast_in_dim3A_1431 = vector.broadcast %broadcast_in_dim3A_1430 : f32 to vector<16xf32>
    %broadcast_in_dim3A_1432 = arith.constant 127 : i32
    %broadcast_in_dim3A_1433 = vector.broadcast %broadcast_in_dim3A_1432 : i32 to vector<16xi32>
    %gather3A = tpu.vector_load_idx %arg10[%broadcast_in_dim3A_1433] : memref<512xf32, #tpu.memory_space<vmem>>[vector<16xi32>], vector<16xf32>,
    %broadcast_in_dim3A_1434 = arith.constant 63 : i32
    %broadcast_in_dim3A_1435 = vector.broadcast %broadcast_in_dim3A_1434 : i32 to vector<16xi32>
    %gather3A_1436 = tpu.vector_load_idx %arg10[%broadcast_in_dim3A_1435] : memref<512xf32, #tpu.memory_space<vmem>>[vector<16xi32>], vector<16xf32>,
    %broadcast_in_dim3A_1437 = arith.constant 31 : i32
    %broadcast_in_dim3A_1438 = vector.broadcast %broadcast_in_dim3A_1437 : i32 to vector<16xi32>
    %gather3A_1439 = tpu.vector_load_idx %arg10[%broadcast_in_dim3A_1438] : memref<512xf32, #tpu.memory_space<vmem>>[vector<16xi32>], vector<16xf32>,
    %broadcast_in_dim3A_1440 = arith.constant 95 : i32
    %broadcast_in_dim3A_1441 = vector.broadcast %broadcast_in_dim3A_1440 : i32 to vector<16xi32>
    %gather3A_1442 = tpu.vector_load_idx %arg10[%broadcast_in_dim3A_1441] : memref<512xf32, #tpu.memory_space<vmem>>[vector<16xi32>], vector<16xf32>,
    %broadcast_in_dim3A_1443 = arith.constant 15 : i32
    %broadcast_in_dim3A_1444 = vector.broadcast %broadcast_in_dim3A_1443 : i32 to vector<16xi32>
    %gather3A_1445 = tpu.vector_load_idx %arg10[%broadcast_in_dim3A_1444] : memref<512xf32, #tpu.memory_space<vmem>>[vector<16xi32>], vector<16xf32>,
    %broadcast_in_dim3A_1446 = arith.constant 47 : i32
    %broadcast_in_dim3A_1447 = vector.broadcast %broadcast_in_dim3A_1446 : i32 to vector<16xi32>
    %gather3A_1448 = tpu.vector_load_idx %arg10[%broadcast_in_dim3A_1447] : memref<512xf32, #tpu.memory_space<vmem>>[vector<16xi32>], vector<16xf32>,
    %broadcast_in_dim3A_1449 = arith.constant 79 : i32
    %broadcast_in_dim3A_1450 = vector.broadcast %broadcast_in_dim3A_1449 : i32 to vector<16xi32>
    %gather3A_1451 = tpu.vector_load_idx %arg10[%broadcast_in_dim3A_1450] : memref<512xf32, #tpu.memory_space<vmem>>[vector<16xi32>], vector<16xf32>,
    %broadcast_in_dim3A_1452 = arith.constant 111 : i32
    %broadcast_in_dim3A_1453 = vector.broadcast %broadcast_in_dim3A_1452 : i32 to vector<16xi32>
    %gather3A_1454 = tpu.vector_load_idx %arg10[%broadcast_in_dim3A_1453] : memref<512xf32, #tpu.memory_space<vmem>>[vector<16xi32>], vector<16xf32>,
    %broadcast_in_dim3A_1455 = arith.constant 255 : i32
    %broadcast_in_dim3A_1456 = vector.broadcast %broadcast_in_dim3A_1455 : i32 to vector<16xi32>
    %gather3A_1457 = tpu.vector_load_idx %arg10[%broadcast_in_dim3A_1456] : memref<512xf32, #tpu.memory_space<vmem>>[vector<16xi32>], vector<16xf32>,
    %broadcast_in_dim3A_1458 = arith.constant 191 : i32
    %broadcast_in_dim3A_1459 = vector.broadcast %broadcast_in_dim3A_1458 : i32 to vector<16xi32>
    %gather3A_1460 = tpu.vector_load_idx %arg10[%broadcast_in_dim3A_1459] : memref<512xf32, #tpu.memory_space<vmem>>[vector<16xi32>], vector<16xf32>,
    %broadcast_in_dim3A_1461 = arith.constant 159 : i32
    %broadcast_in_dim3A_1462 = vector.broadcast %broadcast_in_dim3A_1461 : i32 to vector<16xi32>
    %gather3A_1463 = tpu.vector_load_idx %arg10[%broadcast_in_dim3A_1462] : memref<512xf32, #tpu.memory_space<vmem>>[vector<16xi32>], vector<16xf32>,
    %broadcast_in_dim3A_1464 = arith.constant 223 : i32
    %broadcast_in_dim3A_1465 = vector.broadcast %broadcast_in_dim3A_1464 : i32 to vector<16xi32>
    %gather3A_1466 = tpu.vector_load_idx %arg10[%broadcast_in_dim3A_1465] : memref<512xf32, #tpu.memory_space<vmem>>[vector<16xi32>], vector<16xf32>,
    %broadcast_in_dim3A_1467 = arith.constant 143 : i32
    %broadcast_in_dim3A_1468 = vector.broadcast %broadcast_in_dim3A_1467 : i32 to vector<16xi32>
    %gather3A_1469 = tpu.vector_load_idx %arg10[%broadcast_in_dim3A_1468] : memref<512xf32, #tpu.memory_space<vmem>>[vector<16xi32>], vector<16xf32>,
    %broadcast_in_dim3A_1470 = arith.constant 175 : i32
    %broadcast_in_dim3A_1471 = vector.broadcast %broadcast_in_dim3A_1470 : i32 to vector<16xi32>
    %gather3A_1472 = tpu.vector_load_idx %arg10[%broadcast_in_dim3A_1471] : memref<512xf32, #tpu.memory_space<vmem>>[vector<16xi32>], vector<16xf32>,
    %broadcast_in_dim3A_1473 = arith.constant 207 : i32
    %broadcast_in_dim3A_1474 = vector.broadcast %broadcast_in_dim3A_1473 : i32 to vector<16xi32>
    %gather3A_1475 = tpu.vector_load_idx %arg10[%broadcast_in_dim3A_1474] : memref<512xf32, #tpu.memory_space<vmem>>[vector<16xi32>], vector<16xf32>,
    %broadcast_in_dim3A_1476 = arith.constant 239 : i32
    %broadcast_in_dim3A_1477 = vector.broadcast %broadcast_in_dim3A_1476 : i32 to vector<16xi32>
    %gather3A_1478 = tpu.vector_load_idx %arg10[%broadcast_in_dim3A_1477] : memref<512xf32, #tpu.memory_space<vmem>>[vector<16xi32>], vector<16xf32>,
    %broadcast_in_dim3A_1479 = arith.constant 383 : i32
    %broadcast_in_dim3A_1480 = vector.broadcast %broadcast_in_dim3A_1479 : i32 to vector<16xi32>
    %gather3A_1481 = tpu.vector_load_idx %arg10[%broadcast_in_dim3A_1480] : memref<512xf32, #tpu.memory_space<vmem>>[vector<16xi32>], vector<16xf32>,
    %broadcast_in_dim3A_1482 = arith.constant 319 : i32
    %broadcast_in_dim3A_1483 = vector.broadcast %broadcast_in_dim3A_1482 : i32 to vector<16xi32>
    %gather3A_1484 = tpu.vector_load_idx %arg10[%broadcast_in_dim3A_1483] : memref<512xf32, #tpu.memory_space<vmem>>[vector<16xi32>], vector<16xf32>,
    %broadcast_in_dim3A_1485 = arith.constant 287 : i32
    %broadcast_in_dim3A_1486 = vector.broadcast %broadcast_in_dim3A_1485 : i32 to vector<16xi32>
    %gather3A_1487 = tpu.vector_load_idx %arg10[%broadcast_in_dim3A_1486] : memref<512xf32, #tpu.memory_space<vmem>>[vector<16xi32>], vector<16xf32>,
    %broadcast_in_dim3A_1488 = arith.constant 351 : i32
    %broadcast_in_dim3A_1489 = vector.broadcast %broadcast_in_dim3A_1488 : i32 to vector<16xi32>
    %gather3A_1490 = tpu.vector_load_idx %arg10[%broadcast_in_dim3A_1489] : memref<512xf32, #tpu.memory_space<vmem>>[vector<16xi32>], vector<16xf32>,
    %broadcast_in_dim3A_1491 = arith.constant 271 : i32
    %broadcast_in_dim3A_1492 = vector.broadcast %broadcast_in_dim3A_1491 : i32 to vector<16xi32>
    %gather3A_1493 = tpu.vector_load_idx %arg10[%broadcast_in_dim3A_1492] : memref<512xf32, #tpu.memory_space<vmem>>[vector<16xi32>], vector<16xf32>,
    %broadcast_in_dim3A_1494 = arith.constant 303 : i32
    %broadcast_in_dim3A_1495 = vector.broadcast %broadcast_in_dim3A_1494 : i32 to vector<16xi32>
    %gather3A_1496 = tpu.vector_load_idx %arg10[%broadcast_in_dim3A_1495] : memref<512xf32, #tpu.memory_space<vmem>>[vector<16xi32>], vector<16xf32>,
    %broadcast_in_dim3A_1497 = arith.constant 335 : i32
    %broadcast_in_dim3A_1498 = vector.broadcast %broadcast_in_dim3A_1497 : i32 to vector<16xi32>
    %gather3A_1499 = tpu.vector_load_idx %arg10[%broadcast_in_dim3A_1498] : memref<512xf32, #tpu.memory_space<vmem>>[vector<16xi32>], vector<16xf32>,
    %broadcast_in_dim3A_1500 = arith.constant 367 : i32
    %broadcast_in_dim3A_1501 = vector.broadcast %broadcast_in_dim3A_1500 : i32 to vector<16xi32>
    %gather3A_1502 = tpu.vector_load_idx %arg10[%broadcast_in_dim3A_1501] : memref<512xf32, #tpu.memory_space<vmem>>[vector<16xi32>], vector<16xf32>,
    %broadcast_in_dim3A_1503 = arith.constant 511 : i32
    %broadcast_in_dim3A_1504 = vector.broadcast %broadcast_in_dim3A_1503 : i32 to vector<16xi32>
    %gather3A_1505 = tpu.vector_load_idx %arg10[%broadcast_in_dim3A_1504] : memref<512xf32, #tpu.memory_space<vmem>>[vector<16xi32>], vector<16xf32>,
    %broadcast_in_dim3A_1506 = arith.constant 447 : i32
    %broadcast_in_dim3A_1507 = vector.broadcast %broadcast_in_dim3A_1506 : i32 to vector<16xi32>
    %gather3A_1508 = tpu.vector_load_idx %arg10[%broadcast_in_dim3A_1507] : memref<512xf32, #tpu.memory_space<vmem>>[vector<16xi32>], vector<16xf32>,
    %broadcast_in_dim3A_1509 = arith.constant 415 : i32
    %broadcast_in_dim3A_1510 = vector.broadcast %broadcast_in_dim3A_1509 : i32 to vector<16xi32>
    %gather3A_1511 = tpu.vector_load_idx %arg10[%broadcast_in_dim3A_1510] : memref<512xf32, #tpu.memory_space<vmem>>[vector<16xi32>], vector<16xf32>,
    %broadcast_in_dim3A_1512 = arith.constant 479 : i32
    %broadcast_in_dim3A_1513 = vector.broadcast %broadcast_in_dim3A_1512 : i32 to vector<16xi32>
    %gather3A_1514 = tpu.vector_load_idx %arg10[%broadcast_in_dim3A_1513] : memref<512xf32, #tpu.memory_space<vmem>>[vector<16xi32>], vector<16xf32>,
    %broadcast_in_dim3A_1515 = arith.constant 399 : i32
    %broadcast_in_dim3A_1516 = vector.broadcast %broadcast_in_dim3A_1515 : i32 to vector<16xi32>
    %gather3A_1517 = tpu.vector_load_idx %arg10[%broadcast_in_dim3A_1516] : memref<512xf32, #tpu.memory_space<vmem>>[vector<16xi32>], vector<16xf32>,
    %broadcast_in_dim3A_1518 = arith.constant 431 : i32
    %broadcast_in_dim3A_1519 = vector.broadcast %broadcast_in_dim3A_1518 : i32 to vector<16xi32>
    %gather3A_1520 = tpu.vector_load_idx %arg10[%broadcast_in_dim3A_1519] : memref<512xf32, #tpu.memory_space<vmem>>[vector<16xi32>], vector<16xf32>,
    %broadcast_in_dim3A_1521 = arith.constant 463 : i32
    %broadcast_in_dim3A_1522 = vector.broadcast %broadcast_in_dim3A_1521 : i32 to vector<16xi32>
    %gather3A_1523 = tpu.vector_load_idx %arg10[%broadcast_in_dim3A_1522] : memref<512xf32, #tpu.memory_space<vmem>>[vector<16xi32>], vector<16xf32>,
    %broadcast_in_dim3A_1524 = arith.constant 495 : i32
    %broadcast_in_dim3A_1525 = vector.broadcast %broadcast_in_dim3A_1524 : i32 to vector<16xi32>
    %gather3A_1526 = tpu.vector_load_idx %arg10[%broadcast_in_dim3A_1525] : memref<512xf32, #tpu.memory_space<vmem>>[vector<16xi32>], vector<16xf32>,
    %parallel_loop3A = arith.constant 0 : i32
    %parallel_loop3A_1527 = arith.constant 384 : i32
    %parallel_loop3A_1528 = arith.constant 1 : i32
    %parallel_loop3A_1529:2 = scf.for %parallel_loop3A_1564 = %parallel_loop3A to %parallel_loop3A_1527 step %parallel_loop3A_1528 iter_args(%parallel_loop3A_1565 = %broadcast_in_dim3A_1431, %parallel_loop3A_1566 = %broadcast_in_dim3A_1431) -> (vector<16xf32>, vector<16xf32>)  : i32 {
      %parallel_loop3A_1567 = arith.constant 16 : i32
      %parallel_loop3A_1568 = arith.muli %parallel_loop3A_1564, %parallel_loop3A_1567 : i32
      %parallel_loop3A_1569 = tpu.assume_multiple %parallel_loop3A_1568, 16 : i32
      %parallel_loop3A_1570 = arith.constant 16 : i32
      %parallel_loop3A_1571 = arith.divsi %parallel_loop3A_1564, %parallel_loop3A_1570 : i32
      %parallel_loop3A_1572 = arith.constant 0 : i32
      %parallel_loop3A_1573 = arith.cmpi sgt, %parallel_loop3A_1564, %parallel_loop3A_1572 : i32
      %parallel_loop3A_1574 = arith.extui %parallel_loop3A_1573 : i1 to i32
      %parallel_loop3A_1575 = arith.constant 0 : i32
      %parallel_loop3A_1576 = arith.cmpi slt, %parallel_loop3A_1564, %parallel_loop3A_1575 : i32
      %parallel_loop3A_1577 = arith.extui %parallel_loop3A_1576 : i1 to i32
      %parallel_loop3A_1578 = arith.subi %parallel_loop3A_1574, %parallel_loop3A_1577 : i32
      %parallel_loop3A_1579 = arith.constant 0 : i32
      %parallel_loop3A_1580 = arith.cmpi sgt, %parallel_loop3A_1570, %parallel_loop3A_1579 : i32
      %parallel_loop3A_1581 = arith.extui %parallel_loop3A_1580 : i1 to i32
      %parallel_loop3A_1582 = arith.constant 0 : i32
      %parallel_loop3A_1583 = arith.cmpi slt, %parallel_loop3A_1570, %parallel_loop3A_1582 : i32
      %parallel_loop3A_1584 = arith.extui %parallel_loop3A_1583 : i1 to i32
      %parallel_loop3A_1585 = arith.subi %parallel_loop3A_1581, %parallel_loop3A_1584 : i32
      %parallel_loop3A_1586 = arith.cmpi ne, %parallel_loop3A_1578, %parallel_loop3A_1585 : i32
      %parallel_loop3A_1587 = arith.remsi %parallel_loop3A_1564, %parallel_loop3A_1570 : i32
      %parallel_loop3A_1588 = arith.constant 0 : i32
      %parallel_loop3A_1589 = arith.cmpi ne, %parallel_loop3A_1587, %parallel_loop3A_1588 : i32
      %parallel_loop3A_1590 = arith.andi %parallel_loop3A_1586, %parallel_loop3A_1589 : i1
      %parallel_loop3A_1591 = arith.constant 1 : i32
      %parallel_loop3A_1592 = arith.subi %parallel_loop3A_1571, %parallel_loop3A_1591 : i32
      %parallel_loop3A_1593 = arith.select %parallel_loop3A_1590, %parallel_loop3A_1592, %parallel_loop3A_1571 : i32
      %parallel_loop3A_1594 = arith.constant 16 : i32
      %parallel_loop3A_1595 = arith.constant 0 : i32
      %parallel_loop3A_1596 = arith.cmpi eq, %parallel_loop3A_1594, %parallel_loop3A_1595 : i32
      %parallel_loop3A_1597 = arith.constant 1 : i32
      %parallel_loop3A_1598 = arith.select %parallel_loop3A_1596, %parallel_loop3A_1597, %parallel_loop3A_1594 : i32
      %parallel_loop3A_1599 = arith.remsi %parallel_loop3A_1564, %parallel_loop3A_1598 : i32
      %parallel_loop3A_1600 = arith.constant 0 : i32
      %parallel_loop3A_1601 = arith.cmpi ne, %parallel_loop3A_1599, %parallel_loop3A_1600 : i32
      %parallel_loop3A_1602 = arith.constant 0 : i32
      %parallel_loop3A_1603 = arith.cmpi slt, %parallel_loop3A_1599, %parallel_loop3A_1602 : i32
      %parallel_loop3A_1604 = arith.constant 0 : i32
      %parallel_loop3A_1605 = arith.cmpi slt, %parallel_loop3A_1598, %parallel_loop3A_1604 : i32
      %parallel_loop3A_1606 = arith.xori %parallel_loop3A_1603, %parallel_loop3A_1605 : i1
      %parallel_loop3A_1607 = arith.andi %parallel_loop3A_1606, %parallel_loop3A_1601 : i1
      %parallel_loop3A_1608 = arith.addi %parallel_loop3A_1599, %parallel_loop3A_1598 : i32
      %parallel_loop3A_1609 = arith.select %parallel_loop3A_1607, %parallel_loop3A_1608, %parallel_loop3A_1599 : i32
      %parallel_loop3A_1610 = arith.constant 16 : i32
      %parallel_loop3A_1611 = arith.muli %parallel_loop3A_1609, %parallel_loop3A_1610 : i32
      %parallel_loop3A_1612 = tpu.assume_multiple %parallel_loop3A_1611, 16 : i32
      %parallel_loop3A_1613 = arith.index_cast %parallel_loop3A_1593 : i32 to index
      %parallel_loop3A_1614 = arith.index_cast %parallel_loop3A_1612 : i32 to index
      %parallel_loop3A_1615 = tpu.vector_load %arg8[%parallel_loop3A_1613, %parallel_loop3A_1614] {strides = array<i32>} : memref<24x256xf32, #tpu.memory_space<vmem>>, vector<16xf32>,
      %parallel_loop3A_1616 = arith.constant 1.000000e-03 : f32
      %parallel_loop3A_1617 = vector.broadcast %parallel_loop3A_1616 : f32 to vector<16xf32>
      %parallel_loop3A_1618 = arith.cmpf oge, %parallel_loop3A_1615, %parallel_loop3A_1617 : vector<16xf32>
      %parallel_loop3A_1619 = arith.cmpf ole, %gather3A, %parallel_loop3A_1615 : vector<16xf32>
      %parallel_loop3A_1620 = arith.constant 128 : i32
      %parallel_loop3A_1621 = arith.constant 0 : i32
      %parallel_loop3A_1622 = vector.broadcast %parallel_loop3A_1620 : i32 to vector<16xi32>
      %parallel_loop3A_1623 = vector.broadcast %parallel_loop3A_1621 : i32 to vector<16xi32>
      %parallel_loop3A_1624 = arith.select %parallel_loop3A_1619, %parallel_loop3A_1622, %parallel_loop3A_1623 : vector<16xi1>, vector<16xi32>
      %parallel_loop3A_1625 = arith.constant 0 : i32
      %parallel_loop3A_1626 = vector.broadcast %parallel_loop3A_1625 : i32 to vector<16xi32>
      %parallel_loop3A_1627 = arith.cmpi eq, %parallel_loop3A_1624, %parallel_loop3A_1626 : vector<16xi32>
      %parallel_loop3A_1628 = arith.cmpf ole, %gather3A_1436, %parallel_loop3A_1615 : vector<16xf32>
      %parallel_loop3A_1629 = arith.andi %parallel_loop3A_1627, %parallel_loop3A_1628 : vector<16xi1>
      %parallel_loop3A_1630 = arith.constant 64 : i32
      %parallel_loop3A_1631 = vector.broadcast %parallel_loop3A_1630 : i32 to vector<16xi32>
      %parallel_loop3A_1632 = arith.select %parallel_loop3A_1629, %parallel_loop3A_1631, %parallel_loop3A_1624 : vector<16xi1>, vector<16xi32>
      %parallel_loop3A_1633 = arith.constant 64 : i32
      %parallel_loop3A_1634 = vector.broadcast %parallel_loop3A_1633 : i32 to vector<16xi32>
      %parallel_loop3A_1635 = arith.cmpi eq, %parallel_loop3A_1632, %parallel_loop3A_1634 : vector<16xi32>
      %parallel_loop3A_1636 = arith.select %parallel_loop3A_1635, %gather3A_1442, %gather3A_1439 : vector<16xi1>, vector<16xf32>
      %parallel_loop3A_1637 = arith.constant 64 : i32
      %parallel_loop3A_1638 = vector.broadcast %parallel_loop3A_1637 : i32 to vector<16xi32>
      %parallel_loop3A_1639 = arith.cmpi sle, %parallel_loop3A_1632, %parallel_loop3A_1638 : vector<16xi32>
      %parallel_loop3A_1640 = arith.cmpf ole, %parallel_loop3A_1636, %parallel_loop3A_1615 : vector<16xf32>
      %parallel_loop3A_1641 = arith.andi %parallel_loop3A_1639, %parallel_loop3A_1640 : vector<16xi1>
      %parallel_loop3A_1642 = arith.constant 32 : i32
      %parallel_loop3A_1643 = vector.broadcast %parallel_loop3A_1642 : i32 to vector<16xi32>
      %parallel_loop3A_1644 = arith.addi %parallel_loop3A_1632, %parallel_loop3A_1643 : vector<16xi32>
      %parallel_loop3A_1645 = arith.select %parallel_loop3A_1641, %parallel_loop3A_1644, %parallel_loop3A_1632 : vector<16xi1>, vector<16xi32>
      %parallel_loop3A_1646 = arith.constant 64 : i32
      %parallel_loop3A_1647 = vector.broadcast %parallel_loop3A_1646 : i32 to vector<16xi32>
      %parallel_loop3A_1648 = arith.cmpi sge, %parallel_loop3A_1645, %parallel_loop3A_1647 : vector<16xi32>
      %parallel_loop3A_1649 = arith.constant 96 : i32
      %parallel_loop3A_1650 = vector.broadcast %parallel_loop3A_1649 : i32 to vector<16xi32>
      %parallel_loop3A_1651 = arith.cmpi sge, %parallel_loop3A_1645, %parallel_loop3A_1650 : vector<16xi32>
      %parallel_loop3A_1652 = arith.select %parallel_loop3A_1651, %gather3A_1454, %gather3A_1451 : vector<16xi1>, vector<16xf32>
      %parallel_loop3A_1653 = arith.constant 32 : i32
      %parallel_loop3A_1654 = vector.broadcast %parallel_loop3A_1653 : i32 to vector<16xi32>
      %parallel_loop3A_1655 = arith.cmpi sge, %parallel_loop3A_1645, %parallel_loop3A_1654 : vector<16xi32>
      %parallel_loop3A_1656 = arith.select %parallel_loop3A_1655, %gather3A_1448, %gather3A_1445 : vector<16xi1>, vector<16xf32>
      %parallel_loop3A_1657 = arith.select %parallel_loop3A_1648, %parallel_loop3A_1652, %parallel_loop3A_1656 : vector<16xi1>, vector<16xf32>
      %parallel_loop3A_1658 = arith.constant 96 : i32
      %parallel_loop3A_1659 = vector.broadcast %parallel_loop3A_1658 : i32 to vector<16xi32>
      %parallel_loop3A_1660 = arith.cmpi sle, %parallel_loop3A_1645, %parallel_loop3A_1659 : vector<16xi32>
      %parallel_loop3A_1661 = arith.cmpf ole, %parallel_loop3A_1657, %parallel_loop3A_1615 : vector<16xf32>
      %parallel_loop3A_1662 = arith.andi %parallel_loop3A_1660, %parallel_loop3A_1661 : vector<16xi1>
      %parallel_loop3A_1663 = arith.constant 16 : i32
      %parallel_loop3A_1664 = vector.broadcast %parallel_loop3A_1663 : i32 to vector<16xi32>
      %parallel_loop3A_1665 = arith.addi %parallel_loop3A_1645, %parallel_loop3A_1664 : vector<16xi32>
      %parallel_loop3A_1666 = arith.select %parallel_loop3A_1662, %parallel_loop3A_1665, %parallel_loop3A_1645 : vector<16xi1>, vector<16xi32>
      %parallel_loop3A_1667 = arith.constant 8 : i32
      %parallel_loop3A_1668 = vector.broadcast %parallel_loop3A_1667 : i32 to vector<16xi32>
      %parallel_loop3A_1669 = arith.addi %parallel_loop3A_1666, %parallel_loop3A_1668 : vector<16xi32>
      %parallel_loop3A_1670 = arith.constant 1 : i32
      %parallel_loop3A_1671 = vector.broadcast %parallel_loop3A_1670 : i32 to vector<16xi32>
      %parallel_loop3A_1672 = arith.subi %parallel_loop3A_1669, %parallel_loop3A_1671 : vector<16xi32>
      %parallel_loop3A_1673 = arith.constant 127 : i32
      %parallel_loop3A_1674 = vector.broadcast %parallel_loop3A_1673 : i32 to vector<16xi32>
      %parallel_loop3A_1675 = arith.minsi %parallel_loop3A_1672, %parallel_loop3A_1674 : vector<16xi32>
      %parallel_loop3A_1676 = arith.constant 0 : i32
      %parallel_loop3A_1677 = vector.broadcast %parallel_loop3A_1676 : i32 to vector<16xi32>
      %parallel_loop3A_1678 = arith.addi %parallel_loop3A_1677, %parallel_loop3A_1675 : vector<16xi32>
      %parallel_loop3A_1679 = tpu.vector_load_idx %arg10[%parallel_loop3A_1678] : memref<512xf32, #tpu.memory_space<vmem>>[vector<16xi32>], vector<16xf32>,
      %parallel_loop3A_1680 = arith.constant 128 : i32
      %parallel_loop3A_1681 = vector.broadcast %parallel_loop3A_1680 : i32 to vector<16xi32>
      %parallel_loop3A_1682 = arith.cmpi sle, %parallel_loop3A_1669, %parallel_loop3A_1681 : vector<16xi32>
      %parallel_loop3A_1683 = arith.cmpf ole, %parallel_loop3A_1679, %parallel_loop3A_1615 : vector<16xf32>
      %parallel_loop3A_1684 = arith.andi %parallel_loop3A_1682, %parallel_loop3A_1683 : vector<16xi1>
      %parallel_loop3A_1685 = arith.select %parallel_loop3A_1684, %parallel_loop3A_1669, %parallel_loop3A_1666 : vector<16xi1>, vector<16xi32>
      %parallel_loop3A_1686 = arith.constant 4 : i32
      %parallel_loop3A_1687 = vector.broadcast %parallel_loop3A_1686 : i32 to vector<16xi32>
      %parallel_loop3A_1688 = arith.addi %parallel_loop3A_1685, %parallel_loop3A_1687 : vector<16xi32>
      %parallel_loop3A_1689 = arith.constant 1 : i32
      %parallel_loop3A_1690 = vector.broadcast %parallel_loop3A_1689 : i32 to vector<16xi32>
      %parallel_loop3A_1691 = arith.subi %parallel_loop3A_1688, %parallel_loop3A_1690 : vector<16xi32>
      %parallel_loop3A_1692 = arith.constant 127 : i32
      %parallel_loop3A_1693 = vector.broadcast %parallel_loop3A_1692 : i32 to vector<16xi32>
      %parallel_loop3A_1694 = arith.minsi %parallel_loop3A_1691, %parallel_loop3A_1693 : vector<16xi32>
      %parallel_loop3A_1695 = arith.constant 0 : i32
      %parallel_loop3A_1696 = vector.broadcast %parallel_loop3A_1695 : i32 to vector<16xi32>
      %parallel_loop3A_1697 = arith.addi %parallel_loop3A_1696, %parallel_loop3A_1694 : vector<16xi32>
      %parallel_loop3A_1698 = tpu.vector_load_idx %arg10[%parallel_loop3A_1697] : memref<512xf32, #tpu.memory_space<vmem>>[vector<16xi32>], vector<16xf32>,
      %parallel_loop3A_1699 = arith.constant 128 : i32
      %parallel_loop3A_1700 = vector.broadcast %parallel_loop3A_1699 : i32 to vector<16xi32>
      %parallel_loop3A_1701 = arith.cmpi sle, %parallel_loop3A_1688, %parallel_loop3A_1700 : vector<16xi32>
      %parallel_loop3A_1702 = arith.cmpf ole, %parallel_loop3A_1698, %parallel_loop3A_1615 : vector<16xf32>
      %parallel_loop3A_1703 = arith.andi %parallel_loop3A_1701, %parallel_loop3A_1702 : vector<16xi1>
      %parallel_loop3A_1704 = arith.select %parallel_loop3A_1703, %parallel_loop3A_1688, %parallel_loop3A_1685 : vector<16xi1>, vector<16xi32>
      %parallel_loop3A_1705 = arith.constant 2 : i32
      %parallel_loop3A_1706 = vector.broadcast %parallel_loop3A_1705 : i32 to vector<16xi32>
      %parallel_loop3A_1707 = arith.addi %parallel_loop3A_1704, %parallel_loop3A_1706 : vector<16xi32>
      %parallel_loop3A_1708 = arith.constant 1 : i32
      %parallel_loop3A_1709 = vector.broadcast %parallel_loop3A_1708 : i32 to vector<16xi32>
      %parallel_loop3A_1710 = arith.subi %parallel_loop3A_1707, %parallel_loop3A_1709 : vector<16xi32>
      %parallel_loop3A_1711 = arith.constant 127 : i32
      %parallel_loop3A_1712 = vector.broadcast %parallel_loop3A_1711 : i32 to vector<16xi32>
      %parallel_loop3A_1713 = arith.minsi %parallel_loop3A_1710, %parallel_loop3A_1712 : vector<16xi32>
      %parallel_loop3A_1714 = arith.constant 0 : i32
      %parallel_loop3A_1715 = vector.broadcast %parallel_loop3A_1714 : i32 to vector<16xi32>
      %parallel_loop3A_1716 = arith.addi %parallel_loop3A_1715, %parallel_loop3A_1713 : vector<16xi32>
      %parallel_loop3A_1717 = tpu.vector_load_idx %arg10[%parallel_loop3A_1716] : memref<512xf32, #tpu.memory_space<vmem>>[vector<16xi32>], vector<16xf32>,
      %parallel_loop3A_1718 = arith.constant 128 : i32
      %parallel_loop3A_1719 = vector.broadcast %parallel_loop3A_1718 : i32 to vector<16xi32>
      %parallel_loop3A_1720 = arith.cmpi sle, %parallel_loop3A_1707, %parallel_loop3A_1719 : vector<16xi32>
      %parallel_loop3A_1721 = arith.cmpf ole, %parallel_loop3A_1717, %parallel_loop3A_1615 : vector<16xf32>
      %parallel_loop3A_1722 = arith.andi %parallel_loop3A_1720, %parallel_loop3A_1721 : vector<16xi1>
      %parallel_loop3A_1723 = arith.select %parallel_loop3A_1722, %parallel_loop3A_1707, %parallel_loop3A_1704 : vector<16xi1>, vector<16xi32>
      %parallel_loop3A_1724 = arith.constant 1 : i32
      %parallel_loop3A_1725 = vector.broadcast %parallel_loop3A_1724 : i32 to vector<16xi32>
      %parallel_loop3A_1726 = arith.addi %parallel_loop3A_1723, %parallel_loop3A_1725 : vector<16xi32>
      %parallel_loop3A_1727 = arith.constant 1 : i32
      %parallel_loop3A_1728 = vector.broadcast %parallel_loop3A_1727 : i32 to vector<16xi32>
      %parallel_loop3A_1729 = arith.subi %parallel_loop3A_1726, %parallel_loop3A_1728 : vector<16xi32>
      %parallel_loop3A_1730 = arith.constant 127 : i32
      %parallel_loop3A_1731 = vector.broadcast %parallel_loop3A_1730 : i32 to vector<16xi32>
      %parallel_loop3A_1732 = arith.minsi %parallel_loop3A_1729, %parallel_loop3A_1731 : vector<16xi32>
      %parallel_loop3A_1733 = arith.constant 0 : i32
      %parallel_loop3A_1734 = vector.broadcast %parallel_loop3A_1733 : i32 to vector<16xi32>
      %parallel_loop3A_1735 = arith.addi %parallel_loop3A_1734, %parallel_loop3A_1732 : vector<16xi32>
      %parallel_loop3A_1736 = tpu.vector_load_idx %arg10[%parallel_loop3A_1735] : memref<512xf32, #tpu.memory_space<vmem>>[vector<16xi32>], vector<16xf32>,
      %parallel_loop3A_1737 = arith.constant 128 : i32
      %parallel_loop3A_1738 = vector.broadcast %parallel_loop3A_1737 : i32 to vector<16xi32>
      %parallel_loop3A_1739 = arith.cmpi sle, %parallel_loop3A_1726, %parallel_loop3A_1738 : vector<16xi32>
      %parallel_loop3A_1740 = arith.cmpf ole, %parallel_loop3A_1736, %parallel_loop3A_1615 : vector<16xf32>
      %parallel_loop3A_1741 = arith.andi %parallel_loop3A_1739, %parallel_loop3A_1740 : vector<16xi1>
      %parallel_loop3A_1742 = arith.select %parallel_loop3A_1741, %parallel_loop3A_1726, %parallel_loop3A_1723 : vector<16xi1>, vector<16xi32>
      %parallel_loop3A_1743 = arith.constant 1 : i32
      %parallel_loop3A_1744 = vector.broadcast %parallel_loop3A_1743 : i32 to vector<16xi32>
      %parallel_loop3A_1745 = arith.subi %parallel_loop3A_1742, %parallel_loop3A_1744 : vector<16xi32>
      %parallel_loop3A_1746 = arith.constant 0 : i32
      %parallel_loop3A_1747 = vector.broadcast %parallel_loop3A_1746 : i32 to vector<16xi32>
      %parallel_loop3A_1748 = arith.maxsi %parallel_loop3A_1745, %parallel_loop3A_1747 : vector<16xi32>
      %parallel_loop3A_1749 = arith.constant 0 : i32
      %parallel_loop3A_1750 = vector.broadcast %parallel_loop3A_1749 : i32 to vector<16xi32>
      %parallel_loop3A_1751 = arith.addi %parallel_loop3A_1750, %parallel_loop3A_1748 : vector<16xi32>
      %parallel_loop3A_1752 = tpu.vector_load_idx %arg10[%parallel_loop3A_1751] : memref<512xf32, #tpu.memory_space<vmem>>[vector<16xi32>], vector<16xf32>,
      %parallel_loop3A_1753 = arith.constant 127 : i32
      %parallel_loop3A_1754 = vector.broadcast %parallel_loop3A_1753 : i32 to vector<16xi32>
      %parallel_loop3A_1755 = arith.minsi %parallel_loop3A_1742, %parallel_loop3A_1754 : vector<16xi32>
      %parallel_loop3A_1756 = arith.constant 0 : i32
      %parallel_loop3A_1757 = vector.broadcast %parallel_loop3A_1756 : i32 to vector<16xi32>
      %parallel_loop3A_1758 = arith.addi %parallel_loop3A_1757, %parallel_loop3A_1755 : vector<16xi32>
      %parallel_loop3A_1759 = tpu.vector_load_idx %arg10[%parallel_loop3A_1758] : memref<512xf32, #tpu.memory_space<vmem>>[vector<16xi32>], vector<16xf32>,
      %parallel_loop3A_1760 = arith.subf %parallel_loop3A_1615, %parallel_loop3A_1752 : vector<16xf32>
      %parallel_loop3A_1761 = arith.subf %parallel_loop3A_1759, %parallel_loop3A_1615 : vector<16xf32>
      %parallel_loop3A_1762 = arith.constant 0 : i32
      %parallel_loop3A_1763 = vector.broadcast %parallel_loop3A_1762 : i32 to vector<16xi32>
      %parallel_loop3A_1764 = arith.cmpi sgt, %parallel_loop3A_1742, %parallel_loop3A_1763 : vector<16xi32>
      %parallel_loop3A_1765 = arith.mulf %parallel_loop3A_1760, %parallel_loop3A_1760 : vector<16xf32>
      %parallel_loop3A_1766 = arith.constant 1.000000e+10 : f32
      %parallel_loop3A_1767 = vector.broadcast %parallel_loop3A_1766 : f32 to vector<16xf32>
      %parallel_loop3A_1768 = arith.select %parallel_loop3A_1764, %parallel_loop3A_1765, %parallel_loop3A_1767 : vector<16xi1>, vector<16xf32>
      %parallel_loop3A_1769 = arith.constant 128 : i32
      %parallel_loop3A_1770 = vector.broadcast %parallel_loop3A_1769 : i32 to vector<16xi32>
      %parallel_loop3A_1771 = arith.cmpi slt, %parallel_loop3A_1742, %parallel_loop3A_1770 : vector<16xi32>
      %parallel_loop3A_1772 = arith.mulf %parallel_loop3A_1761, %parallel_loop3A_1761 : vector<16xf32>
      %parallel_loop3A_1773 = arith.constant 1.000000e+10 : f32
      %parallel_loop3A_1774 = vector.broadcast %parallel_loop3A_1773 : f32 to vector<16xf32>
      %parallel_loop3A_1775 = arith.select %parallel_loop3A_1771, %parallel_loop3A_1772, %parallel_loop3A_1774 : vector<16xi1>, vector<16xf32>
      %parallel_loop3A_1776 = arith.minimumf %parallel_loop3A_1768, %parallel_loop3A_1775 : vector<16xf32>
      %parallel_loop3A_1777 = arith.constant 0.000000e+00 : f32
      %parallel_loop3A_1778 = vector.broadcast %parallel_loop3A_1777 : f32 to vector<16xf32>
      %parallel_loop3A_1779 = arith.select %parallel_loop3A_1618, %parallel_loop3A_1776, %parallel_loop3A_1778 : vector<16xi1>, vector<16xf32>
      %parallel_loop3A_1780 = arith.addf %parallel_loop3A_1565, %parallel_loop3A_1779 : vector<16xf32>
      %parallel_loop3A_1781 = arith.constant 129 : i32
      %parallel_loop3A_1782 = vector.broadcast %parallel_loop3A_1781 : i32 to vector<16xi32>
      %parallel_loop3A_1783 = arith.select %parallel_loop3A_1618, %parallel_loop3A_1742, %parallel_loop3A_1782 : vector<16xi1>, vector<16xi32>
      %parallel_loop3A_1784 = arith.constant 16 : i32
      %parallel_loop3A_1785 = vector.broadcast %parallel_loop3A_1784 : i32 to vector<16xi32>
      %parallel_loop3A_1786 = arith.muli %parallel_loop3A_1783, %parallel_loop3A_1785 : vector<16xi32>
      %parallel_loop3A_1787 = arith.addi %parallel_loop3A_1786, %iota3A : vector<16xi32>
      %parallel_loop3A_1788 = arith.index_cast %parallel_loop3A_1569 : i32 to index
      %parallel_loop3A_1789 = tpu.vector_load %arg11[%parallel_loop3A_1788] {strides = array<i32>} : memref<6144xi32, #tpu.memory_space<vmem>>, vector<16xi32>,
      tpu.vector_store %arg11[%parallel_loop3A_1788], %parallel_loop3A_1787 {strides = array<i32>} : memref<6144xi32, #tpu.memory_space<vmem>>, vector<16xi32>,
      %parallel_loop3A_1790 = arith.constant 1.000000e+00 : f32
      %parallel_loop3A_1791 = arith.constant 0.000000e+00 : f32
      %parallel_loop3A_1792 = vector.broadcast %parallel_loop3A_1790 : f32 to vector<16xf32>
      %parallel_loop3A_1793 = vector.broadcast %parallel_loop3A_1791 : f32 to vector<16xf32>
      %parallel_loop3A_1794 = arith.select %parallel_loop3A_1618, %parallel_loop3A_1792, %parallel_loop3A_1793 : vector<16xi1>, vector<16xf32>
      %parallel_loop3A_1795 = arith.addf %parallel_loop3A_1566, %parallel_loop3A_1794 : vector<16xf32>
      scf.yield %parallel_loop3A_1780, %parallel_loop3A_1795 : vector<16xf32>, vector<16xf32>
    } {sc.loop_unroll_factor = 2 : i64, sc.parallel_access}
    %parallel_loop3A_1530 = arith.constant 0 : i32
    %parallel_loop3A_1531 = arith.constant 384 : i32
    %parallel_loop3A_1532 = arith.constant 1 : i32
    %parallel_loop3A_1533 = scf.for %parallel_loop3A_1564 = %parallel_loop3A_1530 to %parallel_loop3A_1531 step %parallel_loop3A_1532 iter_args(%parallel_loop3A_1565 = %broadcast_in_dim3A_1431) -> (vector<16xf32>)  : i32 {
      %parallel_loop3A_1566 = arith.constant 16 : i32
      %parallel_loop3A_1567 = arith.muli %parallel_loop3A_1564, %parallel_loop3A_1566 : i32
      %parallel_loop3A_1568 = tpu.assume_multiple %parallel_loop3A_1567, 16 : i32
      %parallel_loop3A_1569 = arith.constant 16 : i32
      %parallel_loop3A_1570 = arith.divsi %parallel_loop3A_1564, %parallel_loop3A_1569 : i32
      %parallel_loop3A_1571 = arith.constant 0 : i32
      %parallel_loop3A_1572 = arith.cmpi sgt, %parallel_loop3A_1564, %parallel_loop3A_1571 : i32
      %parallel_loop3A_1573 = arith.extui %parallel_loop3A_1572 : i1 to i32
      %parallel_loop3A_1574 = arith.constant 0 : i32
      %parallel_loop3A_1575 = arith.cmpi slt, %parallel_loop3A_1564, %parallel_loop3A_1574 : i32
      %parallel_loop3A_1576 = arith.extui %parallel_loop3A_1575 : i1 to i32
      %parallel_loop3A_1577 = arith.subi %parallel_loop3A_1573, %parallel_loop3A_1576 : i32
      %parallel_loop3A_1578 = arith.constant 0 : i32
      %parallel_loop3A_1579 = arith.cmpi sgt, %parallel_loop3A_1569, %parallel_loop3A_1578 : i32
      %parallel_loop3A_1580 = arith.extui %parallel_loop3A_1579 : i1 to i32
      %parallel_loop3A_1581 = arith.constant 0 : i32
      %parallel_loop3A_1582 = arith.cmpi slt, %parallel_loop3A_1569, %parallel_loop3A_1581 : i32
      %parallel_loop3A_1583 = arith.extui %parallel_loop3A_1582 : i1 to i32
      %parallel_loop3A_1584 = arith.subi %parallel_loop3A_1580, %parallel_loop3A_1583 : i32
      %parallel_loop3A_1585 = arith.cmpi ne, %parallel_loop3A_1577, %parallel_loop3A_1584 : i32
      %parallel_loop3A_1586 = arith.remsi %parallel_loop3A_1564, %parallel_loop3A_1569 : i32
      %parallel_loop3A_1587 = arith.constant 0 : i32
      %parallel_loop3A_1588 = arith.cmpi ne, %parallel_loop3A_1586, %parallel_loop3A_1587 : i32
      %parallel_loop3A_1589 = arith.andi %parallel_loop3A_1585, %parallel_loop3A_1588 : i1
      %parallel_loop3A_1590 = arith.constant 1 : i32
      %parallel_loop3A_1591 = arith.subi %parallel_loop3A_1570, %parallel_loop3A_1590 : i32
      %parallel_loop3A_1592 = arith.select %parallel_loop3A_1589, %parallel_loop3A_1591, %parallel_loop3A_1570 : i32
      %parallel_loop3A_1593 = arith.constant 16 : i32
      %parallel_loop3A_1594 = arith.constant 0 : i32
      %parallel_loop3A_1595 = arith.cmpi eq, %parallel_loop3A_1593, %parallel_loop3A_1594 : i32
      %parallel_loop3A_1596 = arith.constant 1 : i32
      %parallel_loop3A_1597 = arith.select %parallel_loop3A_1595, %parallel_loop3A_1596, %parallel_loop3A_1593 : i32
      %parallel_loop3A_1598 = arith.remsi %parallel_loop3A_1564, %parallel_loop3A_1597 : i32
      %parallel_loop3A_1599 = arith.constant 0 : i32
      %parallel_loop3A_1600 = arith.cmpi ne, %parallel_loop3A_1598, %parallel_loop3A_1599 : i32
      %parallel_loop3A_1601 = arith.constant 0 : i32
      %parallel_loop3A_1602 = arith.cmpi slt, %parallel_loop3A_1598, %parallel_loop3A_1601 : i32
      %parallel_loop3A_1603 = arith.constant 0 : i32
      %parallel_loop3A_1604 = arith.cmpi slt, %parallel_loop3A_1597, %parallel_loop3A_1603 : i32
      %parallel_loop3A_1605 = arith.xori %parallel_loop3A_1602, %parallel_loop3A_1604 : i1
      %parallel_loop3A_1606 = arith.andi %parallel_loop3A_1605, %parallel_loop3A_1600 : i1
      %parallel_loop3A_1607 = arith.addi %parallel_loop3A_1598, %parallel_loop3A_1597 : i32
      %parallel_loop3A_1608 = arith.select %parallel_loop3A_1606, %parallel_loop3A_1607, %parallel_loop3A_1598 : i32
      %parallel_loop3A_1609 = arith.constant 16 : i32
      %parallel_loop3A_1610 = arith.muli %parallel_loop3A_1608, %parallel_loop3A_1609 : i32
      %parallel_loop3A_1611 = tpu.assume_multiple %parallel_loop3A_1610, 16 : i32
      %parallel_loop3A_1612 = arith.index_cast %parallel_loop3A_1592 : i32 to index
      %parallel_loop3A_1613 = arith.index_cast %parallel_loop3A_1611 : i32 to index
      %parallel_loop3A_1614 = tpu.vector_load %arg8[%parallel_loop3A_1612, %parallel_loop3A_1613] {strides = array<i32>} : memref<24x256xf32, #tpu.memory_space<vmem>>, vector<16xf32>,
      %parallel_loop3A_1615 = arith.constant 1.000000e-03 : f32
      %parallel_loop3A_1616 = vector.broadcast %parallel_loop3A_1615 : f32 to vector<16xf32>
      %parallel_loop3A_1617 = arith.cmpf oge, %parallel_loop3A_1614, %parallel_loop3A_1616 : vector<16xf32>
      %parallel_loop3A_1618 = arith.cmpf ole, %gather3A_1457, %parallel_loop3A_1614 : vector<16xf32>
      %parallel_loop3A_1619 = arith.constant 128 : i32
      %parallel_loop3A_1620 = arith.constant 0 : i32
      %parallel_loop3A_1621 = vector.broadcast %parallel_loop3A_1619 : i32 to vector<16xi32>
      %parallel_loop3A_1622 = vector.broadcast %parallel_loop3A_1620 : i32 to vector<16xi32>
      %parallel_loop3A_1623 = arith.select %parallel_loop3A_1618, %parallel_loop3A_1621, %parallel_loop3A_1622 : vector<16xi1>, vector<16xi32>
      %parallel_loop3A_1624 = arith.constant 0 : i32
      %parallel_loop3A_1625 = vector.broadcast %parallel_loop3A_1624 : i32 to vector<16xi32>
      %parallel_loop3A_1626 = arith.cmpi eq, %parallel_loop3A_1623, %parallel_loop3A_1625 : vector<16xi32>
      %parallel_loop3A_1627 = arith.cmpf ole, %gather3A_1460, %parallel_loop3A_1614 : vector<16xf32>
      %parallel_loop3A_1628 = arith.andi %parallel_loop3A_1626, %parallel_loop3A_1627 : vector<16xi1>
      %parallel_loop3A_1629 = arith.constant 64 : i32
      %parallel_loop3A_1630 = vector.broadcast %parallel_loop3A_1629 : i32 to vector<16xi32>
      %parallel_loop3A_1631 = arith.select %parallel_loop3A_1628, %parallel_loop3A_1630, %parallel_loop3A_1623 : vector<16xi1>, vector<16xi32>
      %parallel_loop3A_1632 = arith.constant 64 : i32
      %parallel_loop3A_1633 = vector.broadcast %parallel_loop3A_1632 : i32 to vector<16xi32>
      %parallel_loop3A_1634 = arith.cmpi eq, %parallel_loop3A_1631, %parallel_loop3A_1633 : vector<16xi32>
      %parallel_loop3A_1635 = arith.select %parallel_loop3A_1634, %gather3A_1466, %gather3A_1463 : vector<16xi1>, vector<16xf32>
      %parallel_loop3A_1636 = arith.constant 64 : i32
      %parallel_loop3A_1637 = vector.broadcast %parallel_loop3A_1636 : i32 to vector<16xi32>
      %parallel_loop3A_1638 = arith.cmpi sle, %parallel_loop3A_1631, %parallel_loop3A_1637 : vector<16xi32>
      %parallel_loop3A_1639 = arith.cmpf ole, %parallel_loop3A_1635, %parallel_loop3A_1614 : vector<16xf32>
      %parallel_loop3A_1640 = arith.andi %parallel_loop3A_1638, %parallel_loop3A_1639 : vector<16xi1>
      %parallel_loop3A_1641 = arith.constant 32 : i32
      %parallel_loop3A_1642 = vector.broadcast %parallel_loop3A_1641 : i32 to vector<16xi32>
      %parallel_loop3A_1643 = arith.addi %parallel_loop3A_1631, %parallel_loop3A_1642 : vector<16xi32>
      %parallel_loop3A_1644 = arith.select %parallel_loop3A_1640, %parallel_loop3A_1643, %parallel_loop3A_1631 : vector<16xi1>, vector<16xi32>
      %parallel_loop3A_1645 = arith.constant 64 : i32
      %parallel_loop3A_1646 = vector.broadcast %parallel_loop3A_1645 : i32 to vector<16xi32>
      %parallel_loop3A_1647 = arith.cmpi sge, %parallel_loop3A_1644, %parallel_loop3A_1646 : vector<16xi32>
      %parallel_loop3A_1648 = arith.constant 96 : i32
      %parallel_loop3A_1649 = vector.broadcast %parallel_loop3A_1648 : i32 to vector<16xi32>
      %parallel_loop3A_1650 = arith.cmpi sge, %parallel_loop3A_1644, %parallel_loop3A_1649 : vector<16xi32>
      %parallel_loop3A_1651 = arith.select %parallel_loop3A_1650, %gather3A_1478, %gather3A_1475 : vector<16xi1>, vector<16xf32>
      %parallel_loop3A_1652 = arith.constant 32 : i32
      %parallel_loop3A_1653 = vector.broadcast %parallel_loop3A_1652 : i32 to vector<16xi32>
      %parallel_loop3A_1654 = arith.cmpi sge, %parallel_loop3A_1644, %parallel_loop3A_1653 : vector<16xi32>
      %parallel_loop3A_1655 = arith.select %parallel_loop3A_1654, %gather3A_1472, %gather3A_1469 : vector<16xi1>, vector<16xf32>
      %parallel_loop3A_1656 = arith.select %parallel_loop3A_1647, %parallel_loop3A_1651, %parallel_loop3A_1655 : vector<16xi1>, vector<16xf32>
      %parallel_loop3A_1657 = arith.constant 96 : i32
      %parallel_loop3A_1658 = vector.broadcast %parallel_loop3A_1657 : i32 to vector<16xi32>
      %parallel_loop3A_1659 = arith.cmpi sle, %parallel_loop3A_1644, %parallel_loop3A_1658 : vector<16xi32>
      %parallel_loop3A_1660 = arith.cmpf ole, %parallel_loop3A_1656, %parallel_loop3A_1614 : vector<16xf32>
      %parallel_loop3A_1661 = arith.andi %parallel_loop3A_1659, %parallel_loop3A_1660 : vector<16xi1>
      %parallel_loop3A_1662 = arith.constant 16 : i32
      %parallel_loop3A_1663 = vector.broadcast %parallel_loop3A_1662 : i32 to vector<16xi32>
      %parallel_loop3A_1664 = arith.addi %parallel_loop3A_1644, %parallel_loop3A_1663 : vector<16xi32>
      %parallel_loop3A_1665 = arith.select %parallel_loop3A_1661, %parallel_loop3A_1664, %parallel_loop3A_1644 : vector<16xi1>, vector<16xi32>
      %parallel_loop3A_1666 = arith.constant 8 : i32
      %parallel_loop3A_1667 = vector.broadcast %parallel_loop3A_1666 : i32 to vector<16xi32>
      %parallel_loop3A_1668 = arith.addi %parallel_loop3A_1665, %parallel_loop3A_1667 : vector<16xi32>
      %parallel_loop3A_1669 = arith.constant 1 : i32
      %parallel_loop3A_1670 = vector.broadcast %parallel_loop3A_1669 : i32 to vector<16xi32>
      %parallel_loop3A_1671 = arith.subi %parallel_loop3A_1668, %parallel_loop3A_1670 : vector<16xi32>
      %parallel_loop3A_1672 = arith.constant 127 : i32
      %parallel_loop3A_1673 = vector.broadcast %parallel_loop3A_1672 : i32 to vector<16xi32>
      %parallel_loop3A_1674 = arith.minsi %parallel_loop3A_1671, %parallel_loop3A_1673 : vector<16xi32>
      %parallel_loop3A_1675 = arith.constant 128 : i32
      %parallel_loop3A_1676 = vector.broadcast %parallel_loop3A_1675 : i32 to vector<16xi32>
      %parallel_loop3A_1677 = arith.addi %parallel_loop3A_1676, %parallel_loop3A_1674 : vector<16xi32>
      %parallel_loop3A_1678 = tpu.vector_load_idx %arg10[%parallel_loop3A_1677] : memref<512xf32, #tpu.memory_space<vmem>>[vector<16xi32>], vector<16xf32>,
      %parallel_loop3A_1679 = arith.constant 128 : i32
      %parallel_loop3A_1680 = vector.broadcast %parallel_loop3A_1679 : i32 to vector<16xi32>
      %parallel_loop3A_1681 = arith.cmpi sle, %parallel_loop3A_1668, %parallel_loop3A_1680 : vector<16xi32>
      %parallel_loop3A_1682 = arith.cmpf ole, %parallel_loop3A_1678, %parallel_loop3A_1614 : vector<16xf32>
      %parallel_loop3A_1683 = arith.andi %parallel_loop3A_1681, %parallel_loop3A_1682 : vector<16xi1>
      %parallel_loop3A_1684 = arith.select %parallel_loop3A_1683, %parallel_loop3A_1668, %parallel_loop3A_1665 : vector<16xi1>, vector<16xi32>
      %parallel_loop3A_1685 = arith.constant 4 : i32
      %parallel_loop3A_1686 = vector.broadcast %parallel_loop3A_1685 : i32 to vector<16xi32>
      %parallel_loop3A_1687 = arith.addi %parallel_loop3A_1684, %parallel_loop3A_1686 : vector<16xi32>
      %parallel_loop3A_1688 = arith.constant 1 : i32
      %parallel_loop3A_1689 = vector.broadcast %parallel_loop3A_1688 : i32 to vector<16xi32>
      %parallel_loop3A_1690 = arith.subi %parallel_loop3A_1687, %parallel_loop3A_1689 : vector<16xi32>
      %parallel_loop3A_1691 = arith.constant 127 : i32
      %parallel_loop3A_1692 = vector.broadcast %parallel_loop3A_1691 : i32 to vector<16xi32>
      %parallel_loop3A_1693 = arith.minsi %parallel_loop3A_1690, %parallel_loop3A_1692 : vector<16xi32>
      %parallel_loop3A_1694 = arith.constant 128 : i32
      %parallel_loop3A_1695 = vector.broadcast %parallel_loop3A_1694 : i32 to vector<16xi32>
      %parallel_loop3A_1696 = arith.addi %parallel_loop3A_1695, %parallel_loop3A_1693 : vector<16xi32>
      %parallel_loop3A_1697 = tpu.vector_load_idx %arg10[%parallel_loop3A_1696] : memref<512xf32, #tpu.memory_space<vmem>>[vector<16xi32>], vector<16xf32>,
      %parallel_loop3A_1698 = arith.constant 128 : i32
      %parallel_loop3A_1699 = vector.broadcast %parallel_loop3A_1698 : i32 to vector<16xi32>
      %parallel_loop3A_1700 = arith.cmpi sle, %parallel_loop3A_1687, %parallel_loop3A_1699 : vector<16xi32>
      %parallel_loop3A_1701 = arith.cmpf ole, %parallel_loop3A_1697, %parallel_loop3A_1614 : vector<16xf32>
      %parallel_loop3A_1702 = arith.andi %parallel_loop3A_1700, %parallel_loop3A_1701 : vector<16xi1>
      %parallel_loop3A_1703 = arith.select %parallel_loop3A_1702, %parallel_loop3A_1687, %parallel_loop3A_1684 : vector<16xi1>, vector<16xi32>
      %parallel_loop3A_1704 = arith.constant 2 : i32
      %parallel_loop3A_1705 = vector.broadcast %parallel_loop3A_1704 : i32 to vector<16xi32>
      %parallel_loop3A_1706 = arith.addi %parallel_loop3A_1703, %parallel_loop3A_1705 : vector<16xi32>
      %parallel_loop3A_1707 = arith.constant 1 : i32
      %parallel_loop3A_1708 = vector.broadcast %parallel_loop3A_1707 : i32 to vector<16xi32>
      %parallel_loop3A_1709 = arith.subi %parallel_loop3A_1706, %parallel_loop3A_1708 : vector<16xi32>
      %parallel_loop3A_1710 = arith.constant 127 : i32
      %parallel_loop3A_1711 = vector.broadcast %parallel_loop3A_1710 : i32 to vector<16xi32>
      %parallel_loop3A_1712 = arith.minsi %parallel_loop3A_1709, %parallel_loop3A_1711 : vector<16xi32>
      %parallel_loop3A_1713 = arith.constant 128 : i32
      %parallel_loop3A_1714 = vector.broadcast %parallel_loop3A_1713 : i32 to vector<16xi32>
      %parallel_loop3A_1715 = arith.addi %parallel_loop3A_1714, %parallel_loop3A_1712 : vector<16xi32>
      %parallel_loop3A_1716 = tpu.vector_load_idx %arg10[%parallel_loop3A_1715] : memref<512xf32, #tpu.memory_space<vmem>>[vector<16xi32>], vector<16xf32>,
      %parallel_loop3A_1717 = arith.constant 128 : i32
      %parallel_loop3A_1718 = vector.broadcast %parallel_loop3A_1717 : i32 to vector<16xi32>
      %parallel_loop3A_1719 = arith.cmpi sle, %parallel_loop3A_1706, %parallel_loop3A_1718 : vector<16xi32>
      %parallel_loop3A_1720 = arith.cmpf ole, %parallel_loop3A_1716, %parallel_loop3A_1614 : vector<16xf32>
      %parallel_loop3A_1721 = arith.andi %parallel_loop3A_1719, %parallel_loop3A_1720 : vector<16xi1>
      %parallel_loop3A_1722 = arith.select %parallel_loop3A_1721, %parallel_loop3A_1706, %parallel_loop3A_1703 : vector<16xi1>, vector<16xi32>
      %parallel_loop3A_1723 = arith.constant 1 : i32
      %parallel_loop3A_1724 = vector.broadcast %parallel_loop3A_1723 : i32 to vector<16xi32>
      %parallel_loop3A_1725 = arith.addi %parallel_loop3A_1722, %parallel_loop3A_1724 : vector<16xi32>
      %parallel_loop3A_1726 = arith.constant 1 : i32
      %parallel_loop3A_1727 = vector.broadcast %parallel_loop3A_1726 : i32 to vector<16xi32>
      %parallel_loop3A_1728 = arith.subi %parallel_loop3A_1725, %parallel_loop3A_1727 : vector<16xi32>
      %parallel_loop3A_1729 = arith.constant 127 : i32
      %parallel_loop3A_1730 = vector.broadcast %parallel_loop3A_1729 : i32 to vector<16xi32>
      %parallel_loop3A_1731 = arith.minsi %parallel_loop3A_1728, %parallel_loop3A_1730 : vector<16xi32>
      %parallel_loop3A_1732 = arith.constant 128 : i32
      %parallel_loop3A_1733 = vector.broadcast %parallel_loop3A_1732 : i32 to vector<16xi32>
      %parallel_loop3A_1734 = arith.addi %parallel_loop3A_1733, %parallel_loop3A_1731 : vector<16xi32>
      %parallel_loop3A_1735 = tpu.vector_load_idx %arg10[%parallel_loop3A_1734] : memref<512xf32, #tpu.memory_space<vmem>>[vector<16xi32>], vector<16xf32>,
      %parallel_loop3A_1736 = arith.constant 128 : i32
      %parallel_loop3A_1737 = vector.broadcast %parallel_loop3A_1736 : i32 to vector<16xi32>
      %parallel_loop3A_1738 = arith.cmpi sle, %parallel_loop3A_1725, %parallel_loop3A_1737 : vector<16xi32>
      %parallel_loop3A_1739 = arith.cmpf ole, %parallel_loop3A_1735, %parallel_loop3A_1614 : vector<16xf32>
      %parallel_loop3A_1740 = arith.andi %parallel_loop3A_1738, %parallel_loop3A_1739 : vector<16xi1>
      %parallel_loop3A_1741 = arith.select %parallel_loop3A_1740, %parallel_loop3A_1725, %parallel_loop3A_1722 : vector<16xi1>, vector<16xi32>
      %parallel_loop3A_1742 = arith.constant 1 : i32
      %parallel_loop3A_1743 = vector.broadcast %parallel_loop3A_1742 : i32 to vector<16xi32>
      %parallel_loop3A_1744 = arith.subi %parallel_loop3A_1741, %parallel_loop3A_1743 : vector<16xi32>
      %parallel_loop3A_1745 = arith.constant 0 : i32
      %parallel_loop3A_1746 = vector.broadcast %parallel_loop3A_1745 : i32 to vector<16xi32>
      %parallel_loop3A_1747 = arith.maxsi %parallel_loop3A_1744, %parallel_loop3A_1746 : vector<16xi32>
      %parallel_loop3A_1748 = arith.constant 128 : i32
      %parallel_loop3A_1749 = vector.broadcast %parallel_loop3A_1748 : i32 to vector<16xi32>
      %parallel_loop3A_1750 = arith.addi %parallel_loop3A_1749, %parallel_loop3A_1747 : vector<16xi32>
      %parallel_loop3A_1751 = tpu.vector_load_idx %arg10[%parallel_loop3A_1750] : memref<512xf32, #tpu.memory_space<vmem>>[vector<16xi32>], vector<16xf32>,
      %parallel_loop3A_1752 = arith.constant 127 : i32
      %parallel_loop3A_1753 = vector.broadcast %parallel_loop3A_1752 : i32 to vector<16xi32>
      %parallel_loop3A_1754 = arith.minsi %parallel_loop3A_1741, %parallel_loop3A_1753 : vector<16xi32>
      %parallel_loop3A_1755 = arith.constant 128 : i32
      %parallel_loop3A_1756 = vector.broadcast %parallel_loop3A_1755 : i32 to vector<16xi32>
      %parallel_loop3A_1757 = arith.addi %parallel_loop3A_1756, %parallel_loop3A_1754 : vector<16xi32>
      %parallel_loop3A_1758 = tpu.vector_load_idx %arg10[%parallel_loop3A_1757] : memref<512xf32, #tpu.memory_space<vmem>>[vector<16xi32>], vector<16xf32>,
      %parallel_loop3A_1759 = arith.subf %parallel_loop3A_1614, %parallel_loop3A_1751 : vector<16xf32>
      %parallel_loop3A_1760 = arith.subf %parallel_loop3A_1758, %parallel_loop3A_1614 : vector<16xf32>
      %parallel_loop3A_1761 = arith.constant 0 : i32
      %parallel_loop3A_1762 = vector.broadcast %parallel_loop3A_1761 : i32 to vector<16xi32>
      %parallel_loop3A_1763 = arith.cmpi sgt, %parallel_loop3A_1741, %parallel_loop3A_1762 : vector<16xi32>
      %parallel_loop3A_1764 = arith.mulf %parallel_loop3A_1759, %parallel_loop3A_1759 : vector<16xf32>
      %parallel_loop3A_1765 = arith.constant 1.000000e+10 : f32
      %parallel_loop3A_1766 = vector.broadcast %parallel_loop3A_1765 : f32 to vector<16xf32>
      %parallel_loop3A_1767 = arith.select %parallel_loop3A_1763, %parallel_loop3A_1764, %parallel_loop3A_1766 : vector<16xi1>, vector<16xf32>
      %parallel_loop3A_1768 = arith.constant 128 : i32
      %parallel_loop3A_1769 = vector.broadcast %parallel_loop3A_1768 : i32 to vector<16xi32>
      %parallel_loop3A_1770 = arith.cmpi slt, %parallel_loop3A_1741, %parallel_loop3A_1769 : vector<16xi32>
      %parallel_loop3A_1771 = arith.mulf %parallel_loop3A_1760, %parallel_loop3A_1760 : vector<16xf32>
      %parallel_loop3A_1772 = arith.constant 1.000000e+10 : f32
      %parallel_loop3A_1773 = vector.broadcast %parallel_loop3A_1772 : f32 to vector<16xf32>
      %parallel_loop3A_1774 = arith.select %parallel_loop3A_1770, %parallel_loop3A_1771, %parallel_loop3A_1773 : vector<16xi1>, vector<16xf32>
      %parallel_loop3A_1775 = arith.minimumf %parallel_loop3A_1767, %parallel_loop3A_1774 : vector<16xf32>
      %parallel_loop3A_1776 = arith.constant 0.000000e+00 : f32
      %parallel_loop3A_1777 = vector.broadcast %parallel_loop3A_1776 : f32 to vector<16xf32>
      %parallel_loop3A_1778 = arith.select %parallel_loop3A_1617, %parallel_loop3A_1775, %parallel_loop3A_1777 : vector<16xi1>, vector<16xf32>
      %parallel_loop3A_1779 = arith.addf %parallel_loop3A_1565, %parallel_loop3A_1778 : vector<16xf32>
      %parallel_loop3A_1780 = arith.constant 129 : i32
      %parallel_loop3A_1781 = vector.broadcast %parallel_loop3A_1780 : i32 to vector<16xi32>
      %parallel_loop3A_1782 = arith.select %parallel_loop3A_1617, %parallel_loop3A_1741, %parallel_loop3A_1781 : vector<16xi1>, vector<16xi32>
      %parallel_loop3A_1783 = arith.constant 16 : i32
      %parallel_loop3A_1784 = vector.broadcast %parallel_loop3A_1783 : i32 to vector<16xi32>
      %parallel_loop3A_1785 = arith.muli %parallel_loop3A_1782, %parallel_loop3A_1784 : vector<16xi32>
      %parallel_loop3A_1786 = arith.addi %parallel_loop3A_1785, %iota3A : vector<16xi32>
      %parallel_loop3A_1787 = arith.index_cast %parallel_loop3A_1568 : i32 to index
      %parallel_loop3A_1788 = tpu.vector_load %arg12[%parallel_loop3A_1787] {strides = array<i32>} : memref<6144xi32, #tpu.memory_space<vmem>>, vector<16xi32>,
      tpu.vector_store %arg12[%parallel_loop3A_1787], %parallel_loop3A_1786 {strides = array<i32>} : memref<6144xi32, #tpu.memory_space<vmem>>, vector<16xi32>,
      scf.yield %parallel_loop3A_1779 : vector<16xf32>
    } {sc.loop_unroll_factor = 2 : i64, sc.parallel_access}
    %parallel_loop3A_1534 = arith.constant 0 : i32
    %parallel_loop3A_1535 = arith.constant 384 : i32
    %parallel_loop3A_1536 = arith.constant 1 : i32
    %parallel_loop3A_1537 = scf.for %parallel_loop3A_1564 = %parallel_loop3A_1534 to %parallel_loop3A_1535 step %parallel_loop3A_1536 iter_args(%parallel_loop3A_1565 = %broadcast_in_dim3A_1431) -> (vector<16xf32>)  : i32 {
      %parallel_loop3A_1566 = arith.constant 16 : i32
      %parallel_loop3A_1567 = arith.muli %parallel_loop3A_1564, %parallel_loop3A_1566 : i32
      %parallel_loop3A_1568 = tpu.assume_multiple %parallel_loop3A_1567, 16 : i32
      %parallel_loop3A_1569 = arith.constant 16 : i32
      %parallel_loop3A_1570 = arith.divsi %parallel_loop3A_1564, %parallel_loop3A_1569 : i32
      %parallel_loop3A_1571 = arith.constant 0 : i32
      %parallel_loop3A_1572 = arith.cmpi sgt, %parallel_loop3A_1564, %parallel_loop3A_1571 : i32
      %parallel_loop3A_1573 = arith.extui %parallel_loop3A_1572 : i1 to i32
      %parallel_loop3A_1574 = arith.constant 0 : i32
      %parallel_loop3A_1575 = arith.cmpi slt, %parallel_loop3A_1564, %parallel_loop3A_1574 : i32
      %parallel_loop3A_1576 = arith.extui %parallel_loop3A_1575 : i1 to i32
      %parallel_loop3A_1577 = arith.subi %parallel_loop3A_1573, %parallel_loop3A_1576 : i32
      %parallel_loop3A_1578 = arith.constant 0 : i32
      %parallel_loop3A_1579 = arith.cmpi sgt, %parallel_loop3A_1569, %parallel_loop3A_1578 : i32
      %parallel_loop3A_1580 = arith.extui %parallel_loop3A_1579 : i1 to i32
      %parallel_loop3A_1581 = arith.constant 0 : i32
      %parallel_loop3A_1582 = arith.cmpi slt, %parallel_loop3A_1569, %parallel_loop3A_1581 : i32
      %parallel_loop3A_1583 = arith.extui %parallel_loop3A_1582 : i1 to i32
      %parallel_loop3A_1584 = arith.subi %parallel_loop3A_1580, %parallel_loop3A_1583 : i32
      %parallel_loop3A_1585 = arith.cmpi ne, %parallel_loop3A_1577, %parallel_loop3A_1584 : i32
      %parallel_loop3A_1586 = arith.remsi %parallel_loop3A_1564, %parallel_loop3A_1569 : i32
      %parallel_loop3A_1587 = arith.constant 0 : i32
      %parallel_loop3A_1588 = arith.cmpi ne, %parallel_loop3A_1586, %parallel_loop3A_1587 : i32
      %parallel_loop3A_1589 = arith.andi %parallel_loop3A_1585, %parallel_loop3A_1588 : i1
      %parallel_loop3A_1590 = arith.constant 1 : i32
      %parallel_loop3A_1591 = arith.subi %parallel_loop3A_1570, %parallel_loop3A_1590 : i32
      %parallel_loop3A_1592 = arith.select %parallel_loop3A_1589, %parallel_loop3A_1591, %parallel_loop3A_1570 : i32
      %parallel_loop3A_1593 = arith.constant 16 : i32
      %parallel_loop3A_1594 = arith.constant 0 : i32
      %parallel_loop3A_1595 = arith.cmpi eq, %parallel_loop3A_1593, %parallel_loop3A_1594 : i32
      %parallel_loop3A_1596 = arith.constant 1 : i32
      %parallel_loop3A_1597 = arith.select %parallel_loop3A_1595, %parallel_loop3A_1596, %parallel_loop3A_1593 : i32
      %parallel_loop3A_1598 = arith.remsi %parallel_loop3A_1564, %parallel_loop3A_1597 : i32
      %parallel_loop3A_1599 = arith.constant 0 : i32
      %parallel_loop3A_1600 = arith.cmpi ne, %parallel_loop3A_1598, %parallel_loop3A_1599 : i32
      %parallel_loop3A_1601 = arith.constant 0 : i32
      %parallel_loop3A_1602 = arith.cmpi slt, %parallel_loop3A_1598, %parallel_loop3A_1601 : i32
      %parallel_loop3A_1603 = arith.constant 0 : i32
      %parallel_loop3A_1604 = arith.cmpi slt, %parallel_loop3A_1597, %parallel_loop3A_1603 : i32
      %parallel_loop3A_1605 = arith.xori %parallel_loop3A_1602, %parallel_loop3A_1604 : i1
      %parallel_loop3A_1606 = arith.andi %parallel_loop3A_1605, %parallel_loop3A_1600 : i1
      %parallel_loop3A_1607 = arith.addi %parallel_loop3A_1598, %parallel_loop3A_1597 : i32
      %parallel_loop3A_1608 = arith.select %parallel_loop3A_1606, %parallel_loop3A_1607, %parallel_loop3A_1598 : i32
      %parallel_loop3A_1609 = arith.constant 16 : i32
      %parallel_loop3A_1610 = arith.muli %parallel_loop3A_1608, %parallel_loop3A_1609 : i32
      %parallel_loop3A_1611 = tpu.assume_multiple %parallel_loop3A_1610, 16 : i32
      %parallel_loop3A_1612 = arith.index_cast %parallel_loop3A_1592 : i32 to index
      %parallel_loop3A_1613 = arith.index_cast %parallel_loop3A_1611 : i32 to index
      %parallel_loop3A_1614 = tpu.vector_load %arg8[%parallel_loop3A_1612, %parallel_loop3A_1613] {strides = array<i32>} : memref<24x256xf32, #tpu.memory_space<vmem>>, vector<16xf32>,
      %parallel_loop3A_1615 = arith.constant 1.000000e-03 : f32
      %parallel_loop3A_1616 = vector.broadcast %parallel_loop3A_1615 : f32 to vector<16xf32>
      %parallel_loop3A_1617 = arith.cmpf oge, %parallel_loop3A_1614, %parallel_loop3A_1616 : vector<16xf32>
      %parallel_loop3A_1618 = arith.cmpf ole, %gather3A_1481, %parallel_loop3A_1614 : vector<16xf32>
      %parallel_loop3A_1619 = arith.constant 128 : i32
      %parallel_loop3A_1620 = arith.constant 0 : i32
      %parallel_loop3A_1621 = vector.broadcast %parallel_loop3A_1619 : i32 to vector<16xi32>
      %parallel_loop3A_1622 = vector.broadcast %parallel_loop3A_1620 : i32 to vector<16xi32>
      %parallel_loop3A_1623 = arith.select %parallel_loop3A_1618, %parallel_loop3A_1621, %parallel_loop3A_1622 : vector<16xi1>, vector<16xi32>
      %parallel_loop3A_1624 = arith.constant 0 : i32
      %parallel_loop3A_1625 = vector.broadcast %parallel_loop3A_1624 : i32 to vector<16xi32>
      %parallel_loop3A_1626 = arith.cmpi eq, %parallel_loop3A_1623, %parallel_loop3A_1625 : vector<16xi32>
      %parallel_loop3A_1627 = arith.cmpf ole, %gather3A_1484, %parallel_loop3A_1614 : vector<16xf32>
      %parallel_loop3A_1628 = arith.andi %parallel_loop3A_1626, %parallel_loop3A_1627 : vector<16xi1>
      %parallel_loop3A_1629 = arith.constant 64 : i32
      %parallel_loop3A_1630 = vector.broadcast %parallel_loop3A_1629 : i32 to vector<16xi32>
      %parallel_loop3A_1631 = arith.select %parallel_loop3A_1628, %parallel_loop3A_1630, %parallel_loop3A_1623 : vector<16xi1>, vector<16xi32>
      %parallel_loop3A_1632 = arith.constant 64 : i32
      %parallel_loop3A_1633 = vector.broadcast %parallel_loop3A_1632 : i32 to vector<16xi32>
      %parallel_loop3A_1634 = arith.cmpi eq, %parallel_loop3A_1631, %parallel_loop3A_1633 : vector<16xi32>
      %parallel_loop3A_1635 = arith.select %parallel_loop3A_1634, %gather3A_1490, %gather3A_1487 : vector<16xi1>, vector<16xf32>
      %parallel_loop3A_1636 = arith.constant 64 : i32
      %parallel_loop3A_1637 = vector.broadcast %parallel_loop3A_1636 : i32 to vector<16xi32>
      %parallel_loop3A_1638 = arith.cmpi sle, %parallel_loop3A_1631, %parallel_loop3A_1637 : vector<16xi32>
      %parallel_loop3A_1639 = arith.cmpf ole, %parallel_loop3A_1635, %parallel_loop3A_1614 : vector<16xf32>
      %parallel_loop3A_1640 = arith.andi %parallel_loop3A_1638, %parallel_loop3A_1639 : vector<16xi1>
      %parallel_loop3A_1641 = arith.constant 32 : i32
      %parallel_loop3A_1642 = vector.broadcast %parallel_loop3A_1641 : i32 to vector<16xi32>
      %parallel_loop3A_1643 = arith.addi %parallel_loop3A_1631, %parallel_loop3A_1642 : vector<16xi32>
      %parallel_loop3A_1644 = arith.select %parallel_loop3A_1640, %parallel_loop3A_1643, %parallel_loop3A_1631 : vector<16xi1>, vector<16xi32>
      %parallel_loop3A_1645 = arith.constant 64 : i32
      %parallel_loop3A_1646 = vector.broadcast %parallel_loop3A_1645 : i32 to vector<16xi32>
      %parallel_loop3A_1647 = arith.cmpi sge, %parallel_loop3A_1644, %parallel_loop3A_1646 : vector<16xi32>
      %parallel_loop3A_1648 = arith.constant 96 : i32
      %parallel_loop3A_1649 = vector.broadcast %parallel_loop3A_1648 : i32 to vector<16xi32>
      %parallel_loop3A_1650 = arith.cmpi sge, %parallel_loop3A_1644, %parallel_loop3A_1649 : vector<16xi32>
      %parallel_loop3A_1651 = arith.select %parallel_loop3A_1650, %gather3A_1502, %gather3A_1499 : vector<16xi1>, vector<16xf32>
      %parallel_loop3A_1652 = arith.constant 32 : i32
      %parallel_loop3A_1653 = vector.broadcast %parallel_loop3A_1652 : i32 to vector<16xi32>
      %parallel_loop3A_1654 = arith.cmpi sge, %parallel_loop3A_1644, %parallel_loop3A_1653 : vector<16xi32>
      %parallel_loop3A_1655 = arith.select %parallel_loop3A_1654, %gather3A_1496, %gather3A_1493 : vector<16xi1>, vector<16xf32>
      %parallel_loop3A_1656 = arith.select %parallel_loop3A_1647, %parallel_loop3A_1651, %parallel_loop3A_1655 : vector<16xi1>, vector<16xf32>
      %parallel_loop3A_1657 = arith.constant 96 : i32
      %parallel_loop3A_1658 = vector.broadcast %parallel_loop3A_1657 : i32 to vector<16xi32>
      %parallel_loop3A_1659 = arith.cmpi sle, %parallel_loop3A_1644, %parallel_loop3A_1658 : vector<16xi32>
      %parallel_loop3A_1660 = arith.cmpf ole, %parallel_loop3A_1656, %parallel_loop3A_1614 : vector<16xf32>
      %parallel_loop3A_1661 = arith.andi %parallel_loop3A_1659, %parallel_loop3A_1660 : vector<16xi1>
      %parallel_loop3A_1662 = arith.constant 16 : i32
      %parallel_loop3A_1663 = vector.broadcast %parallel_loop3A_1662 : i32 to vector<16xi32>
      %parallel_loop3A_1664 = arith.addi %parallel_loop3A_1644, %parallel_loop3A_1663 : vector<16xi32>
      %parallel_loop3A_1665 = arith.select %parallel_loop3A_1661, %parallel_loop3A_1664, %parallel_loop3A_1644 : vector<16xi1>, vector<16xi32>
      %parallel_loop3A_1666 = arith.constant 8 : i32
      %parallel_loop3A_1667 = vector.broadcast %parallel_loop3A_1666 : i32 to vector<16xi32>
      %parallel_loop3A_1668 = arith.addi %parallel_loop3A_1665, %parallel_loop3A_1667 : vector<16xi32>
      %parallel_loop3A_1669 = arith.constant 1 : i32
      %parallel_loop3A_1670 = vector.broadcast %parallel_loop3A_1669 : i32 to vector<16xi32>
      %parallel_loop3A_1671 = arith.subi %parallel_loop3A_1668, %parallel_loop3A_1670 : vector<16xi32>
      %parallel_loop3A_1672 = arith.constant 127 : i32
      %parallel_loop3A_1673 = vector.broadcast %parallel_loop3A_1672 : i32 to vector<16xi32>
      %parallel_loop3A_1674 = arith.minsi %parallel_loop3A_1671, %parallel_loop3A_1673 : vector<16xi32>
      %parallel_loop3A_1675 = arith.constant 256 : i32
      %parallel_loop3A_1676 = vector.broadcast %parallel_loop3A_1675 : i32 to vector<16xi32>
      %parallel_loop3A_1677 = arith.addi %parallel_loop3A_1676, %parallel_loop3A_1674 : vector<16xi32>
      %parallel_loop3A_1678 = tpu.vector_load_idx %arg10[%parallel_loop3A_1677] : memref<512xf32, #tpu.memory_space<vmem>>[vector<16xi32>], vector<16xf32>,
      %parallel_loop3A_1679 = arith.constant 128 : i32
      %parallel_loop3A_1680 = vector.broadcast %parallel_loop3A_1679 : i32 to vector<16xi32>
      %parallel_loop3A_1681 = arith.cmpi sle, %parallel_loop3A_1668, %parallel_loop3A_1680 : vector<16xi32>
      %parallel_loop3A_1682 = arith.cmpf ole, %parallel_loop3A_1678, %parallel_loop3A_1614 : vector<16xf32>
      %parallel_loop3A_1683 = arith.andi %parallel_loop3A_1681, %parallel_loop3A_1682 : vector<16xi1>
      %parallel_loop3A_1684 = arith.select %parallel_loop3A_1683, %parallel_loop3A_1668, %parallel_loop3A_1665 : vector<16xi1>, vector<16xi32>
      %parallel_loop3A_1685 = arith.constant 4 : i32
      %parallel_loop3A_1686 = vector.broadcast %parallel_loop3A_1685 : i32 to vector<16xi32>
      %parallel_loop3A_1687 = arith.addi %parallel_loop3A_1684, %parallel_loop3A_1686 : vector<16xi32>
      %parallel_loop3A_1688 = arith.constant 1 : i32
      %parallel_loop3A_1689 = vector.broadcast %parallel_loop3A_1688 : i32 to vector<16xi32>
      %parallel_loop3A_1690 = arith.subi %parallel_loop3A_1687, %parallel_loop3A_1689 : vector<16xi32>
      %parallel_loop3A_1691 = arith.constant 127 : i32
      %parallel_loop3A_1692 = vector.broadcast %parallel_loop3A_1691 : i32 to vector<16xi32>
      %parallel_loop3A_1693 = arith.minsi %parallel_loop3A_1690, %parallel_loop3A_1692 : vector<16xi32>
      %parallel_loop3A_1694 = arith.constant 256 : i32
      %parallel_loop3A_1695 = vector.broadcast %parallel_loop3A_1694 : i32 to vector<16xi32>
      %parallel_loop3A_1696 = arith.addi %parallel_loop3A_1695, %parallel_loop3A_1693 : vector<16xi32>
      %parallel_loop3A_1697 = tpu.vector_load_idx %arg10[%parallel_loop3A_1696] : memref<512xf32, #tpu.memory_space<vmem>>[vector<16xi32>], vector<16xf32>,
      %parallel_loop3A_1698 = arith.constant 128 : i32
      %parallel_loop3A_1699 = vector.broadcast %parallel_loop3A_1698 : i32 to vector<16xi32>
      %parallel_loop3A_1700 = arith.cmpi sle, %parallel_loop3A_1687, %parallel_loop3A_1699 : vector<16xi32>
      %parallel_loop3A_1701 = arith.cmpf ole, %parallel_loop3A_1697, %parallel_loop3A_1614 : vector<16xf32>
      %parallel_loop3A_1702 = arith.andi %parallel_loop3A_1700, %parallel_loop3A_1701 : vector<16xi1>
      %parallel_loop3A_1703 = arith.select %parallel_loop3A_1702, %parallel_loop3A_1687, %parallel_loop3A_1684 : vector<16xi1>, vector<16xi32>
      %parallel_loop3A_1704 = arith.constant 2 : i32
      %parallel_loop3A_1705 = vector.broadcast %parallel_loop3A_1704 : i32 to vector<16xi32>
      %parallel_loop3A_1706 = arith.addi %parallel_loop3A_1703, %parallel_loop3A_1705 : vector<16xi32>
      %parallel_loop3A_1707 = arith.constant 1 : i32
      %parallel_loop3A_1708 = vector.broadcast %parallel_loop3A_1707 : i32 to vector<16xi32>
      %parallel_loop3A_1709 = arith.subi %parallel_loop3A_1706, %parallel_loop3A_1708 : vector<16xi32>
      %parallel_loop3A_1710 = arith.constant 127 : i32
      %parallel_loop3A_1711 = vector.broadcast %parallel_loop3A_1710 : i32 to vector<16xi32>
      %parallel_loop3A_1712 = arith.minsi %parallel_loop3A_1709, %parallel_loop3A_1711 : vector<16xi32>
      %parallel_loop3A_1713 = arith.constant 256 : i32
      %parallel_loop3A_1714 = vector.broadcast %parallel_loop3A_1713 : i32 to vector<16xi32>
      %parallel_loop3A_1715 = arith.addi %parallel_loop3A_1714, %parallel_loop3A_1712 : vector<16xi32>
      %parallel_loop3A_1716 = tpu.vector_load_idx %arg10[%parallel_loop3A_1715] : memref<512xf32, #tpu.memory_space<vmem>>[vector<16xi32>], vector<16xf32>,
      %parallel_loop3A_1717 = arith.constant 128 : i32
      %parallel_loop3A_1718 = vector.broadcast %parallel_loop3A_1717 : i32 to vector<16xi32>
      %parallel_loop3A_1719 = arith.cmpi sle, %parallel_loop3A_1706, %parallel_loop3A_1718 : vector<16xi32>
      %parallel_loop3A_1720 = arith.cmpf ole, %parallel_loop3A_1716, %parallel_loop3A_1614 : vector<16xf32>
      %parallel_loop3A_1721 = arith.andi %parallel_loop3A_1719, %parallel_loop3A_1720 : vector<16xi1>
      %parallel_loop3A_1722 = arith.select %parallel_loop3A_1721, %parallel_loop3A_1706, %parallel_loop3A_1703 : vector<16xi1>, vector<16xi32>
      %parallel_loop3A_1723 = arith.constant 1 : i32
      %parallel_loop3A_1724 = vector.broadcast %parallel_loop3A_1723 : i32 to vector<16xi32>
      %parallel_loop3A_1725 = arith.addi %parallel_loop3A_1722, %parallel_loop3A_1724 : vector<16xi32>
      %parallel_loop3A_1726 = arith.constant 1 : i32
      %parallel_loop3A_1727 = vector.broadcast %parallel_loop3A_1726 : i32 to vector<16xi32>
      %parallel_loop3A_1728 = arith.subi %parallel_loop3A_1725, %parallel_loop3A_1727 : vector<16xi32>
      %parallel_loop3A_1729 = arith.constant 127 : i32
      %parallel_loop3A_1730 = vector.broadcast %parallel_loop3A_1729 : i32 to vector<16xi32>
      %parallel_loop3A_1731 = arith.minsi %parallel_loop3A_1728, %parallel_loop3A_1730 : vector<16xi32>
      %parallel_loop3A_1732 = arith.constant 256 : i32
      %parallel_loop3A_1733 = vector.broadcast %parallel_loop3A_1732 : i32 to vector<16xi32>
      %parallel_loop3A_1734 = arith.addi %parallel_loop3A_1733, %parallel_loop3A_1731 : vector<16xi32>
      %parallel_loop3A_1735 = tpu.vector_load_idx %arg10[%parallel_loop3A_1734] : memref<512xf32, #tpu.memory_space<vmem>>[vector<16xi32>], vector<16xf32>,
      %parallel_loop3A_1736 = arith.constant 128 : i32
      %parallel_loop3A_1737 = vector.broadcast %parallel_loop3A_1736 : i32 to vector<16xi32>
      %parallel_loop3A_1738 = arith.cmpi sle, %parallel_loop3A_1725, %parallel_loop3A_1737 : vector<16xi32>
      %parallel_loop3A_1739 = arith.cmpf ole, %parallel_loop3A_1735, %parallel_loop3A_1614 : vector<16xf32>
      %parallel_loop3A_1740 = arith.andi %parallel_loop3A_1738, %parallel_loop3A_1739 : vector<16xi1>
      %parallel_loop3A_1741 = arith.select %parallel_loop3A_1740, %parallel_loop3A_1725, %parallel_loop3A_1722 : vector<16xi1>, vector<16xi32>
      %parallel_loop3A_1742 = arith.constant 1 : i32
      %parallel_loop3A_1743 = vector.broadcast %parallel_loop3A_1742 : i32 to vector<16xi32>
      %parallel_loop3A_1744 = arith.subi %parallel_loop3A_1741, %parallel_loop3A_1743 : vector<16xi32>
      %parallel_loop3A_1745 = arith.constant 0 : i32
      %parallel_loop3A_1746 = vector.broadcast %parallel_loop3A_1745 : i32 to vector<16xi32>
      %parallel_loop3A_1747 = arith.maxsi %parallel_loop3A_1744, %parallel_loop3A_1746 : vector<16xi32>
      %parallel_loop3A_1748 = arith.constant 256 : i32
      %parallel_loop3A_1749 = vector.broadcast %parallel_loop3A_1748 : i32 to vector<16xi32>
      %parallel_loop3A_1750 = arith.addi %parallel_loop3A_1749, %parallel_loop3A_1747 : vector<16xi32>
      %parallel_loop3A_1751 = tpu.vector_load_idx %arg10[%parallel_loop3A_1750] : memref<512xf32, #tpu.memory_space<vmem>>[vector<16xi32>], vector<16xf32>,
      %parallel_loop3A_1752 = arith.constant 127 : i32
      %parallel_loop3A_1753 = vector.broadcast %parallel_loop3A_1752 : i32 to vector<16xi32>
      %parallel_loop3A_1754 = arith.minsi %parallel_loop3A_1741, %parallel_loop3A_1753 : vector<16xi32>
      %parallel_loop3A_1755 = arith.constant 256 : i32
      %parallel_loop3A_1756 = vector.broadcast %parallel_loop3A_1755 : i32 to vector<16xi32>
      %parallel_loop3A_1757 = arith.addi %parallel_loop3A_1756, %parallel_loop3A_1754 : vector<16xi32>
      %parallel_loop3A_1758 = tpu.vector_load_idx %arg10[%parallel_loop3A_1757] : memref<512xf32, #tpu.memory_space<vmem>>[vector<16xi32>], vector<16xf32>,
      %parallel_loop3A_1759 = arith.subf %parallel_loop3A_1614, %parallel_loop3A_1751 : vector<16xf32>
      %parallel_loop3A_1760 = arith.subf %parallel_loop3A_1758, %parallel_loop3A_1614 : vector<16xf32>
      %parallel_loop3A_1761 = arith.constant 0 : i32
      %parallel_loop3A_1762 = vector.broadcast %parallel_loop3A_1761 : i32 to vector<16xi32>
      %parallel_loop3A_1763 = arith.cmpi sgt, %parallel_loop3A_1741, %parallel_loop3A_1762 : vector<16xi32>
      %parallel_loop3A_1764 = arith.mulf %parallel_loop3A_1759, %parallel_loop3A_1759 : vector<16xf32>
      %parallel_loop3A_1765 = arith.constant 1.000000e+10 : f32
      %parallel_loop3A_1766 = vector.broadcast %parallel_loop3A_1765 : f32 to vector<16xf32>
      %parallel_loop3A_1767 = arith.select %parallel_loop3A_1763, %parallel_loop3A_1764, %parallel_loop3A_1766 : vector<16xi1>, vector<16xf32>
      %parallel_loop3A_1768 = arith.constant 128 : i32
      %parallel_loop3A_1769 = vector.broadcast %parallel_loop3A_1768 : i32 to vector<16xi32>
      %parallel_loop3A_1770 = arith.cmpi slt, %parallel_loop3A_1741, %parallel_loop3A_1769 : vector<16xi32>
      %parallel_loop3A_1771 = arith.mulf %parallel_loop3A_1760, %parallel_loop3A_1760 : vector<16xf32>
      %parallel_loop3A_1772 = arith.constant 1.000000e+10 : f32
      %parallel_loop3A_1773 = vector.broadcast %parallel_loop3A_1772 : f32 to vector<16xf32>
      %parallel_loop3A_1774 = arith.select %parallel_loop3A_1770, %parallel_loop3A_1771, %parallel_loop3A_1773 : vector<16xi1>, vector<16xf32>
      %parallel_loop3A_1775 = arith.minimumf %parallel_loop3A_1767, %parallel_loop3A_1774 : vector<16xf32>
      %parallel_loop3A_1776 = arith.constant 0.000000e+00 : f32
      %parallel_loop3A_1777 = vector.broadcast %parallel_loop3A_1776 : f32 to vector<16xf32>
      %parallel_loop3A_1778 = arith.select %parallel_loop3A_1617, %parallel_loop3A_1775, %parallel_loop3A_1777 : vector<16xi1>, vector<16xf32>
      %parallel_loop3A_1779 = arith.addf %parallel_loop3A_1565, %parallel_loop3A_1778 : vector<16xf32>
      %parallel_loop3A_1780 = arith.constant 129 : i32
      %parallel_loop3A_1781 = vector.broadcast %parallel_loop3A_1780 : i32 to vector<16xi32>
      %parallel_loop3A_1782 = arith.select %parallel_loop3A_1617, %parallel_loop3A_1741, %parallel_loop3A_1781 : vector<16xi1>, vector<16xi32>
      %parallel_loop3A_1783 = arith.constant 16 : i32
      %parallel_loop3A_1784 = vector.broadcast %parallel_loop3A_1783 : i32 to vector<16xi32>
      %parallel_loop3A_1785 = arith.muli %parallel_loop3A_1782, %parallel_loop3A_1784 : vector<16xi32>
      %parallel_loop3A_1786 = arith.addi %parallel_loop3A_1785, %iota3A : vector<16xi32>
      %parallel_loop3A_1787 = arith.index_cast %parallel_loop3A_1568 : i32 to index
      %parallel_loop3A_1788 = tpu.vector_load %arg13[%parallel_loop3A_1787] {strides = array<i32>} : memref<6144xi32, #tpu.memory_space<vmem>>, vector<16xi32>,
      tpu.vector_store %arg13[%parallel_loop3A_1787], %parallel_loop3A_1786 {strides = array<i32>} : memref<6144xi32, #tpu.memory_space<vmem>>, vector<16xi32>,
      scf.yield %parallel_loop3A_1779 : vector<16xf32>
    } {sc.loop_unroll_factor = 2 : i64, sc.parallel_access}
    %parallel_loop3A_1538 = arith.constant 0 : i32
    %parallel_loop3A_1539 = arith.constant 384 : i32
    %parallel_loop3A_1540 = arith.constant 1 : i32
    %parallel_loop3A_1541 = scf.for %parallel_loop3A_1564 = %parallel_loop3A_1538 to %parallel_loop3A_1539 step %parallel_loop3A_1540 iter_args(%parallel_loop3A_1565 = %broadcast_in_dim3A_1431) -> (vector<16xf32>)  : i32 {
      %parallel_loop3A_1566 = arith.constant 16 : i32
      %parallel_loop3A_1567 = arith.muli %parallel_loop3A_1564, %parallel_loop3A_1566 : i32
      %parallel_loop3A_1568 = tpu.assume_multiple %parallel_loop3A_1567, 16 : i32
      %parallel_loop3A_1569 = arith.constant 16 : i32
      %parallel_loop3A_1570 = arith.divsi %parallel_loop3A_1564, %parallel_loop3A_1569 : i32
      %parallel_loop3A_1571 = arith.constant 0 : i32
      %parallel_loop3A_1572 = arith.cmpi sgt, %parallel_loop3A_1564, %parallel_loop3A_1571 : i32
      %parallel_loop3A_1573 = arith.extui %parallel_loop3A_1572 : i1 to i32
      %parallel_loop3A_1574 = arith.constant 0 : i32
      %parallel_loop3A_1575 = arith.cmpi slt, %parallel_loop3A_1564, %parallel_loop3A_1574 : i32
      %parallel_loop3A_1576 = arith.extui %parallel_loop3A_1575 : i1 to i32
      %parallel_loop3A_1577 = arith.subi %parallel_loop3A_1573, %parallel_loop3A_1576 : i32
      %parallel_loop3A_1578 = arith.constant 0 : i32
      %parallel_loop3A_1579 = arith.cmpi sgt, %parallel_loop3A_1569, %parallel_loop3A_1578 : i32
      %parallel_loop3A_1580 = arith.extui %parallel_loop3A_1579 : i1 to i32
      %parallel_loop3A_1581 = arith.constant 0 : i32
      %parallel_loop3A_1582 = arith.cmpi slt, %parallel_loop3A_1569, %parallel_loop3A_1581 : i32
      %parallel_loop3A_1583 = arith.extui %parallel_loop3A_1582 : i1 to i32
      %parallel_loop3A_1584 = arith.subi %parallel_loop3A_1580, %parallel_loop3A_1583 : i32
      %parallel_loop3A_1585 = arith.cmpi ne, %parallel_loop3A_1577, %parallel_loop3A_1584 : i32
      %parallel_loop3A_1586 = arith.remsi %parallel_loop3A_1564, %parallel_loop3A_1569 : i32
      %parallel_loop3A_1587 = arith.constant 0 : i32
      %parallel_loop3A_1588 = arith.cmpi ne, %parallel_loop3A_1586, %parallel_loop3A_1587 : i32
      %parallel_loop3A_1589 = arith.andi %parallel_loop3A_1585, %parallel_loop3A_1588 : i1
      %parallel_loop3A_1590 = arith.constant 1 : i32
      %parallel_loop3A_1591 = arith.subi %parallel_loop3A_1570, %parallel_loop3A_1590 : i32
      %parallel_loop3A_1592 = arith.select %parallel_loop3A_1589, %parallel_loop3A_1591, %parallel_loop3A_1570 : i32
      %parallel_loop3A_1593 = arith.constant 16 : i32
      %parallel_loop3A_1594 = arith.constant 0 : i32
      %parallel_loop3A_1595 = arith.cmpi eq, %parallel_loop3A_1593, %parallel_loop3A_1594 : i32
      %parallel_loop3A_1596 = arith.constant 1 : i32
      %parallel_loop3A_1597 = arith.select %parallel_loop3A_1595, %parallel_loop3A_1596, %parallel_loop3A_1593 : i32
      %parallel_loop3A_1598 = arith.remsi %parallel_loop3A_1564, %parallel_loop3A_1597 : i32
      %parallel_loop3A_1599 = arith.constant 0 : i32
      %parallel_loop3A_1600 = arith.cmpi ne, %parallel_loop3A_1598, %parallel_loop3A_1599 : i32
      %parallel_loop3A_1601 = arith.constant 0 : i32
      %parallel_loop3A_1602 = arith.cmpi slt, %parallel_loop3A_1598, %parallel_loop3A_1601 : i32
      %parallel_loop3A_1603 = arith.constant 0 : i32
      %parallel_loop3A_1604 = arith.cmpi slt, %parallel_loop3A_1597, %parallel_loop3A_1603 : i32
      %parallel_loop3A_1605 = arith.xori %parallel_loop3A_1602, %parallel_loop3A_1604 : i1
      %parallel_loop3A_1606 = arith.andi %parallel_loop3A_1605, %parallel_loop3A_1600 : i1
      %parallel_loop3A_1607 = arith.addi %parallel_loop3A_1598, %parallel_loop3A_1597 : i32
      %parallel_loop3A_1608 = arith.select %parallel_loop3A_1606, %parallel_loop3A_1607, %parallel_loop3A_1598 : i32
      %parallel_loop3A_1609 = arith.constant 16 : i32
      %parallel_loop3A_1610 = arith.muli %parallel_loop3A_1608, %parallel_loop3A_1609 : i32
      %parallel_loop3A_1611 = tpu.assume_multiple %parallel_loop3A_1610, 16 : i32
      %parallel_loop3A_1612 = arith.index_cast %parallel_loop3A_1592 : i32 to index
      %parallel_loop3A_1613 = arith.index_cast %parallel_loop3A_1611 : i32 to index
      %parallel_loop3A_1614 = tpu.vector_load %arg8[%parallel_loop3A_1612, %parallel_loop3A_1613] {strides = array<i32>} : memref<24x256xf32, #tpu.memory_space<vmem>>, vector<16xf32>,
      %parallel_loop3A_1615 = arith.constant 1.000000e-03 : f32
      %parallel_loop3A_1616 = vector.broadcast %parallel_loop3A_1615 : f32 to vector<16xf32>
      %parallel_loop3A_1617 = arith.cmpf oge, %parallel_loop3A_1614, %parallel_loop3A_1616 : vector<16xf32>
      %parallel_loop3A_1618 = arith.cmpf ole, %gather3A_1505, %parallel_loop3A_1614 : vector<16xf32>
      %parallel_loop3A_1619 = arith.constant 128 : i32
      %parallel_loop3A_1620 = arith.constant 0 : i32
      %parallel_loop3A_1621 = vector.broadcast %parallel_loop3A_1619 : i32 to vector<16xi32>
      %parallel_loop3A_1622 = vector.broadcast %parallel_loop3A_1620 : i32 to vector<16xi32>
      %parallel_loop3A_1623 = arith.select %parallel_loop3A_1618, %parallel_loop3A_1621, %parallel_loop3A_1622 : vector<16xi1>, vector<16xi32>
      %parallel_loop3A_1624 = arith.constant 0 : i32
      %parallel_loop3A_1625 = vector.broadcast %parallel_loop3A_1624 : i32 to vector<16xi32>
      %parallel_loop3A_1626 = arith.cmpi eq, %parallel_loop3A_1623, %parallel_loop3A_1625 : vector<16xi32>
      %parallel_loop3A_1627 = arith.cmpf ole, %gather3A_1508, %parallel_loop3A_1614 : vector<16xf32>
      %parallel_loop3A_1628 = arith.andi %parallel_loop3A_1626, %parallel_loop3A_1627 : vector<16xi1>
      %parallel_loop3A_1629 = arith.constant 64 : i32
      %parallel_loop3A_1630 = vector.broadcast %parallel_loop3A_1629 : i32 to vector<16xi32>
      %parallel_loop3A_1631 = arith.select %parallel_loop3A_1628, %parallel_loop3A_1630, %parallel_loop3A_1623 : vector<16xi1>, vector<16xi32>
      %parallel_loop3A_1632 = arith.constant 64 : i32
      %parallel_loop3A_1633 = vector.broadcast %parallel_loop3A_1632 : i32 to vector<16xi32>
      %parallel_loop3A_1634 = arith.cmpi eq, %parallel_loop3A_1631, %parallel_loop3A_1633 : vector<16xi32>
      %parallel_loop3A_1635 = arith.select %parallel_loop3A_1634, %gather3A_1514, %gather3A_1511 : vector<16xi1>, vector<16xf32>
      %parallel_loop3A_1636 = arith.constant 64 : i32
      %parallel_loop3A_1637 = vector.broadcast %parallel_loop3A_1636 : i32 to vector<16xi32>
      %parallel_loop3A_1638 = arith.cmpi sle, %parallel_loop3A_1631, %parallel_loop3A_1637 : vector<16xi32>
      %parallel_loop3A_1639 = arith.cmpf ole, %parallel_loop3A_1635, %parallel_loop3A_1614 : vector<16xf32>
      %parallel_loop3A_1640 = arith.andi %parallel_loop3A_1638, %parallel_loop3A_1639 : vector<16xi1>
      %parallel_loop3A_1641 = arith.constant 32 : i32
      %parallel_loop3A_1642 = vector.broadcast %parallel_loop3A_1641 : i32 to vector<16xi32>
      %parallel_loop3A_1643 = arith.addi %parallel_loop3A_1631, %parallel_loop3A_1642 : vector<16xi32>
      %parallel_loop3A_1644 = arith.select %parallel_loop3A_1640, %parallel_loop3A_1643, %parallel_loop3A_1631 : vector<16xi1>, vector<16xi32>
      %parallel_loop3A_1645 = arith.constant 64 : i32
      %parallel_loop3A_1646 = vector.broadcast %parallel_loop3A_1645 : i32 to vector<16xi32>
      %parallel_loop3A_1647 = arith.cmpi sge, %parallel_loop3A_1644, %parallel_loop3A_1646 : vector<16xi32>
      %parallel_loop3A_1648 = arith.constant 96 : i32
      %parallel_loop3A_1649 = vector.broadcast %parallel_loop3A_1648 : i32 to vector<16xi32>
      %parallel_loop3A_1650 = arith.cmpi sge, %parallel_loop3A_1644, %parallel_loop3A_1649 : vector<16xi32>
      %parallel_loop3A_1651 = arith.select %parallel_loop3A_1650, %gather3A_1526, %gather3A_1523 : vector<16xi1>, vector<16xf32>
      %parallel_loop3A_1652 = arith.constant 32 : i32
      %parallel_loop3A_1653 = vector.broadcast %parallel_loop3A_1652 : i32 to vector<16xi32>
      %parallel_loop3A_1654 = arith.cmpi sge, %parallel_loop3A_1644, %parallel_loop3A_1653 : vector<16xi32>
      %parallel_loop3A_1655 = arith.select %parallel_loop3A_1654, %gather3A_1520, %gather3A_1517 : vector<16xi1>, vector<16xf32>
      %parallel_loop3A_1656 = arith.select %parallel_loop3A_1647, %parallel_loop3A_1651, %parallel_loop3A_1655 : vector<16xi1>, vector<16xf32>
      %parallel_loop3A_1657 = arith.constant 96 : i32
      %parallel_loop3A_1658 = vector.broadcast %parallel_loop3A_1657 : i32 to vector<16xi32>
      %parallel_loop3A_1659 = arith.cmpi sle, %parallel_loop3A_1644, %parallel_loop3A_1658 : vector<16xi32>
      %parallel_loop3A_1660 = arith.cmpf ole, %parallel_loop3A_1656, %parallel_loop3A_1614 : vector<16xf32>
      %parallel_loop3A_1661 = arith.andi %parallel_loop3A_1659, %parallel_loop3A_1660 : vector<16xi1>
      %parallel_loop3A_1662 = arith.constant 16 : i32
      %parallel_loop3A_1663 = vector.broadcast %parallel_loop3A_1662 : i32 to vector<16xi32>
      %parallel_loop3A_1664 = arith.addi %parallel_loop3A_1644, %parallel_loop3A_1663 : vector<16xi32>
      %parallel_loop3A_1665 = arith.select %parallel_loop3A_1661, %parallel_loop3A_1664, %parallel_loop3A_1644 : vector<16xi1>, vector<16xi32>
      %parallel_loop3A_1666 = arith.constant 8 : i32
      %parallel_loop3A_1667 = vector.broadcast %parallel_loop3A_1666 : i32 to vector<16xi32>
      %parallel_loop3A_1668 = arith.addi %parallel_loop3A_1665, %parallel_loop3A_1667 : vector<16xi32>
      %parallel_loop3A_1669 = arith.constant 1 : i32
      %parallel_loop3A_1670 = vector.broadcast %parallel_loop3A_1669 : i32 to vector<16xi32>
      %parallel_loop3A_1671 = arith.subi %parallel_loop3A_1668, %parallel_loop3A_1670 : vector<16xi32>
      %parallel_loop3A_1672 = arith.constant 127 : i32
      %parallel_loop3A_1673 = vector.broadcast %parallel_loop3A_1672 : i32 to vector<16xi32>
      %parallel_loop3A_1674 = arith.minsi %parallel_loop3A_1671, %parallel_loop3A_1673 : vector<16xi32>
      %parallel_loop3A_1675 = arith.constant 384 : i32
      %parallel_loop3A_1676 = vector.broadcast %parallel_loop3A_1675 : i32 to vector<16xi32>
      %parallel_loop3A_1677 = arith.addi %parallel_loop3A_1676, %parallel_loop3A_1674 : vector<16xi32>
      %parallel_loop3A_1678 = tpu.vector_load_idx %arg10[%parallel_loop3A_1677] : memref<512xf32, #tpu.memory_space<vmem>>[vector<16xi32>], vector<16xf32>,
      %parallel_loop3A_1679 = arith.constant 128 : i32
      %parallel_loop3A_1680 = vector.broadcast %parallel_loop3A_1679 : i32 to vector<16xi32>
      %parallel_loop3A_1681 = arith.cmpi sle, %parallel_loop3A_1668, %parallel_loop3A_1680 : vector<16xi32>
      %parallel_loop3A_1682 = arith.cmpf ole, %parallel_loop3A_1678, %parallel_loop3A_1614 : vector<16xf32>
      %parallel_loop3A_1683 = arith.andi %parallel_loop3A_1681, %parallel_loop3A_1682 : vector<16xi1>
      %parallel_loop3A_1684 = arith.select %parallel_loop3A_1683, %parallel_loop3A_1668, %parallel_loop3A_1665 : vector<16xi1>, vector<16xi32>
      %parallel_loop3A_1685 = arith.constant 4 : i32
      %parallel_loop3A_1686 = vector.broadcast %parallel_loop3A_1685 : i32 to vector<16xi32>
      %parallel_loop3A_1687 = arith.addi %parallel_loop3A_1684, %parallel_loop3A_1686 : vector<16xi32>
      %parallel_loop3A_1688 = arith.constant 1 : i32
      %parallel_loop3A_1689 = vector.broadcast %parallel_loop3A_1688 : i32 to vector<16xi32>
      %parallel_loop3A_1690 = arith.subi %parallel_loop3A_1687, %parallel_loop3A_1689 : vector<16xi32>
      %parallel_loop3A_1691 = arith.constant 127 : i32
      %parallel_loop3A_1692 = vector.broadcast %parallel_loop3A_1691 : i32 to vector<16xi32>
      %parallel_loop3A_1693 = arith.minsi %parallel_loop3A_1690, %parallel_loop3A_1692 : vector<16xi32>
      %parallel_loop3A_1694 = arith.constant 384 : i32
      %parallel_loop3A_1695 = vector.broadcast %parallel_loop3A_1694 : i32 to vector<16xi32>
      %parallel_loop3A_1696 = arith.addi %parallel_loop3A_1695, %parallel_loop3A_1693 : vector<16xi32>
      %parallel_loop3A_1697 = tpu.vector_load_idx %arg10[%parallel_loop3A_1696] : memref<512xf32, #tpu.memory_space<vmem>>[vector<16xi32>], vector<16xf32>,
      %parallel_loop3A_1698 = arith.constant 128 : i32
      %parallel_loop3A_1699 = vector.broadcast %parallel_loop3A_1698 : i32 to vector<16xi32>
      %parallel_loop3A_1700 = arith.cmpi sle, %parallel_loop3A_1687, %parallel_loop3A_1699 : vector<16xi32>
      %parallel_loop3A_1701 = arith.cmpf ole, %parallel_loop3A_1697, %parallel_loop3A_1614 : vector<16xf32>
      %parallel_loop3A_1702 = arith.andi %parallel_loop3A_1700, %parallel_loop3A_1701 : vector<16xi1>
      %parallel_loop3A_1703 = arith.select %parallel_loop3A_1702, %parallel_loop3A_1687, %parallel_loop3A_1684 : vector<16xi1>, vector<16xi32>
      %parallel_loop3A_1704 = arith.constant 2 : i32
      %parallel_loop3A_1705 = vector.broadcast %parallel_loop3A_1704 : i32 to vector<16xi32>
      %parallel_loop3A_1706 = arith.addi %parallel_loop3A_1703, %parallel_loop3A_1705 : vector<16xi32>
      %parallel_loop3A_1707 = arith.constant 1 : i32
      %parallel_loop3A_1708 = vector.broadcast %parallel_loop3A_1707 : i32 to vector<16xi32>
      %parallel_loop3A_1709 = arith.subi %parallel_loop3A_1706, %parallel_loop3A_1708 : vector<16xi32>
      %parallel_loop3A_1710 = arith.constant 127 : i32
      %parallel_loop3A_1711 = vector.broadcast %parallel_loop3A_1710 : i32 to vector<16xi32>
      %parallel_loop3A_1712 = arith.minsi %parallel_loop3A_1709, %parallel_loop3A_1711 : vector<16xi32>
      %parallel_loop3A_1713 = arith.constant 384 : i32
      %parallel_loop3A_1714 = vector.broadcast %parallel_loop3A_1713 : i32 to vector<16xi32>
      %parallel_loop3A_1715 = arith.addi %parallel_loop3A_1714, %parallel_loop3A_1712 : vector<16xi32>
      %parallel_loop3A_1716 = tpu.vector_load_idx %arg10[%parallel_loop3A_1715] : memref<512xf32, #tpu.memory_space<vmem>>[vector<16xi32>], vector<16xf32>,
      %parallel_loop3A_1717 = arith.constant 128 : i32
      %parallel_loop3A_1718 = vector.broadcast %parallel_loop3A_1717 : i32 to vector<16xi32>
      %parallel_loop3A_1719 = arith.cmpi sle, %parallel_loop3A_1706, %parallel_loop3A_1718 : vector<16xi32>
      %parallel_loop3A_1720 = arith.cmpf ole, %parallel_loop3A_1716, %parallel_loop3A_1614 : vector<16xf32>
      %parallel_loop3A_1721 = arith.andi %parallel_loop3A_1719, %parallel_loop3A_1720 : vector<16xi1>
      %parallel_loop3A_1722 = arith.select %parallel_loop3A_1721, %parallel_loop3A_1706, %parallel_loop3A_1703 : vector<16xi1>, vector<16xi32>
      %parallel_loop3A_1723 = arith.constant 1 : i32
      %parallel_loop3A_1724 = vector.broadcast %parallel_loop3A_1723 : i32 to vector<16xi32>
      %parallel_loop3A_1725 = arith.addi %parallel_loop3A_1722, %parallel_loop3A_1724 : vector<16xi32>
      %parallel_loop3A_1726 = arith.constant 1 : i32
      %parallel_loop3A_1727 = vector.broadcast %parallel_loop3A_1726 : i32 to vector<16xi32>
      %parallel_loop3A_1728 = arith.subi %parallel_loop3A_1725, %parallel_loop3A_1727 : vector<16xi32>
      %parallel_loop3A_1729 = arith.constant 127 : i32
      %parallel_loop3A_1730 = vector.broadcast %parallel_loop3A_1729 : i32 to vector<16xi32>
      %parallel_loop3A_1731 = arith.minsi %parallel_loop3A_1728, %parallel_loop3A_1730 : vector<16xi32>
      %parallel_loop3A_1732 = arith.constant 384 : i32
      %parallel_loop3A_1733 = vector.broadcast %parallel_loop3A_1732 : i32 to vector<16xi32>
      %parallel_loop3A_1734 = arith.addi %parallel_loop3A_1733, %parallel_loop3A_1731 : vector<16xi32>
      %parallel_loop3A_1735 = tpu.vector_load_idx %arg10[%parallel_loop3A_1734] : memref<512xf32, #tpu.memory_space<vmem>>[vector<16xi32>], vector<16xf32>,
      %parallel_loop3A_1736 = arith.constant 128 : i32
      %parallel_loop3A_1737 = vector.broadcast %parallel_loop3A_1736 : i32 to vector<16xi32>
      %parallel_loop3A_1738 = arith.cmpi sle, %parallel_loop3A_1725, %parallel_loop3A_1737 : vector<16xi32>
      %parallel_loop3A_1739 = arith.cmpf ole, %parallel_loop3A_1735, %parallel_loop3A_1614 : vector<16xf32>
      %parallel_loop3A_1740 = arith.andi %parallel_loop3A_1738, %parallel_loop3A_1739 : vector<16xi1>
      %parallel_loop3A_1741 = arith.select %parallel_loop3A_1740, %parallel_loop3A_1725, %parallel_loop3A_1722 : vector<16xi1>, vector<16xi32>
      %parallel_loop3A_1742 = arith.constant 1 : i32
      %parallel_loop3A_1743 = vector.broadcast %parallel_loop3A_1742 : i32 to vector<16xi32>
      %parallel_loop3A_1744 = arith.subi %parallel_loop3A_1741, %parallel_loop3A_1743 : vector<16xi32>
      %parallel_loop3A_1745 = arith.constant 0 : i32
      %parallel_loop3A_1746 = vector.broadcast %parallel_loop3A_1745 : i32 to vector<16xi32>
      %parallel_loop3A_1747 = arith.maxsi %parallel_loop3A_1744, %parallel_loop3A_1746 : vector<16xi32>
      %parallel_loop3A_1748 = arith.constant 384 : i32
      %parallel_loop3A_1749 = vector.broadcast %parallel_loop3A_1748 : i32 to vector<16xi32>
      %parallel_loop3A_1750 = arith.addi %parallel_loop3A_1749, %parallel_loop3A_1747 : vector<16xi32>
      %parallel_loop3A_1751 = tpu.vector_load_idx %arg10[%parallel_loop3A_1750] : memref<512xf32, #tpu.memory_space<vmem>>[vector<16xi32>], vector<16xf32>,
      %parallel_loop3A_1752 = arith.constant 127 : i32
      %parallel_loop3A_1753 = vector.broadcast %parallel_loop3A_1752 : i32 to vector<16xi32>
      %parallel_loop3A_1754 = arith.minsi %parallel_loop3A_1741, %parallel_loop3A_1753 : vector<16xi32>
      %parallel_loop3A_1755 = arith.constant 384 : i32
      %parallel_loop3A_1756 = vector.broadcast %parallel_loop3A_1755 : i32 to vector<16xi32>
      %parallel_loop3A_1757 = arith.addi %parallel_loop3A_1756, %parallel_loop3A_1754 : vector<16xi32>
      %parallel_loop3A_1758 = tpu.vector_load_idx %arg10[%parallel_loop3A_1757] : memref<512xf32, #tpu.memory_space<vmem>>[vector<16xi32>], vector<16xf32>,
      %parallel_loop3A_1759 = arith.subf %parallel_loop3A_1614, %parallel_loop3A_1751 : vector<16xf32>
      %parallel_loop3A_1760 = arith.subf %parallel_loop3A_1758, %parallel_loop3A_1614 : vector<16xf32>
      %parallel_loop3A_1761 = arith.constant 0 : i32
      %parallel_loop3A_1762 = vector.broadcast %parallel_loop3A_1761 : i32 to vector<16xi32>
      %parallel_loop3A_1763 = arith.cmpi sgt, %parallel_loop3A_1741, %parallel_loop3A_1762 : vector<16xi32>
      %parallel_loop3A_1764 = arith.mulf %parallel_loop3A_1759, %parallel_loop3A_1759 : vector<16xf32>
      %parallel_loop3A_1765 = arith.constant 1.000000e+10 : f32
      %parallel_loop3A_1766 = vector.broadcast %parallel_loop3A_1765 : f32 to vector<16xf32>
      %parallel_loop3A_1767 = arith.select %parallel_loop3A_1763, %parallel_loop3A_1764, %parallel_loop3A_1766 : vector<16xi1>, vector<16xf32>
      %parallel_loop3A_1768 = arith.constant 128 : i32
      %parallel_loop3A_1769 = vector.broadcast %parallel_loop3A_1768 : i32 to vector<16xi32>
      %parallel_loop3A_1770 = arith.cmpi slt, %parallel_loop3A_1741, %parallel_loop3A_1769 : vector<16xi32>
      %parallel_loop3A_1771 = arith.mulf %parallel_loop3A_1760, %parallel_loop3A_1760 : vector<16xf32>
      %parallel_loop3A_1772 = arith.constant 1.000000e+10 : f32
      %parallel_loop3A_1773 = vector.broadcast %parallel_loop3A_1772 : f32 to vector<16xf32>
      %parallel_loop3A_1774 = arith.select %parallel_loop3A_1770, %parallel_loop3A_1771, %parallel_loop3A_1773 : vector<16xi1>, vector<16xf32>
      %parallel_loop3A_1775 = arith.minimumf %parallel_loop3A_1767, %parallel_loop3A_1774 : vector<16xf32>
      %parallel_loop3A_1776 = arith.constant 0.000000e+00 : f32
      %parallel_loop3A_1777 = vector.broadcast %parallel_loop3A_1776 : f32 to vector<16xf32>
      %parallel_loop3A_1778 = arith.select %parallel_loop3A_1617, %parallel_loop3A_1775, %parallel_loop3A_1777 : vector<16xi1>, vector<16xf32>
      %parallel_loop3A_1779 = arith.addf %parallel_loop3A_1565, %parallel_loop3A_1778 : vector<16xf32>
      %parallel_loop3A_1780 = arith.constant 129 : i32
      %parallel_loop3A_1781 = vector.broadcast %parallel_loop3A_1780 : i32 to vector<16xi32>
      %parallel_loop3A_1782 = arith.select %parallel_loop3A_1617, %parallel_loop3A_1741, %parallel_loop3A_1781 : vector<16xi1>, vector<16xi32>
      %parallel_loop3A_1783 = arith.constant 16 : i32
      %parallel_loop3A_1784 = vector.broadcast %parallel_loop3A_1783 : i32 to vector<16xi32>
      %parallel_loop3A_1785 = arith.muli %parallel_loop3A_1782, %parallel_loop3A_1784 : vector<16xi32>
      %parallel_loop3A_1786 = arith.addi %parallel_loop3A_1785, %iota3A : vector<16xi32>
      %parallel_loop3A_1787 = arith.index_cast %parallel_loop3A_1568 : i32 to index
      %parallel_loop3A_1788 = tpu.vector_load %arg14[%parallel_loop3A_1787] {strides = array<i32>} : memref<6144xi32, #tpu.memory_space<vmem>>, vector<16xi32>,
      tpu.vector_store %arg14[%parallel_loop3A_1787], %parallel_loop3A_1786 {strides = array<i32>} : memref<6144xi32, #tpu.memory_space<vmem>>, vector<16xi32>,
      scf.yield %parallel_loop3A_1779 : vector<16xf32>
    } {sc.loop_unroll_factor = 2 : i64, sc.parallel_access}
    %scan3A_1542 = arith.constant 0 : i32
    %scan3A_1543 = arith.constant 0 : i32
    %scan3A_1544 = arith.constant 192 : i32
    %scan3A_1545 = arith.addi %scan3A_1543, %scan3A_1544 : i32
    %scan3A_1546 = arith.constant 1 : i32
    scf.for %scan3A_1564 = %scan3A_1543 to %scan3A_1545 step %scan3A_1546  : i32 {
      %mul3A_1565 = arith.constant 2 : i32
      %mul3A_1566 = arith.muli %mul3A_1565, %scan3A_1564 : i32
      %add3A_1567 = arith.constant 0 : i32
      %add3A_1568 = arith.addi %mul3A_1566, %add3A_1567 : i32
      %mul3A_1569 = arith.constant 16 : i32
      %mul3A_1570 = arith.muli %add3A_1568, %mul3A_1569 : i32
      %multiple_of3A = tpu.assume_multiple %mul3A_1570, 16 : i32
      %jit3A_1571 = arith.constant 16 : i32
      %div3A_1572 = arith.divsi %add3A_1568, %jit3A_1571 : i32
      %sign3A_1573 = arith.constant 0 : i32
      %sign3A_1574 = arith.cmpi sgt, %add3A_1568, %sign3A_1573 : i32
      %sign3A_1575 = arith.extui %sign3A_1574 : i1 to i32
      %sign3A_1576 = arith.constant 0 : i32
      %sign3A_1577 = arith.cmpi slt, %add3A_1568, %sign3A_1576 : i32
      %sign3A_1578 = arith.extui %sign3A_1577 : i1 to i32
      %sign3A_1579 = arith.subi %sign3A_1575, %sign3A_1578 : i32
      %sign3A_1580 = arith.constant 0 : i32
      %sign3A_1581 = arith.cmpi sgt, %jit3A_1571, %sign3A_1580 : i32
      %sign3A_1582 = arith.extui %sign3A_1581 : i1 to i32
      %sign3A_1583 = arith.constant 0 : i32
      %sign3A_1584 = arith.cmpi slt, %jit3A_1571, %sign3A_1583 : i32
      %sign3A_1585 = arith.extui %sign3A_1584 : i1 to i32
      %sign3A_1586 = arith.subi %sign3A_1582, %sign3A_1585 : i32
      %ne3A_1587 = arith.cmpi ne, %sign3A_1579, %sign3A_1586 : i32
      %rem3A_1588 = arith.remsi %add3A_1568, %jit3A_1571 : i32
      %ne3A_1589 = arith.constant 0 : i32
      %ne3A_1590 = arith.cmpi ne, %rem3A_1588, %ne3A_1589 : i32
      %and3A_1591 = arith.andi %ne3A_1587, %ne3A_1590 : i1
      %sub3A_1592 = arith.constant 1 : i32
      %sub3A_1593 = arith.subi %div3A_1572, %sub3A_1592 : i32
      %select_n3A_1594 = arith.select %and3A_1591, %sub3A_1593, %div3A_1572 : i32
      %jit3A_1595 = arith.constant 16 : i32
      %eq3A_1596 = arith.constant 0 : i32
      %eq3A_1597 = arith.cmpi eq, %jit3A_1595, %eq3A_1596 : i32
      %jit3A_1598 = arith.constant 1 : i32
      %select_n3A_1599 = arith.select %eq3A_1597, %jit3A_1598, %jit3A_1595 : i32
      %rem3A_1600 = arith.remsi %add3A_1568, %select_n3A_1599 : i32
      %ne3A_1601 = arith.constant 0 : i32
      %ne3A_1602 = arith.cmpi ne, %rem3A_1600, %ne3A_1601 : i32
      %lt3A_1603 = arith.constant 0 : i32
      %lt3A_1604 = arith.cmpi slt, %rem3A_1600, %lt3A_1603 : i32
      %lt3A_1605 = arith.constant 0 : i32
      %lt3A_1606 = arith.cmpi slt, %select_n3A_1599, %lt3A_1605 : i32
      %ne3A_1607 = arith.xori %lt3A_1604, %lt3A_1606 : i1
      %and3A_1608 = arith.andi %ne3A_1607, %ne3A_1602 : i1
      %add3A_1609 = arith.addi %rem3A_1600, %select_n3A_1599 : i32
      %select_n3A_1610 = arith.select %and3A_1608, %add3A_1609, %rem3A_1600 : i32
      %mul3A_1611 = arith.constant 16 : i32
      %mul3A_1612 = arith.muli %select_n3A_1610, %mul3A_1611 : i32
      %multiple_of3A_1613 = tpu.assume_multiple %mul3A_1612, 16 : i32
      %get3A_1614 = arith.index_cast %select_n3A_1594 : i32 to index
      %get3A_1615 = arith.index_cast %multiple_of3A_1613 : i32 to index
      %get3A_1616 = tpu.vector_load %arg8[%get3A_1614, %get3A_1615] {strides = array<i32>} : memref<24x256xf32, #tpu.memory_space<vmem>>, vector<16xf32>,
      %get3A_1617 = arith.index_cast %multiple_of3A : i32 to index
      %get3A_1618 = tpu.vector_load %arg11[%get3A_1617] {strides = array<i32>} : memref<6144xi32, #tpu.memory_space<vmem>>, vector<16xi32>,
      %gather3A_1619 = tpu.vector_load_idx %arg15[%get3A_1618] : memref<2176xf32, #tpu.memory_space<vmem>>[vector<16xi32>], vector<16xf32>,
      %gather3A_1620 = tpu.vector_load_idx %arg23[%get3A_1618] : memref<2176xf32, #tpu.memory_space<vmem>>[vector<16xi32>], vector<16xf32>,
      %max3A_1621 = arith.maximumf %gather3A_1619, %get3A_1616 : vector<16xf32>
      %min3A_1622 = arith.minimumf %gather3A_1620, %get3A_1616 : vector<16xf32>
      %get3A_1623 = arith.index_cast %multiple_of3A : i32 to index
      %get3A_1624 = tpu.vector_load %arg12[%get3A_1623] {strides = array<i32>} : memref<6144xi32, #tpu.memory_space<vmem>>, vector<16xi32>,
      %gather3A_1625 = tpu.vector_load_idx %arg16[%get3A_1624] : memref<2176xf32, #tpu.memory_space<vmem>>[vector<16xi32>], vector<16xf32>,
      %gather3A_1626 = tpu.vector_load_idx %arg24[%get3A_1624] : memref<2176xf32, #tpu.memory_space<vmem>>[vector<16xi32>], vector<16xf32>,
      %max3A_1627 = arith.maximumf %gather3A_1625, %get3A_1616 : vector<16xf32>
      %min3A_1628 = arith.minimumf %gather3A_1626, %get3A_1616 : vector<16xf32>
      %get3A_1629 = arith.index_cast %multiple_of3A : i32 to index
      %get3A_1630 = tpu.vector_load %arg13[%get3A_1629] {strides = array<i32>} : memref<6144xi32, #tpu.memory_space<vmem>>, vector<16xi32>,
      %gather3A_1631 = tpu.vector_load_idx %arg17[%get3A_1630] : memref<2176xf32, #tpu.memory_space<vmem>>[vector<16xi32>], vector<16xf32>,
      %gather3A_1632 = tpu.vector_load_idx %arg25[%get3A_1630] : memref<2176xf32, #tpu.memory_space<vmem>>[vector<16xi32>], vector<16xf32>,
      %max3A_1633 = arith.maximumf %gather3A_1631, %get3A_1616 : vector<16xf32>
      %min3A_1634 = arith.minimumf %gather3A_1632, %get3A_1616 : vector<16xf32>
      %get3A_1635 = arith.index_cast %multiple_of3A : i32 to index
      %get3A_1636 = tpu.vector_load %arg14[%get3A_1635] {strides = array<i32>} : memref<6144xi32, #tpu.memory_space<vmem>>, vector<16xi32>,
      %gather3A_1637 = tpu.vector_load_idx %arg18[%get3A_1636] : memref<2176xf32, #tpu.memory_space<vmem>>[vector<16xi32>], vector<16xf32>,
      %gather3A_1638 = tpu.vector_load_idx %arg26[%get3A_1636] : memref<2176xf32, #tpu.memory_space<vmem>>[vector<16xi32>], vector<16xf32>,
      %max3A_1639 = arith.maximumf %gather3A_1637, %get3A_1616 : vector<16xf32>
      %min3A_1640 = arith.minimumf %gather3A_1638, %get3A_1616 : vector<16xf32>
      %mul3A_1641 = arith.constant 2 : i32
      %mul3A_1642 = arith.muli %mul3A_1641, %scan3A_1564 : i32
      %add3A_1643 = arith.constant 1 : i32
      %add3A_1644 = arith.addi %mul3A_1642, %add3A_1643 : i32
      %mul3A_1645 = arith.constant 16 : i32
      %mul3A_1646 = arith.muli %add3A_1644, %mul3A_1645 : i32
      %multiple_of3A_1647 = tpu.assume_multiple %mul3A_1646, 16 : i32
      %jit3A_1648 = arith.constant 16 : i32
      %div3A_1649 = arith.divsi %add3A_1644, %jit3A_1648 : i32
      %sign3A_1650 = arith.constant 0 : i32
      %sign3A_1651 = arith.cmpi sgt, %add3A_1644, %sign3A_1650 : i32
      %sign3A_1652 = arith.extui %sign3A_1651 : i1 to i32
      %sign3A_1653 = arith.constant 0 : i32
      %sign3A_1654 = arith.cmpi slt, %add3A_1644, %sign3A_1653 : i32
      %sign3A_1655 = arith.extui %sign3A_1654 : i1 to i32
      %sign3A_1656 = arith.subi %sign3A_1652, %sign3A_1655 : i32
      %sign3A_1657 = arith.constant 0 : i32
      %sign3A_1658 = arith.cmpi sgt, %jit3A_1648, %sign3A_1657 : i32
      %sign3A_1659 = arith.extui %sign3A_1658 : i1 to i32
      %sign3A_1660 = arith.constant 0 : i32
      %sign3A_1661 = arith.cmpi slt, %jit3A_1648, %sign3A_1660 : i32
      %sign3A_1662 = arith.extui %sign3A_1661 : i1 to i32
      %sign3A_1663 = arith.subi %sign3A_1659, %sign3A_1662 : i32
      %ne3A_1664 = arith.cmpi ne, %sign3A_1656, %sign3A_1663 : i32
      %rem3A_1665 = arith.remsi %add3A_1644, %jit3A_1648 : i32
      %ne3A_1666 = arith.constant 0 : i32
      %ne3A_1667 = arith.cmpi ne, %rem3A_1665, %ne3A_1666 : i32
      %and3A_1668 = arith.andi %ne3A_1664, %ne3A_1667 : i1
      %sub3A_1669 = arith.constant 1 : i32
      %sub3A_1670 = arith.subi %div3A_1649, %sub3A_1669 : i32
      %select_n3A_1671 = arith.select %and3A_1668, %sub3A_1670, %div3A_1649 : i32
      %jit3A_1672 = arith.constant 16 : i32
      %eq3A_1673 = arith.constant 0 : i32
      %eq3A_1674 = arith.cmpi eq, %jit3A_1672, %eq3A_1673 : i32
      %jit3A_1675 = arith.constant 1 : i32
      %select_n3A_1676 = arith.select %eq3A_1674, %jit3A_1675, %jit3A_1672 : i32
      %rem3A_1677 = arith.remsi %add3A_1644, %select_n3A_1676 : i32
      %ne3A_1678 = arith.constant 0 : i32
      %ne3A_1679 = arith.cmpi ne, %rem3A_1677, %ne3A_1678 : i32
      %lt3A_1680 = arith.constant 0 : i32
      %lt3A_1681 = arith.cmpi slt, %rem3A_1677, %lt3A_1680 : i32
      %lt3A_1682 = arith.constant 0 : i32
      %lt3A_1683 = arith.cmpi slt, %select_n3A_1676, %lt3A_1682 : i32
      %ne3A_1684 = arith.xori %lt3A_1681, %lt3A_1683 : i1
      %and3A_1685 = arith.andi %ne3A_1684, %ne3A_1679 : i1
      %add3A_1686 = arith.addi %rem3A_1677, %select_n3A_1676 : i32
      %select_n3A_1687 = arith.select %and3A_1685, %add3A_1686, %rem3A_1677 : i32
      %mul3A_1688 = arith.constant 16 : i32
      %mul3A_1689 = arith.muli %select_n3A_1687, %mul3A_1688 : i32
      %multiple_of3A_1690 = tpu.assume_multiple %mul3A_1689, 16 : i32
      %get3A_1691 = arith.index_cast %select_n3A_1671 : i32 to index
      %get3A_1692 = arith.index_cast %multiple_of3A_1690 : i32 to index
      %get3A_1693 = tpu.vector_load %arg8[%get3A_1691, %get3A_1692] {strides = array<i32>} : memref<24x256xf32, #tpu.memory_space<vmem>>, vector<16xf32>,
      %get3A_1694 = arith.index_cast %multiple_of3A_1647 : i32 to index
      %get3A_1695 = tpu.vector_load %arg11[%get3A_1694] {strides = array<i32>} : memref<6144xi32, #tpu.memory_space<vmem>>, vector<16xi32>,
      %gather3A_1696 = tpu.vector_load_idx %arg19[%get3A_1695] : memref<2176xf32, #tpu.memory_space<vmem>>[vector<16xi32>], vector<16xf32>,
      %gather3A_1697 = tpu.vector_load_idx %arg27[%get3A_1695] : memref<2176xf32, #tpu.memory_space<vmem>>[vector<16xi32>], vector<16xf32>,
      %max3A_1698 = arith.maximumf %gather3A_1696, %get3A_1693 : vector<16xf32>
      %min3A_1699 = arith.minimumf %gather3A_1697, %get3A_1693 : vector<16xf32>
      %get3A_1700 = arith.index_cast %multiple_of3A_1647 : i32 to index
      %get3A_1701 = tpu.vector_load %arg12[%get3A_1700] {strides = array<i32>} : memref<6144xi32, #tpu.memory_space<vmem>>, vector<16xi32>,
      %gather3A_1702 = tpu.vector_load_idx %arg20[%get3A_1701] : memref<2176xf32, #tpu.memory_space<vmem>>[vector<16xi32>], vector<16xf32>,
      %gather3A_1703 = tpu.vector_load_idx %arg28[%get3A_1701] : memref<2176xf32, #tpu.memory_space<vmem>>[vector<16xi32>], vector<16xf32>,
      %max3A_1704 = arith.maximumf %gather3A_1702, %get3A_1693 : vector<16xf32>
      %min3A_1705 = arith.minimumf %gather3A_1703, %get3A_1693 : vector<16xf32>
      %get3A_1706 = arith.index_cast %multiple_of3A_1647 : i32 to index
      %get3A_1707 = tpu.vector_load %arg13[%get3A_1706] {strides = array<i32>} : memref<6144xi32, #tpu.memory_space<vmem>>, vector<16xi32>,
      %gather3A_1708 = tpu.vector_load_idx %arg21[%get3A_1707] : memref<2176xf32, #tpu.memory_space<vmem>>[vector<16xi32>], vector<16xf32>,
      %gather3A_1709 = tpu.vector_load_idx %arg29[%get3A_1707] : memref<2176xf32, #tpu.memory_space<vmem>>[vector<16xi32>], vector<16xf32>,
      %max3A_1710 = arith.maximumf %gather3A_1708, %get3A_1693 : vector<16xf32>
      %min3A_1711 = arith.minimumf %gather3A_1709, %get3A_1693 : vector<16xf32>
      %get3A_1712 = arith.index_cast %multiple_of3A_1647 : i32 to index
      %get3A_1713 = tpu.vector_load %arg14[%get3A_1712] {strides = array<i32>} : memref<6144xi32, #tpu.memory_space<vmem>>, vector<16xi32>,
      %gather3A_1714 = tpu.vector_load_idx %arg22[%get3A_1713] : memref<2176xf32, #tpu.memory_space<vmem>>[vector<16xi32>], vector<16xf32>,
      %gather3A_1715 = tpu.vector_load_idx %arg30[%get3A_1713] : memref<2176xf32, #tpu.memory_space<vmem>>[vector<16xi32>], vector<16xf32>,
      %max3A_1716 = arith.maximumf %gather3A_1714, %get3A_1693 : vector<16xf32>
      %min3A_1717 = arith.minimumf %gather3A_1715, %get3A_1693 : vector<16xf32>
      tpu.vector_store_idx %arg15[%get3A_1618], %max3A_1621 : memref<2176xf32, #tpu.memory_space<vmem>>[vector<16xi32>], vector<16xf32>,
      tpu.vector_store_idx %arg23[%get3A_1618], %min3A_1622 : memref<2176xf32, #tpu.memory_space<vmem>>[vector<16xi32>], vector<16xf32>,
      tpu.vector_store_idx %arg16[%get3A_1624], %max3A_1627 : memref<2176xf32, #tpu.memory_space<vmem>>[vector<16xi32>], vector<16xf32>,
      tpu.vector_store_idx %arg24[%get3A_1624], %min3A_1628 : memref<2176xf32, #tpu.memory_space<vmem>>[vector<16xi32>], vector<16xf32>,
      tpu.vector_store_idx %arg17[%get3A_1630], %max3A_1633 : memref<2176xf32, #tpu.memory_space<vmem>>[vector<16xi32>], vector<16xf32>,
      tpu.vector_store_idx %arg25[%get3A_1630], %min3A_1634 : memref<2176xf32, #tpu.memory_space<vmem>>[vector<16xi32>], vector<16xf32>,
      tpu.vector_store_idx %arg18[%get3A_1636], %max3A_1639 : memref<2176xf32, #tpu.memory_space<vmem>>[vector<16xi32>], vector<16xf32>,
      tpu.vector_store_idx %arg26[%get3A_1636], %min3A_1640 : memref<2176xf32, #tpu.memory_space<vmem>>[vector<16xi32>], vector<16xf32>,
      tpu.vector_store_idx %arg19[%get3A_1695], %max3A_1698 : memref<2176xf32, #tpu.memory_space<vmem>>[vector<16xi32>], vector<16xf32>,
      tpu.vector_store_idx %arg27[%get3A_1695], %min3A_1699 : memref<2176xf32, #tpu.memory_space<vmem>>[vector<16xi32>], vector<16xf32>,
      tpu.vector_store_idx %arg20[%get3A_1701], %max3A_1704 : memref<2176xf32, #tpu.memory_space<vmem>>[vector<16xi32>], vector<16xf32>,
      tpu.vector_store_idx %arg28[%get3A_1701], %min3A_1705 : memref<2176xf32, #tpu.memory_space<vmem>>[vector<16xi32>], vector<16xf32>,
      tpu.vector_store_idx %arg21[%get3A_1707], %max3A_1710 : memref<2176xf32, #tpu.memory_space<vmem>>[vector<16xi32>], vector<16xf32>,
      tpu.vector_store_idx %arg29[%get3A_1707], %min3A_1711 : memref<2176xf32, #tpu.memory_space<vmem>>[vector<16xi32>], vector<16xf32>,
      tpu.vector_store_idx %arg22[%get3A_1713], %max3A_1716 : memref<2176xf32, #tpu.memory_space<vmem>>[vector<16xi32>], vector<16xf32>,
      tpu.vector_store_idx %arg30[%get3A_1713], %min3A_1717 : memref<2176xf32, #tpu.memory_space<vmem>>[vector<16xi32>], vector<16xf32>,
    }
    %scan3A_1547 = arith.constant 192 : i32
    %scan3A_1548 = arith.constant 0 : i32
    %scan3A_1549 = arith.constant 0 : i32
    %scan3A_1550 = arith.constant 136 : i32
    %scan3A_1551 = arith.addi %scan3A_1549, %scan3A_1550 : i32
    %scan3A_1552 = arith.constant 1 : i32
    scf.for %scan3A_1564 = %scan3A_1549 to %scan3A_1551 step %scan3A_1552  : i32 {
      %mul3A_1565 = arith.constant 16 : i32
      %mul3A_1566 = arith.muli %scan3A_1564, %mul3A_1565 : i32
      %multiple_of3A = tpu.assume_multiple %mul3A_1566, 16 : i32
      %get3A_1567 = arith.index_cast %multiple_of3A : i32 to index
      %get3A_1568 = tpu.vector_load %arg15[%get3A_1567] {strides = array<i32>} : memref<2176xf32, #tpu.memory_space<vmem>>, vector<16xf32>,
      %get3A_1569 = arith.index_cast %multiple_of3A : i32 to index
      %get3A_1570 = tpu.vector_load %arg19[%get3A_1569] {strides = array<i32>} : memref<2176xf32, #tpu.memory_space<vmem>>, vector<16xf32>,
      %max3A_1571 = arith.maximumf %get3A_1568, %get3A_1570 : vector<16xf32>
      %swap3A_1572 = arith.index_cast %multiple_of3A : i32 to index
      %swap3A_1573 = tpu.vector_load %arg15[%swap3A_1572] {strides = array<i32>} : memref<2176xf32, #tpu.memory_space<vmem>>, vector<16xf32>,
      tpu.vector_store %arg15[%swap3A_1572], %max3A_1571 {strides = array<i32>} : memref<2176xf32, #tpu.memory_space<vmem>>, vector<16xf32>,
      %get3A_1574 = arith.index_cast %multiple_of3A : i32 to index
      %get3A_1575 = tpu.vector_load %arg23[%get3A_1574] {strides = array<i32>} : memref<2176xf32, #tpu.memory_space<vmem>>, vector<16xf32>,
      %get3A_1576 = arith.index_cast %multiple_of3A : i32 to index
      %get3A_1577 = tpu.vector_load %arg27[%get3A_1576] {strides = array<i32>} : memref<2176xf32, #tpu.memory_space<vmem>>, vector<16xf32>,
      %min3A_1578 = arith.minimumf %get3A_1575, %get3A_1577 : vector<16xf32>
      %swap3A_1579 = arith.index_cast %multiple_of3A : i32 to index
      %swap3A_1580 = tpu.vector_load %arg23[%swap3A_1579] {strides = array<i32>} : memref<2176xf32, #tpu.memory_space<vmem>>, vector<16xf32>,
      tpu.vector_store %arg23[%swap3A_1579], %min3A_1578 {strides = array<i32>} : memref<2176xf32, #tpu.memory_space<vmem>>, vector<16xf32>,
      %get3A_1581 = arith.index_cast %multiple_of3A : i32 to index
      %get3A_1582 = tpu.vector_load %arg16[%get3A_1581] {strides = array<i32>} : memref<2176xf32, #tpu.memory_space<vmem>>, vector<16xf32>,
      %get3A_1583 = arith.index_cast %multiple_of3A : i32 to index
      %get3A_1584 = tpu.vector_load %arg20[%get3A_1583] {strides = array<i32>} : memref<2176xf32, #tpu.memory_space<vmem>>, vector<16xf32>,
      %max3A_1585 = arith.maximumf %get3A_1582, %get3A_1584 : vector<16xf32>
      %swap3A_1586 = arith.index_cast %multiple_of3A : i32 to index
      %swap3A_1587 = tpu.vector_load %arg16[%swap3A_1586] {strides = array<i32>} : memref<2176xf32, #tpu.memory_space<vmem>>, vector<16xf32>,
      tpu.vector_store %arg16[%swap3A_1586], %max3A_1585 {strides = array<i32>} : memref<2176xf32, #tpu.memory_space<vmem>>, vector<16xf32>,
      %get3A_1588 = arith.index_cast %multiple_of3A : i32 to index
      %get3A_1589 = tpu.vector_load %arg24[%get3A_1588] {strides = array<i32>} : memref<2176xf32, #tpu.memory_space<vmem>>, vector<16xf32>,
      %get3A_1590 = arith.index_cast %multiple_of3A : i32 to index
      %get3A_1591 = tpu.vector_load %arg28[%get3A_1590] {strides = array<i32>} : memref<2176xf32, #tpu.memory_space<vmem>>, vector<16xf32>,
      %min3A_1592 = arith.minimumf %get3A_1589, %get3A_1591 : vector<16xf32>
      %swap3A_1593 = arith.index_cast %multiple_of3A : i32 to index
      %swap3A_1594 = tpu.vector_load %arg24[%swap3A_1593] {strides = array<i32>} : memref<2176xf32, #tpu.memory_space<vmem>>, vector<16xf32>,
      tpu.vector_store %arg24[%swap3A_1593], %min3A_1592 {strides = array<i32>} : memref<2176xf32, #tpu.memory_space<vmem>>, vector<16xf32>,
      %get3A_1595 = arith.index_cast %multiple_of3A : i32 to index
      %get3A_1596 = tpu.vector_load %arg17[%get3A_1595] {strides = array<i32>} : memref<2176xf32, #tpu.memory_space<vmem>>, vector<16xf32>,
      %get3A_1597 = arith.index_cast %multiple_of3A : i32 to index
      %get3A_1598 = tpu.vector_load %arg21[%get3A_1597] {strides = array<i32>} : memref<2176xf32, #tpu.memory_space<vmem>>, vector<16xf32>,
      %max3A_1599 = arith.maximumf %get3A_1596, %get3A_1598 : vector<16xf32>
      %swap3A_1600 = arith.index_cast %multiple_of3A : i32 to index
      %swap3A_1601 = tpu.vector_load %arg17[%swap3A_1600] {strides = array<i32>} : memref<2176xf32, #tpu.memory_space<vmem>>, vector<16xf32>,
      tpu.vector_store %arg17[%swap3A_1600], %max3A_1599 {strides = array<i32>} : memref<2176xf32, #tpu.memory_space<vmem>>, vector<16xf32>,
      %get3A_1602 = arith.index_cast %multiple_of3A : i32 to index
      %get3A_1603 = tpu.vector_load %arg25[%get3A_1602] {strides = array<i32>} : memref<2176xf32, #tpu.memory_space<vmem>>, vector<16xf32>,
      %get3A_1604 = arith.index_cast %multiple_of3A : i32 to index
      %get3A_1605 = tpu.vector_load %arg29[%get3A_1604] {strides = array<i32>} : memref<2176xf32, #tpu.memory_space<vmem>>, vector<16xf32>,
      %min3A_1606 = arith.minimumf %get3A_1603, %get3A_1605 : vector<16xf32>
      %swap3A_1607 = arith.index_cast %multiple_of3A : i32 to index
      %swap3A_1608 = tpu.vector_load %arg25[%swap3A_1607] {strides = array<i32>} : memref<2176xf32, #tpu.memory_space<vmem>>, vector<16xf32>,
      tpu.vector_store %arg25[%swap3A_1607], %min3A_1606 {strides = array<i32>} : memref<2176xf32, #tpu.memory_space<vmem>>, vector<16xf32>,
      %get3A_1609 = arith.index_cast %multiple_of3A : i32 to index
      %get3A_1610 = tpu.vector_load %arg18[%get3A_1609] {strides = array<i32>} : memref<2176xf32, #tpu.memory_space<vmem>>, vector<16xf32>,
      %get3A_1611 = arith.index_cast %multiple_of3A : i32 to index
      %get3A_1612 = tpu.vector_load %arg22[%get3A_1611] {strides = array<i32>} : memref<2176xf32, #tpu.memory_space<vmem>>, vector<16xf32>,
      %max3A_1613 = arith.maximumf %get3A_1610, %get3A_1612 : vector<16xf32>
      %swap3A_1614 = arith.index_cast %multiple_of3A : i32 to index
      %swap3A_1615 = tpu.vector_load %arg18[%swap3A_1614] {strides = array<i32>} : memref<2176xf32, #tpu.memory_space<vmem>>, vector<16xf32>,
      tpu.vector_store %arg18[%swap3A_1614], %max3A_1613 {strides = array<i32>} : memref<2176xf32, #tpu.memory_space<vmem>>, vector<16xf32>,
      %get3A_1616 = arith.index_cast %multiple_of3A : i32 to index
      %get3A_1617 = tpu.vector_load %arg26[%get3A_1616] {strides = array<i32>} : memref<2176xf32, #tpu.memory_space<vmem>>, vector<16xf32>,
      %get3A_1618 = arith.index_cast %multiple_of3A : i32 to index
      %get3A_1619 = tpu.vector_load %arg30[%get3A_1618] {strides = array<i32>} : memref<2176xf32, #tpu.memory_space<vmem>>, vector<16xf32>,
      %min3A_1620 = arith.minimumf %get3A_1617, %get3A_1619 : vector<16xf32>
      %swap3A_1621 = arith.index_cast %multiple_of3A : i32 to index
      %swap3A_1622 = tpu.vector_load %arg26[%swap3A_1621] {strides = array<i32>} : memref<2176xf32, #tpu.memory_space<vmem>>, vector<16xf32>,
      tpu.vector_store %arg26[%swap3A_1621], %min3A_1620 {strides = array<i32>} : memref<2176xf32, #tpu.memory_space<vmem>>, vector<16xf32>,
    }
    %scan3A_1553 = arith.constant 136 : i32
    %swap3A_1554 = arith.constant 0 : index
    %swap3A_1555 = tpu.vector_load %arg31[%swap3A_1554] {strides = array<i32>} : memref<80xf32, #tpu.memory_space<vmem>>, vector<16xf32>,
    tpu.vector_store %arg31[%swap3A_1554], %parallel_loop3A_1529#0 {strides = array<i32>} : memref<80xf32, #tpu.memory_space<vmem>>, vector<16xf32>,
    %swap3A_1556 = arith.constant 16 : index
    %swap3A_1557 = tpu.vector_load %arg31[%swap3A_1556] {strides = array<i32>} : memref<80xf32, #tpu.memory_space<vmem>>, vector<16xf32>,
    tpu.vector_store %arg31[%swap3A_1556], %parallel_loop3A_1533 {strides = array<i32>} : memref<80xf32, #tpu.memory_space<vmem>>, vector<16xf32>,
    %swap3A_1558 = arith.constant 32 : index
    %swap3A_1559 = tpu.vector_load %arg31[%swap3A_1558] {strides = array<i32>} : memref<80xf32, #tpu.memory_space<vmem>>, vector<16xf32>,
    tpu.vector_store %arg31[%swap3A_1558], %parallel_loop3A_1537 {strides = array<i32>} : memref<80xf32, #tpu.memory_space<vmem>>, vector<16xf32>,
    %swap3A_1560 = arith.constant 48 : index
    %swap3A_1561 = tpu.vector_load %arg31[%swap3A_1560] {strides = array<i32>} : memref<80xf32, #tpu.memory_space<vmem>>, vector<16xf32>,
    tpu.vector_store %arg31[%swap3A_1560], %parallel_loop3A_1541 {strides = array<i32>} : memref<80xf32, #tpu.memory_space<vmem>>, vector<16xf32>,
    %swap3A_1562 = arith.constant 64 : index
    %swap3A_1563 = tpu.vector_load %arg31[%swap3A_1562] {strides = array<i32>} : memref<80xf32, #tpu.memory_space<vmem>>, vector<16xf32>,
    tpu.vector_store %arg31[%swap3A_1562], %parallel_loop3A_1529#1 {strides = array<i32>} : memref<80xf32, #tpu.memory_space<vmem>>, vector<16xf32>,
    "tpu.region"() ({
      %run_scoped3A = tpu.sem_alloc : memref<!tpu.dma_semaphore, #tpu.memory_space<semaphore_mem>>
      %dma_start3A = arith.constant 0 : i32
      %dma_start3A_1564 = tpu.memref_slice %arg4[%add3A, %dma_start3A] : memref<32x8704xf32, #tpu.memory_space<hbm>> -> memref<1x2176xf32, #tpu.memory_space<hbm>>
      %dma_start3A_1565 = tpu.memref_squeeze %dma_start3A_1564 : memref<1x2176xf32, #tpu.memory_space<hbm>> -> memref<2176xf32, #tpu.memory_space<hbm>>
      %dma_start3A_1566 = arith.constant 0 : i32
      %dma_start3A_1567 = tpu.memref_slice %arg4[%add3A, %dma_start3A_1566] : memref<32x8704xf32, #tpu.memory_space<hbm>> -> memref<1x2176xf32, #tpu.memory_space<hbm>>
      %dma_start3A_1568 = tpu.memref_squeeze %dma_start3A_1567 : memref<1x2176xf32, #tpu.memory_space<hbm>> -> memref<2176xf32, #tpu.memory_space<hbm>>
      tpu.enqueue_dma source(%arg15 : memref<2176xf32, #tpu.memory_space<vmem>>) target(%dma_start3A_1568 : memref<2176xf32, #tpu.memory_space<hbm>>) target_semaphore(%run_scoped3A : memref<!tpu.dma_semaphore, #tpu.memory_space<semaphore_mem>>)
      %dma_wait3A = arith.constant 0 : i32
      %dma_wait3A_1569 = tpu.memref_slice %arg4[%add3A, %dma_wait3A] : memref<32x8704xf32, #tpu.memory_space<hbm>> -> memref<1x2176xf32, #tpu.memory_space<hbm>>
      %dma_wait3A_1570 = tpu.memref_squeeze %dma_wait3A_1569 : memref<1x2176xf32, #tpu.memory_space<hbm>> -> memref<2176xf32, #tpu.memory_space<hbm>>
      %dma_wait3A_1571 = arith.constant 0 : i32
      %dma_wait3A_1572 = tpu.memref_slice %arg4[%add3A, %dma_wait3A_1571] : memref<32x8704xf32, #tpu.memory_space<hbm>> -> memref<1x2176xf32, #tpu.memory_space<hbm>>
      %dma_wait3A_1573 = tpu.memref_squeeze %dma_wait3A_1572 : memref<1x2176xf32, #tpu.memory_space<hbm>> -> memref<2176xf32, #tpu.memory_space<hbm>>
      tpu.wait_dma2 semaphore(%run_scoped3A : memref<!tpu.dma_semaphore, #tpu.memory_space<semaphore_mem>>) src(%arg15 : memref<2176xf32, #tpu.memory_space<vmem>>) dst(%dma_wait3A_1573 : memref<2176xf32, #tpu.memory_space<hbm>>)
      tpu.yield
    }) : () -> ()
    "tpu.region"() ({
      %run_scoped3A = tpu.sem_alloc : memref<!tpu.dma_semaphore, #tpu.memory_space<semaphore_mem>>
      %dma_start3A = arith.constant 0 : i32
      %dma_start3A_1564 = tpu.memref_slice %arg5[%add3A, %dma_start3A] : memref<32x8704xf32, #tpu.memory_space<hbm>> -> memref<1x2176xf32, #tpu.memory_space<hbm>>
      %dma_start3A_1565 = tpu.memref_squeeze %dma_start3A_1564 : memref<1x2176xf32, #tpu.memory_space<hbm>> -> memref<2176xf32, #tpu.memory_space<hbm>>
      %dma_start3A_1566 = arith.constant 0 : i32
      %dma_start3A_1567 = tpu.memref_slice %arg5[%add3A, %dma_start3A_1566] : memref<32x8704xf32, #tpu.memory_space<hbm>> -> memref<1x2176xf32, #tpu.memory_space<hbm>>
      %dma_start3A_1568 = tpu.memref_squeeze %dma_start3A_1567 : memref<1x2176xf32, #tpu.memory_space<hbm>> -> memref<2176xf32, #tpu.memory_space<hbm>>
      tpu.enqueue_dma source(%arg23 : memref<2176xf32, #tpu.memory_space<vmem>>) target(%dma_start3A_1568 : memref<2176xf32, #tpu.memory_space<hbm>>) target_semaphore(%run_scoped3A : memref<!tpu.dma_semaphore, #tpu.memory_space<semaphore_mem>>)
      %dma_wait3A = arith.constant 0 : i32
      %dma_wait3A_1569 = tpu.memref_slice %arg5[%add3A, %dma_wait3A] : memref<32x8704xf32, #tpu.memory_space<hbm>> -> memref<1x2176xf32, #tpu.memory_space<hbm>>
      %dma_wait3A_1570 = tpu.memref_squeeze %dma_wait3A_1569 : memref<1x2176xf32, #tpu.memory_space<hbm>> -> memref<2176xf32, #tpu.memory_space<hbm>>
      %dma_wait3A_1571 = arith.constant 0 : i32
      %dma_wait3A_1572 = tpu.memref_slice %arg5[%add3A, %dma_wait3A_1571] : memref<32x8704xf32, #tpu.memory_space<hbm>> -> memref<1x2176xf32, #tpu.memory_space<hbm>>
      %dma_wait3A_1573 = tpu.memref_squeeze %dma_wait3A_1572 : memref<1x2176xf32, #tpu.memory_space<hbm>> -> memref<2176xf32, #tpu.memory_space<hbm>>
      tpu.wait_dma2 semaphore(%run_scoped3A : memref<!tpu.dma_semaphore, #tpu.memory_space<semaphore_mem>>) src(%arg23 : memref<2176xf32, #tpu.memory_space<vmem>>) dst(%dma_wait3A_1573 : memref<2176xf32, #tpu.memory_space<hbm>>)
      tpu.yield
    }) : () -> ()
    "tpu.region"() ({
      %run_scoped3A = tpu.sem_alloc : memref<!tpu.dma_semaphore, #tpu.memory_space<semaphore_mem>>
      %dma_start3A = arith.constant 2176 : i32
      %dma_start3A_1564 = tpu.memref_slice %arg4[%add3A, %dma_start3A] : memref<32x8704xf32, #tpu.memory_space<hbm>> -> memref<1x2176xf32, #tpu.memory_space<hbm>>
      %dma_start3A_1565 = tpu.memref_squeeze %dma_start3A_1564 : memref<1x2176xf32, #tpu.memory_space<hbm>> -> memref<2176xf32, #tpu.memory_space<hbm>>
      %dma_start3A_1566 = arith.constant 2176 : i32
      %dma_start3A_1567 = tpu.memref_slice %arg4[%add3A, %dma_start3A_1566] : memref<32x8704xf32, #tpu.memory_space<hbm>> -> memref<1x2176xf32, #tpu.memory_space<hbm>>
      %dma_start3A_1568 = tpu.memref_squeeze %dma_start3A_1567 : memref<1x2176xf32, #tpu.memory_space<hbm>> -> memref<2176xf32, #tpu.memory_space<hbm>>
      tpu.enqueue_dma source(%arg16 : memref<2176xf32, #tpu.memory_space<vmem>>) target(%dma_start3A_1568 : memref<2176xf32, #tpu.memory_space<hbm>>) target_semaphore(%run_scoped3A : memref<!tpu.dma_semaphore, #tpu.memory_space<semaphore_mem>>)
      %dma_wait3A = arith.constant 2176 : i32
      %dma_wait3A_1569 = tpu.memref_slice %arg4[%add3A, %dma_wait3A] : memref<32x8704xf32, #tpu.memory_space<hbm>> -> memref<1x2176xf32, #tpu.memory_space<hbm>>
      %dma_wait3A_1570 = tpu.memref_squeeze %dma_wait3A_1569 : memref<1x2176xf32, #tpu.memory_space<hbm>> -> memref<2176xf32, #tpu.memory_space<hbm>>
      %dma_wait3A_1571 = arith.constant 2176 : i32
      %dma_wait3A_1572 = tpu.memref_slice %arg4[%add3A, %dma_wait3A_1571] : memref<32x8704xf32, #tpu.memory_space<hbm>> -> memref<1x2176xf32, #tpu.memory_space<hbm>>
      %dma_wait3A_1573 = tpu.memref_squeeze %dma_wait3A_1572 : memref<1x2176xf32, #tpu.memory_space<hbm>> -> memref<2176xf32, #tpu.memory_space<hbm>>
      tpu.wait_dma2 semaphore(%run_scoped3A : memref<!tpu.dma_semaphore, #tpu.memory_space<semaphore_mem>>) src(%arg16 : memref<2176xf32, #tpu.memory_space<vmem>>) dst(%dma_wait3A_1573 : memref<2176xf32, #tpu.memory_space<hbm>>)
      tpu.yield
    }) : () -> ()
    "tpu.region"() ({
      %run_scoped3A = tpu.sem_alloc : memref<!tpu.dma_semaphore, #tpu.memory_space<semaphore_mem>>
      %dma_start3A = arith.constant 2176 : i32
      %dma_start3A_1564 = tpu.memref_slice %arg5[%add3A, %dma_start3A] : memref<32x8704xf32, #tpu.memory_space<hbm>> -> memref<1x2176xf32, #tpu.memory_space<hbm>>
      %dma_start3A_1565 = tpu.memref_squeeze %dma_start3A_1564 : memref<1x2176xf32, #tpu.memory_space<hbm>> -> memref<2176xf32, #tpu.memory_space<hbm>>
      %dma_start3A_1566 = arith.constant 2176 : i32
      %dma_start3A_1567 = tpu.memref_slice %arg5[%add3A, %dma_start3A_1566] : memref<32x8704xf32, #tpu.memory_space<hbm>> -> memref<1x2176xf32, #tpu.memory_space<hbm>>
      %dma_start3A_1568 = tpu.memref_squeeze %dma_start3A_1567 : memref<1x2176xf32, #tpu.memory_space<hbm>> -> memref<2176xf32, #tpu.memory_space<hbm>>
      tpu.enqueue_dma source(%arg24 : memref<2176xf32, #tpu.memory_space<vmem>>) target(%dma_start3A_1568 : memref<2176xf32, #tpu.memory_space<hbm>>) target_semaphore(%run_scoped3A : memref<!tpu.dma_semaphore, #tpu.memory_space<semaphore_mem>>)
      %dma_wait3A = arith.constant 2176 : i32
      %dma_wait3A_1569 = tpu.memref_slice %arg5[%add3A, %dma_wait3A] : memref<32x8704xf32, #tpu.memory_space<hbm>> -> memref<1x2176xf32, #tpu.memory_space<hbm>>
      %dma_wait3A_1570 = tpu.memref_squeeze %dma_wait3A_1569 : memref<1x2176xf32, #tpu.memory_space<hbm>> -> memref<2176xf32, #tpu.memory_space<hbm>>
      %dma_wait3A_1571 = arith.constant 2176 : i32
      %dma_wait3A_1572 = tpu.memref_slice %arg5[%add3A, %dma_wait3A_1571] : memref<32x8704xf32, #tpu.memory_space<hbm>> -> memref<1x2176xf32, #tpu.memory_space<hbm>>
      %dma_wait3A_1573 = tpu.memref_squeeze %dma_wait3A_1572 : memref<1x2176xf32, #tpu.memory_space<hbm>> -> memref<2176xf32, #tpu.memory_space<hbm>>
      tpu.wait_dma2 semaphore(%run_scoped3A : memref<!tpu.dma_semaphore, #tpu.memory_space<semaphore_mem>>) src(%arg24 : memref<2176xf32, #tpu.memory_space<vmem>>) dst(%dma_wait3A_1573 : memref<2176xf32, #tpu.memory_space<hbm>>)
      tpu.yield
    }) : () -> ()
    "tpu.region"() ({
      %run_scoped3A = tpu.sem_alloc : memref<!tpu.dma_semaphore, #tpu.memory_space<semaphore_mem>>
      %dma_start3A = arith.constant 4352 : i32
      %dma_start3A_1564 = tpu.memref_slice %arg4[%add3A, %dma_start3A] : memref<32x8704xf32, #tpu.memory_space<hbm>> -> memref<1x2176xf32, #tpu.memory_space<hbm>>
      %dma_start3A_1565 = tpu.memref_squeeze %dma_start3A_1564 : memref<1x2176xf32, #tpu.memory_space<hbm>> -> memref<2176xf32, #tpu.memory_space<hbm>>
      %dma_start3A_1566 = arith.constant 4352 : i32
      %dma_start3A_1567 = tpu.memref_slice %arg4[%add3A, %dma_start3A_1566] : memref<32x8704xf32, #tpu.memory_space<hbm>> -> memref<1x2176xf32, #tpu.memory_space<hbm>>
      %dma_start3A_1568 = tpu.memref_squeeze %dma_start3A_1567 : memref<1x2176xf32, #tpu.memory_space<hbm>> -> memref<2176xf32, #tpu.memory_space<hbm>>
      tpu.enqueue_dma source(%arg17 : memref<2176xf32, #tpu.memory_space<vmem>>) target(%dma_start3A_1568 : memref<2176xf32, #tpu.memory_space<hbm>>) target_semaphore(%run_scoped3A : memref<!tpu.dma_semaphore, #tpu.memory_space<semaphore_mem>>)
      %dma_wait3A = arith.constant 4352 : i32
      %dma_wait3A_1569 = tpu.memref_slice %arg4[%add3A, %dma_wait3A] : memref<32x8704xf32, #tpu.memory_space<hbm>> -> memref<1x2176xf32, #tpu.memory_space<hbm>>
      %dma_wait3A_1570 = tpu.memref_squeeze %dma_wait3A_1569 : memref<1x2176xf32, #tpu.memory_space<hbm>> -> memref<2176xf32, #tpu.memory_space<hbm>>
      %dma_wait3A_1571 = arith.constant 4352 : i32
      %dma_wait3A_1572 = tpu.memref_slice %arg4[%add3A, %dma_wait3A_1571] : memref<32x8704xf32, #tpu.memory_space<hbm>> -> memref<1x2176xf32, #tpu.memory_space<hbm>>
      %dma_wait3A_1573 = tpu.memref_squeeze %dma_wait3A_1572 : memref<1x2176xf32, #tpu.memory_space<hbm>> -> memref<2176xf32, #tpu.memory_space<hbm>>
      tpu.wait_dma2 semaphore(%run_scoped3A : memref<!tpu.dma_semaphore, #tpu.memory_space<semaphore_mem>>) src(%arg17 : memref<2176xf32, #tpu.memory_space<vmem>>) dst(%dma_wait3A_1573 : memref<2176xf32, #tpu.memory_space<hbm>>)
      tpu.yield
    }) : () -> ()
    "tpu.region"() ({
      %run_scoped3A = tpu.sem_alloc : memref<!tpu.dma_semaphore, #tpu.memory_space<semaphore_mem>>
      %dma_start3A = arith.constant 4352 : i32
      %dma_start3A_1564 = tpu.memref_slice %arg5[%add3A, %dma_start3A] : memref<32x8704xf32, #tpu.memory_space<hbm>> -> memref<1x2176xf32, #tpu.memory_space<hbm>>
      %dma_start3A_1565 = tpu.memref_squeeze %dma_start3A_1564 : memref<1x2176xf32, #tpu.memory_space<hbm>> -> memref<2176xf32, #tpu.memory_space<hbm>>
      %dma_start3A_1566 = arith.constant 4352 : i32
      %dma_start3A_1567 = tpu.memref_slice %arg5[%add3A, %dma_start3A_1566] : memref<32x8704xf32, #tpu.memory_space<hbm>> -> memref<1x2176xf32, #tpu.memory_space<hbm>>
      %dma_start3A_1568 = tpu.memref_squeeze %dma_start3A_1567 : memref<1x2176xf32, #tpu.memory_space<hbm>> -> memref<2176xf32, #tpu.memory_space<hbm>>
      tpu.enqueue_dma source(%arg25 : memref<2176xf32, #tpu.memory_space<vmem>>) target(%dma_start3A_1568 : memref<2176xf32, #tpu.memory_space<hbm>>) target_semaphore(%run_scoped3A : memref<!tpu.dma_semaphore, #tpu.memory_space<semaphore_mem>>)
      %dma_wait3A = arith.constant 4352 : i32
      %dma_wait3A_1569 = tpu.memref_slice %arg5[%add3A, %dma_wait3A] : memref<32x8704xf32, #tpu.memory_space<hbm>> -> memref<1x2176xf32, #tpu.memory_space<hbm>>
      %dma_wait3A_1570 = tpu.memref_squeeze %dma_wait3A_1569 : memref<1x2176xf32, #tpu.memory_space<hbm>> -> memref<2176xf32, #tpu.memory_space<hbm>>
      %dma_wait3A_1571 = arith.constant 4352 : i32
      %dma_wait3A_1572 = tpu.memref_slice %arg5[%add3A, %dma_wait3A_1571] : memref<32x8704xf32, #tpu.memory_space<hbm>> -> memref<1x2176xf32, #tpu.memory_space<hbm>>
      %dma_wait3A_1573 = tpu.memref_squeeze %dma_wait3A_1572 : memref<1x2176xf32, #tpu.memory_space<hbm>> -> memref<2176xf32, #tpu.memory_space<hbm>>
      tpu.wait_dma2 semaphore(%run_scoped3A : memref<!tpu.dma_semaphore, #tpu.memory_space<semaphore_mem>>) src(%arg25 : memref<2176xf32, #tpu.memory_space<vmem>>) dst(%dma_wait3A_1573 : memref<2176xf32, #tpu.memory_space<hbm>>)
      tpu.yield
    }) : () -> ()
    "tpu.region"() ({
      %run_scoped3A = tpu.sem_alloc : memref<!tpu.dma_semaphore, #tpu.memory_space<semaphore_mem>>
      %dma_start3A = arith.constant 6528 : i32
      %dma_start3A_1564 = tpu.memref_slice %arg4[%add3A, %dma_start3A] : memref<32x8704xf32, #tpu.memory_space<hbm>> -> memref<1x2176xf32, #tpu.memory_space<hbm>>
      %dma_start3A_1565 = tpu.memref_squeeze %dma_start3A_1564 : memref<1x2176xf32, #tpu.memory_space<hbm>> -> memref<2176xf32, #tpu.memory_space<hbm>>
      %dma_start3A_1566 = arith.constant 6528 : i32
      %dma_start3A_1567 = tpu.memref_slice %arg4[%add3A, %dma_start3A_1566] : memref<32x8704xf32, #tpu.memory_space<hbm>> -> memref<1x2176xf32, #tpu.memory_space<hbm>>
      %dma_start3A_1568 = tpu.memref_squeeze %dma_start3A_1567 : memref<1x2176xf32, #tpu.memory_space<hbm>> -> memref<2176xf32, #tpu.memory_space<hbm>>
      tpu.enqueue_dma source(%arg18 : memref<2176xf32, #tpu.memory_space<vmem>>) target(%dma_start3A_1568 : memref<2176xf32, #tpu.memory_space<hbm>>) target_semaphore(%run_scoped3A : memref<!tpu.dma_semaphore, #tpu.memory_space<semaphore_mem>>)
      %dma_wait3A = arith.constant 6528 : i32
      %dma_wait3A_1569 = tpu.memref_slice %arg4[%add3A, %dma_wait3A] : memref<32x8704xf32, #tpu.memory_space<hbm>> -> memref<1x2176xf32, #tpu.memory_space<hbm>>
      %dma_wait3A_1570 = tpu.memref_squeeze %dma_wait3A_1569 : memref<1x2176xf32, #tpu.memory_space<hbm>> -> memref<2176xf32, #tpu.memory_space<hbm>>
      %dma_wait3A_1571 = arith.constant 6528 : i32
      %dma_wait3A_1572 = tpu.memref_slice %arg4[%add3A, %dma_wait3A_1571] : memref<32x8704xf32, #tpu.memory_space<hbm>> -> memref<1x2176xf32, #tpu.memory_space<hbm>>
      %dma_wait3A_1573 = tpu.memref_squeeze %dma_wait3A_1572 : memref<1x2176xf32, #tpu.memory_space<hbm>> -> memref<2176xf32, #tpu.memory_space<hbm>>
      tpu.wait_dma2 semaphore(%run_scoped3A : memref<!tpu.dma_semaphore, #tpu.memory_space<semaphore_mem>>) src(%arg18 : memref<2176xf32, #tpu.memory_space<vmem>>) dst(%dma_wait3A_1573 : memref<2176xf32, #tpu.memory_space<hbm>>)
      tpu.yield
    }) : () -> ()
    "tpu.region"() ({
      %run_scoped3A = tpu.sem_alloc : memref<!tpu.dma_semaphore, #tpu.memory_space<semaphore_mem>>
      %dma_start3A = arith.constant 6528 : i32
      %dma_start3A_1564 = tpu.memref_slice %arg5[%add3A, %dma_start3A] : memref<32x8704xf32, #tpu.memory_space<hbm>> -> memref<1x2176xf32, #tpu.memory_space<hbm>>
      %dma_start3A_1565 = tpu.memref_squeeze %dma_start3A_1564 : memref<1x2176xf32, #tpu.memory_space<hbm>> -> memref<2176xf32, #tpu.memory_space<hbm>>
      %dma_start3A_1566 = arith.constant 6528 : i32
      %dma_start3A_1567 = tpu.memref_slice %arg5[%add3A, %dma_start3A_1566] : memref<32x8704xf32, #tpu.memory_space<hbm>> -> memref<1x2176xf32, #tpu.memory_space<hbm>>
      %dma_start3A_1568 = tpu.memref_squeeze %dma_start3A_1567 : memref<1x2176xf32, #tpu.memory_space<hbm>> -> memref<2176xf32, #tpu.memory_space<hbm>>
      tpu.enqueue_dma source(%arg26 : memref<2176xf32, #tpu.memory_space<vmem>>) target(%dma_start3A_1568 : memref<2176xf32, #tpu.memory_space<hbm>>) target_semaphore(%run_scoped3A : memref<!tpu.dma_semaphore, #tpu.memory_space<semaphore_mem>>)
      %dma_wait3A = arith.constant 6528 : i32
      %dma_wait3A_1569 = tpu.memref_slice %arg5[%add3A, %dma_wait3A] : memref<32x8704xf32, #tpu.memory_space<hbm>> -> memref<1x2176xf32, #tpu.memory_space<hbm>>
      %dma_wait3A_1570 = tpu.memref_squeeze %dma_wait3A_1569 : memref<1x2176xf32, #tpu.memory_space<hbm>> -> memref<2176xf32, #tpu.memory_space<hbm>>
      %dma_wait3A_1571 = arith.constant 6528 : i32
      %dma_wait3A_1572 = tpu.memref_slice %arg5[%add3A, %dma_wait3A_1571] : memref<32x8704xf32, #tpu.memory_space<hbm>> -> memref<1x2176xf32, #tpu.memory_space<hbm>>
      %dma_wait3A_1573 = tpu.memref_squeeze %dma_wait3A_1572 : memref<1x2176xf32, #tpu.memory_space<hbm>> -> memref<2176xf32, #tpu.memory_space<hbm>>
      tpu.wait_dma2 semaphore(%run_scoped3A : memref<!tpu.dma_semaphore, #tpu.memory_space<semaphore_mem>>) src(%arg26 : memref<2176xf32, #tpu.memory_space<vmem>>) dst(%dma_wait3A_1573 : memref<2176xf32, #tpu.memory_space<hbm>>)
      tpu.yield
    }) : () -> ()
    "tpu.region"() ({
      %run_scoped3A = tpu.sem_alloc : memref<!tpu.dma_semaphore, #tpu.memory_space<semaphore_mem>>
      %dma_start3A = arith.constant 0 : i32
      %dma_start3A_1564 = tpu.memref_slice %arg6[%add3A, %dma_start3A] : memref<32x80xf32, #tpu.memory_space<hbm>> -> memref<1x80xf32, #tpu.memory_space<hbm>>
      %dma_start3A_1565 = tpu.memref_squeeze %dma_start3A_1564 : memref<1x80xf32, #tpu.memory_space<hbm>> -> memref<80xf32, #tpu.memory_space<hbm>>
      %dma_start3A_1566 = arith.constant 0 : i32
      %dma_start3A_1567 = tpu.memref_slice %arg6[%add3A, %dma_start3A_1566] : memref<32x80xf32, #tpu.memory_space<hbm>> -> memref<1x80xf32, #tpu.memory_space<hbm>>
      %dma_start3A_1568 = tpu.memref_squeeze %dma_start3A_1567 : memref<1x80xf32, #tpu.memory_space<hbm>> -> memref<80xf32, #tpu.memory_space<hbm>>
      tpu.enqueue_dma source(%arg31 : memref<80xf32, #tpu.memory_space<vmem>>) target(%dma_start3A_1568 : memref<80xf32, #tpu.memory_space<hbm>>) target_semaphore(%run_scoped3A : memref<!tpu.dma_semaphore, #tpu.memory_space<semaphore_mem>>)
      %dma_wait3A = arith.constant 0 : i32
      %dma_wait3A_1569 = tpu.memref_slice %arg6[%add3A, %dma_wait3A] : memref<32x80xf32, #tpu.memory_space<hbm>> -> memref<1x80xf32, #tpu.memory_space<hbm>>
      %dma_wait3A_1570 = tpu.memref_squeeze %dma_wait3A_1569 : memref<1x80xf32, #tpu.memory_space<hbm>> -> memref<80xf32, #tpu.memory_space<hbm>>
      %dma_wait3A_1571 = arith.constant 0 : i32
      %dma_wait3A_1572 = tpu.memref_slice %arg6[%add3A, %dma_wait3A_1571] : memref<32x80xf32, #tpu.memory_space<hbm>> -> memref<1x80xf32, #tpu.memory_space<hbm>>
      %dma_wait3A_1573 = tpu.memref_squeeze %dma_wait3A_1572 : memref<1x80xf32, #tpu.memory_space<hbm>> -> memref<80xf32, #tpu.memory_space<hbm>>
      tpu.wait_dma2 semaphore(%run_scoped3A : memref<!tpu.dma_semaphore, #tpu.memory_space<semaphore_mem>>) src(%arg31 : memref<80xf32, #tpu.memory_space<vmem>>) dst(%dma_wait3A_1573 : memref<80xf32, #tpu.memory_space<hbm>>)
      tpu.yield
    }) : () -> ()
    return
  }
}

module attributes {stable_mosaic.version = 14 : i64} {
  func.func @_ep_body(%arg0: memref<32x8704xf32, #tpu.memory_space<vmem>>, %arg1: memref<32x8704xf32, #tpu.memory_space<vmem>>, %arg2: memref<32x80xf32, #tpu.memory_space<vmem>>, %arg3: memref<4x4x128xf32, #tpu.memory_space<vmem>>, %arg4: memref<1x1xf32, #tpu.memory_space<vmem>>) attributes {dimension_semantics = [], scalar_prefetch = 0 : i64, scratch_operands = 0 : i64, tpu.core_type = #tpu.core_type<tc>} {
    %get3A = arith.constant 0 : index
    %get3A_0 = arith.constant 0 : index
    %get3A_1 = vector.load %arg0[%get3A, %get3A_0] : memref<32x8704xf32, #tpu.memory_space<vmem>>, vector<32x8704xf32>
    %get3A_2 = arith.constant 0 : index
    %get3A_3 = arith.constant 0 : index
    %get3A_4 = vector.load %arg1[%get3A_2, %get3A_3] : memref<32x8704xf32, #tpu.memory_space<vmem>>, vector<32x8704xf32>
    %slice3A = vector.extract_strided_slice %get3A_1 {offsets = [0, 0], sizes = [8, 8704], strides = [1, 1]} : vector<32x8704xf32> to vector<8x8704xf32>
    %reduce_max3A = arith.constant dense<0xFF800000> : vector<8704xf32>
    %reduce_max3A_5 = vector.multi_reduction <maximumf>, %slice3A, %reduce_max3A [0] : vector<8x8704xf32> to vector<8704xf32>
    %broadcast_in_dim3A = vector.shape_cast %reduce_max3A_5 : vector<8704xf32> to vector<1x8704xf32>
    %slice3A_6 = vector.extract_strided_slice %get3A_1 {offsets = [8, 0], sizes = [8, 8704], strides = [1, 1]} : vector<32x8704xf32> to vector<8x8704xf32>
    %reduce_max3A_7 = arith.constant dense<0xFF800000> : vector<8704xf32>
    %reduce_max3A_8 = vector.multi_reduction <maximumf>, %slice3A_6, %reduce_max3A_7 [0] : vector<8x8704xf32> to vector<8704xf32>
    %broadcast_in_dim3A_9 = vector.shape_cast %reduce_max3A_8 : vector<8704xf32> to vector<1x8704xf32>
    %slice3A_10 = vector.extract_strided_slice %get3A_1 {offsets = [16, 0], sizes = [8, 8704], strides = [1, 1]} : vector<32x8704xf32> to vector<8x8704xf32>
    %reduce_max3A_11 = arith.constant dense<0xFF800000> : vector<8704xf32>
    %reduce_max3A_12 = vector.multi_reduction <maximumf>, %slice3A_10, %reduce_max3A_11 [0] : vector<8x8704xf32> to vector<8704xf32>
    %broadcast_in_dim3A_13 = vector.shape_cast %reduce_max3A_12 : vector<8704xf32> to vector<1x8704xf32>
    %slice3A_14 = vector.extract_strided_slice %get3A_1 {offsets = [24, 0], sizes = [8, 8704], strides = [1, 1]} : vector<32x8704xf32> to vector<8x8704xf32>
    %reduce_max3A_15 = arith.constant dense<0xFF800000> : vector<8704xf32>
    %reduce_max3A_16 = vector.multi_reduction <maximumf>, %slice3A_14, %reduce_max3A_15 [0] : vector<8x8704xf32> to vector<8704xf32>
    %broadcast_in_dim3A_17 = vector.shape_cast %reduce_max3A_16 : vector<8704xf32> to vector<1x8704xf32>
    %concatenate3A = tpu.concatenate %broadcast_in_dim3A, %broadcast_in_dim3A_9, %broadcast_in_dim3A_13, %broadcast_in_dim3A_17 in 0 : vector<1x8704xf32>, vector<1x8704xf32>, vector<1x8704xf32>, vector<1x8704xf32> -> vector<4x8704xf32>
    %slice3A_18 = vector.extract_strided_slice %get3A_4 {offsets = [0, 0], sizes = [8, 8704], strides = [1, 1]} : vector<32x8704xf32> to vector<8x8704xf32>
    %reduce_min3A = arith.constant dense<0x7F800000> : vector<8704xf32>
    %reduce_min3A_19 = vector.multi_reduction <minimumf>, %slice3A_18, %reduce_min3A [0] : vector<8x8704xf32> to vector<8704xf32>
    %broadcast_in_dim3A_20 = vector.shape_cast %reduce_min3A_19 : vector<8704xf32> to vector<1x8704xf32>
    %slice3A_21 = vector.extract_strided_slice %get3A_4 {offsets = [8, 0], sizes = [8, 8704], strides = [1, 1]} : vector<32x8704xf32> to vector<8x8704xf32>
    %reduce_min3A_22 = arith.constant dense<0x7F800000> : vector<8704xf32>
    %reduce_min3A_23 = vector.multi_reduction <minimumf>, %slice3A_21, %reduce_min3A_22 [0] : vector<8x8704xf32> to vector<8704xf32>
    %broadcast_in_dim3A_24 = vector.shape_cast %reduce_min3A_23 : vector<8704xf32> to vector<1x8704xf32>
    %slice3A_25 = vector.extract_strided_slice %get3A_4 {offsets = [16, 0], sizes = [8, 8704], strides = [1, 1]} : vector<32x8704xf32> to vector<8x8704xf32>
    %reduce_min3A_26 = arith.constant dense<0x7F800000> : vector<8704xf32>
    %reduce_min3A_27 = vector.multi_reduction <minimumf>, %slice3A_25, %reduce_min3A_26 [0] : vector<8x8704xf32> to vector<8704xf32>
    %broadcast_in_dim3A_28 = vector.shape_cast %reduce_min3A_27 : vector<8704xf32> to vector<1x8704xf32>
    %slice3A_29 = vector.extract_strided_slice %get3A_4 {offsets = [24, 0], sizes = [8, 8704], strides = [1, 1]} : vector<32x8704xf32> to vector<8x8704xf32>
    %reduce_min3A_30 = arith.constant dense<0x7F800000> : vector<8704xf32>
    %reduce_min3A_31 = vector.multi_reduction <minimumf>, %slice3A_29, %reduce_min3A_30 [0] : vector<8x8704xf32> to vector<8704xf32>
    %broadcast_in_dim3A_32 = vector.shape_cast %reduce_min3A_31 : vector<8704xf32> to vector<1x8704xf32>
    %concatenate3A_33 = tpu.concatenate %broadcast_in_dim3A_20, %broadcast_in_dim3A_24, %broadcast_in_dim3A_28, %broadcast_in_dim3A_32 in 0 : vector<1x8704xf32>, vector<1x8704xf32>, vector<1x8704xf32>, vector<1x8704xf32> -> vector<4x8704xf32>
    %roll3A = arith.constant 8703 : i32
    %roll3A_34 = tpu.dynamic_rotate %concatenate3A by %roll3A dim 1 : vector<4x8704xf32>, i32 -> vector<4x8704xf32>
    %max3A = arith.maximumf %concatenate3A, %roll3A_34 : vector<4x8704xf32>
    %roll3A_35 = arith.constant 8703 : i32
    %roll3A_36 = tpu.dynamic_rotate %concatenate3A_33 by %roll3A_35 dim 1 : vector<4x8704xf32>, i32 -> vector<4x8704xf32>
    %min3A = arith.minimumf %concatenate3A_33, %roll3A_36 : vector<4x8704xf32>
    %roll3A_37 = arith.constant 8702 : i32
    %roll3A_38 = tpu.dynamic_rotate %max3A by %roll3A_37 dim 1 : vector<4x8704xf32>, i32 -> vector<4x8704xf32>
    %max3A_39 = arith.maximumf %max3A, %roll3A_38 : vector<4x8704xf32>
    %roll3A_40 = arith.constant 8702 : i32
    %roll3A_41 = tpu.dynamic_rotate %min3A by %roll3A_40 dim 1 : vector<4x8704xf32>, i32 -> vector<4x8704xf32>
    %min3A_42 = arith.minimumf %min3A, %roll3A_41 : vector<4x8704xf32>
    %roll3A_43 = arith.constant 8700 : i32
    %roll3A_44 = tpu.dynamic_rotate %max3A_39 by %roll3A_43 dim 1 : vector<4x8704xf32>, i32 -> vector<4x8704xf32>
    %max3A_45 = arith.maximumf %max3A_39, %roll3A_44 : vector<4x8704xf32>
    %roll3A_46 = arith.constant 8700 : i32
    %roll3A_47 = tpu.dynamic_rotate %min3A_42 by %roll3A_46 dim 1 : vector<4x8704xf32>, i32 -> vector<4x8704xf32>
    %min3A_48 = arith.minimumf %min3A_42, %roll3A_47 : vector<4x8704xf32>
    %roll3A_49 = arith.constant 8696 : i32
    %roll3A_50 = tpu.dynamic_rotate %max3A_45 by %roll3A_49 dim 1 : vector<4x8704xf32>, i32 -> vector<4x8704xf32>
    %max3A_51 = arith.maximumf %max3A_45, %roll3A_50 : vector<4x8704xf32>
    %roll3A_52 = arith.constant 8696 : i32
    %roll3A_53 = tpu.dynamic_rotate %min3A_48 by %roll3A_52 dim 1 : vector<4x8704xf32>, i32 -> vector<4x8704xf32>
    %min3A_54 = arith.minimumf %min3A_48, %roll3A_53 : vector<4x8704xf32>
    %iota3A = tpu.iota {dimensions = array<i32: 1>} : vector<128x2176xi32>
    %iota3A_55 = tpu.iota {dimensions = array<i32: 0>} : vector<128x2176xi32>
    %jit3A = arith.constant 16 : i32
    %div3A = vector.broadcast %jit3A : i32 to vector<128x2176xi32>
    %div3A_56 = arith.divsi %iota3A, %div3A : vector<128x2176xi32>
    %sign3A = arith.constant 0 : i32
    %sign3A_57 = vector.broadcast %sign3A : i32 to vector<128x2176xi32>
    %sign3A_58 = arith.cmpi sgt, %iota3A, %sign3A_57 : vector<128x2176xi32>
    %sign3A_59 = arith.extui %sign3A_58 : vector<128x2176xi1> to vector<128x2176xi32>
    %sign3A_60 = arith.constant 0 : i32
    %sign3A_61 = vector.broadcast %sign3A_60 : i32 to vector<128x2176xi32>
    %sign3A_62 = arith.cmpi slt, %iota3A, %sign3A_61 : vector<128x2176xi32>
    %sign3A_63 = arith.extui %sign3A_62 : vector<128x2176xi1> to vector<128x2176xi32>
    %sign3A_64 = arith.subi %sign3A_59, %sign3A_63 : vector<128x2176xi32>
    %sign3A_65 = arith.constant 0 : i32
    %sign3A_66 = arith.cmpi sgt, %jit3A, %sign3A_65 : i32
    %sign3A_67 = arith.extui %sign3A_66 : i1 to i32
    %sign3A_68 = arith.constant 0 : i32
    %sign3A_69 = arith.cmpi slt, %jit3A, %sign3A_68 : i32
    %sign3A_70 = arith.extui %sign3A_69 : i1 to i32
    %sign3A_71 = arith.subi %sign3A_67, %sign3A_70 : i32
    %ne3A = vector.broadcast %sign3A_71 : i32 to vector<128x2176xi32>
    %ne3A_72 = arith.cmpi ne, %sign3A_64, %ne3A : vector<128x2176xi32>
    %rem3A = vector.broadcast %jit3A : i32 to vector<128x2176xi32>
    %rem3A_73 = arith.remsi %iota3A, %rem3A : vector<128x2176xi32>
    %ne3A_74 = arith.constant 0 : i32
    %ne3A_75 = vector.broadcast %ne3A_74 : i32 to vector<128x2176xi32>
    %ne3A_76 = arith.cmpi ne, %rem3A_73, %ne3A_75 : vector<128x2176xi32>
    %and3A = arith.andi %ne3A_72, %ne3A_76 : vector<128x2176xi1>
    %sub3A = arith.constant 1 : i32
    %sub3A_77 = vector.broadcast %sub3A : i32 to vector<128x2176xi32>
    %sub3A_78 = arith.subi %div3A_56, %sub3A_77 : vector<128x2176xi32>
    %select_n3A = arith.select %and3A, %sub3A_78, %div3A_56 : vector<128x2176xi1>, vector<128x2176xi32>
    %jit3A_79 = arith.constant 16 : i32
    %eq3A = arith.constant 0 : i32
    %eq3A_80 = arith.cmpi eq, %jit3A_79, %eq3A : i32
    %jit3A_81 = arith.constant 1 : i32
    %select_n3A_82 = arith.select %eq3A_80, %jit3A_81, %jit3A_79 : i32
    %rem3A_83 = vector.broadcast %select_n3A_82 : i32 to vector<128x2176xi32>
    %rem3A_84 = arith.remsi %iota3A, %rem3A_83 : vector<128x2176xi32>
    %ne3A_85 = arith.constant 0 : i32
    %ne3A_86 = vector.broadcast %ne3A_85 : i32 to vector<128x2176xi32>
    %ne3A_87 = arith.cmpi ne, %rem3A_84, %ne3A_86 : vector<128x2176xi32>
    %lt3A = arith.constant 0 : i32
    %lt3A_88 = vector.broadcast %lt3A : i32 to vector<128x2176xi32>
    %lt3A_89 = arith.cmpi slt, %rem3A_84, %lt3A_88 : vector<128x2176xi32>
    %lt3A_90 = arith.constant 0 : i32
    %lt3A_91 = arith.cmpi slt, %select_n3A_82, %lt3A_90 : i32
    %ne3A_92 = vector.broadcast %lt3A_91 : i1 to vector<128x2176xi1>
    %ne3A_93 = vector.broadcast %ne3A_92 : vector<128x2176xi1> to vector<128x2176xi1>
    %ne3A_94 = arith.xori %lt3A_89, %ne3A_93 : vector<128x2176xi1>
    %and3A_95 = arith.andi %ne3A_94, %ne3A_87 : vector<128x2176xi1>
    %add3A = vector.broadcast %select_n3A_82 : i32 to vector<128x2176xi32>
    %add3A_96 = arith.addi %rem3A_84, %add3A : vector<128x2176xi32>
    %select_n3A_97 = arith.select %and3A_95, %add3A_96, %rem3A_84 : vector<128x2176xi1>, vector<128x2176xi32>
    %eq3A_98 = arith.constant 0 : i32
    %eq3A_99 = vector.broadcast %eq3A_98 : i32 to vector<128x2176xi32>
    %eq3A_100 = arith.cmpi eq, %select_n3A_97, %eq3A_99 : vector<128x2176xi32>
    %le3A = arith.cmpi sle, %select_n3A, %iota3A_55 : vector<128x2176xi32>
    %and3A_101 = arith.andi %eq3A_100, %le3A : vector<128x2176xi1>
    %gt3A = arith.cmpi sgt, %select_n3A, %iota3A_55 : vector<128x2176xi32>
    %and3A_102 = arith.andi %eq3A_100, %gt3A : vector<128x2176xi1>
    %le3A_103 = arith.constant 128 : i32
    %le3A_104 = vector.broadcast %le3A_103 : i32 to vector<128x2176xi32>
    %le3A_105 = arith.cmpi sle, %select_n3A, %le3A_104 : vector<128x2176xi32>
    %and3A_106 = arith.andi %and3A_102, %le3A_105 : vector<128x2176xi1>
    %get3A_107 = arith.constant 0 : index
    %get3A_108 = arith.constant 0 : index
    %get3A_109 = arith.constant 0 : index
    %get3A_110 = vector.load %arg3[%get3A_107, %get3A_108, %get3A_109] : memref<4x4x128xf32, #tpu.memory_space<vmem>>, vector<4x4x128xf32>
    %get3A_111 = arith.constant 0 : index
    %get3A_112 = arith.constant 0 : index
    %get3A_113 = vector.load %arg2[%get3A_111, %get3A_112] : memref<32x80xf32, #tpu.memory_space<vmem>>, vector<32x80xf32>
    %slice3A_114 = vector.extract_strided_slice %get3A_113 {offsets = [0, 0], sizes = [8, 80], strides = [1, 1]} : vector<32x80xf32> to vector<8x80xf32>
    %reduce_sum3A = arith.constant dense<0.000000e+00> : vector<80xf32>
    %reduce_sum3A_115 = vector.multi_reduction <add>, %slice3A_114, %reduce_sum3A [0] : vector<8x80xf32> to vector<80xf32>
    %broadcast_in_dim3A_116 = vector.shape_cast %reduce_sum3A_115 : vector<80xf32> to vector<1x80xf32>
    %slice3A_117 = vector.extract_strided_slice %get3A_113 {offsets = [8, 0], sizes = [8, 80], strides = [1, 1]} : vector<32x80xf32> to vector<8x80xf32>
    %reduce_sum3A_118 = arith.constant dense<0.000000e+00> : vector<80xf32>
    %reduce_sum3A_119 = vector.multi_reduction <add>, %slice3A_117, %reduce_sum3A_118 [0] : vector<8x80xf32> to vector<80xf32>
    %broadcast_in_dim3A_120 = vector.shape_cast %reduce_sum3A_119 : vector<80xf32> to vector<1x80xf32>
    %slice3A_121 = vector.extract_strided_slice %get3A_113 {offsets = [16, 0], sizes = [8, 80], strides = [1, 1]} : vector<32x80xf32> to vector<8x80xf32>
    %reduce_sum3A_122 = arith.constant dense<0.000000e+00> : vector<80xf32>
    %reduce_sum3A_123 = vector.multi_reduction <add>, %slice3A_121, %reduce_sum3A_122 [0] : vector<8x80xf32> to vector<80xf32>
    %broadcast_in_dim3A_124 = vector.shape_cast %reduce_sum3A_123 : vector<80xf32> to vector<1x80xf32>
    %slice3A_125 = vector.extract_strided_slice %get3A_113 {offsets = [24, 0], sizes = [8, 80], strides = [1, 1]} : vector<32x80xf32> to vector<8x80xf32>
    %reduce_sum3A_126 = arith.constant dense<0.000000e+00> : vector<80xf32>
    %reduce_sum3A_127 = vector.multi_reduction <add>, %slice3A_125, %reduce_sum3A_126 [0] : vector<8x80xf32> to vector<80xf32>
    %broadcast_in_dim3A_128 = vector.shape_cast %reduce_sum3A_127 : vector<80xf32> to vector<1x80xf32>
    %concatenate3A_129 = tpu.concatenate %broadcast_in_dim3A_116, %broadcast_in_dim3A_120, %broadcast_in_dim3A_124, %broadcast_in_dim3A_128 in 0 : vector<1x80xf32>, vector<1x80xf32>, vector<1x80xf32>, vector<1x80xf32> -> vector<4x80xf32>
    %iota3A_130 = tpu.iota {dimensions = array<i32: 1>} : vector<4x80xi32>
    %ge3A = arith.constant 64 : i32
    %ge3A_131 = vector.broadcast %ge3A : i32 to vector<4x80xi32>
    %ge3A_132 = arith.cmpi sge, %iota3A_130, %ge3A_131 : vector<4x80xi32>
    %jit3A_133 = arith.constant 0.000000e+00 : f32
    %broadcast_in_dim3A_134 = vector.broadcast %jit3A_133 : f32 to vector<4x80xf32>
    %select_n3A_135 = arith.select %ge3A_132, %concatenate3A_129, %broadcast_in_dim3A_134 : vector<4x80xi1>, vector<4x80xf32>
    %reduce_sum3A_136 = arith.constant dense<0.000000e+00> : vector<4xf32>
    %reduce_sum3A_137 = vector.multi_reduction <add>, %select_n3A_135, %reduce_sum3A_136 [1] : vector<4x80xf32> to vector<4xf32>
    %slice3A_138 = vector.extract_strided_slice %max3A_51 {offsets = [0, 0], sizes = [4, 2176], strides = [1, 1]} : vector<4x8704xf32> to vector<4x2176xf32>
    %slice3A_139 = vector.extract_strided_slice %min3A_54 {offsets = [0, 0], sizes = [4, 2176], strides = [1, 1]} : vector<4x8704xf32> to vector<4x2176xf32>
    %broadcast_in_dim3A_140 = vector.shape_cast %and3A_101 : vector<128x2176xi1> to vector<1x128x2176xi1>
    %broadcast_in_dim3A_141 = vector.shape_cast %slice3A_138 : vector<4x2176xf32> to vector<4x1x2176xf32>
    %jit3A_142 = arith.constant -1.000000e+00 : f32
    %broadcast_in_dim3A_143 = vector.shape_cast %broadcast_in_dim3A_140 : vector<1x128x2176xi1> to vector<1x128x2176xi1>
    %broadcast_in_dim3A_144 = vector.broadcast %broadcast_in_dim3A_143 : vector<1x128x2176xi1> to vector<4x128x2176xi1>
    %broadcast_in_dim3A_145 = vector.shape_cast %broadcast_in_dim3A_141 : vector<4x1x2176xf32> to vector<4x1x2176xf32>
    %broadcast_in_dim3A_146 = vector.broadcast %broadcast_in_dim3A_145 : vector<4x1x2176xf32> to vector<4x128x2176xf32>
    %broadcast_in_dim3A_147 = vector.broadcast %jit3A_142 : f32 to vector<4x128x2176xf32>
    %select_n3A_148 = arith.select %broadcast_in_dim3A_144, %broadcast_in_dim3A_146, %broadcast_in_dim3A_147 : vector<4x128x2176xi1>, vector<4x128x2176xf32>
    %reduce_max3A_149 = arith.constant dense<0xFF800000> : vector<4x128xf32>
    %reduce_max3A_150 = vector.multi_reduction <maximumf>, %select_n3A_148, %reduce_max3A_149 [2] : vector<4x128x2176xf32> to vector<4x128xf32>
    %broadcast_in_dim3A_151 = vector.shape_cast %and3A_106 : vector<128x2176xi1> to vector<1x128x2176xi1>
    %broadcast_in_dim3A_152 = vector.shape_cast %slice3A_139 : vector<4x2176xf32> to vector<4x1x2176xf32>
    %jit3A_153 = arith.constant 2.000000e+00 : f32
    %broadcast_in_dim3A_154 = vector.shape_cast %broadcast_in_dim3A_151 : vector<1x128x2176xi1> to vector<1x128x2176xi1>
    %broadcast_in_dim3A_155 = vector.broadcast %broadcast_in_dim3A_154 : vector<1x128x2176xi1> to vector<4x128x2176xi1>
    %broadcast_in_dim3A_156 = vector.shape_cast %broadcast_in_dim3A_152 : vector<4x1x2176xf32> to vector<4x1x2176xf32>
    %broadcast_in_dim3A_157 = vector.broadcast %broadcast_in_dim3A_156 : vector<4x1x2176xf32> to vector<4x128x2176xf32>
    %broadcast_in_dim3A_158 = vector.broadcast %jit3A_153 : f32 to vector<4x128x2176xf32>
    %select_n3A_159 = arith.select %broadcast_in_dim3A_155, %broadcast_in_dim3A_157, %broadcast_in_dim3A_158 : vector<4x128x2176xi1>, vector<4x128x2176xf32>
    %reduce_min3A_160 = arith.constant dense<0x7F800000> : vector<4x128xf32>
    %reduce_min3A_161 = vector.multi_reduction <minimumf>, %select_n3A_159, %reduce_min3A_160 [2] : vector<4x128x2176xf32> to vector<4x128xf32>
    %slice3A_162 = vector.extract_strided_slice %get3A_110 {offsets = [0, 0, 0], sizes = [4, 1, 128], strides = [1, 1, 1]} : vector<4x4x128xf32> to vector<4x1x128xf32>
    %squeeze3A = vector.shape_cast %slice3A_162 : vector<4x1x128xf32> to vector<4x128xf32>
    %gt3A_163 = arith.constant -5.000000e-01 : f32
    %gt3A_164 = vector.broadcast %gt3A_163 : f32 to vector<4x128xf32>
    %gt3A_165 = arith.cmpf ogt, %reduce_max3A_150, %gt3A_164 : vector<4x128xf32>
    %sub3A_166 = arith.subf %squeeze3A, %reduce_max3A_150 : vector<4x128xf32>
    %integer_pow3A = arith.mulf %sub3A_166, %sub3A_166 : vector<4x128xf32>
    %jit3A_167 = arith.constant 1.000000e+10 : f32
    %broadcast_in_dim3A_168 = vector.broadcast %jit3A_167 : f32 to vector<4x128xf32>
    %select_n3A_169 = arith.select %gt3A_165, %integer_pow3A, %broadcast_in_dim3A_168 : vector<4x128xi1>, vector<4x128xf32>
    %lt3A_170 = arith.constant 1.500000e+00 : f32
    %lt3A_171 = vector.broadcast %lt3A_170 : f32 to vector<4x128xf32>
    %lt3A_172 = arith.cmpf olt, %reduce_min3A_161, %lt3A_171 : vector<4x128xf32>
    %sub3A_173 = arith.subf %reduce_min3A_161, %squeeze3A : vector<4x128xf32>
    %integer_pow3A_174 = arith.mulf %sub3A_173, %sub3A_173 : vector<4x128xf32>
    %jit3A_175 = arith.constant 1.000000e+10 : f32
    %broadcast_in_dim3A_176 = vector.broadcast %jit3A_175 : f32 to vector<4x128xf32>
    %select_n3A_177 = arith.select %lt3A_172, %integer_pow3A_174, %broadcast_in_dim3A_176 : vector<4x128xi1>, vector<4x128xf32>
    %min3A_178 = arith.minimumf %select_n3A_169, %select_n3A_177 : vector<4x128xf32>
    %reduce_sum3A_179 = arith.constant dense<0.000000e+00> : vector<4xf32>
    %reduce_sum3A_180 = vector.multi_reduction <add>, %min3A_178, %reduce_sum3A_179 [1] : vector<4x128xf32> to vector<4xf32>
    %div3A_181 = arith.constant 1.280000e+02 : f32
    %div3A_182 = vector.broadcast %div3A_181 : f32 to vector<4xf32>
    %div3A_183 = arith.divf %reduce_sum3A_180, %div3A_182 : vector<4xf32>
    %ge3A_184 = arith.constant 0 : i32
    %ge3A_185 = vector.broadcast %ge3A_184 : i32 to vector<4x80xi32>
    %ge3A_186 = arith.cmpi sge, %iota3A_130, %ge3A_185 : vector<4x80xi32>
    %lt3A_187 = arith.constant 16 : i32
    %lt3A_188 = vector.broadcast %lt3A_187 : i32 to vector<4x80xi32>
    %lt3A_189 = arith.cmpi slt, %iota3A_130, %lt3A_188 : vector<4x80xi32>
    %and3A_190 = arith.andi %ge3A_186, %lt3A_189 : vector<4x80xi1>
    %jit3A_191 = arith.constant 0.000000e+00 : f32
    %broadcast_in_dim3A_192 = vector.broadcast %jit3A_191 : f32 to vector<4x80xf32>
    %select_n3A_193 = arith.select %and3A_190, %concatenate3A_129, %broadcast_in_dim3A_192 : vector<4x80xi1>, vector<4x80xf32>
    %reduce_sum3A_194 = arith.constant dense<0.000000e+00> : vector<4xf32>
    %reduce_sum3A_195 = vector.multi_reduction <add>, %select_n3A_193, %reduce_sum3A_194 [1] : vector<4x80xf32> to vector<4xf32>
    %div3A_196 = arith.divf %reduce_sum3A_195, %reduce_sum3A_137 : vector<4xf32>
    %add3A_197 = arith.addf %div3A_183, %div3A_196 : vector<4xf32>
    %reduce_sum3A_198 = vector.shape_cast %add3A_197 : vector<4xf32> to vector<1x4xf32>
    %reduce_sum3A_199 = arith.constant dense<0.000000e+00> : vector<1xf32>
    %reduce_sum3A_200 = vector.multi_reduction <add>, %reduce_sum3A_198, %reduce_sum3A_199 [1] : vector<1x4xf32> to vector<1xf32>
    %reduce_sum3A_201 = vector.shape_cast %reduce_sum3A_200 : vector<1xf32> to vector<1x1xf32>
    %reduce_sum3A_202 = vector.extract %reduce_sum3A_201[0, 0] : f32 from vector<1x1xf32>
    %add3A_203 = arith.constant 0.000000e+00 : f32
    %add3A_204 = arith.addf %add3A_203, %reduce_sum3A_202 : f32
    %slice3A_205 = vector.extract_strided_slice %max3A_51 {offsets = [0, 2176], sizes = [4, 2176], strides = [1, 1]} : vector<4x8704xf32> to vector<4x2176xf32>
    %slice3A_206 = vector.extract_strided_slice %min3A_54 {offsets = [0, 2176], sizes = [4, 2176], strides = [1, 1]} : vector<4x8704xf32> to vector<4x2176xf32>
    %broadcast_in_dim3A_207 = vector.shape_cast %and3A_101 : vector<128x2176xi1> to vector<1x128x2176xi1>
    %broadcast_in_dim3A_208 = vector.shape_cast %slice3A_205 : vector<4x2176xf32> to vector<4x1x2176xf32>
    %jit3A_209 = arith.constant -1.000000e+00 : f32
    %broadcast_in_dim3A_210 = vector.shape_cast %broadcast_in_dim3A_207 : vector<1x128x2176xi1> to vector<1x128x2176xi1>
    %broadcast_in_dim3A_211 = vector.broadcast %broadcast_in_dim3A_210 : vector<1x128x2176xi1> to vector<4x128x2176xi1>
    %broadcast_in_dim3A_212 = vector.shape_cast %broadcast_in_dim3A_208 : vector<4x1x2176xf32> to vector<4x1x2176xf32>
    %broadcast_in_dim3A_213 = vector.broadcast %broadcast_in_dim3A_212 : vector<4x1x2176xf32> to vector<4x128x2176xf32>
    %broadcast_in_dim3A_214 = vector.broadcast %jit3A_209 : f32 to vector<4x128x2176xf32>
    %select_n3A_215 = arith.select %broadcast_in_dim3A_211, %broadcast_in_dim3A_213, %broadcast_in_dim3A_214 : vector<4x128x2176xi1>, vector<4x128x2176xf32>
    %reduce_max3A_216 = arith.constant dense<0xFF800000> : vector<4x128xf32>
    %reduce_max3A_217 = vector.multi_reduction <maximumf>, %select_n3A_215, %reduce_max3A_216 [2] : vector<4x128x2176xf32> to vector<4x128xf32>
    %broadcast_in_dim3A_218 = vector.shape_cast %and3A_106 : vector<128x2176xi1> to vector<1x128x2176xi1>
    %broadcast_in_dim3A_219 = vector.shape_cast %slice3A_206 : vector<4x2176xf32> to vector<4x1x2176xf32>
    %jit3A_220 = arith.constant 2.000000e+00 : f32
    %broadcast_in_dim3A_221 = vector.shape_cast %broadcast_in_dim3A_218 : vector<1x128x2176xi1> to vector<1x128x2176xi1>
    %broadcast_in_dim3A_222 = vector.broadcast %broadcast_in_dim3A_221 : vector<1x128x2176xi1> to vector<4x128x2176xi1>
    %broadcast_in_dim3A_223 = vector.shape_cast %broadcast_in_dim3A_219 : vector<4x1x2176xf32> to vector<4x1x2176xf32>
    %broadcast_in_dim3A_224 = vector.broadcast %broadcast_in_dim3A_223 : vector<4x1x2176xf32> to vector<4x128x2176xf32>
    %broadcast_in_dim3A_225 = vector.broadcast %jit3A_220 : f32 to vector<4x128x2176xf32>
    %select_n3A_226 = arith.select %broadcast_in_dim3A_222, %broadcast_in_dim3A_224, %broadcast_in_dim3A_225 : vector<4x128x2176xi1>, vector<4x128x2176xf32>
    %reduce_min3A_227 = arith.constant dense<0x7F800000> : vector<4x128xf32>
    %reduce_min3A_228 = vector.multi_reduction <minimumf>, %select_n3A_226, %reduce_min3A_227 [2] : vector<4x128x2176xf32> to vector<4x128xf32>
    %slice3A_229 = vector.extract_strided_slice %get3A_110 {offsets = [0, 1, 0], sizes = [4, 1, 128], strides = [1, 1, 1]} : vector<4x4x128xf32> to vector<4x1x128xf32>
    %squeeze3A_230 = vector.shape_cast %slice3A_229 : vector<4x1x128xf32> to vector<4x128xf32>
    %gt3A_231 = arith.constant -5.000000e-01 : f32
    %gt3A_232 = vector.broadcast %gt3A_231 : f32 to vector<4x128xf32>
    %gt3A_233 = arith.cmpf ogt, %reduce_max3A_217, %gt3A_232 : vector<4x128xf32>
    %sub3A_234 = arith.subf %squeeze3A_230, %reduce_max3A_217 : vector<4x128xf32>
    %integer_pow3A_235 = arith.mulf %sub3A_234, %sub3A_234 : vector<4x128xf32>
    %jit3A_236 = arith.constant 1.000000e+10 : f32
    %broadcast_in_dim3A_237 = vector.broadcast %jit3A_236 : f32 to vector<4x128xf32>
    %select_n3A_238 = arith.select %gt3A_233, %integer_pow3A_235, %broadcast_in_dim3A_237 : vector<4x128xi1>, vector<4x128xf32>
    %lt3A_239 = arith.constant 1.500000e+00 : f32
    %lt3A_240 = vector.broadcast %lt3A_239 : f32 to vector<4x128xf32>
    %lt3A_241 = arith.cmpf olt, %reduce_min3A_228, %lt3A_240 : vector<4x128xf32>
    %sub3A_242 = arith.subf %reduce_min3A_228, %squeeze3A_230 : vector<4x128xf32>
    %integer_pow3A_243 = arith.mulf %sub3A_242, %sub3A_242 : vector<4x128xf32>
    %jit3A_244 = arith.constant 1.000000e+10 : f32
    %broadcast_in_dim3A_245 = vector.broadcast %jit3A_244 : f32 to vector<4x128xf32>
    %select_n3A_246 = arith.select %lt3A_241, %integer_pow3A_243, %broadcast_in_dim3A_245 : vector<4x128xi1>, vector<4x128xf32>
    %min3A_247 = arith.minimumf %select_n3A_238, %select_n3A_246 : vector<4x128xf32>
    %reduce_sum3A_248 = arith.constant dense<0.000000e+00> : vector<4xf32>
    %reduce_sum3A_249 = vector.multi_reduction <add>, %min3A_247, %reduce_sum3A_248 [1] : vector<4x128xf32> to vector<4xf32>
    %div3A_250 = arith.constant 1.280000e+02 : f32
    %div3A_251 = vector.broadcast %div3A_250 : f32 to vector<4xf32>
    %div3A_252 = arith.divf %reduce_sum3A_249, %div3A_251 : vector<4xf32>
    %ge3A_253 = arith.constant 16 : i32
    %ge3A_254 = vector.broadcast %ge3A_253 : i32 to vector<4x80xi32>
    %ge3A_255 = arith.cmpi sge, %iota3A_130, %ge3A_254 : vector<4x80xi32>
    %lt3A_256 = arith.constant 32 : i32
    %lt3A_257 = vector.broadcast %lt3A_256 : i32 to vector<4x80xi32>
    %lt3A_258 = arith.cmpi slt, %iota3A_130, %lt3A_257 : vector<4x80xi32>
    %and3A_259 = arith.andi %ge3A_255, %lt3A_258 : vector<4x80xi1>
    %jit3A_260 = arith.constant 0.000000e+00 : f32
    %broadcast_in_dim3A_261 = vector.broadcast %jit3A_260 : f32 to vector<4x80xf32>
    %select_n3A_262 = arith.select %and3A_259, %concatenate3A_129, %broadcast_in_dim3A_261 : vector<4x80xi1>, vector<4x80xf32>
    %reduce_sum3A_263 = arith.constant dense<0.000000e+00> : vector<4xf32>
    %reduce_sum3A_264 = vector.multi_reduction <add>, %select_n3A_262, %reduce_sum3A_263 [1] : vector<4x80xf32> to vector<4xf32>
    %div3A_265 = arith.divf %reduce_sum3A_264, %reduce_sum3A_137 : vector<4xf32>
    %add3A_266 = arith.addf %div3A_252, %div3A_265 : vector<4xf32>
    %reduce_sum3A_267 = vector.shape_cast %add3A_266 : vector<4xf32> to vector<1x4xf32>
    %reduce_sum3A_268 = arith.constant dense<0.000000e+00> : vector<1xf32>
    %reduce_sum3A_269 = vector.multi_reduction <add>, %reduce_sum3A_267, %reduce_sum3A_268 [1] : vector<1x4xf32> to vector<1xf32>
    %reduce_sum3A_270 = vector.shape_cast %reduce_sum3A_269 : vector<1xf32> to vector<1x1xf32>
    %reduce_sum3A_271 = vector.extract %reduce_sum3A_270[0, 0] : f32 from vector<1x1xf32>
    %add3A_272 = arith.addf %add3A_204, %reduce_sum3A_271 : f32
    %slice3A_273 = vector.extract_strided_slice %max3A_51 {offsets = [0, 4352], sizes = [4, 2176], strides = [1, 1]} : vector<4x8704xf32> to vector<4x2176xf32>
    %slice3A_274 = vector.extract_strided_slice %min3A_54 {offsets = [0, 4352], sizes = [4, 2176], strides = [1, 1]} : vector<4x8704xf32> to vector<4x2176xf32>
    %broadcast_in_dim3A_275 = vector.shape_cast %and3A_101 : vector<128x2176xi1> to vector<1x128x2176xi1>
    %broadcast_in_dim3A_276 = vector.shape_cast %slice3A_273 : vector<4x2176xf32> to vector<4x1x2176xf32>
    %jit3A_277 = arith.constant -1.000000e+00 : f32
    %broadcast_in_dim3A_278 = vector.shape_cast %broadcast_in_dim3A_275 : vector<1x128x2176xi1> to vector<1x128x2176xi1>
    %broadcast_in_dim3A_279 = vector.broadcast %broadcast_in_dim3A_278 : vector<1x128x2176xi1> to vector<4x128x2176xi1>
    %broadcast_in_dim3A_280 = vector.shape_cast %broadcast_in_dim3A_276 : vector<4x1x2176xf32> to vector<4x1x2176xf32>
    %broadcast_in_dim3A_281 = vector.broadcast %broadcast_in_dim3A_280 : vector<4x1x2176xf32> to vector<4x128x2176xf32>
    %broadcast_in_dim3A_282 = vector.broadcast %jit3A_277 : f32 to vector<4x128x2176xf32>
    %select_n3A_283 = arith.select %broadcast_in_dim3A_279, %broadcast_in_dim3A_281, %broadcast_in_dim3A_282 : vector<4x128x2176xi1>, vector<4x128x2176xf32>
    %reduce_max3A_284 = arith.constant dense<0xFF800000> : vector<4x128xf32>
    %reduce_max3A_285 = vector.multi_reduction <maximumf>, %select_n3A_283, %reduce_max3A_284 [2] : vector<4x128x2176xf32> to vector<4x128xf32>
    %broadcast_in_dim3A_286 = vector.shape_cast %and3A_106 : vector<128x2176xi1> to vector<1x128x2176xi1>
    %broadcast_in_dim3A_287 = vector.shape_cast %slice3A_274 : vector<4x2176xf32> to vector<4x1x2176xf32>
    %jit3A_288 = arith.constant 2.000000e+00 : f32
    %broadcast_in_dim3A_289 = vector.shape_cast %broadcast_in_dim3A_286 : vector<1x128x2176xi1> to vector<1x128x2176xi1>
    %broadcast_in_dim3A_290 = vector.broadcast %broadcast_in_dim3A_289 : vector<1x128x2176xi1> to vector<4x128x2176xi1>
    %broadcast_in_dim3A_291 = vector.shape_cast %broadcast_in_dim3A_287 : vector<4x1x2176xf32> to vector<4x1x2176xf32>
    %broadcast_in_dim3A_292 = vector.broadcast %broadcast_in_dim3A_291 : vector<4x1x2176xf32> to vector<4x128x2176xf32>
    %broadcast_in_dim3A_293 = vector.broadcast %jit3A_288 : f32 to vector<4x128x2176xf32>
    %select_n3A_294 = arith.select %broadcast_in_dim3A_290, %broadcast_in_dim3A_292, %broadcast_in_dim3A_293 : vector<4x128x2176xi1>, vector<4x128x2176xf32>
    %reduce_min3A_295 = arith.constant dense<0x7F800000> : vector<4x128xf32>
    %reduce_min3A_296 = vector.multi_reduction <minimumf>, %select_n3A_294, %reduce_min3A_295 [2] : vector<4x128x2176xf32> to vector<4x128xf32>
    %slice3A_297 = vector.extract_strided_slice %get3A_110 {offsets = [0, 2, 0], sizes = [4, 1, 128], strides = [1, 1, 1]} : vector<4x4x128xf32> to vector<4x1x128xf32>
    %squeeze3A_298 = vector.shape_cast %slice3A_297 : vector<4x1x128xf32> to vector<4x128xf32>
    %gt3A_299 = arith.constant -5.000000e-01 : f32
    %gt3A_300 = vector.broadcast %gt3A_299 : f32 to vector<4x128xf32>
    %gt3A_301 = arith.cmpf ogt, %reduce_max3A_285, %gt3A_300 : vector<4x128xf32>
    %sub3A_302 = arith.subf %squeeze3A_298, %reduce_max3A_285 : vector<4x128xf32>
    %integer_pow3A_303 = arith.mulf %sub3A_302, %sub3A_302 : vector<4x128xf32>
    %jit3A_304 = arith.constant 1.000000e+10 : f32
    %broadcast_in_dim3A_305 = vector.broadcast %jit3A_304 : f32 to vector<4x128xf32>
    %select_n3A_306 = arith.select %gt3A_301, %integer_pow3A_303, %broadcast_in_dim3A_305 : vector<4x128xi1>, vector<4x128xf32>
    %lt3A_307 = arith.constant 1.500000e+00 : f32
    %lt3A_308 = vector.broadcast %lt3A_307 : f32 to vector<4x128xf32>
    %lt3A_309 = arith.cmpf olt, %reduce_min3A_296, %lt3A_308 : vector<4x128xf32>
    %sub3A_310 = arith.subf %reduce_min3A_296, %squeeze3A_298 : vector<4x128xf32>
    %integer_pow3A_311 = arith.mulf %sub3A_310, %sub3A_310 : vector<4x128xf32>
    %jit3A_312 = arith.constant 1.000000e+10 : f32
    %broadcast_in_dim3A_313 = vector.broadcast %jit3A_312 : f32 to vector<4x128xf32>
    %select_n3A_314 = arith.select %lt3A_309, %integer_pow3A_311, %broadcast_in_dim3A_313 : vector<4x128xi1>, vector<4x128xf32>
    %min3A_315 = arith.minimumf %select_n3A_306, %select_n3A_314 : vector<4x128xf32>
    %reduce_sum3A_316 = arith.constant dense<0.000000e+00> : vector<4xf32>
    %reduce_sum3A_317 = vector.multi_reduction <add>, %min3A_315, %reduce_sum3A_316 [1] : vector<4x128xf32> to vector<4xf32>
    %div3A_318 = arith.constant 1.280000e+02 : f32
    %div3A_319 = vector.broadcast %div3A_318 : f32 to vector<4xf32>
    %div3A_320 = arith.divf %reduce_sum3A_317, %div3A_319 : vector<4xf32>
    %ge3A_321 = arith.constant 32 : i32
    %ge3A_322 = vector.broadcast %ge3A_321 : i32 to vector<4x80xi32>
    %ge3A_323 = arith.cmpi sge, %iota3A_130, %ge3A_322 : vector<4x80xi32>
    %lt3A_324 = arith.constant 48 : i32
    %lt3A_325 = vector.broadcast %lt3A_324 : i32 to vector<4x80xi32>
    %lt3A_326 = arith.cmpi slt, %iota3A_130, %lt3A_325 : vector<4x80xi32>
    %and3A_327 = arith.andi %ge3A_323, %lt3A_326 : vector<4x80xi1>
    %jit3A_328 = arith.constant 0.000000e+00 : f32
    %broadcast_in_dim3A_329 = vector.broadcast %jit3A_328 : f32 to vector<4x80xf32>
    %select_n3A_330 = arith.select %and3A_327, %concatenate3A_129, %broadcast_in_dim3A_329 : vector<4x80xi1>, vector<4x80xf32>
    %reduce_sum3A_331 = arith.constant dense<0.000000e+00> : vector<4xf32>
    %reduce_sum3A_332 = vector.multi_reduction <add>, %select_n3A_330, %reduce_sum3A_331 [1] : vector<4x80xf32> to vector<4xf32>
    %div3A_333 = arith.divf %reduce_sum3A_332, %reduce_sum3A_137 : vector<4xf32>
    %add3A_334 = arith.addf %div3A_320, %div3A_333 : vector<4xf32>
    %reduce_sum3A_335 = vector.shape_cast %add3A_334 : vector<4xf32> to vector<1x4xf32>
    %reduce_sum3A_336 = arith.constant dense<0.000000e+00> : vector<1xf32>
    %reduce_sum3A_337 = vector.multi_reduction <add>, %reduce_sum3A_335, %reduce_sum3A_336 [1] : vector<1x4xf32> to vector<1xf32>
    %reduce_sum3A_338 = vector.shape_cast %reduce_sum3A_337 : vector<1xf32> to vector<1x1xf32>
    %reduce_sum3A_339 = vector.extract %reduce_sum3A_338[0, 0] : f32 from vector<1x1xf32>
    %add3A_340 = arith.addf %add3A_272, %reduce_sum3A_339 : f32
    %slice3A_341 = vector.extract_strided_slice %max3A_51 {offsets = [0, 6528], sizes = [4, 2176], strides = [1, 1]} : vector<4x8704xf32> to vector<4x2176xf32>
    %slice3A_342 = vector.extract_strided_slice %min3A_54 {offsets = [0, 6528], sizes = [4, 2176], strides = [1, 1]} : vector<4x8704xf32> to vector<4x2176xf32>
    %broadcast_in_dim3A_343 = vector.shape_cast %and3A_101 : vector<128x2176xi1> to vector<1x128x2176xi1>
    %broadcast_in_dim3A_344 = vector.shape_cast %slice3A_341 : vector<4x2176xf32> to vector<4x1x2176xf32>
    %jit3A_345 = arith.constant -1.000000e+00 : f32
    %broadcast_in_dim3A_346 = vector.shape_cast %broadcast_in_dim3A_343 : vector<1x128x2176xi1> to vector<1x128x2176xi1>
    %broadcast_in_dim3A_347 = vector.broadcast %broadcast_in_dim3A_346 : vector<1x128x2176xi1> to vector<4x128x2176xi1>
    %broadcast_in_dim3A_348 = vector.shape_cast %broadcast_in_dim3A_344 : vector<4x1x2176xf32> to vector<4x1x2176xf32>
    %broadcast_in_dim3A_349 = vector.broadcast %broadcast_in_dim3A_348 : vector<4x1x2176xf32> to vector<4x128x2176xf32>
    %broadcast_in_dim3A_350 = vector.broadcast %jit3A_345 : f32 to vector<4x128x2176xf32>
    %select_n3A_351 = arith.select %broadcast_in_dim3A_347, %broadcast_in_dim3A_349, %broadcast_in_dim3A_350 : vector<4x128x2176xi1>, vector<4x128x2176xf32>
    %reduce_max3A_352 = arith.constant dense<0xFF800000> : vector<4x128xf32>
    %reduce_max3A_353 = vector.multi_reduction <maximumf>, %select_n3A_351, %reduce_max3A_352 [2] : vector<4x128x2176xf32> to vector<4x128xf32>
    %broadcast_in_dim3A_354 = vector.shape_cast %and3A_106 : vector<128x2176xi1> to vector<1x128x2176xi1>
    %broadcast_in_dim3A_355 = vector.shape_cast %slice3A_342 : vector<4x2176xf32> to vector<4x1x2176xf32>
    %jit3A_356 = arith.constant 2.000000e+00 : f32
    %broadcast_in_dim3A_357 = vector.shape_cast %broadcast_in_dim3A_354 : vector<1x128x2176xi1> to vector<1x128x2176xi1>
    %broadcast_in_dim3A_358 = vector.broadcast %broadcast_in_dim3A_357 : vector<1x128x2176xi1> to vector<4x128x2176xi1>
    %broadcast_in_dim3A_359 = vector.shape_cast %broadcast_in_dim3A_355 : vector<4x1x2176xf32> to vector<4x1x2176xf32>
    %broadcast_in_dim3A_360 = vector.broadcast %broadcast_in_dim3A_359 : vector<4x1x2176xf32> to vector<4x128x2176xf32>
    %broadcast_in_dim3A_361 = vector.broadcast %jit3A_356 : f32 to vector<4x128x2176xf32>
    %select_n3A_362 = arith.select %broadcast_in_dim3A_358, %broadcast_in_dim3A_360, %broadcast_in_dim3A_361 : vector<4x128x2176xi1>, vector<4x128x2176xf32>
    %reduce_min3A_363 = arith.constant dense<0x7F800000> : vector<4x128xf32>
    %reduce_min3A_364 = vector.multi_reduction <minimumf>, %select_n3A_362, %reduce_min3A_363 [2] : vector<4x128x2176xf32> to vector<4x128xf32>
    %slice3A_365 = vector.extract_strided_slice %get3A_110 {offsets = [0, 3, 0], sizes = [4, 1, 128], strides = [1, 1, 1]} : vector<4x4x128xf32> to vector<4x1x128xf32>
    %squeeze3A_366 = vector.shape_cast %slice3A_365 : vector<4x1x128xf32> to vector<4x128xf32>
    %gt3A_367 = arith.constant -5.000000e-01 : f32
    %gt3A_368 = vector.broadcast %gt3A_367 : f32 to vector<4x128xf32>
    %gt3A_369 = arith.cmpf ogt, %reduce_max3A_353, %gt3A_368 : vector<4x128xf32>
    %sub3A_370 = arith.subf %squeeze3A_366, %reduce_max3A_353 : vector<4x128xf32>
    %integer_pow3A_371 = arith.mulf %sub3A_370, %sub3A_370 : vector<4x128xf32>
    %jit3A_372 = arith.constant 1.000000e+10 : f32
    %broadcast_in_dim3A_373 = vector.broadcast %jit3A_372 : f32 to vector<4x128xf32>
    %select_n3A_374 = arith.select %gt3A_369, %integer_pow3A_371, %broadcast_in_dim3A_373 : vector<4x128xi1>, vector<4x128xf32>
    %lt3A_375 = arith.constant 1.500000e+00 : f32
    %lt3A_376 = vector.broadcast %lt3A_375 : f32 to vector<4x128xf32>
    %lt3A_377 = arith.cmpf olt, %reduce_min3A_364, %lt3A_376 : vector<4x128xf32>
    %sub3A_378 = arith.subf %reduce_min3A_364, %squeeze3A_366 : vector<4x128xf32>
    %integer_pow3A_379 = arith.mulf %sub3A_378, %sub3A_378 : vector<4x128xf32>
    %jit3A_380 = arith.constant 1.000000e+10 : f32
    %broadcast_in_dim3A_381 = vector.broadcast %jit3A_380 : f32 to vector<4x128xf32>
    %select_n3A_382 = arith.select %lt3A_377, %integer_pow3A_379, %broadcast_in_dim3A_381 : vector<4x128xi1>, vector<4x128xf32>
    %min3A_383 = arith.minimumf %select_n3A_374, %select_n3A_382 : vector<4x128xf32>
    %reduce_sum3A_384 = arith.constant dense<0.000000e+00> : vector<4xf32>
    %reduce_sum3A_385 = vector.multi_reduction <add>, %min3A_383, %reduce_sum3A_384 [1] : vector<4x128xf32> to vector<4xf32>
    %div3A_386 = arith.constant 1.280000e+02 : f32
    %div3A_387 = vector.broadcast %div3A_386 : f32 to vector<4xf32>
    %div3A_388 = arith.divf %reduce_sum3A_385, %div3A_387 : vector<4xf32>
    %ge3A_389 = arith.constant 48 : i32
    %ge3A_390 = vector.broadcast %ge3A_389 : i32 to vector<4x80xi32>
    %ge3A_391 = arith.cmpi sge, %iota3A_130, %ge3A_390 : vector<4x80xi32>
    %lt3A_392 = arith.constant 64 : i32
    %lt3A_393 = vector.broadcast %lt3A_392 : i32 to vector<4x80xi32>
    %lt3A_394 = arith.cmpi slt, %iota3A_130, %lt3A_393 : vector<4x80xi32>
    %and3A_395 = arith.andi %ge3A_391, %lt3A_394 : vector<4x80xi1>
    %jit3A_396 = arith.constant 0.000000e+00 : f32
    %broadcast_in_dim3A_397 = vector.broadcast %jit3A_396 : f32 to vector<4x80xf32>
    %select_n3A_398 = arith.select %and3A_395, %concatenate3A_129, %broadcast_in_dim3A_397 : vector<4x80xi1>, vector<4x80xf32>
    %reduce_sum3A_399 = arith.constant dense<0.000000e+00> : vector<4xf32>
    %reduce_sum3A_400 = vector.multi_reduction <add>, %select_n3A_398, %reduce_sum3A_399 [1] : vector<4x80xf32> to vector<4xf32>
    %div3A_401 = arith.divf %reduce_sum3A_400, %reduce_sum3A_137 : vector<4xf32>
    %add3A_402 = arith.addf %div3A_388, %div3A_401 : vector<4xf32>
    %reduce_sum3A_403 = vector.shape_cast %add3A_402 : vector<4xf32> to vector<1x4xf32>
    %reduce_sum3A_404 = arith.constant dense<0.000000e+00> : vector<1xf32>
    %reduce_sum3A_405 = vector.multi_reduction <add>, %reduce_sum3A_403, %reduce_sum3A_404 [1] : vector<1x4xf32> to vector<1xf32>
    %reduce_sum3A_406 = vector.shape_cast %reduce_sum3A_405 : vector<1xf32> to vector<1x1xf32>
    %reduce_sum3A_407 = vector.extract %reduce_sum3A_406[0, 0] : f32 from vector<1x1xf32>
    %add3A_408 = arith.addf %add3A_340, %reduce_sum3A_407 : f32
    %div3A_409 = arith.constant 4.000000e+00 : f32
    %div3A_410 = arith.divf %add3A_408, %div3A_409 : f32
    %broadcast_in_dim3A_411 = vector.broadcast %div3A_410 : f32 to vector<1x1xf32>
    %swap3A = arith.constant 0 : index
    %swap3A_412 = arith.constant 0 : index
    %swap3A_413 = vector.load %arg4[%swap3A, %swap3A_412] : memref<1x1xf32, #tpu.memory_space<vmem>>, vector<1x1xf32>
    tpu.vector_store %arg4[%swap3A, %swap3A_412], %broadcast_in_dim3A_411 {strides = array<i32>} : memref<1x1xf32, #tpu.memory_space<vmem>>, vector<1x1xf32>,
    return
  }
}

</mosaic_0001>

<sc_bundles>
// kernel: kernel.4.cloned.1.call-start
scs
__scs_entry_jumppad:
0x0: {  	(pc) =	sbr.rel $0x88, $3  }
0x1: {  	(tag) =	ssettag $0x0;
	lr =	simm.s32 $0x1  }
0x2: {  	[smem:$0x3F9F] =	sst lr;
	_ =	strace $0xD0000000  }
0x3: {  	_ = 	snop  }
0x4: {  	_ = 	snop  }
0x5: {  	_ = 	snop  }
0x6: {  	_ = 	snop  }
0x7: {  	_ = 	snop  }
__scs_overlays_trampoline_lowered:
0x8: {  	[smem:$0x3FAE] =	sst s0  }
0x9: {  	[smem:$0x3FAF] =	sst s1  }
0xa: {  	[smem:$0x3FB0] =	sst s2  }
0xb: {  	[smem:$0x3FB1] =	sst s3  }
0xc: {  	[smem:$0x3FB2] =	sst s4  }
0xd: {  	[smem:$0x3FB3] =	sst s5  }
0xe: {  	[smem:$0x3FB4] =	sst s6  }
0xf: {  	[smem:$0x3FB5] =	sst s7  }
0x10: {  	[smem:$0x3FB6] =	sst s8  }
0x11: {  	[smem:$0x3FB7] =	sst s9;
	s0 =	simm.s32 @!p0 $0x0  }
0x12: {  	s1 =	sld [smem:$0x3F9D];
	s0 =	simm.s32 @p0 $0x1  }
0x13: {  	[smem:$0x3FB8] =	sst s0;
	s0 =	simm.s32 @!p1 $0x0  }
0x14: {  	s2 =	sld [smem:$0x3F9C];
	s0 =	simm.s32 @p1 $0x1  }
0x15: {  	[smem:$0x3FB9] =	sst s0;
	s0 =	simm.s32 @!p2 $0x0  }
0x16: {  	s3 =	sld [smem:$0x3FDB];
	s0 =	simm.s32 @p2 $0x1  }
0x17: {  	s4 =	simm.s32 $0x1BF5;
	[smem:$0x3FBB] =	sst s0  }
0x18: {  	s0 =	sld [smem:$0x3F9E];
	_ =	swait.ge [sflag:s4], $0x0  }
0x19: {  	s7 =	sld [smem:$0x3F9F]  }
0x1a: {  	s8 =	sadd.s32 $0xFFFFE003, lr  }
0x1b: {  	s9 =	sadd.s32 $0xFFFFFEF7, lr;
	s5 =	simm.s32 $0xFFFFFFFF;
	p2 =	slt.u32 s8, $0xFFFFF086  }
0x1c: {  	p1 =	slt.u32 s9, $0xF7A;
	s5 =	simm.s32 @!p2 $0x0  }
0x1d: {  	s5 =	simm.s32 @p1 $0x1;
	p0 =	seq.s32 s7, s2  }
0x1e: {  	s7 =	smul.u32 @!p0 $0xF7A, s2;
	p2 =	seq.s32 @!p0 s5, $0x0  }
0x1f: {  	s9 =	smul.u32 $0xF7A, s1;
	s8 =	simm.s32 @!p0 $0x1BF5;
	p2 =	por !p2, p0  }
0x20: {  	[sflag:s8] =	ssyncset.s32 @!p0 $0xFFFFF086;
	s6 =	sadd.s32 @!p0 s3, s7;
	s7 =	simm.s32 @!p0 $0x108  }
0x21: {  	s3 =	sadd.s32 s3, s9;
	s6 =	sadd.s32 @!p0 $0x88, s6;
	s7 =	simm.s32 @p2 $0x1082  }
0x22: {  	[simem:s7], [sflag:s8] =	dma.local @!p0 [hbm:s6], $0xF7A  }
0x23: {  	s9 =	sor.u32 $0xD0000000, s2;
	s6 =	simm.s32 $0x108;
	_ =	swait.ge @!p0 [sflag:s8], $0x0  }
0x24: {  	s3 =	sadd.s32 $0x88, s3;
	s6 =	simm.s32 @!p1 $0x1082;
	[sflag:s4] =	ssyncset.s32 $0xFFFFF086  }
0x25: {  	[simem:s6], [sflag:s4] =	dma.local [hbm:s3], $0xF7A  }
0x26: {  	[smem:$0x3F9F] =	sst s1;
	(tag) =	ssettag s2;
	_ =	strace s9  }
0x27: {  	s1 =	sld [smem:$0x3FAF]  }
0x28: {  	s2 =	sld [smem:$0x3FB0]  }
0x29: {  	s4 =	sld [smem:$0x3FB2]  }
0x2a: {  	p0 =	seq.s32 s5, $0x0;
	s5 =	sld [smem:$0x3FB3]  }
0x2b: {  	s6 =	sld [smem:$0x3FB4]  }
0x2c: {  	s7 =	sld [smem:$0x3FB5]  }
0x2d: {  	s3 =	simm.s32 $0x108;
	s8 =	sld [smem:$0x3FB6]  }
0x2e: {  	s3 =	simm.s32 @!p0 $0x1082;
	s9 =	sld [smem:$0x3FB7]  }
0x2f: {  	lr =	sadd.s32 s0, s3;
	s0 =	sld [smem:$0x3FAE]  }
0x30: {  	s3 =	sld [smem:$0x3FB1]  }
0x31: {  	[smem:$0x3FBA] =	sst s10  }
0x32: {  	s10 =	sld [smem:$0x3FB8];
	_ =	sdelay $0x3  }
0x33: {  	p0 =	seq.s32 s10, $0x1;
	s10 =	sld [smem:$0x3FBA];
	_ =	sdelay $0x3  }
0x34: {  	[smem:$0x3FBA] =	sst s10  }
0x35: {  	s10 =	sld [smem:$0x3FB9];
	_ =	sdelay $0x3  }
0x36: {  	p1 =	seq.s32 s10, $0x1;
	s10 =	sld [smem:$0x3FBA];
	_ =	sdelay $0x3  }
0x37: {  	[smem:$0x3FBA] =	sst s10  }
0x38: {  	s10 =	sld [smem:$0x3FBB]  }
0x39: {  	_ = 	snop;
	(pc) =	sbr.ind lr, $3  }
0x3a: {  	_ = 	snop  }
0x3b: {  	_ = 	snop  }
0x3c: {  	p2 =	seq.s32 s10, $0x1;
	s10 =	sld [smem:$0x3FBA]  }
0x3d: {  	_ =	shalt  }
0x3e: {  	_ =	shalt  }
0x3f: {  	_ =	shalt  }
0x40: {  	_ =	shalt  }
0x41: {  	_ =	shalt  }
0x42: {  	_ =	shalt  }
0x43: {  	_ =	shalt  }
0x44: {  	_ =	shalt  }
0x45: {  	_ =	shalt  }
0x46: {  	_ =	shalt  }
0x47: {  	_ =	shalt  }
0x48: {  	_ =	shalt  }
0x49: {  	_ =	shalt  }
0x4a: {  	_ =	shalt  }
0x4b: {  	_ =	shalt  }
0x4c: {  	_ =	shalt  }
0x4d: {  	_ =	shalt  }
0x4e: {  	_ =	shalt  }
0x4f: {  	_ =	shalt  }
0x50: {  	_ =	shalt  }
0x51: {  	_ =	shalt  }
0x52: {  	_ =	shalt  }
0x53: {  	_ =	shalt  }
0x54: {  	_ =	shalt  }
0x55: {  	_ =	shalt  }
0x56: {  	_ =	shalt  }
0x57: {  	_ =	shalt  }
0x58: {  	_ =	shalt  }
0x59: {  	_ =	shalt  }
0x5a: {  	_ =	shalt  }
0x5b: {  	_ =	shalt  }
0x5c: {  	_ =	shalt  }
0x5d: {  	_ =	shalt  }
0x5e: {  	_ =	shalt  }
0x5f: {  	_ =	shalt  }
0x60: {  	_ =	shalt  }
0x61: {  	_ =	shalt  }
0x62: {  	_ =	shalt  }
0x63: {  	_ =	shalt  }
0x64: {  	_ =	shalt  }
0x65: {  	_ =	shalt  }
0x66: {  	_ =	shalt  }
0x67: {  	_ =	shalt  }
0x68: {  	_ =	shalt  }
0x69: {  	_ =	shalt  }
0x6a: {  	_ =	shalt  }
0x6b: {  	_ =	shalt  }
0x6c: {  	_ =	shalt  }
0x6d: {  	_ =	shalt  }
0x6e: {  	_ =	shalt  }
0x6f: {  	_ =	shalt  }
0x70: {  	_ =	shalt  }
0x71: {  	_ =	shalt  }
0x72: {  	_ =	shalt  }
0x73: {  	_ =	shalt  }
0x74: {  	_ =	shalt  }
0x75: {  	_ =	shalt  }
0x76: {  	_ =	shalt  }
0x77: {  	_ =	shalt  }
0x78: {  	_ =	shalt  }
0x79: {  	_ =	shalt  }
0x7a: {  	_ =	shalt  }
0x7b: {  	_ =	shalt  }
0x7c: {  	_ =	shalt  }
0x7d: {  	_ =	shalt  }
0x7e: {  	_ =	shalt  }
0x7f: {  	_ =	shalt  }
0x80: {  	_ =	shalt  }
0x81: {  	_ =	shalt  }
0x82: {  	_ =	shalt  }
0x83: {  	_ =	shalt  }
0x84: {  	_ =	shalt  }
0x85: {  	_ =	shalt  }
0x86: {  	_ =	shalt  }
0x87: {  	_ =	shalt  }
.Lfunc_end0:
.L_simem_size_0:
called_computation_lowered:
.L_overlay_start_0:
0x88: {  	s2 =	sld [smem:$0x3FD9]  }
0x89: {  	s3 =	sld [smem:$0x3FFE];
	_ =	sdelay $0x1  }
0x8a: {  	s1 =	srdreg.scid  }
0x8b: {  	s0 =	sand.u32 $0x1, s1  }
0x8c: {  	s16 =	sshll.u32 s0, $0xA;
	s2 =	sadd.s32 s3, s2  }
0x8d: {  	s2 =	sadd.s32 s2, s16  }
0x8e: {  	[smem:$0x3FC6] =	sst s2  }
0x8f: {  	_ = 	snop  }
0x90: {  	(tm) =	ssettm $0x1  }
0x91: {  	s17 =	sld [smem:$0x3FFB];
	_ =	sdelay $0x3  }
0x92: {  	_ =	strace s17  }
0x93: {  	s2 =	sld [smem:$0x3FFC];
	_ =	sdelay $0x3  }
0x94: {  	_ =	strace s2  }
0x95: {  	s2 =	sld [smem:$0x3FFD];
	_ =	sdelay $0x3  }
0x96: {  	_ =	strace s2  }
0x97: {  	_ =	strace $0x8FFFFFFF  }
0x98: {  	s18 =	sld [smem:$0x3FDB];
	_ =	sdelay $0x1  }
0x99: {  	s19 =	simm.s32 $_scs_section_size  }
0x9a: {  	s4 =	simm.s32 $_size__tile_overlayer_lowered;
	s5 =	simm.s32 $_tile_overlayer_lowered  }
0x9b: {  	s22 =	simm.s32 $0x1BFF;
	s21 =	sshll.u32 s5, $0x1;
	s2 =	sadd.s32 s19, s18  }
0x9c: {  	s6 =	simm.s32 $0x0;
	s20 =	sshll.u32 s4, $0x1;
	s4 =	sadd.s32 s21, s2  }
0x9d: {  	[timem:s6], [sflag:s22] =	dma.local [hbm:s4], s20  }
0x9e: {  	_ =	swait.ge [sflag:s22], s20  }
0x9f: {  	s3 =	ssub.s32 $0x0, s20;
	[sflag:s22] =	ssyncset.done $0x0  }
0xa0: {  	[sflag:s22] =	ssyncadd.s32 s3;
	_ =	sdelay $0x1  }
0xa1: {  	s23 =	simm.s32 $0x1B8B  }
0xa2: {  	_ =	swait.ge [sflag:s23], $0x1  }
0xa3: {  	[sflag:s23] =	ssyncset.done $0x0  }
0xa4: {  	s25 =	simm.s32 $0x1B8E;
	s24 =	sld [smem:$0x3FFE];
	[sflag:s23] =	ssyncadd.s32 $0xFFFFFFFF  }
0xa5: {  	s26 =	simm.s32 $execute0_lowered;
	[smem:$0x3FD2] =	sst s25  }
0xa6: {  	s4 =	sshll.u32 s26, $0x1;
	_ =	strace $0x80000046;
	[dreg:$0x1] =	wrdreg $0xFFFFFFFF  }
0xa7: {  	s28 =	simm.s32 $_size_execute0_lowered;
	s2 =	sadd.s32 s2, s4;
	[dreg:$0x0] =	wrdreg $0x0  }
0xa8: {  	s4 =	sshll.u32 s28, $0x1;
	[dreg:$0x2] =	wrdreg s2  }
0xa9: {  	[dreg:$0x3] =	wrdreg s4  }
0xaa: {  	[dreg:$0x4] =	wrdreg $0xC0  }
0xab: {  	_ =	task [dreg:s6], $0x5FFFF  }
0xac: {  	[dreg:$0x1] =	wrdreg $0xFFFFFFFF  }
0xad: {  	[dreg:$0x0] =	wrdreg $0x60  }
0xae: {  	[dreg:$0x2] =	wrdreg s24  }
0xaf: {  	[dreg:$0x3] =	wrdreg $0x9  }
0xb0: {  	_ =	task.clear_ibuf [dreg:s6], $0x4FFFF;
	_ =	strace $0x90000046  }
0xb1: {  	s29 =	simm.s32 $0x9;
	_ =	strace $0x80000048  }
0xb2: {  	_ =	swait.ge [sflag:s29], $0x1  }
0xb3: {  	[sflag:s29] =	ssyncadd.s32 $0xFFFFFFFF  }
0xb4: {  	_ =	strace $0x90000048  }
0xb5: {  	_ =	sfence  }
0xb6: {  	s30 =	sld [smem:$0x0];
	_ =	sdelay $0x2  }
0xb7: {  	s31 =	sshll.u32 s1, $0xD;
	s1 =	sshrl.u32 s1, $0x2  }
0xb8: {  	s3 =	sand.u32 $0x4000, s31;
	s1 =	sadd.s32 s1, s30  }
0xb9: {  	s0 =	sor.u32 s3, s0;
	s1 =	sshll.u32 s1, $0x11  }
0xba: {  	s0 =	sor.u32 s1, s0  }
0xbb: {  	s0 =	sadd.s32 $0x8F2B, s0  }
0xbc: {  	[sflag:s0] =	ssyncadd.remote.s32 $0x1  }
0xbd: {  	_ =	sfence.sel $0xFFFF  }
0xbe: {  	[dreg:$0x0] =	wrdreg $0xFFFFFFFF;
	(pc) =	sbr.abs _section_cstart, $3  }
0xbf: {  	[dreg:$0x1] =	wrdreg $0xFFFFFFFF  }
0xc0: {  	_ =	task.clear_ibuf [dreg:s6], $0x2FFFF;
	_ =	strace $0x9FFFFFFF  }
0xc1: {  	(tm) =	ssettm $0x7FFFFFFF  }
tec
execute0_lowered:
.L_overlay_start_1:
0x0: {  	(tag) =	ssettag $0x1  }
0x1: {  	s0 =	srdreg.scid  }
0x2: {  	s2 =	stileid.u32;
	s5 =	rddreg [dreg:$0x0]  }
0x3: {  	s16 =	simm.s32 $0x0;
	s28 =	simm.s32 $0x9E20;
	s29 =	simm.s32 $0xE220  }
0x4: {  	s30 =	simm.s32 $0xA6A0;
	s31 =	simm.s32 $0xEAA0;
	s0 =	sand.u32 $0x1, s0  }
0x5: {  	s1 =	sshll.u32 s2, $0x1;
	s2 =	sshrl.u32 s2, $0x2;
	[smem:$0x7FF] =	sst s16  }
0x6: {  	s7 =	sadd.s32 $0x7000, s5;
	s8 =	sadd.s32 $0xF800, s5;
	s4 =	smul.u32 $0xC000, s2  }
0x7: {  	s1 =	sor.u32 s0, s1;
	s15 =	smul.u32 $0x44, s2;
	_ =	strace $0x80000047  }
0x8: {  	s0 =	ssub.s32 $0x2, s0;
	s2 =	sshll.u32 s2, $0x6;
	s9 =	smul.u32 $0xA, s1  }
0x9: {  	s3 =	sand.u32 $0x7, s1;
	s10 =	sshrl.u32 s0, $0x1;
	s1 =	smul.u32 $0x2200, s1  }
0xa: {  	s2 =	sadd.s32 s2, s5;
	s6 =	smul.u32 $0x1800, s3;
	s0 =	ssub.s32 s0, s10  }
0xb: {  	s2 =	sadd.s32 $0x18200, s2;
	p0 =	sne.s32 s3, $0x0;
	s3 =	simm.s32 $0xFBA0  }
0xc: {  	s9 =	sadd.s32 s9, s5;
	s1 =	sshrl.u32 s1, $0x3;
	[dreg:$0x4] =	wrdreg s2  }
0xd: {  	s0 =	smax.u32 s0, $0x1;
	s4 =	sadd.s32 s4, s6;
	s6 =	sadd.s32 s15, s5  }
0xe: {  	s18 =	sadd.s32 s7, s1;
	s19 =	sadd.s32 $0x110, s1;
	[dreg:$0xe] =	wrdreg s0  }
0xf: {  	s20 =	sadd.s32 s8, s1;
	s22 =	sadd.s32 $0x220, s1;
	[dreg:$0x5] =	wrdreg s18  }
0x10: {  	s1 =	sadd.s32 $0x330, s1;
	s26 =	sadd.s32 $0x18000, s9;
	[dreg:$0x6] =	wrdreg s20  }
0x11: {  	s0 =	simm.s32 $0xF320;
	s17 =	sadd.s32 $0xE00, s6;
	[dreg:$0xd] =	wrdreg s26  }
0x12: {  	s4 =	sshrl.u32 s4, $0x3;
	s21 =	sadd.s32 s7, s19;
	[dreg:$0x3] =	wrdreg s17  }
0x13: {  	s2 =	sadd.s32 s8, s19;
	s23 =	sadd.s32 s7, s22;
	[dreg:$0x7] =	wrdreg s21  }
0x14: {  	s24 =	sadd.s32 s8, s22;
	s25 =	sadd.s32 s7, s1;
	[dreg:$0x8] =	wrdreg s2  }
0x15: {  	s1 =	sadd.s32 s8, s1;
	s18 =	simm.s32 $0x1A20;
	[dreg:$0x9] =	wrdreg s23  }
0x16: {  	s19 =	simm.s32 $0x7C20;
	s20 =	simm.s32 $0xC020;
	[dreg:$0xa] =	wrdreg s24  }
0x17: {  	s22 =	simm.s32 $0xC8A0;
	s26 =	simm.s32 $0xD9A0;
	[dreg:$0xb] =	wrdreg s25  }
0x18: {  	v0 =	vlaneseq.u32;
	s4 =	sadd.s32 s4, s5;
	[dreg:$0xc] =	wrdreg s1;
	s21 =	simm.s32 $0x84A0  }
0x19: {  	v1 =	vmul.u32 $0xFFFFFFFF, v0;
	s23 =	simm.s32 $0x8D20;
	s24 =	simm.s32 $0xD120;
	s25 =	simm.s32 $0x95A0  }
0x1a: {  	v2 =	vimm.f32 $-1.000000000e+00;
	v3 =	vimm.f32 $2.000000000e+00;
	s1 =	simm.s32 $0xAF20;
	s17 =	simm.s32 $0xB7A0;
	s4 =	sadd.s32 $0x1000, s4  }
0x1b: {  	v36 =	vimm.s32 $0x0;
	v37 =	vimm.s32 $0x1;
	v1 =	vadd.s32 $0xF, v1;
	s5 =	simm.s32 $0x0;
	[dreg:$0x2] =	wrdreg s4;
	s4 =	simm.s32 $0x1  }
.LBB2_1:
0x1c: {  	[dreg:$0xf] =	wrdreg s5  }
0x1d: {  	s2 =	rddreg [dreg:$0x2]  }
0x1e: {  	[tilespmem:s16], [sflag:$0x1] =	stream.linear.gather [hbm4b:s2+s16], $0x1800, $0x38;
	[tilespmem:$0x10470] =	vst v63  }
0x1f: {  	_ =	swait.ge [sflag:s4], $0x1800  }
0x20: {  	[sflag:s4] =	ssyncset.done $0x0  }
0x21: {  	s15 =	simm.s32 $0x1800;
	s14 =	rddreg [dreg:$0x3];
	[sflag:s4] =	ssyncadd.s32 $0xFFFFE800  }
0x22: {  	[tilespmem:s15], [sflag:$0x1] =	stream.linear.gather [hbm4b:s14+s16], $0x220, $0x38;
	[tilespmem:$0x10470] =	vst v63  }
0x23: {  	_ =	swait.ge [sflag:s4], $0x220  }
0x24: {  	[sflag:s4] =	ssyncset.done $0x0  }
0x25: {  	[sflag:s4] =	ssyncadd.s32 $0xFFFFFDE0  }
0x26: {  	v4 =	vld [tilespmem:$0x1800]  }
0x27: {  	v5 =	vld [tilespmem:$0x1801]  }
0x28: {  	v6 =	vld [tilespmem:$0x1810]  }
0x29: {  	v7 =	vld [tilespmem:$0x1811]  }
0x2a: {  	v8 =	vld [tilespmem:$0x1820]  }
0x2b: {  	v9 =	vld [tilespmem:$0x1821]  }
0x2c: {  	v10 =	vld [tilespmem:$0x1830]  }
0x2d: {  	v11 =	vld [tilespmem:$0x1831]  }
0x2e: {  	v12 =	vld [tilespmem:$0x1840]  }
0x2f: {  	v13 =	vld [tilespmem:$0x1841]  }
0x30: {  	v14 =	vld [tilespmem:$0x1850]  }
0x31: {  	v15 =	vld [tilespmem:$0x1851]  }
0x32: {  	v16 =	vld [tilespmem:$0x1860]  }
0x33: {  	v55 =	vld [tilespmem:$0x1870];
	v4 =	vadd.f32 v5, v4  }
0x34: {  	v5 =	vld [tilespmem:$0x1861];
	v6 =	vadd.f32 v7, v6  }
0x35: {  	v56 =	vld [tilespmem:$0x1871];
	v8 =	vadd.f32 v9, v8;
	v4 =	vmul.f32 $5.000000000e-01, v4  }
0x36: {  	v10 =	vadd.f32 v11, v10;
	v6 =	vmul.f32 $5.000000000e-01, v6  }
0x37: {  	v57 =	vadd.f32 v13, v12;
	v8 =	vmul.f32 $5.000000000e-01, v8;
	(xrf1) =	vsort.ascd.msk.f32 $0xffff, v4, v4  }
0x38: {  	v58 =	vadd.f32 v15, v14;
	v4 =	vmul.f32 $5.000000000e-01, v10;
	(xrf1) =	vsort.ascd.msk.f32 $0xffff, v6, v6  }
0x39: {  	v59 =	vmul.f32 $5.000000000e-01, v57;
	v5 =	vadd.f32 v5, v16;
	(xrf1) =	vsort.ascd.msk.f32 $0xffff, v8, v8  }
0x3a: {  	v7 =	vadd.f32 v56, v55;
	v60 =	vmul.f32 $5.000000000e-01, v58;
	(xrf1) =	vsort.ascd.msk.f32 $0xffff, v4, v4  }
0x3b: {  	v4 =	vmul.f32 $5.000000000e-01, v5;
	(xrf1) =	vsort.ascd.msk.f32 $0xffff, v59, v59  }
0x3c: {  	v5 =	vmul.f32 $5.000000000e-01, v7;
	(xrf1) =	vsort.ascd.msk.f32 $0xffff, v60, v60  }
0x3d: {  	(xrf1) =	vsort.ascd.msk.f32 $0xffff, v4, v4  }
0x3e: {  	(xrf1) =	vsort.ascd.msk.f32 $0xffff, v5, v5;
	_ =	sdelay $0x6  }
0x3f: {  	v4, _, _ =	vpop (xrf1)  }
0x40: {  	v5, _, _ =	vpop (xrf1)  }
0x41: {  	v61, _, _ =	vpop (xrf1);
	v5 =	vperm.xlane v5, v1  }
0x42: {  	v62, _, _ =	vpop (xrf1)  }
0x43: {  	v63, _, _ =	vpop (xrf1);
	v12 =	vmin.f32 v4, v5;
	v7 =	vperm.xlane v62, v1  }
0x44: {  	v4 =	vmax.f32 v4, v5;
	v13, _, _ =	vpop (xrf1);
	(xrf1) =	vsort.ascd.msk.f32 $0xffff, v12, v12  }
0x45: {  	v5, _, _ =	vpop (xrf1);
	(xrf1) =	vsort.ascd.msk.f32 $0xffff, v4, v4;
	v4 =	vmin.f32 v61, v7;
	v14 =	vperm.xlane v13, v1  }
0x46: {  	v6 =	vmax.f32 v61, v7;
	v15, _, _ =	vpop (xrf1);
	(xrf1) =	vsort.ascd.msk.f32 $0xffff, v4, v4  }
0x47: {  	(xrf1) =	vsort.ascd.msk.f32 $0xffff, v6, v6;
	v4 =	vmin.f32 v63, v14;
	v16 =	vperm.xlane v15, v1  }
0x48: {  	v17 =	vmax.f32 v63, v14;
	(xrf1) =	vsort.ascd.msk.f32 $0xffff, v4, v4  }
0x49: {  	(xrf1) =	vsort.ascd.msk.f32 $0xffff, v17, v17;
	v4 =	vmin.f32 v5, v16  }
0x4a: {  	v5 =	vmax.f32 v5, v16;
	(xrf1) =	vsort.ascd.msk.f32 $0xffff, v4, v4  }
0x4b: {  	(xrf1) =	vsort.ascd.msk.f32 $0xffff, v5, v5;
	_ =	sdelay $0x6  }
0x4c: {  	v4, _, _ =	vpop (xrf1)  }
0x4d: {  	v5, _, _ =	vpop (xrf1)  }
0x4e: {  	v18, _, _ =	vpop (xrf1)  }
0x4f: {  	v19, _, _ =	vpop (xrf1)  }
0x50: {  	v6 =	vperm.xlane v18, v1;
	v20, _, _ =	vpop (xrf1);
	v7 =	vperm.xlane v19, v1  }
0x51: {  	v21, _, _ =	vpop (xrf1)  }
0x52: {  	v24 =	vmin.f32 v5, v6;
	v5 =	vmax.f32 v5, v6;
	v22, _, _ =	vpop (xrf1);
	v23 =	vmin.f32 v4, v7  }
0x53: {  	v4 =	vmax.f32 v4, v7;
	v25, _, _ =	vpop (xrf1);
	v26 =	vmin.f32 v23, v24;
	v11 =	vmax.f32 v23, v24  }
0x54: {  	v28 =	vperm.xlane v22, v1;
	(xrf1) =	vsort.ascd.msk.f32 $0xffff, v26, v26;
	v27 =	vperm.xlane v25, v1  }
0x55: {  	v29 =	vmin.f32 v4, v5;
	v4 =	vmax.f32 v4, v5;
	(xrf1) =	vsort.ascd.msk.f32 $0xffff, v11, v11  }
0x56: {  	v30 =	vmin.f32 v21, v28;
	(xrf1) =	vsort.ascd.msk.f32 $0xffff, v29, v29;
	v5 =	vmin.f32 v20, v27  }
0x57: {  	v7 =	vmax.f32 v21, v28;
	(xrf1) =	vsort.ascd.msk.f32 $0xffff, v4, v4;
	v31 =	vmin.f32 v5, v30  }
0x58: {  	v4 =	vmax.f32 v20, v27;
	v5 =	vmax.f32 v5, v30;
	(xrf1) =	vsort.ascd.msk.f32 $0xffff, v31, v31  }
0x59: {  	(xrf1) =	vsort.ascd.msk.f32 $0xffff, v5, v5;
	v5 =	vmin.f32 v4, v7  }
0x5a: {  	v4 =	vmax.f32 v4, v7;
	(xrf1) =	vsort.ascd.msk.f32 $0xffff, v5, v5  }
0x5b: {  	(xrf1) =	vsort.ascd.msk.f32 $0xffff, v4, v4;
	_ =	sdelay $0x6  }
0x5c: {  	v4, _, _ =	vpop (xrf1)  }
0x5d: {  	v5, _, _ =	vpop (xrf1)  }
0x5e: {  	v39 =	vld [tilespmem:$0x1888];
	v32, _, _ =	vpop (xrf1)  }
0x5f: {  	v41 =	vld [tilespmem:$0x1889];
	v33, _, _ =	vpop (xrf1)  }
0x60: {  	v34, _, _ =	vpop (xrf1)  }
0x61: {  	v35, _, _ =	vpop (xrf1)  }
0x62: {  	v42 =	vld [tilespmem:$0x1898];
	v38, _, _ =	vpop (xrf1)  }
0x63: {  	v43 =	vld [tilespmem:$0x1899];
	v8 =	vperm.xlane v34, v1;
	v9 =	vperm.xlane v35, v1;
	v40, _, _ =	vpop (xrf1)  }
0x64: {  	v48 =	vld [tilespmem:$0x18B9];
	v59 =	vadd.f32 v41, v39;
	v10 =	vperm.xlane v38, v1;
	v12 =	vperm.xlane v40, v1  }
0x65: {  	v49 =	vld [tilespmem:$0x18C8];
	v20 =	vmin.f32 v33, v8;
	v7 =	vmax.f32 v33, v8;
	v19 =	vmin.f32 v32, v9  }
0x66: {  	v51 =	vld [tilespmem:$0x18C9];
	v6 =	vmax.f32 v32, v9;
	v18 =	vmin.f32 v5, v10;
	v44 =	vmin.f32 v4, v12  }
0x67: {  	v53 =	vld [tilespmem:$0x18D8];
	v5 =	vmax.f32 v5, v10;
	v22 =	vmin.f32 v18, v20;
	v45 =	vmin.f32 v44, v19  }
0x68: {  	v56 =	vld [tilespmem:$0x18D9];
	v4 =	vmax.f32 v4, v12;
	v18 =	vmax.f32 v18, v20;
	v47 =	vmin.f32 v45, v22  }
0x69: {  	v17 =	vld [tilespmem:$0x18A8];
	v46 =	vmax.f32 v44, v19;
	v12 =	vmax.f32 v45, v22;
	(xrf1) =	vsort.ascd.msk.f32 $0xffff, v47, v47  }
0x6a: {  	v21 =	vld [tilespmem:$0x18A9];
	v55 =	vmin.f32 v5, v7;
	v50 =	vmin.f32 v46, v18;
	(xrf1) =	vsort.ascd.msk.f32 $0xffff, v12, v12  }
0x6b: {  	v23 =	vld [tilespmem:$0x18B8];
	v54 =	vmin.f32 v4, v6;
	v52 =	vmax.f32 v46, v18;
	(xrf1) =	vsort.ascd.msk.f32 $0xffff, v50, v50  }
0x6c: {  	v58 =	vld [tilespmem:$0x18E8];
	v5 =	vmax.f32 v5, v7;
	v57 =	vmin.f32 v54, v55;
	(xrf1) =	vsort.ascd.msk.f32 $0xffff, v52, v52  }
0x6d: {  	v60 =	vld [tilespmem:$0x18E9];
	v4 =	vmax.f32 v4, v6;
	v8 =	vmax.f32 v54, v55;
	(xrf1) =	vsort.ascd.msk.f32 $0xffff, v57, v57  }
0x6e: {  	v62 =	vadd.f32 v43, v42;
	v63 =	vld [tilespmem:$0x18F8];
	v61 =	vmin.f32 v4, v5;
	(xrf1) =	vsort.ascd.msk.f32 $0xffff, v8, v8  }
0x6f: {  	v20 =	vadd.f32 v21, v17;
	v21 =	vld [tilespmem:$0x18F9];
	v4 =	vmax.f32 v4, v5;
	v5 =	vmul.f32 $5.000000000e-01, v59;
	(xrf1) =	vsort.ascd.msk.f32 $0xffff, v61, v61  }
0x70: {  	v22 =	vadd.f32 v48, v23;
	(xrf1) =	vsort.ascd.msk.f32 $0xffff, v4, v4;
	v4 =	vmul.f32 $5.000000000e-01, v62  }
0x71: {  	v6 =	vmul.f32 $5.000000000e-01, v20;
	v12 =	vadd.f32 v51, v49;
	(xrf1) =	vsort.ascd.msk.f32 $0xffff, v5, v5  }
0x72: {  	v9 =	vadd.f32 v56, v53;
	v5 =	vmul.f32 $5.000000000e-01, v22;
	(xrf1) =	vsort.ascd.msk.f32 $0xffff, v4, v4  }
0x73: {  	v7 =	vadd.f32 v60, v58;
	v4 =	vmul.f32 $5.000000000e-01, v12;
	(xrf1) =	vsort.ascd.msk.f32 $0xffff, v6, v6  }
0x74: {  	v23 =	vmul.f32 $5.000000000e-01, v9;
	v8 =	vadd.f32 v21, v63;
	(xrf1) =	vsort.ascd.msk.f32 $0xffff, v5, v5  }
0x75: {  	v5 =	vmul.f32 $5.000000000e-01, v7;
	(xrf1) =	vsort.ascd.msk.f32 $0xffff, v4, v4  }
0x76: {  	v4 =	vmul.f32 $5.000000000e-01, v8;
	(xrf1) =	vsort.ascd.msk.f32 $0xffff, v23, v23  }
0x77: {  	v9, _, _ =	vpop (xrf1);
	(xrf1) =	vsort.ascd.msk.f32 $0xffff, v5, v5  }
0x78: {  	v10, _, _ =	vpop (xrf1);
	(xrf1) =	vsort.ascd.msk.f32 $0xffff, v4, v4  }
0x79: {  	v11, _, _ =	vpop (xrf1)  }
0x7a: {  	v8, _, _ =	vpop (xrf1)  }
0x7b: {  	v7, _, _ =	vpop (xrf1)  }
0x7c: {  	v6, _, _ =	vpop (xrf1)  }
0x7d: {  	v5, _, _ =	vpop (xrf1)  }
0x7e: {  	v4, _, _ =	vpop (xrf1)  }
0x7f: {  	v24, _, _ =	vpop (xrf1)  }
0x80: {  	v25, _, _ =	vpop (xrf1)  }
0x81: {  	v26, _, _ =	vpop (xrf1);
	v13 =	vperm.xlane v25, v1  }
0x82: {  	v27, _, _ =	vpop (xrf1)  }
0x83: {  	v28, _, _ =	vpop (xrf1);
	v29 =	vmin.f32 v24, v13;
	v15 =	vperm.xlane v27, v1  }
0x84: {  	v12 =	vmax.f32 v24, v13;
	v30, _, _ =	vpop (xrf1);
	(xrf1) =	vsort.ascd.msk.f32 $0xffff, v29, v29  }
0x85: {  	v31, _, _ =	vpop (xrf1);
	(xrf1) =	vsort.ascd.msk.f32 $0xffff, v12, v12;
	v32 =	vmin.f32 v26, v15;
	v33 =	vperm.xlane v30, v1  }
0x86: {  	v14 =	vmax.f32 v26, v15;
	v34, _, _ =	vpop (xrf1);
	(xrf1) =	vsort.ascd.msk.f32 $0xffff, v32, v32  }
0x87: {  	(xrf1) =	vsort.ascd.msk.f32 $0xffff, v14, v14;
	v35 =	vmin.f32 v28, v33;
	v38 =	vperm.xlane v34, v1  }
0x88: {  	v39 =	vmax.f32 v28, v33;
	(xrf1) =	vsort.ascd.msk.f32 $0xffff, v35, v35  }
0x89: {  	(xrf1) =	vsort.ascd.msk.f32 $0xffff, v39, v39;
	v40 =	vmin.f32 v31, v38  }
0x8a: {  	v13 =	vmax.f32 v31, v38;
	(xrf1) =	vsort.ascd.msk.f32 $0xffff, v40, v40  }
0x8b: {  	(xrf1) =	vsort.ascd.msk.f32 $0xffff, v13, v13;
	_ =	sdelay $0x6  }
0x8c: {  	v41, _, _ =	vpop (xrf1)  }
0x8d: {  	v42, _, _ =	vpop (xrf1)  }
0x8e: {  	v43, _, _ =	vpop (xrf1)  }
0x8f: {  	v44, _, _ =	vpop (xrf1)  }
0x90: {  	v14 =	vperm.xlane v43, v1;
	v45, _, _ =	vpop (xrf1);
	v15 =	vperm.xlane v44, v1  }
0x91: {  	v46, _, _ =	vpop (xrf1)  }
0x92: {  	v49 =	vmin.f32 v42, v14;
	v13 =	vmax.f32 v42, v14;
	v47, _, _ =	vpop (xrf1);
	v48 =	vmin.f32 v41, v15  }
0x93: {  	v12 =	vmax.f32 v41, v15;
	v50, _, _ =	vpop (xrf1);
	v51 =	vmin.f32 v48, v49;
	v19 =	vmax.f32 v48, v49  }
0x94: {  	v53 =	vperm.xlane v47, v1;
	(xrf1) =	vsort.ascd.msk.f32 $0xffff, v51, v51;
	v52 =	vperm.xlane v50, v1  }
0x95: {  	v54 =	vmin.f32 v12, v13;
	v12 =	vmax.f32 v12, v13;
	(xrf1) =	vsort.ascd.msk.f32 $0xffff, v19, v19  }
0x96: {  	v56 =	vmin.f32 v46, v53;
	(xrf1) =	vsort.ascd.msk.f32 $0xffff, v54, v54;
	v55 =	vmin.f32 v45, v52  }
0x97: {  	v15 =	vmax.f32 v46, v53;
	(xrf1) =	vsort.ascd.msk.f32 $0xffff, v12, v12;
	v58 =	vmin.f32 v55, v56  }
0x98: {  	v57 =	vmax.f32 v45, v52;
	v13 =	vmax.f32 v55, v56;
	(xrf1) =	vsort.ascd.msk.f32 $0xffff, v58, v58  }
0x99: {  	v59 =	vmin.f32 v57, v15;
	(xrf1) =	vsort.ascd.msk.f32 $0xffff, v13, v13  }
0x9a: {  	v12 =	vmax.f32 v57, v15;
	(xrf1) =	vsort.ascd.msk.f32 $0xffff, v59, v59  }
0x9b: {  	(xrf1) =	vsort.ascd.msk.f32 $0xffff, v12, v12;
	_ =	sdelay $0x6  }
0x9c: {  	v60, _, _ =	vpop (xrf1)  }
0x9d: {  	v61, _, _ =	vpop (xrf1)  }
0x9e: {  	v30 =	vld [tilespmem:$0x1911];
	v62, _, _ =	vpop (xrf1)  }
0x9f: {  	v28 =	vld [tilespmem:$0x1910];
	v63, _, _ =	vpop (xrf1)  }
0xa0: {  	v25, _, _ =	vpop (xrf1)  }
0xa1: {  	v26, _, _ =	vpop (xrf1)  }
0xa2: {  	v32 =	vld [tilespmem:$0x1921];
	v27, _, _ =	vpop (xrf1)  }
0xa3: {  	v31 =	vld [tilespmem:$0x1920];
	v16 =	vperm.xlane v25, v1;
	v17 =	vperm.xlane v26, v1;
	v29, _, _ =	vpop (xrf1)  }
0xa4: {  	v40 =	vld [tilespmem:$0x1931];
	v54 =	vadd.f32 v30, v28;
	v18 =	vperm.xlane v27, v1;
	v20 =	vperm.xlane v29, v1  }
0xa5: {  	v43 =	vld [tilespmem:$0x1941];
	v39 =	vmin.f32 v63, v16;
	v15 =	vmax.f32 v63, v16;
	v38 =	vmin.f32 v62, v17  }
0xa6: {  	v44 =	vld [tilespmem:$0x1950];
	v14 =	vmax.f32 v62, v17;
	v26 =	vmin.f32 v61, v18;
	v24 =	vmin.f32 v60, v20  }
0xa7: {  	v42 =	vld [tilespmem:$0x1940];
	v13 =	vmax.f32 v61, v18;
	v41 =	vmin.f32 v26, v39;
	v33 =	vmin.f32 v24, v38  }
0xa8: {  	v48 =	vld [tilespmem:$0x1960];
	v12 =	vmax.f32 v60, v20;
	v26 =	vmax.f32 v26, v39;
	v35 =	vmin.f32 v33, v41  }
0xa9: {  	v51 =	vld [tilespmem:$0x1961];
	v34 =	vmax.f32 v24, v38;
	v20 =	vmax.f32 v33, v41;
	(xrf1) =	vsort.ascd.msk.f32 $0xffff, v35, v35  }
0xaa: {  	v25 =	vld [tilespmem:$0x1930];
	v50 =	vmin.f32 v13, v15;
	v45 =	vmin.f32 v34, v26;
	(xrf1) =	vsort.ascd.msk.f32 $0xffff, v20, v20  }
0xab: {  	v46 =	vld [tilespmem:$0x1951];
	v49 =	vmin.f32 v12, v14;
	v47 =	vmax.f32 v34, v26;
	(xrf1) =	vsort.ascd.msk.f32 $0xffff, v45, v45  }
0xac: {  	v53 =	vld [tilespmem:$0x1970];
	v13 =	vmax.f32 v13, v15;
	v52 =	vmin.f32 v49, v50;
	(xrf1) =	vsort.ascd.msk.f32 $0xffff, v47, v47  }
0xad: {  	v55 =	vld [tilespmem:$0x1971];
	v12 =	vmax.f32 v12, v14;
	v16 =	vmax.f32 v49, v50;
	(xrf1) =	vsort.ascd.msk.f32 $0xffff, v52, v52  }
0xae: {  	v57 =	vadd.f32 v32, v31;
	v58 =	vld [tilespmem:$0x1980];
	v56 =	vmin.f32 v12, v13;
	(xrf1) =	vsort.ascd.msk.f32 $0xffff, v16, v16  }
0xaf: {  	v59 =	vmul.f32 $5.000000000e-01, v54;
	v61 =	vld [tilespmem:$0x1981];
	v60 =	vadd.f32 v40, v25;
	v12 =	vmax.f32 v12, v13;
	(xrf1) =	vsort.ascd.msk.f32 $0xffff, v56, v56  }
0xb0: {  	v63 =	vadd.f32 v43, v42;
	v62 =	vmul.f32 $5.000000000e-01, v57;
	(xrf1) =	vsort.ascd.msk.f32 $0xffff, v12, v12  }
0xb1: {  	v14 =	vmul.f32 $5.000000000e-01, v60;
	v20 =	vadd.f32 v46, v44;
	(xrf1) =	vsort.ascd.msk.f32 $0xffff, v59, v59  }
0xb2: {  	v17 =	vadd.f32 v51, v48;
	v25 =	vmul.f32 $5.000000000e-01, v63;
	(xrf1) =	vsort.ascd.msk.f32 $0xffff, v62, v62  }
0xb3: {  	v15 =	vadd.f32 v55, v53;
	v26 =	vmul.f32 $5.000000000e-01, v20;
	(xrf1) =	vsort.ascd.msk.f32 $0xffff, v14, v14  }
0xb4: {  	v27 =	vmul.f32 $5.000000000e-01, v17;
	v16 =	vadd.f32 v61, v58;
	(xrf1) =	vsort.ascd.msk.f32 $0xffff, v25, v25  }
0xb5: {  	v28 =	vmul.f32 $5.000000000e-01, v15;
	(xrf1) =	vsort.ascd.msk.f32 $0xffff, v26, v26  }
0xb6: {  	v29 =	vmul.f32 $5.000000000e-01, v16;
	(xrf1) =	vsort.ascd.msk.f32 $0xffff, v27, v27  }
0xb7: {  	v19, _, _ =	vpop (xrf1);
	(xrf1) =	vsort.ascd.msk.f32 $0xffff, v28, v28  }
0xb8: {  	v18, _, _ =	vpop (xrf1);
	(xrf1) =	vsort.ascd.msk.f32 $0xffff, v29, v29  }
0xb9: {  	v17, _, _ =	vpop (xrf1)  }
0xba: {  	v16, _, _ =	vpop (xrf1)  }
0xbb: {  	v15, _, _ =	vpop (xrf1)  }
0xbc: {  	v14, _, _ =	vpop (xrf1)  }
0xbd: {  	v13, _, _ =	vpop (xrf1)  }
0xbe: {  	v12, _, _ =	vpop (xrf1)  }
0xbf: {  	v30, _, _ =	vpop (xrf1)  }
0xc0: {  	v31, _, _ =	vpop (xrf1)  }
0xc1: {  	v32, _, _ =	vpop (xrf1);
	v21 =	vperm.xlane v31, v1  }
0xc2: {  	v33, _, _ =	vpop (xrf1)  }
0xc3: {  	v34, _, _ =	vpop (xrf1);
	v35 =	vmin.f32 v30, v21;
	v23 =	vperm.xlane v33, v1  }
0xc4: {  	v20 =	vmax.f32 v30, v21;
	v38, _, _ =	vpop (xrf1);
	(xrf1) =	vsort.ascd.msk.f32 $0xffff, v35, v35  }
0xc5: {  	v39, _, _ =	vpop (xrf1);
	(xrf1) =	vsort.ascd.msk.f32 $0xffff, v20, v20;
	v40 =	vmin.f32 v32, v23;
	v41 =	vperm.xlane v38, v1  }
0xc6: {  	v22 =	vmax.f32 v32, v23;
	v42, _, _ =	vpop (xrf1);
	(xrf1) =	vsort.ascd.msk.f32 $0xffff, v40, v40  }
0xc7: {  	(xrf1) =	vsort.ascd.msk.f32 $0xffff, v22, v22;
	v43 =	vmin.f32 v34, v41;
	v44 =	vperm.xlane v42, v1  }
0xc8: {  	v45 =	vmax.f32 v34, v41;
	(xrf1) =	vsort.ascd.msk.f32 $0xffff, v43, v43  }
0xc9: {  	(xrf1) =	vsort.ascd.msk.f32 $0xffff, v45, v45;
	v46 =	vmin.f32 v39, v44  }
0xca: {  	v21 =	vmax.f32 v39, v44;
	(xrf1) =	vsort.ascd.msk.f32 $0xffff, v46, v46  }
0xcb: {  	(xrf1) =	vsort.ascd.msk.f32 $0xffff, v21, v21;
	_ =	sdelay $0x6  }
0xcc: {  	v47, _, _ =	vpop (xrf1)  }
0xcd: {  	v48, _, _ =	vpop (xrf1)  }
0xce: {  	v49, _, _ =	vpop (xrf1)  }
0xcf: {  	v50, _, _ =	vpop (xrf1)  }
0xd0: {  	v22 =	vperm.xlane v49, v1;
	v51, _, _ =	vpop (xrf1);
	v23 =	vperm.xlane v50, v1  }
0xd1: {  	v52, _, _ =	vpop (xrf1)  }
0xd2: {  	v55 =	vmin.f32 v48, v22;
	v21 =	vmax.f32 v48, v22;
	v53, _, _ =	vpop (xrf1);
	v54 =	vmin.f32 v47, v23  }
0xd3: {  	v20 =	vmax.f32 v47, v23;
	v56, _, _ =	vpop (xrf1);
	v57 =	vmin.f32 v54, v55;
	v38 =	vmax.f32 v54, v55  }
0xd4: {  	v59 =	vperm.xlane v53, v1;
	(xrf1) =	vsort.ascd.msk.f32 $0xffff, v57, v57;
	v58 =	vperm.xlane v56, v1  }
0xd5: {  	v60 =	vmin.f32 v20, v21;
	v20 =	vmax.f32 v20, v21;
	(xrf1) =	vsort.ascd.msk.f32 $0xffff, v38, v38  }
0xd6: {  	v62 =	vmin.f32 v52, v59;
	(xrf1) =	vsort.ascd.msk.f32 $0xffff, v60, v60;
	v61 =	vmin.f32 v51, v58  }
0xd7: {  	v23 =	vmax.f32 v52, v59;
	(xrf1) =	vsort.ascd.msk.f32 $0xffff, v20, v20;
	v24 =	vmin.f32 v61, v62  }
0xd8: {  	v63 =	vmax.f32 v51, v58;
	v21 =	vmax.f32 v61, v62;
	(xrf1) =	vsort.ascd.msk.f32 $0xffff, v24, v24  }
0xd9: {  	v27 =	vmin.f32 v63, v23;
	(xrf1) =	vsort.ascd.msk.f32 $0xffff, v21, v21  }
0xda: {  	v20 =	vmax.f32 v63, v23;
	(xrf1) =	vsort.ascd.msk.f32 $0xffff, v27, v27  }
0xdb: {  	(xrf1) =	vsort.ascd.msk.f32 $0xffff, v20, v20;
	_ =	sdelay $0x6  }
0xdc: {  	v28, _, _ =	vpop (xrf1)  }
0xdd: {  	v29, _, _ =	vpop (xrf1)  }
0xde: {  	v35 =	vld [tilespmem:$0x1998];
	v30, _, _ =	vpop (xrf1)  }
0xdf: {  	v52 =	vld [tilespmem:$0x1999];
	v31, _, _ =	vpop (xrf1)  }
0xe0: {  	v32, _, _ =	vpop (xrf1)  }
0xe1: {  	v33, _, _ =	vpop (xrf1)  }
0xe2: {  	v44 =	vld [tilespmem:$0x19B8];
	v34, _, _ =	vpop (xrf1)  }
0xe3: {  	v50 =	vld [tilespmem:$0x19C8];
	v24 =	vperm.xlane v32, v1;
	v25 =	vperm.xlane v33, v1;
	v51, _, _ =	vpop (xrf1)  }
0xe4: {  	v48 =	vld [tilespmem:$0x19B9];
	v33 =	vadd.f32 v52, v35;
	v26 =	vperm.xlane v34, v1;
	v39 =	vperm.xlane v51, v1  }
0xe5: {  	v53 =	vld [tilespmem:$0x19A8];
	v47 =	vmin.f32 v31, v24;
	v23 =	vmax.f32 v31, v24;
	v46 =	vmin.f32 v30, v25  }
0xe6: {  	v54 =	vld [tilespmem:$0x19A9];
	v22 =	vmax.f32 v30, v25;
	v45 =	vmin.f32 v29, v26;
	v43 =	vmin.f32 v28, v39  }
0xe7: {  	v59 =	vld [tilespmem:$0x19D8];
	v21 =	vmax.f32 v29, v26;
	v49 =	vmin.f32 v45, v47;
	v55 =	vmin.f32 v43, v46  }
0xe8: {  	v58 =	vld [tilespmem:$0x19C9];
	v20 =	vmax.f32 v28, v39;
	v45 =	vmax.f32 v45, v47;
	v57 =	vmin.f32 v55, v49  }
0xe9: {  	v61 =	vld [tilespmem:$0x19D9];
	v56 =	vmax.f32 v43, v46;
	v39 =	vmax.f32 v55, v49;
	(xrf1) =	vsort.ascd.msk.f32 $0xffff, v57, v57  }
0xea: {  	v63 =	vld [tilespmem:$0x19E8];
	v29 =	vmin.f32 v21, v23;
	v60 =	vmin.f32 v56, v45;
	(xrf1) =	vsort.ascd.msk.f32 $0xffff, v39, v39  }
0xeb: {  	v32 =	vld [tilespmem:$0x19F8];
	v28 =	vmin.f32 v20, v22;
	v62 =	vmax.f32 v56, v45;
	(xrf1) =	vsort.ascd.msk.f32 $0xffff, v60, v60  }
0xec: {  	v34 =	vld [tilespmem:$0x19F9];
	v21 =	vmax.f32 v21, v23;
	v31 =	vmin.f32 v28, v29;
	(xrf1) =	vsort.ascd.msk.f32 $0xffff, v62, v62  }
0xed: {  	v30 =	vld [tilespmem:$0x19E9];
	v20 =	vmax.f32 v20, v22;
	v24 =	vmax.f32 v28, v29;
	(xrf1) =	vsort.ascd.msk.f32 $0xffff, v31, v31  }
0xee: {  	v47 =	vadd.f32 v54, v53;
	v53 =	vld [tilespmem:$0x1A09];
	v35 =	vmin.f32 v20, v21;
	(xrf1) =	vsort.ascd.msk.f32 $0xffff, v24, v24  }
0xef: {  	v52 =	vadd.f32 v48, v44;
	v51 =	vmul.f32 $5.000000000e-01, v33;
	v49 =	vld [tilespmem:$0x1A08];
	v20 =	vmax.f32 v20, v21;
	(xrf1) =	vsort.ascd.msk.f32 $0xffff, v35, v35  }
0xf0: {  	v54 =	vmul.f32 $5.000000000e-01, v47;
	v55 =	vadd.f32 v58, v50;
	(xrf1) =	vsort.ascd.msk.f32 $0xffff, v20, v20  }
0xf1: {  	v22 =	vmul.f32 $5.000000000e-01, v52;
	v39 =	vadd.f32 v61, v59;
	(xrf1) =	vsort.ascd.msk.f32 $0xffff, v51, v51  }
0xf2: {  	v25 =	vadd.f32 v30, v63;
	v56 =	vmul.f32 $5.000000000e-01, v55;
	(xrf1) =	vsort.ascd.msk.f32 $0xffff, v54, v54  }
0xf3: {  	v23 =	vadd.f32 v34, v32;
	v57 =	vmul.f32 $5.000000000e-01, v39;
	(xrf1) =	vsort.ascd.msk.f32 $0xffff, v22, v22  }
0xf4: {  	v58 =	vmul.f32 $5.000000000e-01, v25;
	v24 =	vadd.f32 v53, v49;
	(xrf1) =	vsort.ascd.msk.f32 $0xffff, v56, v56  }
0xf5: {  	v59 =	vmul.f32 $5.000000000e-01, v23;
	(xrf1) =	vsort.ascd.msk.f32 $0xffff, v57, v57  }
0xf6: {  	v60 =	vmul.f32 $5.000000000e-01, v24;
	(xrf1) =	vsort.ascd.msk.f32 $0xffff, v58, v58  }
0xf7: {  	v20, _, _ =	vpop (xrf1);
	(xrf1) =	vsort.ascd.msk.f32 $0xffff, v59, v59  }
0xf8: {  	v21, _, _ =	vpop (xrf1);
	(xrf1) =	vsort.ascd.msk.f32 $0xffff, v60, v60  }
0xf9: {  	v23, _, _ =	vpop (xrf1)  }
0xfa: {  	v24, _, _ =	vpop (xrf1)  }
0xfb: {  	v38, _, _ =	vpop (xrf1)  }
0xfc: {  	v39, _, _ =	vpop (xrf1)  }
0xfd: {  	v40, _, _ =	vpop (xrf1)  }
0xfe: {  	v22, _, _ =	vpop (xrf1)  }
0xff: {  	v61, _, _ =	vpop (xrf1)  }
0x100: {  	v62, _, _ =	vpop (xrf1)  }
0x101: {  	v63, _, _ =	vpop (xrf1);
	v26 =	vperm.xlane v62, v1  }
0x102: {  	v28, _, _ =	vpop (xrf1)  }
0x103: {  	v29, _, _ =	vpop (xrf1);
	v30 =	vmin.f32 v61, v26;
	v42 =	vperm.xlane v28, v1  }
0x104: {  	v25 =	vmax.f32 v61, v26;
	v31, _, _ =	vpop (xrf1);
	(xrf1) =	vsort.ascd.msk.f32 $0xffff, v30, v30  }
0x105: {  	v32, _, _ =	vpop (xrf1);
	(xrf1) =	vsort.ascd.msk.f32 $0xffff, v25, v25;
	v33 =	vmin.f32 v63, v42;
	v34 =	vperm.xlane v31, v1  }
0x106: {  	v41 =	vmax.f32 v63, v42;
	v35, _, _ =	vpop (xrf1);
	(xrf1) =	vsort.ascd.msk.f32 $0xffff, v33, v33  }
0x107: {  	(xrf1) =	vsort.ascd.msk.f32 $0xffff, v41, v41;
	v47 =	vmin.f32 v29, v34;
	v48 =	vperm.xlane v35, v1  }
0x108: {  	v49 =	vmax.f32 v29, v34;
	(xrf1) =	vsort.ascd.msk.f32 $0xffff, v47, v47  }
0x109: {  	(xrf1) =	vsort.ascd.msk.f32 $0xffff, v49, v49;
	v50 =	vmin.f32 v32, v48  }
0x10a: {  	v26 =	vmax.f32 v32, v48;
	(xrf1) =	vsort.ascd.msk.f32 $0xffff, v50, v50  }
0x10b: {  	(xrf1) =	vsort.ascd.msk.f32 $0xffff, v26, v26;
	_ =	sdelay $0x6  }
0x10c: {  	v51, _, _ =	vpop (xrf1)  }
0x10d: {  	v52, _, _ =	vpop (xrf1)  }
0x10e: {  	v53, _, _ =	vpop (xrf1)  }
0x10f: {  	v54, _, _ =	vpop (xrf1)  }
0x110: {  	v41 =	vperm.xlane v53, v1;
	v55, _, _ =	vpop (xrf1);
	v42 =	vperm.xlane v54, v1  }
0x111: {  	v56, _, _ =	vpop (xrf1)  }
0x112: {  	v59 =	vmin.f32 v52, v41;
	v26 =	vmax.f32 v52, v41;
	v57, _, _ =	vpop (xrf1);
	v58 =	vmin.f32 v51, v42  }
0x113: {  	v25 =	vmax.f32 v51, v42;
	v60 =	vmin.f32 v58, v59;
	v42 =	vmax.f32 v58, v59;
	v61, _, _ =	vpop (xrf1)  }
0x114: {  	v45 =	vperm.xlane v57, v1;
	(xrf1) =	vsort.ascd.msk.f32 $0xffff, v60, v60;
	v62 =	vperm.xlane v61, v1  }
0x115: {  	v63 =	vmin.f32 v25, v26;
	v25 =	vmax.f32 v25, v26;
	(xrf1) =	vsort.ascd.msk.f32 $0xffff, v42, v42  }
0x116: {  	v29 =	vmin.f32 v56, v45;
	(xrf1) =	vsort.ascd.msk.f32 $0xffff, v63, v63;
	v28 =	vmin.f32 v55, v62  }
0x117: {  	v32 =	vmax.f32 v56, v45;
	(xrf1) =	vsort.ascd.msk.f32 $0xffff, v25, v25;
	v31 =	vmin.f32 v28, v29  }
0x118: {  	v30 =	vmax.f32 v55, v62;
	v26 =	vmax.f32 v28, v29;
	(xrf1) =	vsort.ascd.msk.f32 $0xffff, v31, v31  }
0x119: {  	v33 =	vmin.f32 v30, v32;
	(xrf1) =	vsort.ascd.msk.f32 $0xffff, v26, v26  }
0x11a: {  	v25 =	vmax.f32 v30, v32;
	(xrf1) =	vsort.ascd.msk.f32 $0xffff, v33, v33  }
0x11b: {  	(xrf1) =	vsort.ascd.msk.f32 $0xffff, v25, v25;
	_ =	sdelay $0x6  }
0x11c: {  	v34, _, _ =	vpop (xrf1)  }
0x11d: {  	v35, _, _ =	vpop (xrf1)  }
0x11e: {  	v45, _, _ =	vpop (xrf1)  }
0x11f: {  	v46, _, _ =	vpop (xrf1)  }
0x120: {  	[tilespmem:$0x1A20] =	vst v9;
	v47, _, _ =	vpop (xrf1)  }
0x121: {  	[tilespmem:$0x1A30] =	vst v10;
	v48, _, _ =	vpop (xrf1)  }
0x122: {  	[tilespmem:$0x1A40] =	vst v11;
	v49, _, _ =	vpop (xrf1)  }
0x123: {  	[tilespmem:$0x1A50] =	vst v8;
	v53 =	vperm.xlane v47, v1;
	v52 =	vperm.xlane v48, v1;
	v50, _, _ =	vpop (xrf1)  }
0x124: {  	[tilespmem:$0x1A60] =	vst v7;
	v10 =	vperm.xlane v49, v1;
	v51 =	vperm.xlane v50, v1  }
0x125: {  	[tilespmem:$0x1A80] =	vst v5;
	v56 =	vmin.f32 v46, v53;
	v9 =	vmax.f32 v46, v53;
	v5 =	vmin.f32 v45, v52  }
0x126: {  	[tilespmem:$0x1A90] =	vst v4;
	v4 =	vmax.f32 v45, v52;
	v55 =	vmin.f32 v35, v10;
	v54 =	vmin.f32 v34, v51  }
0x127: {  	[tilespmem:$0x1A70] =	vst v6;
	v10 =	vmax.f32 v35, v10;
	v58 =	vmin.f32 v55, v56;
	v57 =	vmin.f32 v54, v5  }
0x128: {  	[tilespmem:$0x1AA0] =	vst v19;
	v8 =	vmax.f32 v34, v51;
	v11 =	vmax.f32 v55, v56;
	v59 =	vmin.f32 v57, v58  }
0x129: {  	[tilespmem:$0x1AB0] =	vst v18;
	v5 =	vmax.f32 v54, v5;
	v7 =	vmax.f32 v57, v58;
	(xrf1) =	vsort.ascd.msk.f32 $0xffff, v59, v59  }
0x12a: {  	[tilespmem:$0x1AC0] =	vst v17;
	v62 =	vmin.f32 v10, v9;
	v60 =	vmin.f32 v5, v11;
	(xrf1) =	vsort.ascd.msk.f32 $0xffff, v7, v7  }
0x12b: {  	[tilespmem:$0x1AD0] =	vst v16;
	v61 =	vmin.f32 v8, v4;
	v5 =	vmax.f32 v5, v11;
	(xrf1) =	vsort.ascd.msk.f32 $0xffff, v60, v60  }
0x12c: {  	[tilespmem:$0x1AE0] =	vst v15;
	v63 =	vmax.f32 v10, v9;
	(xrf1) =	vsort.ascd.msk.f32 $0xffff, v5, v5;
	v5 =	vmin.f32 v61, v62  }
0x12d: {  	[tilespmem:$0x1AF0] =	vst v14;
	v4 =	vmax.f32 v8, v4;
	v6 =	vmax.f32 v61, v62;
	(xrf1) =	vsort.ascd.msk.f32 $0xffff, v5, v5  }
0x12e: {  	[tilespmem:$0x1B00] =	vst v13;
	v5 =	vmin.f32 v4, v63;
	(xrf1) =	vsort.ascd.msk.f32 $0xffff, v6, v6  }
0x12f: {  	[tilespmem:$0x1B10] =	vst v12;
	v4 =	vmax.f32 v4, v63;
	(xrf1) =	vsort.ascd.msk.f32 $0xffff, v5, v5  }
0x130: {  	[tilespmem:$0x1B20] =	vst v20;
	(xrf1) =	vsort.ascd.msk.f32 $0xffff, v4, v4  }
0x131: {  	[tilespmem:$0x1B30] =	vst v21  }
0x132: {  	[tilespmem:$0x1B40] =	vst v23  }
0x133: {  	[tilespmem:$0x1B50] =	vst v24  }
0x134: {  	[tilespmem:$0x1B60] =	vst v38  }
0x135: {  	[tilespmem:$0x1B70] =	vst v39  }
0x136: {  	[tilespmem:$0x1B80] =	vst v40  }
0x137: {  	[tilespmem:$0x1B90] =	vst v22;
	v4, _, _ =	vpop (xrf1)  }
0x138: {  	v5, _, _ =	vpop (xrf1);
	[tilespmem:$0x1BA0] =	vst v4  }
0x139: {  	v4, _, _ =	vpop (xrf1);
	[tilespmem:$0x1BB0] =	vst v5  }
0x13a: {  	v5, _, _ =	vpop (xrf1);
	[tilespmem:$0x1BC0] =	vst v4  }
0x13b: {  	v4, _, _ =	vpop (xrf1);
	[tilespmem:$0x1BD0] =	vst v5  }
0x13c: {  	v5, _, _ =	vpop (xrf1);
	[tilespmem:$0x1BE0] =	vst v4  }
0x13d: {  	v4, _, _ =	vpop (xrf1);
	[tilespmem:$0x1BF0] =	vst v5  }
0x13e: {  	v5, _, _ =	vpop (xrf1);
	[tilespmem:$0x1C00] =	vst v4  }
0x13f: {  	s2 =	simm.s32 @!p0 $0x0;
	s5 =	rddreg [dreg:$0x4];
	s4 =	simm.s32 @!p0 $0x1A20;
	[tilespmem:$0x1C10] =	vst v5  }
0x140: {  	[hbm4b:s5+s2] =	stream.linear.scatter @!p0 [tilespmem:s4], [sflag:$0x1], $0x200, $0x38;
	[tilespmem:$0x10470] =	vst v63  }
0x141: {  	s2 =	simm.s32 @!p0 $0x1  }
0x142: {  	_ =	swait.ge @!p0 [sflag:s2], $0x200  }
0x143: {  	[sflag:s2] =	ssyncset.done @!p0 $0x0  }
0x144: {  	s4 =	simm.s32 $0x40;
	[sflag:s2] =	ssyncadd.s32 @!p0 $0xFFFFFE00;
	s2 =	simm.s32 $0x0  }
.LBB2_2:
0x145: {  	p1 =	sne.s32 s4, $0x21C0;
	[tilespmem:s2+$0xFBA0] =	vst v3  }
0x146: {  	[tilespmem:s2+$0x7C20] =	vst v2  }
0x147: {  	[tilespmem:s2+$0xC020] =	vst v3  }
0x148: {  	[tilespmem:s2+$0x84A0] =	vst v2  }
0x149: {  	[tilespmem:s2+$0xC8A0] =	vst v3  }
0x14a: {  	[tilespmem:s2+$0x8D20] =	vst v2  }
0x14b: {  	[tilespmem:s2+$0xD120] =	vst v3  }
0x14c: {  	[tilespmem:s2+$0x95A0] =	vst v2  }
0x14d: {  	[tilespmem:s2+$0xD9A0] =	vst v3  }
0x14e: {  	[tilespmem:s2+$0x9E20] =	vst v2  }
0x14f: {  	[tilespmem:s2+$0xE220] =	vst v3  }
.Ltmp0:
0x150: {  	[tilespmem:s2+$0xA6A0] =	vst v2;
	(pc) =	sbr.rel @p1 .LBB2_2-.Ltmp0, $4  }
0x151: {  	[tilespmem:s2+$0xEAA0] =	vst v3  }
0x152: {  	[tilespmem:s2+$0xAF20] =	vst v2  }
0x153: {  	[tilespmem:s2+$0xF320] =	vst v3  }
0x154: {  	[tilespmem:s2+$0xB7A0] =	vst v2;
	s2 =	sshra.s32 s4, $0x2;
	s4 =	sadd.s32 $0x40, s4  }
0x155: {  	[tilespmem:s2+$0xFBA0] =	vst v3  }
0x156: {  	[tilespmem:s2+$0x7C20] =	vst v2  }
0x157: {  	[tilespmem:s2+$0xC020] =	vst v3  }
0x158: {  	[tilespmem:s2+$0x84A0] =	vst v2  }
0x159: {  	[tilespmem:s2+$0xC8A0] =	vst v3  }
0x15a: {  	[tilespmem:s2+$0x8D20] =	vst v2  }
0x15b: {  	[tilespmem:s2+$0xD120] =	vst v3  }
0x15c: {  	[tilespmem:s2+$0x95A0] =	vst v2  }
0x15d: {  	[tilespmem:s2+$0xD9A0] =	vst v3  }
0x15e: {  	[tilespmem:s2+$0x9E20] =	vst v2  }
0x15f: {  	[tilespmem:s2+$0xE220] =	vst v3  }
0x160: {  	[tilespmem:s2+$0xA6A0] =	vst v2;
	v4 =	vimm.s32 $0x7F  }
0x161: {  	[tilespmem:s2+$0xEAA0] =	vst v3  }
0x162: {  	[tilespmem:s2+$0xAF20] =	vst v2  }
0x163: {  	[tilespmem:s2+$0xF320] =	vst v3  }
0x164: {  	[tilespmem:s2+$0xB7A0] =	vst v2  }
0x165: {  	v8 =	vld.idx.msk [tilespmem:v4+s18+$0x0], $0xffff;
	v4 =	vimm.s32 $0x3F;
	_ =	sdelay $0x4  }
0x166: {  	v9 =	vld.idx.msk [tilespmem:v4+s18+$0x0], $0xffff;
	v4 =	vimm.s32 $0x1F;
	_ =	sdelay $0x4  }
0x167: {  	v10 =	vld.idx.msk [tilespmem:v4+s18+$0x0], $0xffff;
	v4 =	vimm.s32 $0x5F;
	_ =	sdelay $0x2  }
0x168: {  	s9 =	simm.s32 $0x10;
	s4 =	simm.s32 $0x0  }
0x169: {  	s5 =	simm.s32 $0x0;
	s4 =	sand.u32 $0x1F00, s4;
	s2 =	sand.u32 $0xF0, s9  }
0x16a: {  	s5 =	sand.u32 $0xE0, s5;
	s6 =	sor.u32 s2, s4;
	v11 =	vld.idx.msk [tilespmem:v4+s18+$0x0], $0xffff;
	v4 =	vimm.s32 $0xF  }
0x16b: {  	s10 =	sor.u32 s5, s4;
	[dreg:$0x13] =	wrdreg s6  }
0x16c: {  	v16 =	vld [tilespmem:s6+$0x0];
	[dreg:$0x12] =	wrdreg s10  }
0x16d: {  	v17 =	vld [tilespmem:s10+$0x0];
	_ =	sdelay $0x1  }
0x16e: {  	v12 =	vld.idx.msk [tilespmem:v4+s18+$0x0], $0xffff;
	v4 =	vimm.s32 $0x2F  }
0x16f: {  	v5 =	vimm.s32 $0x4F  }
0x170: {  	v7 =	vimm.s32 $0x6F  }
0x171: {  	vm1 =	vle.f32 v8, v16;
	vm3 =	vle.f32 v8, v17  }
0x172: {  	vm1 =	vmneg vm1;
	vm3 =	vmneg vm3;
	vm2 =	vle.f32 v9, v16  }
0x173: {  	vm0 =	vle.f32 v9, v17;
	v13 =	vld.idx.msk [tilespmem:v4+s18+$0x0], $0xffff;
	v4 =	vsel vm2, $0x40, v36;
	vm2 =	vmand vm1, vm2  }
0x174: {  	v14 =	vld.idx.msk [tilespmem:v5+s18+$0x0], $0xffff;
	v5 =	vsel vm0, $0x40, v36;
	vm0 =	vmand vm3, vm0;
	v6 =	vsel vm2, v11, v10  }
0x175: {  	v15 =	vld.idx.msk [tilespmem:v7+s18+$0x0], $0xffff;
	v18 =	vsel vm0, v11, v10;
	v7 =	vor.u32 $0x20, v4;
	vm0 =	vle.f32 v6, v16  }
0x176: {  	vm2 =	vle.f32 v18, v17;
	v6 =	vor.u32 $0x20, v5;
	v4 =	vsel vm0, v7, v4  }
0x177: {  	v5 =	vsel vm2, v6, v5;
	v4 =	vnsel vm1, $0x80, v4  }
0x178: {  	v5 =	vnsel vm3, $0x80, v5;
	vm0 =	vgt.u32 v4, $0x3F  }
0x179: {  	vm1 =	vgt.u32 v5, $0x3F;
	vm2 =	vgt.u32 v5, $0x5F;
	vm3 =	veq.s32 v5, $0x0  }
0x17a: {  	vm4 =	vgt.u32 v4, $0x5F;
	v6 =	vsel vm2, v15, v14;
	v7 =	vsel vm3, v12, v13  }
0x17b: {  	vm2 =	veq.s32 v4, $0x0;
	v18 =	vsel vm4, v15, v14;
	v6 =	vsel vm1, v6, v7  }
0x17c: {  	v7 =	vsel vm2, v12, v13;
	vm1 =	vlt.u32 v5, $0x61;
	vm2 =	vle.f32 v6, v17  }
0x17d: {  	v6 =	vsel vm0, v18, v7;
	v7 =	vor.u32 $0x10, v5;
	vm0 =	vmand vm1, vm2  }
0x17e: {  	vm1 =	vlt.u32 v4, $0x61;
	vm2 =	vle.f32 v6, v16;
	v5 =	vsel vm0, v7, v5  }
0x17f: {  	v6 =	vor.u32 $0x10, v4;
	vm0 =	vmand vm1, vm2;
	v7 =	vor.u32 $0x7, v5  }
0x180: {  	v4 =	vsel vm0, v6, v4;
	v6 =	vmin.u32 v7, $0x7F  }
0x181: {  	v7 =	vor.u32 $0x7, v4  }
0x182: {  	v7 =	vmin.u32 v7, $0x7F;
	_ =	sdelay $0x2  }
0x183: {  	v6 =	vld.idx.msk [tilespmem:v6+s18+$0x0], $0xffff;
	_ =	sdelay $0x1  }
0x184: {  	v7 =	vld.idx.msk [tilespmem:v7+s18+$0x0], $0xffff  }
0x185: {  	s11 =	simm.s32 $0x20;
	s12 =	simm.s32 $0x30  }
0x186: {  	s13 =	simm.s32 $0x20;
	s2 =	sand.u32 $0x1F00, s11;
	s4 =	sand.u32 $0xF0, s12;
	v18 =	vor.u32 $0x8, v5  }
0x187: {  	s5 =	sand.u32 $0xE0, s13;
	s4 =	sor.u32 s4, s2;
	vm0 =	vlt.u32 v18, $0x81;
	vm1 =	vle.f32 v6, v17  }
0x188: {  	s2 =	sor.u32 s5, s2;
	[dreg:$0x11] =	wrdreg s4;
	v6 =	vor.u32 $0x8, v4;
	vm0 =	vmand vm1, vm0  }
0x189: {  	v47 =	vld [tilespmem:s4+$0x0];
	[dreg:$0x10] =	wrdreg s2;
	vm1 =	vlt.u32 v6, $0x81;
	vm2 =	vle.f32 v7, v16;
	v5 =	vsel vm0, v18, v5  }
0x18a: {  	v48 =	vld [tilespmem:s2+$0x0];
	vm0 =	vmand vm2, vm1;
	v7 =	vmin.u32 v5, $0x7C  }
0x18b: {  	v4 =	vsel vm0, v6, v4;
	v6 =	vadd.s32 $0x3, v7  }
0x18c: {  	v7 =	vmin.u32 v4, $0x7C  }
0x18d: {  	v7 =	vadd.s32 $0x3, v7;
	_ =	sdelay $0x1  }
0x18e: {  	vm1 =	vle.f32 v8, v47;
	vm2 =	vle.f32 v9, v47;
	vm0 =	vle.f32 v9, v48  }
0x18f: {  	vm3 =	vle.f32 v8, v48;
	vm1 =	vmneg vm1;
	v18 =	vsel vm2, $0x40, v36;
	v6 =	vld.idx.msk [tilespmem:v6+s18+$0x0], $0xffff  }
0x190: {  	vm3 =	vmneg vm3;
	vm2 =	vmand vm1, vm2;
	v19 =	vsel vm0, $0x40, v36  }
0x191: {  	v21 =	vor.u32 $0x20, v18;
	vm0 =	vmand vm3, vm0;
	v20 =	vsel vm2, v11, v10;
	v7 =	vld.idx.msk [tilespmem:v7+s18+$0x0], $0xffff  }
0x192: {  	v22 =	vsel vm0, v11, v10;
	vm0 =	vle.f32 v20, v47;
	v20 =	vor.u32 $0x20, v19  }
0x193: {  	vm2 =	vle.f32 v22, v48;
	v18 =	vsel vm0, v21, v18;
	vm0 =	vlt.u32 v5, $0x7D  }
0x194: {  	v19 =	vsel vm2, v20, v19;
	v18 =	vnsel vm1, $0x80, v18;
	vm1 =	vle.f32 v6, v17  }
0x195: {  	v19 =	vnsel vm3, $0x80, v19;
	v6 =	vadd.s32 $0x4, v5;
	vm0 =	vmand vm1, vm0  }
0x196: {  	vm1 =	vlt.u32 v4, $0x7D;
	vm3 =	vle.f32 v7, v16;
	v5 =	vsel vm0, v6, v5  }
0x197: {  	v6 =	vadd.s32 $0x4, v4;
	vm0 =	vmand vm3, vm1;
	v7 =	vmin.u32 v5, $0x7E  }
0x198: {  	v4 =	vsel vm0, v6, v4;
	v6 =	vadd.s32 $0x1, v7  }
0x199: {  	vm2 =	vgt.u32 v18, $0x3F;
	vm13 =	vgt.u32 v19, $0x5F;
	v7 =	vmin.u32 v4, $0x7E  }
0x19a: {  	vm5 =	veq.s32 v19, $0x0;
	v23 =	vsel vm13, v15, v14;
	v7 =	vadd.s32 $0x1, v7  }
0x19b: {  	v24 =	vsel vm5, v12, v13;
	vm1 =	vgt.u32 v18, $0x5F;
	vm3 =	veq.s32 v18, $0x0  }
0x19c: {  	vm0 =	vgt.u32 v19, $0x3F;
	v21 =	vsel vm1, v15, v14;
	v22 =	vsel vm3, v12, v13  }
0x19d: {  	v21 =	vsel vm2, v21, v22;
	v22 =	vsel vm0, v23, v24;
	vm0 =	vlt.u32 v18, $0x61;
	v6 =	vld.idx.msk [tilespmem:v6+s18+$0x0], $0xffff  }
0x19e: {  	vm2 =	vlt.u32 v19, $0x61;
	vm1 =	vle.f32 v21, v47;
	vm3 =	vle.f32 v22, v48  }
0x19f: {  	vm0 =	vmand vm0, vm1;
	vm1 =	vmand vm2, vm3;
	v21 =	vld.idx.msk [tilespmem:v7+s18+$0x0], $0xffff;
	v7 =	vor.u32 $0x10, v19  }
0x1a0: {  	v20 =	vor.u32 $0x10, v18;
	v19 =	vsel vm1, v7, v19  }
0x1a1: {  	v18 =	vsel vm0, v20, v18;
	v20 =	vor.u32 $0x7, v19  }
0x1a2: {  	vm0 =	vlt.u32 v5, $0x7F;
	v20 =	vmin.u32 v20, $0x7F;
	vm1 =	vle.f32 v6, v17  }
0x1a3: {  	v23 =	vadd.s32 $0x2, v5;
	v7 =	vor.u32 $0x7, v18;
	vm0 =	vmand vm1, vm0  }
0x1a4: {  	v22 =	vmin.u32 v7, $0x7F;
	v23 =	vsel vm0, v23, v5  }
0x1a5: {  	vm1 =	vle.f32 v21, v16;
	v21 =	vmin.u32 v23, $0x7F;
	_ =	sdelay $0x1  }
0x1a6: {  	v20 =	vld.idx.msk [tilespmem:v20+s18+$0x0], $0xffff;
	_ =	sdelay $0x1  }
0x1a7: {  	v22 =	vld.idx.msk [tilespmem:v22+s18+$0x0], $0xffff  }
0x1a8: {  	v21 =	vld.idx.msk [tilespmem:v21+s18+$0x0], $0xffff  }
0x1a9: {  	v39 =	vor.u32 $0x8, v19  }
0x1aa: {  	v38 =	vor.u32 $0x8, v18;
	vm7 =	vlt.u32 v39, $0x81;
	vm8 =	vle.f32 v20, v48  }
0x1ab: {  	vm15 =	vlt.u32 v38, $0x81;
	vm9 =	vmand vm8, vm7  }
0x1ac: {  	vm0 =	vlt.u32 v4, $0x7F;
	v35 =	vsel vm9, v39, v19;
	v19 =	vimm.s32 $0xBF  }
0x1ad: {  	s14 =	simm.s32 $0x40;
	s15 =	simm.s32 $0x40;
	vm6 =	vle.f32 v22, v47;
	vm11 =	vle.f32 v21, v17;
	v21 =	vimm.s32 $0x9F  }
0x1ae: {  	s8 =	sand.u32 $0x1F00, s14;
	s4 =	sand.u32 $0xE0, s15;
	v5 =	vadd.s32 $0x2, v4;
	vm0 =	vmand vm1, vm0;
	vm5 =	vmand vm6, vm15  }
0x1af: {  	s4 =	sor.u32 s4, s8;
	v4 =	vsel vm0, v5, v4;
	v20 =	vsel vm5, v38, v18;
	v18 =	vimm.s32 $0xFF  }
0x1b0: {  	s13 =	simm.s32 $0x50;
	v7 =	vld [tilespmem:s4+$0x0];
	v24 =	vmin.u32 v4, $0x7F  }
0x1b1: {  	v27 =	vimm.s32 $0xCF;
	s16 =	sand.u32 $0xF0, s13;
	v58 =	vld.idx.msk [tilespmem:v19+s18+$0x0], $0xffff;
	v19 =	vmin.u32 v35, $0x7C  }
0x1b2: {  	s2 =	sor.u32 s16, s8;
	v59 =	vld.idx.msk [tilespmem:v21+s18+$0x0], $0xffff;
	v21 =	vadd.s32 $0x3, v19;
	v19 =	vimm.s32 $0x8F  }
0x1b3: {  	v6 =	vld [tilespmem:s2+$0x0]  }
0x1b4: {  	v49 =	vld.idx.msk [tilespmem:v18+s18+$0x0], $0xffff;
	v18 =	vmin.u32 v20, $0x7C  }
0x1b5: {  	v22 =	vld.idx.msk [tilespmem:v24+s18+$0x0], $0xffff;
	v30 =	vadd.s32 $0x3, v18;
	v18 =	vimm.s32 $0xDF  }
0x1b6: {  	v63 =	vld.idx.msk [tilespmem:v27+s18+$0x0], $0xffff;
	v27 =	vimm.s32 $0x11F;
	vm1 =	vle.f32 v9, v7;
	vm3 =	vle.f32 v8, v7  }
0x1b7: {  	vm10 =	vlt.u32 v23, $0x80;
	v26 =	vsel vm1, $0x40, v36;
	v61 =	vld.idx.msk [tilespmem:v19+s18+$0x0], $0xffff;
	v19 =	vimm.s32 $0xAF  }
0x1b8: {  	vm3 =	vmneg vm3;
	vm14 =	vle.f32 v9, v6;
	vm2 =	vle.f32 v8, v6  }
0x1b9: {  	vm12 =	vlt.u32 v4, $0x80;
	vm1 =	vmand vm3, vm1;
	vm5 =	vmand vm11, vm10  }
0x1ba: {  	v25 =	vsel vm14, $0x40, v36;
	vm13 =	vle.f32 v22, v16;
	v60 =	vld.idx.msk [tilespmem:v18+s18+$0x0], $0xffff;
	v18 =	vsel vm5, $0x1, v36  }
0x1bb: {  	vm2 =	vmneg vm2;
	vm5 =	vmand vm13, vm12;
	v18 =	vadd.s32 v18, v23  }
0x1bc: {  	vm4 =	vmand vm2, vm14;
	v23 =	vsel vm5, $0x1, v36;
	v62 =	vld.idx.msk [tilespmem:v19+s18+$0x0], $0xffff;
	v19 =	vmax.u32 v18, $0x1  }
0x1bd: {  	v40 =	vsub.s32 v19, v37;
	v19 =	vadd.s32 v23, v4;
	v23 =	vsel vm4, v11, v10  }
0x1be: {  	v43 =	vsel vm1, v11, v10;
	v24 =	vor.u32 $0x20, v25;
	vm1 =	vle.f32 v23, v6  }
0x1bf: {  	v24 =	vsel vm1, v24, v25;
	v25 =	vimm.s32 $0x17F  }
0x1c0: {  	v22 =	vmin.u32 v18, $0x7F;
	_ =	sdelay $0x1  }
0x1c1: {  	v52 =	vld.idx.msk [tilespmem:v27+s18+$0x0], $0xffff  }
0x1c2: {  	v39 =	vld.idx.msk [tilespmem:v30+s18+$0x0], $0xffff;
	v41 =	vmax.u32 v19, $0x1;
	v42 =	vmin.u32 v19, $0x7F  }
0x1c3: {  	v31 =	vor.u32 $0x20, v26;
	vm14 =	vle.f32 v43, v7;
	v23 =	vsub.s32 v41, v37;
	v50 =	vld.idx.msk [tilespmem:v25+s18+$0x0], $0xffff  }
0x1c4: {  	v25 =	vsel vm14, v31, v26;
	v26 =	vld.idx.msk [tilespmem:v22+s18+$0x0], $0xffff  }
0x1c5: {  	v22 =	vnsel vm3, $0x80, v25;
	v25 =	vld.idx.msk [tilespmem:v40+s18+$0x0], $0xffff  }
0x1c6: {  	v21 =	vld.idx.msk [tilespmem:v21+s18+$0x0], $0xffff  }
0x1c7: {  	v28 =	vimm.s32 $0x12F;
	v32 =	vld.idx.msk [tilespmem:v42+s18+$0x0], $0xffff  }
0x1c8: {  	v44 =	vimm.s32 $0x1FF;
	v27 =	vimm.s32 $0x15F;
	v5 =	vimm.f32 $0.0e+00;
	v23 =	vld.idx.msk [tilespmem:v23+s18+$0x0], $0xffff  }
0x1c9: {  	vm0 =	vge.f32 v17, $1.000000050e-03;
	vm15 =	vlt.u32 v20, $0x7D;
	vm12 =	vle.f32 v39, v47  }
0x1ca: {  	vm6 =	vmand vm12, vm15;
	v25 =	vsub.f32 v17, v25;
	v17 =	vsub.f32 v26, v17  }
0x1cb: {  	vm15 =	veq.s32 v18, $0x0;
	vm12 =	vlt.u32 v18, $0x80;
	vm9 =	vle.f32 v21, v48  }
0x1cc: {  	v21 =	vimm.s32 $0x13F;
	v25 =	vmul.f32 v25, v25;
	v17 =	vmul.f32 v17, v17  }
0x1cd: {  	vm1 =	vge.f32 v16, $1.000000050e-03;
	v42 =	vsub.f32 v32, v16;
	v16 =	vsub.f32 v16, v23  }
0x1ce: {  	v23 =	vimm.s32 $0x14F;
	v25 =	vsel vm15, $0x501502F9, v25;
	v17 =	vnsel vm12, $0x501502F9, v17  }
0x1cf: {  	v33 =	vadd.s32 $0x4, v20;
	v17 =	vmin.f32 v25, v17;
	v25 =	vimm.s32 $0x1BF  }
0x1d0: {  	v43 =	vimm.s32 $0x16F;
	vm13 =	vlt.u32 v35, $0x7D;
	v20 =	vsel vm6, v33, v20  }
0x1d1: {  	v53 =	vld.idx.msk [tilespmem:v27+s18+$0x0], $0xffff;
	v4 =	vimm.s32 $0xEF;
	v34 =	vmin.u32 v20, $0x7E;
	v24 =	vnsel vm2, $0x80, v24  }
0x1d2: {  	v27 =	vadd.s32 $0x1, v34;
	v34 =	vimm.s32 $0x1AF;
	vm4 =	vgt.u32 v24, $0x5F;
	v51 =	vld.idx.msk [tilespmem:v21+s18+$0x0], $0xffff  }
0x1d3: {  	vm5 =	veq.s32 v24, $0x0;
	v21 =	vadd.s32 $0x4, v35;
	vm14 =	vmand vm9, vm13;
	v56 =	vld.idx.msk [tilespmem:v23+s18+$0x0], $0xffff  }
0x1d4: {  	v16 =	vmul.f32 v16, v16;
	v23 =	vmul.f32 v42, v42;
	v40 =	vld.idx.msk [tilespmem:v25+s18+$0x0], $0xffff;
	v25 =	vimm.s32 $0x19F  }
0x1d5: {  	vm13 =	veq.s32 v19, $0x0;
	v21 =	vsel vm14, v21, v35;
	vm14 =	vlt.u32 v19, $0x80  }
0x1d6: {  	v16 =	vsel vm13, $0x501502F9, v16;
	v17 =	vnsel vm0, $0x0, v17;
	v23 =	vnsel vm14, $0x501502F9, v23  }
0x1d7: {  	v55 =	vld.idx.msk [tilespmem:v28+s18+$0x0], $0xffff;
	v26 =	vimm.s32 $0x10F;
	v17 =	vadd.f32 v17, v5;
	v16 =	vmin.f32 v16, v23  }
0x1d8: {  	v57 =	vld.idx.msk [tilespmem:v43+s18+$0x0], $0xffff;
	v46 =	vsel vm5, v12, v13;
	vm3 =	vgt.u32 v24, $0x3F;
	v16 =	vnsel vm1, $0x0, v16  }
0x1d9: {  	v16 =	vadd.f32 v16, v17;
	v17 =	vimm.s32 $0x1CF;
	v41 =	vld.idx.msk [tilespmem:v25+s18+$0x0], $0xffff;
	v25 =	vsel vm4, v15, v14  }
0x1da: {  	v39 =	vld.idx.msk [tilespmem:v44+s18+$0x0], $0xffff;
	v23 =	vsel vm3, v25, v46;
	v25 =	vimm.s32 $0x18F  }
0x1db: {  	v4 =	vld.idx.msk [tilespmem:v4+s18+$0x0], $0xffff;
	v35 =	vmin.u32 v21, $0x7E;
	vm3 =	vle.f32 v23, v6;
	v23 =	vimm.s32 $0x1EF  }
0x1dc: {  	v54 =	vld.idx.msk [tilespmem:v26+s18+$0x0], $0xffff;
	v26 =	vadd.s32 $0x1, v35  }
0x1dd: {  	v45 =	vsel vm0, $0x3F800000, v5;
	v44 =	vld.idx.msk [tilespmem:v34+s18+$0x0], $0xffff;
	vm2 =	vgt.u32 v22, $0x3F;
	v32 =	vimm.s32 $0x1DF  }
0x1de: {  	vm6 =	vgt.u32 v22, $0x5F;
	vm15 =	veq.s32 v22, $0x0;
	v46 =	vadd.f32 v45, v5;
	v45 =	vld.idx.msk [tilespmem:v17+s18+$0x0], $0xffff  }
0x1df: {  	v33 =	vsel vm15, v12, v13;
	v17 =	vsel vm1, $0x3F800000, v5;
	v43 =	vld.idx.msk [tilespmem:v25+s18+$0x0], $0xffff;
	v25 =	vsel vm6, v15, v14  }
0x1e0: {  	v17 =	vadd.f32 v17, v46;
	v25 =	vsel vm2, v25, v33;
	vm2 =	vlt.u32 v24, $0x61;
	v46 =	vld.idx.msk [tilespmem:v23+s18+$0x0], $0xffff  }
0x1e1: {  	s7 =	simm.s32 $0x0;
	s14 =	simm.s32 $0x40;
	v35 =	vor.u32 $0x10, v24;
	v23 =	vld.idx.msk [tilespmem:v26+s18+$0x0], $0xffff;
	vm2 =	vmand vm2, vm3  }
0x1e2: {  	s5 =	simm.s32 $0x40;
	s6 =	simm.s32 $0x20;
	s15 =	simm.s32 $0x20;
	v42 =	vld.idx.msk [tilespmem:v32+s18+$0x0], $0xffff;
	vm3 =	vle.f32 v25, v7;
	v26 =	vsel vm2, v35, v24;
	vm2 =	vlt.u32 v22, $0x61  }
0x1e3: {  	s16 =	simm.s32 $0x180;
	s4 =	simm.s32 $0x4;
	s2 =	simm.s32 $0x0;
	v38 =	vor.u32 $0x810, v0;
	v25 =	vor.u32 $0x10, v22;
	v24 =	vld.idx.msk [tilespmem:v27+s18+$0x0], $0xffff;
	vm2 =	vmand vm2, vm3  }
.LBB2_4:
0x1e4: {  	s9 =	sshrl.u32 s16, $0x2;
	s10 =	sshra.s32 s16, $0x2;
	v22 =	vsel vm2, v25, v22;
	v25 =	vor.u32 $0x7, v26;
	s13 =	sadd.s32 $0x20, s13;
	v18 =	vshll.u32 v18, $0x4  }
0x1e5: {  	v19 =	vshll.u32 v19, $0x4;
	s11 =	sadd.s32 $0xFFFFFFF0, s13;
	s9 =	sand.u32 $0x1F00, s9;
	s12 =	sand.u32 $0xF0, s13;
	v27 =	vor.u32 $0x7, v22;
	v28 =	vmin.u32 v25, $0x7F  }
0x1e6: {  	vm2 =	vlt.u32 v21, $0x7F;
	vm3 =	vle.f32 v23, v48;
	s11 =	sand.u32 $0xE0, s11;
	s12 =	sor.u32 s12, s9;
	v27 =	vmin.u32 v27, $0x7F  }
0x1e7: {  	v29 =	vadd.s32 $0x2, v21;
	v18 =	vor.u32 v0, v18;
	vm2 =	vmand vm3, vm2;
	s9 =	sor.u32 s11, s9;
	v23 =	vld [tilespmem:s12+$0x0]  }
0x1e8: {  	v21 =	vsel vm2, v29, v21;
	vm2 =	vlt.u32 v20, $0x7F;
	vm3 =	vle.f32 v24, v47;
	v25 =	vld [tilespmem:s9+$0x0]  }
0x1e9: {  	v29 =	vadd.s32 $0x2, v20;
	v24 =	vmin.u32 v21, $0x7F;
	vm2 =	vmand vm3, vm2  }
0x1ea: {  	v19 =	vor.u32 v0, v19;
	v18 =	vsel vm0, v18, v38;
	v20 =	vsel vm2, v29, v20;
	v28 =	vld.idx.msk [tilespmem:v28+s18+$0x0], $0xffff  }
0x1eb: {  	v29 =	vmin.u32 v20, $0x7F;
	v27 =	vld.idx.msk [tilespmem:v27+s18+$0x0], $0xffff;
	[tilespmem:s2+$0x1C20] =	vst v18;
	v18 =	vsel vm1, v19, v38  }
0x1ec: {  	vm0 =	vge.f32 v48, $1.000000050e-03;
	vm1 =	vge.f32 v47, $1.000000050e-03;
	[tilespmem:s2+$0x1C30] =	vst v18;
	s2 =	smov.u32 s15;
	s15 =	smov.u32 s14;
	s14 =	smov.u32 s10  }
0x1ed: {  	vm2 =	vle.f32 v8, v23;
	vm5 =	vle.f32 v9, v23;
	vm4 =	vle.f32 v9, v25  }
0x1ee: {  	vm3 =	vle.f32 v8, v25;
	v30 =	vsel vm5, $0x40, v36;
	v18 =	vld.idx.msk [tilespmem:v24+s18+$0x0], $0xffff;
	v24 =	vsel vm1, $0x3F800000, v5  }
0x1ef: {  	v19 =	vor.u32 $0x8, v26;
	vm2 =	vmneg vm2;
	v31 =	vsel vm4, $0x40, v36  }
0x1f0: {  	v32 =	vor.u32 $0x8, v22;
	vm6 =	vlt.u32 v19, $0x81;
	vm7 =	vle.f32 v28, v6;
	v28 =	vld.idx.msk [tilespmem:v29+s18+$0x0], $0xffff  }
0x1f1: {  	vm8 =	vlt.u32 v32, $0x81;
	vm9 =	vle.f32 v27, v7;
	vm6 =	vmand vm7, vm6  }
0x1f2: {  	vm3 =	vmneg vm3;
	vm7 =	vmand vm9, vm8;
	v26 =	vsel vm6, v19, v26  }
0x1f3: {  	v27 =	vor.u32 $0x20, v30;
	v29 =	vsel vm7, v32, v22;
	v19 =	vmin.u32 v26, $0x7C  }
0x1f4: {  	vm6 =	vlt.u32 v21, $0x80;
	v22 =	vmin.u32 v29, $0x7C;
	vm7 =	vle.f32 v18, v48  }
0x1f5: {  	v32 =	vadd.s32 $0x3, v19;
	v22 =	vadd.s32 $0x3, v22;
	vm6 =	vmand vm7, vm6  }
0x1f6: {  	v18 =	vsel vm6, $0x1, v36;
	vm6 =	vlt.u32 v20, $0x80;
	vm7 =	vle.f32 v28, v47  }
0x1f7: {  	vm5 =	vmand vm2, vm5;
	v18 =	vadd.s32 v18, v21;
	vm6 =	vmand vm7, vm6  }
0x1f8: {  	v19 =	vmax.u32 v18, $0x1;
	v21 =	vmin.u32 v18, $0x7F;
	v28 =	vsel vm6, $0x1, v36  }
0x1f9: {  	vm4 =	vmand vm3, vm4;
	v33 =	vsub.s32 v19, v37;
	v19 =	vadd.s32 v28, v20  }
0x1fa: {  	v20 =	vsel vm5, v11, v10;
	v34 =	vmin.u32 v19, $0x7F;
	v28 =	vld.idx.msk [tilespmem:v32+s18+$0x0], $0xffff;
	v32 =	vmax.u32 v19, $0x1  }
0x1fb: {  	v35 =	vsel vm4, v11, v10;
	vm4 =	vle.f32 v20, v23;
	v20 =	vld.idx.msk [tilespmem:v22+s18+$0x0], $0xffff;
	v32 =	vsub.s32 v32, v37  }
0x1fc: {  	vm5 =	vle.f32 v35, v25;
	v27 =	vsel vm4, v27, v30;
	v22 =	vor.u32 $0x20, v31  }
0x1fd: {  	v27 =	vnsel vm2, $0x80, v27;
	v22 =	vsel vm5, v22, v31;
	v31 =	vsel vm0, $0x3F800000, v5;
	v30 =	vld.idx.msk [tilespmem:v21+s18+$0x0], $0xffff  }
0x1fe: {  	vm2 =	vgt.u32 v27, $0x3F;
	v35 =	vor.u32 $0x10, v27;
	v22 =	vnsel vm3, $0x80, v22;
	v33 =	vld.idx.msk [tilespmem:v33+s18+$0x0], $0xffff  }
0x1ff: {  	vm5 =	vgt.u32 v27, $0x5F;
	vm4 =	veq.s32 v27, $0x0;
	vm3 =	vgt.u32 v22, $0x3F;
	v34 =	vld.idx.msk [tilespmem:v34+s18+$0x0], $0xffff  }
0x200: {  	vm6 =	vlt.u32 v26, $0x7D;
	v21 =	vadd.s32 $0x4, v26;
	vm7 =	vle.f32 v28, v6;
	v28 =	vld.idx.msk [tilespmem:v32+s18+$0x0], $0xffff  }
0x201: {  	vm8 =	vlt.u32 v29, $0x7D;
	vm9 =	vle.f32 v20, v7;
	vm6 =	vmand vm7, vm6  }
0x202: {  	v32 =	vadd.s32 $0x4, v29;
	vm7 =	vmand vm9, vm8;
	v20 =	vsel vm6, v21, v26  }
0x203: {  	s4 =	sadd.s32 $0x2, s4;
	vm6 =	vgt.u32 v22, $0x5F;
	v21 =	vsel vm7, v32, v29;
	v26 =	vmin.u32 v20, $0x7E  }
0x204: {  	p1 =	slt.u32 s4, $0x17E;
	v30 =	vsub.f32 v30, v48;
	v29 =	vmin.u32 v21, $0x7E;
	v32 =	vsub.f32 v48, v33;
	v48 =	vmovc v7;
	v7 =	vmovc v25  }
0x205: {  	v26 =	vadd.s32 $0x1, v26;
	v25 =	vadd.s32 $0x1, v29;
	v29 =	vsub.f32 v34, v47  }
0x206: {  	v30 =	vmul.f32 v30, v30;
	v32 =	vmul.f32 v32, v32;
	v28 =	vsub.f32 v47, v28;
	v47 =	vmovc v6  }
0x207: {  	vm8 =	vlt.u32 v18, $0x80;
	vm7 =	veq.s32 v18, $0x0;
	v6 =	vmovc v23;
	v29 =	vmul.f32 v29, v29  }
0x208: {  	v30 =	vnsel vm8, $0x501502F9, v30;
	v23 =	vsel vm7, $0x501502F9, v32;
	v28 =	vmul.f32 v28, v28  }
0x209: {  	vm8 =	vlt.u32 v19, $0x80;
	vm7 =	veq.s32 v19, $0x0;
	v23 =	vmin.f32 v23, v30  }
0x20a: {  	v29 =	vnsel vm8, $0x501502F9, v29;
	v23 =	vnsel vm0, $0x0, v23;
	v28 =	vsel vm7, $0x501502F9, v28  }
0x20b: {  	v17 =	vadd.f32 v31, v17;
	v16 =	vadd.f32 v23, v16;
	v23 =	vmin.f32 v28, v29  }
0x20c: {  	vm7 =	veq.s32 v22, $0x0;
	v28 =	vsel vm5, v15, v14;
	v23 =	vnsel vm1, $0x0, v23  }
.Ltmp1:
0x20d: {  	v17 =	vadd.f32 v24, v17;
	v29 =	vsel vm4, v12, v13;
	v16 =	vadd.f32 v23, v16;
	(pc) =	sbr.rel @p1 .LBB2_4-.Ltmp1, $4  }
0x20e: {  	v24 =	vsel vm6, v15, v14;
	v30 =	vsel vm7, v12, v13;
	v28 =	vsel vm2, v28, v29;
	v23 =	vld.idx.msk [tilespmem:v25+s18+$0x0], $0xffff  }
0x20f: {  	v24 =	vsel vm3, v24, v30;
	vm2 =	vlt.u32 v27, $0x61;
	vm3 =	vle.f32 v28, v6  }
0x210: {  	vm4 =	vlt.u32 v22, $0x61;
	vm5 =	vle.f32 v24, v7;
	vm3 =	vmand vm2, vm3;
	v24 =	vld.idx.msk [tilespmem:v26+s18+$0x0], $0xffff  }
0x211: {  	s16 =	sadd.s32 $0x80, s16;
	vm2 =	vmand vm4, vm5;
	v25 =	vor.u32 $0x10, v22;
	v26 =	vsel vm3, v35, v27  }
0x212: {  	v8 =	vsel vm2, v25, v22  }
0x213: {  	v9 =	vor.u32 $0x7, v8  }
0x214: {  	v9 =	vmin.u32 v9, $0x7F  }
0x215: {  	v10 =	vor.u32 $0x7, v26  }
0x216: {  	v10 =	vmin.u32 v10, $0x7F;
	_ =	sdelay $0x2  }
0x217: {  	v9 =	vld.idx.msk [tilespmem:v9+s18+$0x0], $0xffff;
	_ =	sdelay $0x1  }
0x218: {  	v10 =	vld.idx.msk [tilespmem:v10+s18+$0x0], $0xffff;
	_ =	sdelay $0x1  }
0x219: {  	v11 =	vor.u32 $0x8, v8  }
0x21a: {  	vm2 =	vlt.u32 v11, $0x81;
	vm3 =	vle.f32 v9, v7  }
0x21b: {  	v9 =	vor.u32 $0x8, v26;
	vm2 =	vmand vm3, vm2  }
0x21c: {  	vm4 =	vle.f32 v10, v6;
	vm3 =	vlt.u32 v9, $0x81;
	v8 =	vsel vm2, v11, v8  }
0x21d: {  	vm2 =	vmand vm4, vm3;
	v10 =	vmin.u32 v8, $0x7C  }
0x21e: {  	v9 =	vsel vm2, v9, v26;
	v10 =	vadd.s32 $0x3, v10  }
0x21f: {  	v11 =	vmin.u32 v9, $0x7C  }
0x220: {  	v11 =	vadd.s32 $0x3, v11;
	_ =	sdelay $0x2  }
0x221: {  	v10 =	vld.idx.msk [tilespmem:v10+s18+$0x0], $0xffff;
	_ =	sdelay $0x1  }
0x222: {  	v11 =	vld.idx.msk [tilespmem:v11+s18+$0x0], $0xffff;
	_ =	sdelay $0x2  }
0x223: {  	vm2 =	vlt.u32 v8, $0x7D;
	vm3 =	vle.f32 v10, v7  }
0x224: {  	v10 =	vadd.s32 $0x4, v8;
	vm2 =	vmand vm3, vm2  }
0x225: {  	vm3 =	vlt.u32 v9, $0x7D;
	vm11 =	vle.f32 v11, v6;
	v8 =	vsel vm2, v10, v8  }
0x226: {  	v10 =	vadd.s32 $0x4, v9;
	vm2 =	vmand vm11, vm3;
	v11 =	vmin.u32 v8, $0x7E  }
0x227: {  	v9 =	vsel vm2, v10, v9;
	v10 =	vadd.s32 $0x1, v11;
	_ =	sdelay $0x1  }
0x228: {  	v11 =	vmin.u32 v9, $0x7E  }
0x229: {  	v11 =	vadd.s32 $0x1, v11  }
0x22a: {  	vm3 =	vle.f32 v23, v48;
	vm2 =	vlt.u32 v21, $0x7F  }
0x22b: {  	v12 =	vadd.s32 $0x2, v21;
	vm2 =	vmand vm3, vm2;
	v10 =	vld.idx.msk [tilespmem:v10+s18+$0x0], $0xffff  }
0x22c: {  	v12 =	vsel vm2, v12, v21  }
0x22d: {  	v13 =	vmin.u32 v12, $0x7F  }
0x22e: {  	vm3 =	vle.f32 v24, v47;
	vm2 =	vlt.u32 v20, $0x7F;
	v11 =	vld.idx.msk [tilespmem:v11+s18+$0x0], $0xffff  }
0x22f: {  	v14 =	vadd.s32 $0x2, v20;
	vm2 =	vmand vm3, vm2  }
0x230: {  	v14 =	vsel vm2, v14, v20;
	vm2 =	vlt.u32 v8, $0x7F;
	vm3 =	vle.f32 v10, v7  }
0x231: {  	v15 =	vmin.u32 v14, $0x7F;
	v10 =	vadd.s32 $0x2, v8;
	vm2 =	vmand vm3, vm2  }
0x232: {  	v13 =	vld.idx.msk [tilespmem:v13+s18+$0x0], $0xffff;
	v8 =	vsel vm2, v10, v8  }
0x233: {  	vm3 =	vle.f32 v11, v6;
	vm2 =	vlt.u32 v9, $0x7F;
	v10 =	vmin.u32 v8, $0x7F  }
0x234: {  	v11 =	vadd.s32 $0x2, v9;
	vm2 =	vmand vm3, vm2  }
0x235: {  	v9 =	vsel vm2, v11, v9  }
0x236: {  	v11 =	vld.idx.msk [tilespmem:v15+s18+$0x0], $0xffff;
	v15 =	vmin.u32 v9, $0x7F  }
0x237: {  	v18 =	vshll.u32 v18, $0x4;
	vm3 =	vle.f32 v13, v48;
	vm2 =	vlt.u32 v12, $0x80  }
0x238: {  	v13 =	vor.u32 v0, v18;
	vm2 =	vmand vm3, vm2;
	v10 =	vld.idx.msk [tilespmem:v10+s18+$0x0], $0xffff  }
0x239: {  	v18 =	vshll.u32 v19, $0x4;
	v13 =	vsel vm0, v13, v38;
	v19 =	vsel vm2, $0x1, v36  }
0x23a: {  	vm0 =	vlt.u32 v14, $0x80;
	vm3 =	vge.f32 v47, $1.000000050e-03;
	v19 =	vadd.s32 v19, v12  }
0x23b: {  	v12 =	vor.u32 v0, v18;
	v18 =	vmin.u32 v19, $0x7F;
	vm2 =	vle.f32 v11, v47;
	v11 =	vld.idx.msk [tilespmem:v15+s18+$0x0], $0xffff  }
0x23c: {  	v12 =	vsel vm1, v12, v38;
	v30 =	vshll.u32 v19, $0x4;
	vm0 =	vmand vm2, vm0  }
0x23d: {  	v26 =	vsel vm0, $0x1, v36;
	vm0 =	vlt.u32 v8, $0x80;
	vm2 =	vle.f32 v10, v7  }
0x23e: {  	v15 =	vmax.u32 v19, $0x1;
	v14 =	vadd.s32 v26, v14;
	vm0 =	vmand vm2, vm0  }
0x23f: {  	v15 =	vsub.s32 v15, v37;
	v20 =	vmin.u32 v14, $0x7F;
	v27 =	vsel vm0, $0x1, v36  }
0x240: {  	vm0 =	vlt.u32 v9, $0x80;
	vm2 =	vle.f32 v11, v6;
	v21 =	vadd.s32 v27, v8  }
0x241: {  	v10 =	vmax.u32 v14, $0x1;
	vm0 =	vmand vm2, vm0;
	v11 =	vmin.u32 v21, $0x7F  }
0x242: {  	v10 =	vsub.s32 v10, v37;
	v8 =	vmax.u32 v21, $0x1;
	v28 =	vsel vm0, $0x1, v36  }
0x243: {  	vm1 =	vge.f32 v7, $1.000000050e-03;
	v18 =	vld.idx.msk [tilespmem:v18+s18+$0x0], $0xffff;
	v29 =	vsub.s32 v8, v37;
	v8 =	vadd.s32 v28, v9  }
0x244: {  	[tilespmem:s2+$0x1C20] =	vst v13;
	v13 =	vor.u32 v0, v30;
	v9 =	vld.idx.msk [tilespmem:v15+s18+$0x0], $0xffff;
	v15 =	vmax.u32 v8, $0x1;
	v22 =	vmin.u32 v8, $0x7F  }
0x245: {  	v31 =	vshll.u32 v14, $0x4;
	vm2 =	vge.f32 v48, $1.000000050e-03;
	v20 =	vld.idx.msk [tilespmem:v20+s18+$0x0], $0xffff;
	v15 =	vsub.s32 v15, v37  }
0x246: {  	[tilespmem:s2+$0x1C30] =	vst v12;
	v32 =	vor.u32 v0, v31;
	v12 =	vsel vm2, v13, v38;
	v24 =	vld.idx.msk [tilespmem:v11+s18+$0x0], $0xffff;
	v11 =	vshll.u32 v21, $0x4  }
0x247: {  	v13 =	vsel vm3, v32, v38;
	[tilespmem:s15+$0x1C20] =	vst v12;
	v10 =	vld.idx.msk [tilespmem:v10+s18+$0x0], $0xffff;
	v12 =	vshll.u32 v8, $0x4;
	v11 =	vor.u32 v0, v11  }
0x248: {  	vm0 =	vge.f32 v6, $1.000000050e-03;
	[tilespmem:s15+$0x1C30] =	vst v13;
	v12 =	vor.u32 v0, v12;
	v23 =	vld.idx.msk [tilespmem:v29+s18+$0x0], $0xffff;
	v11 =	vsel vm1, v11, v38  }
0x249: {  	v13 =	vld.idx.msk [tilespmem:v22+s18+$0x0], $0xffff;
	[tilespmem:s14+$0x1C20] =	vst v11;
	v11 =	vsel vm0, v12, v38  }
0x24a: {  	v15 =	vld.idx.msk [tilespmem:v15+s18+$0x0], $0xffff;
	[tilespmem:s14+$0x1C30] =	vst v11  }
0x24b: {  	s2 =	rddreg [dreg:$0x13]  }
0x24c: {  	v18 =	vsub.f32 v18, v48;
	s13 =	rddreg [dreg:$0x12];
	v11 =	vld [tilespmem:s2+$0x0]  }
0x24d: {  	v9 =	vsub.f32 v48, v9;
	v12 =	vld [tilespmem:s13+$0x0]  }
0x24e: {  	v18 =	vmul.f32 v18, v18;
	v20 =	vsub.f32 v20, v47  }
0x24f: {  	vm5 =	vlt.u32 v19, $0x80;
	v10 =	vsub.f32 v47, v10;
	v9 =	vmul.f32 v9, v9  }
0x250: {  	vm12 =	veq.s32 v19, $0x0;
	v18 =	vnsel vm5, $0x501502F9, v18;
	v19 =	vmul.f32 v20, v20  }
0x251: {  	v10 =	vmul.f32 v10, v10;
	v9 =	vsel vm12, $0x501502F9, v9;
	vm6 =	vle.f32 v49, v11  }
0x252: {  	vm7 =	vle.f32 v58, v11;
	vm8 =	vle.f32 v49, v12;
	vm9 =	vle.f32 v58, v12  }
0x253: {  	v33 =	vsel vm7, $0x40, v36;
	vm8 =	vmneg vm8;
	vm6 =	vmneg vm6  }
0x254: {  	v34 =	vsel vm9, $0x40, v36;
	vm7 =	vmand vm6, vm7;
	vm9 =	vmand vm8, vm9  }
0x255: {  	v35 =	vor.u32 $0x20, v34;
	v47 =	vsel vm7, v60, v59;
	v27 =	vsel vm9, v60, v59  }
0x256: {  	v28 =	vor.u32 $0x20, v33;
	vm7 =	vle.f32 v47, v11;
	vm9 =	vle.f32 v27, v12  }
0x257: {  	v9 =	vmin.f32 v9, v18;
	v20 =	vsel vm7, v28, v33;
	v22 =	vsel vm9, v35, v34  }
0x258: {  	v9 =	vnsel vm2, $0x0, v9;
	v20 =	vnsel vm6, $0x80, v20;
	v22 =	vnsel vm8, $0x80, v22  }
0x259: {  	vm4 =	vlt.u32 v20, $0x61;
	vm13 =	vgt.u32 v20, $0x3F;
	vm6 =	vgt.u32 v20, $0x5F  }
0x25a: {  	vm14 =	veq.s32 v20, $0x0;
	vm8 =	vgt.u32 v22, $0x5F;
	vm15 =	veq.s32 v22, $0x0  }
0x25b: {  	vm10 =	vgt.u32 v22, $0x3F;
	v48 =	vsel vm8, v4, v63;
	v32 =	vsel vm15, v61, v62  }
0x25c: {  	v33 =	vsel vm6, v4, v63;
	v34 =	vsel vm14, v61, v62;
	v25 =	vsel vm10, v48, v32  }
0x25d: {  	v35 =	vsel vm13, v33, v34;
	vm10 =	vlt.u32 v22, $0x61;
	vm11 =	vle.f32 v25, v12  }
0x25e: {  	v47 =	vor.u32 $0x10, v22;
	vm12 =	vle.f32 v35, v11;
	vm5 =	vmand vm10, vm11  }
0x25f: {  	v48 =	vor.u32 $0x10, v20;
	vm4 =	vmand vm4, vm12;
	v22 =	vsel vm5, v47, v22  }
0x260: {  	v13 =	vsub.f32 v13, v6;
	v20 =	vsel vm4, v48, v20;
	v25 =	vmin.u32 v22, $0x7F  }
0x261: {  	v15 =	vsub.f32 v6, v15;
	v18 =	vmin.u32 v20, $0x7F;
	v25 =	vor.u32 $0x87, v25  }
0x262: {  	vm14 =	vlt.u32 v14, $0x80;
	vm13 =	veq.s32 v14, $0x0;
	v14 =	vor.u32 $0x87, v18  }
0x263: {  	v9 =	vadd.f32 v9, v16;
	v13 =	vmul.f32 v13, v13  }
0x264: {  	v15 =	vmul.f32 v15, v15;
	v10 =	vsel vm13, $0x501502F9, v10;
	v18 =	vnsel vm14, $0x501502F9, v19  }
0x265: {  	v28 =	vor.u32 $0x8, v22;
	v19 =	vsel vm2, $0x3F800000, v5;
	v10 =	vmin.f32 v10, v18  }
0x266: {  	v29 =	vor.u32 $0x8, v20;
	v16 =	vadd.f32 v19, v17;
	v10 =	vnsel vm3, $0x0, v10;
	v18 =	vld.idx.msk [tilespmem:v25+s18+$0x0], $0xffff  }
0x267: {  	vm2 =	veq.s32 v21, $0x0;
	v9 =	vadd.f32 v10, v9;
	v10 =	vsub.f32 v7, v23;
	v14 =	vld.idx.msk [tilespmem:v14+s18+$0x0], $0xffff  }
0x268: {  	vm15 =	vlt.u32 v28, $0x81;
	v17 =	vsel vm3, $0x3F800000, v5;
	v7 =	vsub.f32 v24, v7  }
0x269: {  	vm10 =	vlt.u32 v29, $0x81;
	v16 =	vadd.f32 v17, v16;
	v10 =	vmul.f32 v10, v10  }
0x26a: {  	v19 =	vsel vm1, $0x3F800000, v5;
	vm3 =	vlt.u32 v21, $0x80;
	v7 =	vmul.f32 v7, v7  }
0x26b: {  	s14 =	rddreg [dreg:$0x11];
	v16 =	vadd.f32 v19, v16;
	v10 =	vsel vm2, $0x501502F9, v10;
	vm9 =	vle.f32 v18, v12  }
0x26c: {  	v6 =	vld [tilespmem:s14+$0x0];
	vm11 =	vle.f32 v14, v11;
	v18 =	vnsel vm3, $0x501502F9, v7;
	vm4 =	vmand vm9, vm15  }
0x26d: {  	s15 =	rddreg [dreg:$0x10];
	vm3 =	vlt.u32 v8, $0x80;
	vm2 =	vmand vm11, vm10;
	v14 =	vsel vm4, v28, v22  }
0x26e: {  	v7 =	vld [tilespmem:s15+$0x0];
	v10 =	vmin.f32 v10, v18;
	v20 =	vsel vm2, v29, v20;
	v21 =	vmin.u32 v14, $0x7C  }
0x26f: {  	v13 =	vnsel vm3, $0x501502F9, v13;
	v30 =	vmin.u32 v20, $0x7C;
	v21 =	vadd.s32 $0x83, v21  }
0x270: {  	vm2 =	veq.s32 v8, $0x0;
	v8 =	vnsel vm1, $0x0, v10;
	v18 =	vadd.s32 $0x83, v30  }
0x271: {  	vm1 =	vle.f32 v49, v6;
	v10 =	vsel vm2, $0x501502F9, v15;
	vm2 =	vle.f32 v58, v6  }
0x272: {  	vm1 =	vmneg vm1;
	v47 =	vadd.f32 v8, v9;
	v15 =	vsel vm2, $0x40, v36  }
0x273: {  	vm2 =	vmand vm1, vm2;
	vm3 =	vle.f32 v49, v7;
	vm12 =	vle.f32 v58, v7  }
0x274: {  	v32 =	vsel vm2, v60, v59;
	v33 =	vor.u32 $0x20, v15;
	vm3 =	vmneg vm3;
	v21 =	vld.idx.msk [tilespmem:v21+s18+$0x0], $0xffff  }
0x275: {  	v31 =	vsel vm12, $0x40, v36;
	vm2 =	vle.f32 v32, v6;
	vm4 =	vmand vm3, vm12;
	v18 =	vld.idx.msk [tilespmem:v18+s18+$0x0], $0xffff  }
0x276: {  	v35 =	vor.u32 $0x20, v31;
	v15 =	vsel vm2, v33, v15;
	vm2 =	vlt.u32 v14, $0x7D  }
0x277: {  	v34 =	vsel vm4, v60, v59;
	v9 =	vnsel vm1, $0x80, v15;
	vm1 =	vlt.u32 v20, $0x7D  }
0x278: {  	v15 =	vadd.s32 $0x4, v14;
	vm4 =	vle.f32 v34, v7;
	vm15 =	veq.s32 v9, $0x0  }
0x279: {  	v8 =	vsel vm4, v35, v31;
	v28 =	vsel vm15, v61, v62;
	vm13 =	vle.f32 v21, v12  }
0x27a: {  	v31 =	vor.u32 $0x10, v9;
	vm14 =	vle.f32 v18, v11;
	vm2 =	vmand vm13, vm2  }
0x27b: {  	v18 =	vadd.s32 $0x4, v20;
	vm1 =	vmand vm14, vm1;
	v14 =	vsel vm2, v15, v14  }
0x27c: {  	v8 =	vnsel vm3, $0x80, v8;
	v15 =	vsel vm1, v18, v20;
	v18 =	vmin.u32 v14, $0x7E  }
0x27d: {  	vm3 =	vgt.u32 v9, $0x5F;
	vm9 =	vgt.u32 v8, $0x3F;
	v18 =	vadd.s32 $0x81, v18  }
0x27e: {  	vm10 =	vgt.u32 v8, $0x5F;
	vm11 =	veq.s32 v8, $0x0;
	v20 =	vmin.u32 v15, $0x7E  }
0x27f: {  	v48 =	vsel vm3, v4, v63;
	vm2 =	vgt.u32 v9, $0x3F;
	v20 =	vadd.s32 $0x81, v20  }
0x280: {  	v29 =	vsel vm10, v4, v63;
	v30 =	vsel vm11, v61, v62;
	v21 =	vsel vm2, v48, v28  }
0x281: {  	v23 =	vsel vm9, v29, v30;
	vm1 =	vlt.u32 v9, $0x61;
	vm2 =	vle.f32 v21, v6  }
0x282: {  	vm3 =	vlt.u32 v8, $0x61;
	vm12 =	vle.f32 v23, v7;
	vm1 =	vmand vm1, vm2;
	v18 =	vld.idx.msk [tilespmem:v18+s18+$0x0], $0xffff  }
0x283: {  	v32 =	vor.u32 $0x10, v8;
	vm2 =	vmand vm3, vm12;
	v22 =	vsel vm1, v31, v9  }
0x284: {  	s9 =	simm.s32 $0x50;
	v10 =	vmin.f32 v10, v13;
	v19 =	vsel vm2, v32, v8;
	v8 =	vmin.u32 v22, $0x7F;
	v20 =	vld.idx.msk [tilespmem:v20+s18+$0x0], $0xffff  }
0x285: {  	s4 =	sand.u32 $0xF0, s9;
	v17 =	vsel vm0, $0x3F800000, v5;
	v10 =	vnsel vm0, $0x0, v10;
	v33 =	vor.u32 $0x87, v8  }
0x286: {  	s4 =	sor.u32 s4, s8;
	vm0 =	vge.f32 v11, $1.000000050e-03;
	v34 =	vadd.s32 $0x2, v15;
	v48 =	vadd.f32 v10, v47  }
0x287: {  	vm1 =	vlt.u32 v14, $0x7F;
	v9 =	vmin.u32 v19, $0x7F;
	v8 =	vld [tilespmem:s4+$0x0];
	vm2 =	vle.f32 v18, v12  }
0x288: {  	s16 =	simm.s32 $0x40;
	v18 =	vor.u32 $0x87, v9;
	v9 =	vadd.s32 $0x2, v14;
	vm1 =	vmand vm2, vm1  }
0x289: {  	s2 =	sand.u32 $0xE0, s16;
	vm3 =	vle.f32 v20, v11;
	vm2 =	vlt.u32 v15, $0x7F;
	v14 =	vsel vm1, v9, v14  }
0x28a: {  	s2 =	sor.u32 s2, s8;
	v47 =	vadd.f32 v17, v16;
	v16 =	vld.idx.msk [tilespmem:v33+s18+$0x0], $0xffff;
	vm1 =	vmand vm3, vm2;
	v13 =	vmin.u32 v14, $0x7F  }
0x28b: {  	v28 =	vor.u32 $0x8, v22;
	v9 =	vld [tilespmem:s2+$0x0];
	v15 =	vsel vm1, v34, v15;
	v13 =	vor.u32 $0x80, v13  }
0x28c: {  	v29 =	vor.u32 $0x8, v19;
	vm1 =	vle.f32 v49, v8;
	v20 =	vmin.u32 v15, $0x7F  }
0x28d: {  	vm3 =	vle.f32 v58, v8;
	vm1 =	vmneg vm1;
	v10 =	vor.u32 $0x80, v20;
	v17 =	vld.idx.msk [tilespmem:v18+s18+$0x0], $0xffff  }
0x28e: {  	vm15 =	vlt.u32 v29, $0x81;
	v18 =	vsel vm3, $0x40, v36;
	vm3 =	vmand vm1, vm3  }
0x28f: {  	vm14 =	vle.f32 v16, v6;
	v23 =	vor.u32 $0x20, v18;
	v35 =	vsel vm3, v60, v59  }
0x290: {  	vm3 =	vlt.u32 v28, $0x81;
	vm2 =	vle.f32 v49, v9;
	vm13 =	vle.f32 v58, v9;
	v13 =	vld.idx.msk [tilespmem:v13+s18+$0x0], $0xffff  }
0x291: {  	vm3 =	vmand vm14, vm3;
	vm2 =	vmneg vm2;
	v20 =	vsel vm13, $0x40, v36  }
0x292: {  	v21 =	vor.u32 $0x20, v20;
	vm4 =	vmand vm2, vm13;
	v10 =	vld.idx.msk [tilespmem:v10+s18+$0x0], $0xffff;
	vm9 =	vle.f32 v17, v7  }
0x293: {  	v16 =	vsel vm4, v60, v59;
	v17 =	vsel vm3, v28, v22;
	vm3 =	vlt.u32 v14, $0x80  }
0x294: {  	vm10 =	vmand vm9, vm15;
	v22 =	vmin.u32 v17, $0x7C;
	vm13 =	vle.f32 v16, v9  }
0x295: {  	vm9 =	vlt.u32 v17, $0x7D;
	v19 =	vsel vm10, v29, v19;
	vm11 =	vle.f32 v13, v12  }
0x296: {  	v22 =	vadd.s32 $0x83, v22;
	v20 =	vsel vm13, v21, v20;
	vm3 =	vmand vm11, vm3  }
0x297: {  	vm12 =	vle.f32 v10, v11;
	v30 =	vsel vm3, $0x1, v36;
	vm3 =	vlt.u32 v15, $0x80  }
0x298: {  	v13 =	vmin.u32 v19, $0x7C;
	v25 =	vadd.s32 v30, v14;
	vm3 =	vmand vm12, vm3  }
0x299: {  	v13 =	vadd.s32 $0x83, v13;
	v10 =	vmax.u32 v25, $0x1;
	v14 =	vsel vm3, $0x1, v36  }
0x29a: {  	v32 =	vmin.u32 v25, $0x7F;
	v31 =	vsub.s32 v10, v37;
	v10 =	vadd.s32 v14, v15  }
0x29b: {  	v15 =	vor.u32 $0x80, v32;
	v14 =	vand.u32 $0x7FFFFFFF, v31;
	v33 =	vmax.u32 v10, $0x1  }
0x29c: {  	v34 =	vmin.u32 v10, $0x7F;
	v14 =	vadd.s32 $0x80, v14;
	v26 =	vsub.s32 v33, v37  }
0x29d: {  	vm3 =	vle.f32 v35, v8;
	v28 =	vor.u32 $0x80, v34;
	v35 =	vand.u32 $0x7FFFFFFF, v26  }
0x29e: {  	v20 =	vnsel vm2, $0x80, v20;
	v22 =	vld.idx.msk [tilespmem:v22+s18+$0x0], $0xffff;
	v16 =	vsel vm3, v23, v18;
	v18 =	vadd.s32 $0x80, v35  }
0x29f: {  	vm4 =	vgt.u32 v20, $0x3F;
	vm6 =	vgt.u32 v20, $0x5F;
	vm7 =	veq.s32 v20, $0x0;
	v13 =	vld.idx.msk [tilespmem:v13+s18+$0x0], $0xffff  }
0x2a0: {  	vm11 =	vlt.u32 v19, $0x7D;
	vm15 =	veq.s32 v25, $0x0;
	v32 =	vadd.s32 $0x4, v19;
	v15 =	vld.idx.msk [tilespmem:v15+s18+$0x0], $0xffff  }
0x2a1: {  	v16 =	vnsel vm1, $0x80, v16;
	vm1 =	vge.f32 v12, $1.000000050e-03;
	vm13 =	veq.s32 v10, $0x0;
	v30 =	vld.idx.msk [tilespmem:v14+s18+$0x0], $0xffff  }
0x2a2: {  	vm2 =	vlt.u32 v16, $0x61;
	v29 =	vor.u32 $0x10, v16;
	vm3 =	vgt.u32 v16, $0x3F;
	v31 =	vld.idx.msk [tilespmem:v28+s18+$0x0], $0xffff  }
0x2a3: {  	vm8 =	vgt.u32 v16, $0x5F;
	vm5 =	veq.s32 v16, $0x0;
	vm10 =	vle.f32 v22, v6;
	v18 =	vld.idx.msk [tilespmem:v18+s18+$0x0], $0xffff  }
0x2a4: {  	vm9 =	vmand vm10, vm9;
	vm12 =	vle.f32 v13, v7;
	v14 =	vadd.s32 $0x4, v17  }
0x2a5: {  	v35 =	vsel vm5, v61, v62;
	vm14 =	vmand vm12, vm11;
	v13 =	vsel vm9, v14, v17  }
0x2a6: {  	v14 =	vsel vm14, v32, v19;
	v23 =	vsub.f32 v12, v30;
	v12 =	vsub.f32 v15, v12  }
0x2a7: {  	vm12 =	vlt.u32 v25, $0x80;
	v22 =	vmin.u32 v14, $0x7E;
	v33 =	vsub.f32 v31, v11  }
0x2a8: {  	v23 =	vmul.f32 v23, v23;
	v12 =	vmul.f32 v12, v12;
	v11 =	vsub.f32 v11, v18  }
0x2a9: {  	v19 =	vmin.u32 v13, $0x7E;
	v15 =	vadd.s32 $0x81, v22;
	v18 =	vmul.f32 v33, v33  }
0x2aa: {  	v34 =	vsel vm15, $0x501502F9, v23;
	v12 =	vnsel vm12, $0x501502F9, v12;
	v11 =	vmul.f32 v11, v11  }
0x2ab: {  	vm14 =	vlt.u32 v10, $0x80;
	v19 =	vadd.s32 $0x81, v19;
	v12 =	vmin.f32 v34, v12  }
0x2ac: {  	v18 =	vnsel vm14, $0x501502F9, v18;
	v12 =	vnsel vm1, $0x0, v12;
	v11 =	vsel vm13, $0x501502F9, v11  }
0x2ad: {  	v17 =	vsel vm8, v4, v63;
	v5 =	vadd.f32 v12, v5;
	v11 =	vmin.f32 v11, v18  }
0x2ae: {  	v12 =	vsel vm6, v4, v63;
	v18 =	vsel vm7, v61, v62;
	v11 =	vnsel vm0, $0x0, v11  }
0x2af: {  	v17 =	vsel vm3, v17, v35;
	v12 =	vsel vm4, v12, v18;
	v5 =	vadd.f32 v11, v5;
	v11 =	vld.idx.msk [tilespmem:v15+s18+$0x0], $0xffff  }
0x2b0: {  	vm3 =	vlt.u32 v20, $0x61;
	vm15 =	vle.f32 v17, v8;
	vm4 =	vle.f32 v12, v9  }
0x2b1: {  	vm2 =	vmand vm2, vm15;
	v15 =	vor.u32 $0x10, v20;
	v12 =	vld.idx.msk [tilespmem:v19+s18+$0x0], $0xffff;
	vm3 =	vmand vm3, vm4  }
0x2b2: {  	s4 =	simm.s32 $0x180;
	s2 =	simm.s32 $0x4;
	v16 =	vsel vm2, v29, v16;
	v17 =	vsel vm3, v15, v20;
	v15 =	vshll.u32 v25, $0x4  }
.LBB2_6:
0x2b3: {  	s8 =	sshrl.u32 s4, $0x2;
	s10 =	sshra.s32 s4, $0x2;
	v18 =	vmin.u32 v17, $0x7F;
	v19 =	vmin.u32 v16, $0x7F;
	s9 =	sadd.s32 $0x20, s9;
	v10 =	vshll.u32 v10, $0x4  }
0x2b4: {  	vm2 =	vlt.u32 v14, $0x7F;
	vm3 =	vle.f32 v11, v7;
	s11 =	sadd.s32 $0xFFFFFFF0, s9;
	s8 =	sand.u32 $0x1F00, s8;
	s12 =	sand.u32 $0xF0, s9;
	v19 =	vor.u32 $0x87, v19  }
0x2b5: {  	v20 =	vadd.s32 $0x2, v14;
	v18 =	vor.u32 $0x87, v18;
	vm2 =	vmand vm3, vm2;
	s11 =	sand.u32 $0xE0, s11;
	s12 =	sor.u32 s12, s8  }
0x2b6: {  	v14 =	vsel vm2, v20, v14;
	vm2 =	vlt.u32 v13, $0x7F;
	vm3 =	vle.f32 v12, v6;
	s8 =	sor.u32 s11, s8;
	v11 =	vld [tilespmem:s12+$0x0]  }
0x2b7: {  	v21 =	vadd.s32 $0x2, v13;
	v20 =	vmin.u32 v14, $0x7F;
	vm2 =	vmand vm3, vm2;
	v12 =	vld [tilespmem:s8+$0x0]  }
0x2b8: {  	v15 =	vor.u32 v0, v15;
	v20 =	vor.u32 $0x80, v20;
	v13 =	vsel vm2, v21, v13  }
0x2b9: {  	v15 =	vsel vm1, v15, v38;
	v10 =	vor.u32 v0, v10;
	v21 =	vmin.u32 v13, $0x7F  }
0x2ba: {  	v10 =	vsel vm0, v10, v38;
	v21 =	vor.u32 $0x80, v21;
	v19 =	vld.idx.msk [tilespmem:v19+s18+$0x0], $0xffff;
	[tilespmem:s7+$0x3420] =	vst v15  }
0x2bb: {  	vm0 =	vge.f32 v6, $1.000000050e-03;
	vm1 =	vle.f32 v49, v11;
	vm3 =	vle.f32 v58, v11;
	v15 =	vld.idx.msk [tilespmem:v18+s18+$0x0], $0xffff;
	[tilespmem:s7+$0x3430] =	vst v10;
	s7 =	smov.u32 s6;
	s6 =	smov.u32 s5;
	s5 =	smov.u32 s10  }
0x2bc: {  	vm2 =	vle.f32 v49, v12;
	vm4 =	vle.f32 v58, v12;
	v18 =	vsel vm3, $0x40, v36  }
0x2bd: {  	vm1 =	vmneg vm1;
	vm2 =	vmneg vm2;
	v22 =	vsel vm4, $0x40, v36;
	v10 =	vld.idx.msk [tilespmem:v20+s18+$0x0], $0xffff  }
0x2be: {  	vm3 =	vmand vm1, vm3;
	v23 =	vor.u32 $0x20, v18;
	v20 =	vor.u32 $0x20, v22  }
0x2bf: {  	v25 =	vor.u32 $0x8, v16;
	vm4 =	vmand vm2, vm4;
	v24 =	vsel vm3, v60, v59;
	v21 =	vld.idx.msk [tilespmem:v21+s18+$0x0], $0xffff  }
0x2c0: {  	v26 =	vor.u32 $0x8, v17;
	vm3 =	vlt.u32 v25, $0x81;
	vm5 =	vle.f32 v19, v8  }
0x2c1: {  	vm6 =	vlt.u32 v26, $0x81;
	vm7 =	vle.f32 v15, v9;
	vm3 =	vmand vm5, vm3  }
0x2c2: {  	v15 =	vsel vm4, v60, v59;
	vm4 =	vmand vm7, vm6;
	v16 =	vsel vm3, v25, v16  }
0x2c3: {  	vm3 =	vlt.u32 v14, $0x80;
	v17 =	vsel vm4, v26, v17;
	vm4 =	vle.f32 v10, v7  }
0x2c4: {  	v19 =	vmin.u32 v16, $0x7C;
	v10 =	vmin.u32 v17, $0x7C;
	vm3 =	vmand vm4, vm3  }
0x2c5: {  	v25 =	vsel vm3, $0x1, v36;
	vm3 =	vlt.u32 v13, $0x80;
	vm4 =	vle.f32 v21, v6  }
0x2c6: {  	v19 =	vadd.s32 $0x83, v19;
	v21 =	vadd.s32 v25, v14;
	vm3 =	vmand vm4, vm3  }
0x2c7: {  	v14 =	vadd.s32 $0x83, v10;
	v10 =	vmax.u32 v21, $0x1;
	v25 =	vsel vm3, $0x1, v36  }
0x2c8: {  	v27 =	vmin.u32 v21, $0x7F;
	v26 =	vsub.s32 v10, v37;
	v10 =	vadd.s32 v25, v13  }
0x2c9: {  	v25 =	vor.u32 $0x80, v27;
	v13 =	vand.u32 $0x7FFFFFFF, v26;
	v26 =	vmax.u32 v10, $0x1  }
0x2ca: {  	v27 =	vmin.u32 v10, $0x7F;
	v13 =	vadd.s32 $0x80, v13;
	v26 =	vsub.s32 v26, v37  }
0x2cb: {  	vm3 =	vle.f32 v24, v11;
	v24 =	vand.u32 $0x7FFFFFFF, v26;
	v26 =	vor.u32 $0x80, v27;
	v19 =	vld.idx.msk [tilespmem:v19+s18+$0x0], $0xffff  }
0x2cc: {  	vm4 =	vle.f32 v15, v12;
	v15 =	vsel vm3, v23, v18;
	v18 =	vadd.s32 $0x80, v24;
	v14 =	vld.idx.msk [tilespmem:v14+s18+$0x0], $0xffff  }
0x2cd: {  	v20 =	vsel vm4, v20, v22;
	v15 =	vnsel vm1, $0x80, v15;
	vm1 =	vge.f32 v7, $1.000000050e-03  }
0x2ce: {  	v20 =	vnsel vm2, $0x80, v20;
	vm2 =	vlt.u32 v15, $0x61;
	v22 =	vor.u32 $0x10, v15;
	v23 =	vld.idx.msk [tilespmem:v25+s18+$0x0], $0xffff  }
0x2cf: {  	vm3 =	vgt.u32 v15, $0x3F;
	vm8 =	vgt.u32 v15, $0x5F;
	vm7 =	veq.s32 v15, $0x0;
	v24 =	vld.idx.msk [tilespmem:v13+s18+$0x0], $0xffff  }
0x2d0: {  	vm4 =	vgt.u32 v20, $0x3F;
	vm5 =	vgt.u32 v20, $0x5F;
	vm6 =	veq.s32 v20, $0x0;
	v25 =	vld.idx.msk [tilespmem:v26+s18+$0x0], $0xffff  }
0x2d1: {  	vm9 =	vlt.u32 v16, $0x7D;
	v13 =	vadd.s32 $0x4, v16;
	vm10 =	vle.f32 v19, v8;
	v18 =	vld.idx.msk [tilespmem:v18+s18+$0x0], $0xffff  }
0x2d2: {  	vm11 =	vlt.u32 v17, $0x7D;
	vm12 =	vle.f32 v14, v9;
	vm9 =	vmand vm10, vm9  }
0x2d3: {  	s2 =	sadd.s32 $0x2, s2;
	v14 =	vadd.s32 $0x4, v17;
	vm10 =	vmand vm12, vm11;
	v13 =	vsel vm9, v13, v16  }
0x2d4: {  	p1 =	slt.u32 s2, $0x17E;
	v16 =	vsel vm8, v4, v63;
	v14 =	vsel vm10, v14, v17;
	v17 =	vmin.u32 v13, $0x7E  }
0x2d5: {  	v23 =	vsub.f32 v23, v7;
	v19 =	vmin.u32 v14, $0x7E;
	v24 =	vsub.f32 v7, v24;
	v7 =	vmovc v9;
	v9 =	vmovc v12  }
0x2d6: {  	v17 =	vadd.s32 $0x81, v17;
	v12 =	vadd.s32 $0x81, v19;
	v19 =	vsub.f32 v25, v6  }
0x2d7: {  	v23 =	vmul.f32 v23, v23;
	v24 =	vmul.f32 v24, v24;
	v18 =	vsub.f32 v6, v18;
	v6 =	vmovc v8  }
0x2d8: {  	vm8 =	veq.s32 v21, $0x0;
	vm9 =	vlt.u32 v21, $0x80;
	v8 =	vmovc v11;
	v19 =	vmul.f32 v19, v19  }
0x2d9: {  	v23 =	vnsel vm9, $0x501502F9, v23;
	v11 =	vsel vm8, $0x501502F9, v24;
	v18 =	vmul.f32 v18, v18  }
0x2da: {  	vm9 =	vlt.u32 v10, $0x80;
	vm8 =	veq.s32 v10, $0x0;
	v11 =	vmin.f32 v11, v23  }
0x2db: {  	v19 =	vnsel vm9, $0x501502F9, v19;
	v11 =	vnsel vm1, $0x0, v11;
	v18 =	vsel vm8, $0x501502F9, v18  }
0x2dc: {  	v23 =	vsel vm7, v61, v62;
	v5 =	vadd.f32 v11, v5;
	v18 =	vmin.f32 v18, v19  }
.Ltmp2:
0x2dd: {  	v24 =	vsel vm6, v61, v62;
	v19 =	vsel vm5, v4, v63;
	v11 =	vld.idx.msk [tilespmem:v12+s18+$0x0], $0xffff;
	v12 =	vnsel vm0, $0x0, v18;
	(pc) =	sbr.rel @p1 .LBB2_6-.Ltmp2, $4  }
0x2de: {  	v16 =	vsel vm3, v16, v23;
	v18 =	vsel vm4, v19, v24;
	v5 =	vadd.f32 v12, v5  }
0x2df: {  	vm3 =	vlt.u32 v20, $0x61;
	vm5 =	vle.f32 v16, v8;
	vm4 =	vle.f32 v18, v9;
	v12 =	vld.idx.msk [tilespmem:v17+s18+$0x0], $0xffff  }
0x2e0: {  	v16 =	vor.u32 $0x10, v20;
	vm2 =	vmand vm2, vm5;
	vm3 =	vmand vm3, vm4  }
0x2e1: {  	s4 =	sadd.s32 $0x80, s4;
	v17 =	vsel vm3, v16, v20;
	v16 =	vsel vm2, v22, v15;
	v15 =	vshll.u32 v21, $0x4  }
0x2e2: {  	v4 =	vmin.u32 v17, $0x7F  }
0x2e3: {  	v4 =	vor.u32 $0x87, v4;
	_ =	sdelay $0x1  }
0x2e4: {  	v18 =	vmin.u32 v16, $0x7F  }
0x2e5: {  	v18 =	vor.u32 $0x87, v18;
	_ =	sdelay $0x1  }
0x2e6: {  	v4 =	vld.idx.msk [tilespmem:v4+s18+$0x0], $0xffff;
	_ =	sdelay $0x2  }
0x2e7: {  	v18 =	vld.idx.msk [tilespmem:v18+s18+$0x0], $0xffff  }
0x2e8: {  	v19 =	vor.u32 $0x8, v17  }
0x2e9: {  	vm2 =	vlt.u32 v19, $0x81;
	vm3 =	vle.f32 v4, v9  }
0x2ea: {  	vm2 =	vmand vm3, vm2  }
0x2eb: {  	v4 =	vsel vm2, v19, v17;
	v17 =	vor.u32 $0x8, v16  }
0x2ec: {  	vm13 =	vle.f32 v18, v8;
	v19 =	vmin.u32 v4, $0x7C;
	vm12 =	vlt.u32 v17, $0x81  }
0x2ed: {  	v30 =	vadd.s32 $0x83, v19;
	vm2 =	vmand vm13, vm12  }
0x2ee: {  	v16 =	vsel vm2, v17, v16  }
0x2ef: {  	vm14 =	vlt.u32 v14, $0x7F;
	vm15 =	vle.f32 v11, v7;
	v31 =	vmin.u32 v16, $0x7C  }
0x2f0: {  	v17 =	vadd.s32 $0x2, v14;
	vm2 =	vmand vm15, vm14;
	v11 =	vadd.s32 $0x83, v31  }
0x2f1: {  	v14 =	vsel vm2, v17, v14  }
0x2f2: {  	vm7 =	vle.f32 v12, v6;
	v12 =	vmin.u32 v14, $0x7F;
	v17 =	vld.idx.msk [tilespmem:v30+s18+$0x0], $0xffff  }
0x2f3: {  	v12 =	vor.u32 $0x80, v12;
	_ =	sdelay $0x1  }
0x2f4: {  	v11 =	vld.idx.msk [tilespmem:v11+s18+$0x0], $0xffff  }
0x2f5: {  	vm6 =	vlt.u32 v13, $0x7F;
	v32 =	vadd.s32 $0x2, v13  }
0x2f6: {  	vm8 =	vlt.u32 v4, $0x7D;
	vm2 =	vmand vm7, vm6;
	vm9 =	vle.f32 v17, v9  }
0x2f7: {  	v13 =	vsel vm2, v32, v13;
	v12 =	vld.idx.msk [tilespmem:v12+s18+$0x0], $0xffff;
	v17 =	vadd.s32 $0x4, v4;
	vm2 =	vmand vm9, vm8  }
0x2f8: {  	vm10 =	vlt.u32 v16, $0x7D;
	v18 =	vmin.u32 v13, $0x7F;
	v4 =	vsel vm2, v17, v4  }
0x2f9: {  	v18 =	vor.u32 $0x80, v18;
	v17 =	vmin.u32 v4, $0x7E;
	vm11 =	vle.f32 v11, v8  }
0x2fa: {  	v34 =	vadd.s32 $0x4, v16;
	v33 =	vadd.s32 $0x81, v17;
	vm2 =	vmand vm11, vm10  }
0x2fb: {  	v16 =	vsel vm2, v34, v16  }
0x2fc: {  	vm13 =	vle.f32 v12, v7;
	v12 =	vmin.u32 v16, $0x7E  }
0x2fd: {  	v12 =	vadd.s32 $0x81, v12  }
0x2fe: {  	v17 =	vld.idx.msk [tilespmem:v18+s18+$0x0], $0xffff  }
0x2ff: {  	vm12 =	vlt.u32 v14, $0x80;
	v11 =	vld.idx.msk [tilespmem:v33+s18+$0x0], $0xffff  }
0x300: {  	vm2 =	vmand vm13, vm12  }
0x301: {  	vm14 =	vlt.u32 v13, $0x80;
	vm6 =	vlt.u32 v4, $0x7F;
	v35 =	vsel vm2, $0x1, v36  }
0x302: {  	v61 =	vadd.s32 $0x2, v4;
	vm8 =	vlt.u32 v16, $0x7F;
	v14 =	vadd.s32 v35, v14;
	v12 =	vld.idx.msk [tilespmem:v12+s18+$0x0], $0xffff  }
0x303: {  	v63 =	vadd.s32 $0x2, v16;
	vm15 =	vle.f32 v17, v6;
	v17 =	vmax.u32 v14, $0x1  }
0x304: {  	vm2 =	vmand vm15, vm14;
	v17 =	vsub.s32 v17, v37;
	vm7 =	vle.f32 v11, v9  }
0x305: {  	v49 =	vsel vm2, $0x1, v36;
	v17 =	vand.u32 $0x7FFFFFFF, v17;
	vm2 =	vmand vm7, vm6  }
0x306: {  	v58 =	vmin.u32 v14, $0x7F;
	v17 =	vadd.s32 $0x80, v17;
	v4 =	vsel vm2, v61, v4  }
0x307: {  	v59 =	vor.u32 $0x80, v58;
	v20 =	vmin.u32 v4, $0x7F;
	vm9 =	vle.f32 v12, v8  }
0x308: {  	v13 =	vadd.s32 v49, v13;
	v12 =	vor.u32 $0x80, v20;
	vm2 =	vmand vm9, vm8  }
0x309: {  	v60 =	vmax.u32 v13, $0x1;
	v62 =	vmin.u32 v13, $0x7F;
	v16 =	vsel vm2, v63, v16  }
0x30a: {  	v11 =	vsub.s32 v60, v37;
	v19 =	vor.u32 $0x80, v62;
	v20 =	vmin.u32 v16, $0x7F  }
0x30b: {  	v11 =	vand.u32 $0x7FFFFFFF, v11;
	v17 =	vld.idx.msk [tilespmem:v17+s18+$0x0], $0xffff;
	v20 =	vor.u32 $0x80, v20  }
0x30c: {  	v18 =	vld.idx.msk [tilespmem:v59+s18+$0x0], $0xffff;
	v11 =	vadd.s32 $0x80, v11  }
0x30d: {  	v10 =	vshll.u32 v10, $0x4;
	v12 =	vld.idx.msk [tilespmem:v12+s18+$0x0], $0xffff  }
0x30e: {  	v15 =	vor.u32 v0, v15;
	v10 =	vor.u32 v0, v10  }
0x30f: {  	v15 =	vsel vm1, v15, v38;
	v10 =	vsel vm0, v10, v38;
	v19 =	vld.idx.msk [tilespmem:v19+s18+$0x0], $0xffff  }
0x310: {  	vm0 =	vge.f32 v8, $1.000000050e-03;
	vm10 =	vge.f32 v7, $1.000000050e-03;
	v17 =	vsub.f32 v7, v17;
	v22 =	vld.idx.msk [tilespmem:v20+s18+$0x0], $0xffff  }
0x311: {  	vm11 =	vge.f32 v6, $1.000000050e-03;
	vm14 =	veq.s32 v14, $0x0;
	vm12 =	vlt.u32 v4, $0x80;
	v11 =	vld.idx.msk [tilespmem:v11+s18+$0x0], $0xffff  }
0x312: {  	v7 =	vsub.f32 v18, v7;
	v17 =	vmul.f32 v17, v17;
	vm13 =	vle.f32 v12, v9  }
0x313: {  	vm15 =	vlt.u32 v14, $0x80;
	vm4 =	vlt.u32 v16, $0x80;
	vm1 =	vmand vm13, vm12  }
0x314: {  	v7 =	vmul.f32 v7, v7;
	v17 =	vsel vm14, $0x501502F9, v17;
	v23 =	vsel vm1, $0x1, v36  }
0x315: {  	v12 =	vsub.f32 v19, v6;
	v4 =	vadd.s32 v23, v4;
	vm5 =	vle.f32 v22, v8  }
0x316: {  	v6 =	vsub.f32 v6, v11;
	v11 =	vmax.u32 v4, $0x1;
	vm4 =	vmand vm5, vm4  }
0x317: {  	v25 =	vmin.u32 v4, $0x7F;
	v11 =	vsub.s32 v11, v37;
	v24 =	vsel vm4, $0x1, v36  }
0x318: {  	v26 =	vor.u32 $0x80, v25;
	v11 =	vand.u32 $0x7FFFFFFF, v11;
	v16 =	vadd.s32 v24, v16  }
0x319: {  	v7 =	vnsel vm15, $0x501502F9, v7;
	v11 =	vadd.s32 $0x80, v11;
	v27 =	vmax.u32 v16, $0x1  }
0x31a: {  	v7 =	vmin.f32 v17, v7;
	v28 =	vmin.u32 v16, $0x7F;
	v17 =	vsub.s32 v27, v37  }
0x31b: {  	v7 =	vnsel vm10, $0x0, v7;
	v19 =	vor.u32 $0x80, v28;
	v17 =	vand.u32 $0x7FFFFFFF, v17  }
0x31c: {  	vm6 =	veq.s32 v13, $0x0;
	v5 =	vadd.f32 v7, v5;
	v17 =	vadd.s32 $0x80, v17  }
0x31d: {  	v7 =	vshll.u32 v14, $0x4;
	v12 =	vmul.f32 v12, v12;
	v6 =	vmul.f32 v6, v6;
	v14 =	vld.idx.msk [tilespmem:v26+s18+$0x0], $0xffff  }
0x31e: {  	vm7 =	vlt.u32 v13, $0x80;
	v13 =	vshll.u32 v13, $0x4;
	vm8 =	vge.f32 v9, $1.000000050e-03;
	v11 =	vld.idx.msk [tilespmem:v11+s18+$0x0], $0xffff  }
0x31f: {  	[tilespmem:s7+$0x3420] =	vst v15;
	v7 =	vor.u32 v0, v7;
	v6 =	vsel vm6, $0x501502F9, v6;
	v12 =	vnsel vm7, $0x501502F9, v12  }
0x320: {  	[tilespmem:s7+$0x3430] =	vst v10;
	v15 =	vshll.u32 v4, $0x4;
	v6 =	vmin.f32 v6, v12;
	v12 =	vor.u32 v0, v13;
	v13 =	vld.idx.msk [tilespmem:v19+s18+$0x0], $0xffff  }
0x321: {  	v7 =	vsel vm10, v7, v38;
	v15 =	vor.u32 v0, v15;
	v12 =	vsel vm11, v12, v38;
	v29 =	vld.idx.msk [tilespmem:v17+s18+$0x0], $0xffff  }
0x322: {  	v6 =	vnsel vm11, $0x0, v6;
	v30 =	vshll.u32 v16, $0x4;
	[tilespmem:s6+$0x3430] =	vst v12;
	v12 =	vsel vm8, v15, v38  }
0x323: {  	s2 =	simm.s32 $0x10;
	s4 =	simm.s32 $0x0;
	[tilespmem:s6+$0x3420] =	vst v7;
	v31 =	vsub.f32 v14, v9;
	v7 =	vsub.f32 v9, v11;
	v11 =	vor.u32 v0, v30  }
0x324: {  	s15 =	simm.s32 $0x0;
	s4 =	sand.u32 $0x1F00, s4;
	s2 =	sand.u32 $0xF0, s2;
	v5 =	vadd.f32 v6, v5;
	[tilespmem:s5+$0x3420] =	vst v12;
	v6 =	vsel vm0, v11, v38  }
0x325: {  	s16 =	sand.u32 $0xE0, s15;
	vm9 =	veq.s32 v4, $0x0;
	s6 =	sor.u32 s2, s4;
	v9 =	vmul.f32 v31, v31;
	v7 =	vmul.f32 v7, v7;
	[tilespmem:s5+$0x3430] =	vst v6  }
0x326: {  	s7 =	sor.u32 s16, s4;
	vm10 =	vlt.u32 v4, $0x80;
	v32 =	vsub.f32 v13, v8;
	v6 =	vsub.f32 v8, v29;
	v4 =	vld [tilespmem:s6+$0x0]  }
0x327: {  	v58 =	vimm.f32 $0.0e+00;
	v9 =	vnsel vm10, $0x501502F9, v9;
	v8 =	vsel vm9, $0x501502F9, v7;
	v7 =	vld [tilespmem:s7+$0x0]  }
0x328: {  	v33 =	vmul.f32 v32, v32;
	v6 =	vmul.f32 v6, v6;
	v8 =	vmin.f32 v8, v9  }
0x329: {  	vm11 =	veq.s32 v16, $0x0;
	vm12 =	vlt.u32 v16, $0x80;
	v8 =	vnsel vm8, $0x0, v8  }
0x32a: {  	v34 =	vnsel vm12, $0x501502F9, v33;
	v6 =	vsel vm11, $0x501502F9, v6;
	v5 =	vadd.f32 v8, v5  }
0x32b: {  	v6 =	vmin.f32 v6, v34;
	vm13 =	vle.f32 v50, v4;
	vm14 =	vle.f32 v51, v4  }
0x32c: {  	vm15 =	vle.f32 v50, v7;
	vm8 =	vle.f32 v51, v7;
	vm1 =	vmneg vm13  }
0x32d: {  	v8 =	vsel vm14, $0x40, v36;
	vm3 =	vmneg vm15;
	vm2 =	vmand vm1, vm14  }
0x32e: {  	v35 =	vsel vm8, $0x40, v36;
	vm4 =	vmand vm3, vm8;
	v49 =	vsel vm2, v53, v52  }
0x32f: {  	v59 =	vor.u32 $0x20, v8;
	v12 =	vsel vm4, v53, v52;
	vm2 =	vle.f32 v49, v4  }
0x330: {  	v60 =	vor.u32 $0x20, v35;
	vm4 =	vle.f32 v12, v7;
	v8 =	vsel vm2, v59, v8  }
0x331: {  	v6 =	vnsel vm0, $0x0, v6;
	v9 =	vsel vm4, v60, v35;
	v8 =	vnsel vm1, $0x80, v8  }
0x332: {  	v9 =	vnsel vm3, $0x80, v9;
	vm0 =	vlt.u32 v8, $0x61;
	vm1 =	vgt.u32 v8, $0x3F  }
0x333: {  	vm9 =	vgt.u32 v8, $0x5F;
	vm10 =	veq.s32 v8, $0x0;
	vm11 =	vgt.u32 v9, $0x3F  }
0x334: {  	p2 =	por $0x1, $0x1;
	vm12 =	vgt.u32 v9, $0x5F;
	vm6 =	veq.s32 v9, $0x0;
	v61 =	vsel vm9, v57, v56  }
.Ltmp3:
0x335: {  	v62 =	vsel vm10, v54, v55;
	v12 =	vsel vm12, v57, v56;
	v13 =	vsel vm6, v54, v55;
	(pc) =	sbr.rel @!p2 .LBB2_8-.Ltmp3, $4  }
0x336: {  	v14 =	vor.u32 $0x10, v8;
	v10 =	vsel vm1, v61, v62;
	v12 =	vsel vm11, v12, v13  }
0x337: {  	vm13 =	vlt.u32 v9, $0x61;
	vm15 =	vle.f32 v10, v4;
	vm14 =	vle.f32 v12, v7  }
0x338: {  	p3 =	por $0x0, $0x0;
	v63 =	vor.u32 $0x10, v9;
	vm0 =	vmand vm0, vm15;
	vm1 =	vmand vm13, vm14  }
0x339: {  	p1 =	por $0x0, $0x0;
	s16 =	simm.s32 $0x0;
	s5 =	simm.s32 $0x0;
	v49 =	vadd.f32 v6, v5;
	v14 =	vsel vm0, v14, v8;
	v15 =	vsel vm1, v63, v9  }
0x33a: {  	v5 =	vmin.u32 v15, $0x7F  }
0x33b: {  	v6 =	vmin.u32 v14, $0x7F;
	v5 =	vor.u32 $0x107, v5  }
0x33c: {  	v6 =	vor.u32 $0x107, v6;
	_ =	sdelay $0x3  }
0x33d: {  	v8 =	vld.idx.msk [tilespmem:v5+s18+$0x0], $0xffff  }
0x33e: {  	v9 =	vld.idx.msk [tilespmem:v6+s18+$0x0], $0xffff  }
0x33f: {  	s2 =	simm.s32 $0x20;
	s4 =	simm.s32 $0x30  }
0x340: {  	s8 =	simm.s32 $0x20;
	s2 =	sand.u32 $0x1F00, s2;
	s4 =	sand.u32 $0xF0, s4  }
0x341: {  	v10 =	vor.u32 $0x8, v15;
	s8 =	sand.u32 $0xE0, s8;
	s4 =	sor.u32 s4, s2  }
0x342: {  	v11 =	vor.u32 $0x8, v14;
	vm0 =	vlt.u32 v10, $0x81;
	s2 =	sor.u32 s8, s2;
	v5 =	vld [tilespmem:s4+$0x0];
	vm1 =	vle.f32 v8, v7  }
0x343: {  	vm2 =	vlt.u32 v11, $0x81;
	v6 =	vld [tilespmem:s2+$0x0];
	vm3 =	vle.f32 v9, v4;
	vm0 =	vmand vm1, vm0  }
0x344: {  	vm9 =	vmand vm3, vm2;
	v8 =	vsel vm0, v10, v15  }
0x345: {  	v59 =	vsel vm9, v11, v14;
	v10 =	vmin.u32 v8, $0x7C  }
0x346: {  	v11 =	vmin.u32 v59, $0x7C;
	v10 =	vadd.s32 $0x103, v10  }
0x347: {  	v11 =	vadd.s32 $0x103, v11  }
0x348: {  	vm10 =	vle.f32 v50, v5;
	vm11 =	vle.f32 v51, v5;
	vm12 =	vle.f32 v50, v6  }
0x349: {  	vm13 =	vle.f32 v51, v6;
	v12 =	vsel vm11, $0x40, v36;
	vm2 =	vmneg vm12  }
0x34a: {  	v13 =	vsel vm13, $0x40, v36;
	vm0 =	vmneg vm10;
	vm3 =	vmand vm2, vm13  }
0x34b: {  	v15 =	vor.u32 $0x20, v12;
	vm1 =	vmand vm0, vm11;
	v16 =	vsel vm3, v53, v52;
	v10 =	vld.idx.msk [tilespmem:v10+s18+$0x0], $0xffff  }
0x34c: {  	vm4 =	vlt.u32 v59, $0x7D;
	vm5 =	vlt.u32 v8, $0x7D;
	v14 =	vsel vm1, v53, v52;
	v11 =	vld.idx.msk [tilespmem:v11+s18+$0x0], $0xffff  }
0x34d: {  	vm3 =	vle.f32 v16, v6;
	vm1 =	vle.f32 v14, v5;
	v14 =	vor.u32 $0x20, v13  }
0x34e: {  	v60 =	vadd.s32 $0x4, v8;
	v12 =	vsel vm1, v15, v12;
	v13 =	vsel vm3, v14, v13  }
0x34f: {  	v61 =	vadd.s32 $0x4, v59;
	v14 =	vnsel vm0, $0x80, v12;
	v15 =	vnsel vm2, $0x80, v13  }
0x350: {  	vm0 =	vlt.u32 v14, $0x61;
	vm14 =	vgt.u32 v14, $0x3F;
	vm6 =	vle.f32 v10, v7  }
0x351: {  	vm15 =	vgt.u32 v14, $0x5F;
	vm7 =	vle.f32 v11, v4;
	vm5 =	vmand vm6, vm5  }
0x352: {  	vm9 =	veq.s32 v14, $0x0;
	vm4 =	vmand vm7, vm4;
	v13 =	vsel vm5, v60, v8  }
0x353: {  	vm10 =	vgt.u32 v15, $0x3F;
	v12 =	vsel vm4, v61, v59;
	v8 =	vmin.u32 v13, $0x7E  }
0x354: {  	vm11 =	vgt.u32 v15, $0x5F;
	v9 =	vmin.u32 v12, $0x7E;
	v8 =	vadd.s32 $0x101, v8  }
0x355: {  	p4 =	por $0x1, $0x1;
	vm12 =	veq.s32 v15, $0x0;
	v62 =	vsel vm15, v57, v56;
	v9 =	vadd.s32 $0x101, v9  }
.Ltmp4:
0x356: {  	v63 =	vsel vm9, v54, v55;
	v16 =	vsel vm11, v57, v56;
	v17 =	vsel vm12, v54, v55;
	(pc) =	sbr.rel @!p4 .LBB2_10-.Ltmp4, $4  }
0x357: {  	v18 =	vor.u32 $0x10, v14;
	v16 =	vsel vm10, v16, v17;
	v10 =	vsel vm14, v62, v63  }
0x358: {  	vm13 =	vlt.u32 v15, $0x61;
	vm14 =	vle.f32 v16, v6;
	vm15 =	vle.f32 v10, v5  }
0x359: {  	vm1 =	vmand vm13, vm14;
	vm0 =	vmand vm0, vm15;
	v20 =	vld.idx.msk [tilespmem:v8+s18+$0x0], $0xffff;
	v8 =	vor.u32 $0x10, v15  }
0x35a: {  	p3 =	por $0x1, $0x1;
	s8 =	simm.s32 $0x20;
	v14 =	vsel vm0, v18, v14;
	v19 =	vld.idx.msk [tilespmem:v9+s18+$0x0], $0xffff;
	v15 =	vsel vm1, v8, v15  }
0x35b: {  	_ = 	snop  }
0x35c: {  	s2 =	simm.s32 $0x40;
	v8 =	vmin.u32 v14, $0x7F;
	s10 =	simm.s32 $0x50  }
0x35d: {  	v9 =	vmin.u32 v15, $0x7F;
	s4 =	simm.s32 $0x40;
	s2 =	sand.u32 $0x1F00, s2;
	s9 =	sand.u32 $0xF0, s10;
	v8 =	vor.u32 $0x107, v8  }
0x35e: {  	vm0 =	vlt.u32 v13, $0x7F;
	s4 =	sand.u32 $0xE0, s4;
	v11 =	vor.u32 $0x107, v9;
	s9 =	sor.u32 s9, s2;
	vm1 =	vle.f32 v20, v7  }
0x35f: {  	v16 =	vadd.s32 $0x2, v12;
	v9 =	vadd.s32 $0x2, v13;
	s2 =	sor.u32 s4, s2;
	v10 =	vld [tilespmem:s9+$0x0];
	vm0 =	vmand vm1, vm0  }
0x360: {  	vm1 =	vlt.u32 v12, $0x7F;
	vm2 =	vle.f32 v19, v4;
	v13 =	vsel vm0, v9, v13;
	v9 =	vld [tilespmem:s2+$0x0]  }
0x361: {  	v23 =	vor.u32 $0x8, v14;
	vm0 =	vmand vm2, vm1;
	v17 =	vmin.u32 v13, $0x7F  }
0x362: {  	v24 =	vor.u32 $0x8, v15;
	v12 =	vsel vm0, v16, v12;
	v8 =	vld.idx.msk [tilespmem:v8+s18+$0x0], $0xffff;
	v16 =	vor.u32 $0x100, v17  }
0x363: {  	vm6 =	vlt.u32 v24, $0x81;
	vm0 =	vge.f32 v4, $1.000000050e-03;
	v11 =	vld.idx.msk [tilespmem:v11+s18+$0x0], $0xffff;
	v17 =	vmin.u32 v12, $0x7F  }
0x364: {  	v17 =	vor.u32 $0x100, v17;
	vm1 =	vle.f32 v50, v10;
	vm3 =	vle.f32 v51, v10  }
0x365: {  	v18 =	vsel vm3, $0x40, v36;
	vm1 =	vmneg vm1;
	vm2 =	vle.f32 v50, v9  }
0x366: {  	vm4 =	vle.f32 v51, v9;
	vm3 =	vmand vm1, vm3;
	v21 =	vor.u32 $0x20, v18  }
0x367: {  	vm2 =	vmneg vm2;
	v19 =	vsel vm4, $0x40, v36;
	v22 =	vsel vm3, v53, v52;
	v16 =	vld.idx.msk [tilespmem:v16+s18+$0x0], $0xffff  }
0x368: {  	vm3 =	vlt.u32 v23, $0x81;
	vm5 =	vle.f32 v8, v5;
	vm7 =	vle.f32 v11, v6  }
0x369: {  	v20 =	vor.u32 $0x20, v19;
	vm4 =	vmand vm2, vm4;
	vm10 =	vmand vm7, vm6;
	v17 =	vld.idx.msk [tilespmem:v17+s18+$0x0], $0xffff  }
0x36a: {  	vm3 =	vmand vm5, vm3;
	v8 =	vsel vm4, v53, v52;
	v15 =	vsel vm10, v24, v15  }
0x36b: {  	v14 =	vsel vm3, v23, v14;
	vm3 =	vlt.u32 v13, $0x80;
	v11 =	vmin.u32 v15, $0x7C  }
0x36c: {  	vm13 =	vle.f32 v8, v9;
	vm9 =	vlt.u32 v14, $0x7D;
	vm11 =	vle.f32 v16, v7  }
0x36d: {  	v19 =	vsel vm13, v20, v19;
	v16 =	vmin.u32 v14, $0x7C;
	vm3 =	vmand vm11, vm3  }
0x36e: {  	vm12 =	vle.f32 v17, v4;
	v16 =	vadd.s32 $0x103, v16;
	v23 =	vsel vm3, $0x1, v36  }
0x36f: {  	vm11 =	vlt.u32 v15, $0x7D;
	vm3 =	vlt.u32 v12, $0x80;
	v17 =	vadd.s32 v23, v13  }
0x370: {  	vm3 =	vmand vm12, vm3;
	v13 =	vadd.s32 $0x103, v11;
	v11 =	vmax.u32 v17, $0x1  }
0x371: {  	v23 =	vsel vm3, $0x1, v36;
	v25 =	vmin.u32 v17, $0x7F;
	v59 =	vsub.s32 v11, v37  }
0x372: {  	v11 =	vadd.s32 v23, v12;
	v23 =	vor.u32 $0x100, v25;
	v12 =	vand.u32 $0x7FFFFFFF, v59  }
0x373: {  	v60 =	vmax.u32 v11, $0x1;
	v61 =	vmin.u32 v11, $0x7F;
	v12 =	vadd.s32 $0x100, v12  }
0x374: {  	vm3 =	vle.f32 v22, v10;
	v24 =	vsub.s32 v60, v37;
	v62 =	vor.u32 $0x100, v61  }
0x375: {  	vm15 =	veq.s32 v17, $0x0;
	v8 =	vsel vm3, v21, v18;
	v16 =	vld.idx.msk [tilespmem:v16+s18+$0x0], $0xffff;
	v22 =	vand.u32 $0x7FFFFFFF, v24  }
0x376: {  	v21 =	vnsel vm1, $0x80, v8;
	vm1 =	vge.f32 v7, $1.000000050e-03;
	v13 =	vld.idx.msk [tilespmem:v13+s18+$0x0], $0xffff;
	v18 =	vadd.s32 $0x100, v22  }
0x377: {  	vm13 =	veq.s32 v11, $0x0;
	v63 =	vor.u32 $0x10, v21;
	vm3 =	vgt.u32 v21, $0x3F;
	v8 =	vld.idx.msk [tilespmem:v23+s18+$0x0], $0xffff  }
0x378: {  	vm8 =	vgt.u32 v21, $0x5F;
	vm5 =	veq.s32 v21, $0x0;
	v22 =	vnsel vm2, $0x80, v19;
	v19 =	vld.idx.msk [tilespmem:v12+s18+$0x0], $0xffff  }
0x379: {  	vm2 =	vlt.u32 v21, $0x61;
	vm4 =	vgt.u32 v22, $0x3F;
	vm6 =	vgt.u32 v22, $0x5F;
	v20 =	vld.idx.msk [tilespmem:v62+s18+$0x0], $0xffff  }
0x37a: {  	vm7 =	veq.s32 v22, $0x0;
	vm10 =	vle.f32 v16, v5;
	v12 =	vadd.s32 $0x4, v14  }
0x37b: {  	vm9 =	vmand vm10, vm9;
	vm12 =	vle.f32 v13, v6;
	v13 =	vadd.s32 $0x4, v15;
	v16 =	vld.idx.msk [tilespmem:v18+s18+$0x0], $0xffff  }
0x37c: {  	v12 =	vsel vm9, v12, v14;
	v14 =	vsel vm8, v57, v56;
	vm14 =	vmand vm12, vm11  }
0x37d: {  	vm12 =	vlt.u32 v17, $0x80;
	v13 =	vsel vm14, v13, v15;
	v19 =	vsub.f32 v7, v19  }
0x37e: {  	v15 =	vmin.u32 v12, $0x7E;
	v7 =	vsub.f32 v8, v7;
	v8 =	vsub.f32 v20, v4  }
0x37f: {  	vm14 =	vlt.u32 v11, $0x80;
	v18 =	vmin.u32 v13, $0x7E;
	v19 =	vmul.f32 v19, v19  }
0x380: {  	v7 =	vmul.f32 v7, v7;
	v4 =	vsub.f32 v4, v16;
	v8 =	vmul.f32 v8, v8  }
0x381: {  	v15 =	vadd.s32 $0x101, v15;
	v18 =	vadd.s32 $0x101, v18;
	v16 =	vsel vm15, $0x501502F9, v19  }
0x382: {  	v7 =	vnsel vm12, $0x501502F9, v7;
	v4 =	vmul.f32 v4, v4;
	v8 =	vnsel vm14, $0x501502F9, v8  }
0x383: {  	v19 =	vsel vm7, v54, v55;
	v7 =	vmin.f32 v16, v7;
	v16 =	vsel vm5, v54, v55  }
0x384: {  	p5 =	por $0x1, $0x1;
	v7 =	vnsel vm1, $0x0, v7;
	v4 =	vsel vm13, $0x501502F9, v4;
	v14 =	vsel vm3, v14, v16  }
.Ltmp5:
0x385: {  	vm3 =	vlt.u32 v22, $0x61;
	v4 =	vmin.f32 v4, v8;
	v8 =	vsel vm6, v57, v56;
	(pc) =	sbr.rel @!p5 .LBB2_12-.Ltmp5, $4  }
0x386: {  	v20 =	vld.idx.msk [tilespmem:v18+s18+$0x0], $0xffff;
	v7 =	vadd.f32 v7, v58;
	vm15 =	vle.f32 v14, v10;
	v19 =	vsel vm4, v8, v19  }
0x387: {  	v4 =	vnsel vm0, $0x0, v4;
	vm2 =	vmand vm2, vm15;
	vm4 =	vle.f32 v19, v9  }
0x388: {  	s11 =	simm.s32 $0x4;
	p4 =	por $0x1, $0x1;
	v8 =	vadd.f32 v4, v7;
	v4 =	vor.u32 $0x10, v22;
	v19 =	vld.idx.msk [tilespmem:v15+s18+$0x0], $0xffff;
	vm3 =	vmand vm3, vm4  }
0x389: {  	s4 =	simm.s32 $0x180;
	s9 =	simm.s32 $0x0;
	s2 =	simm.s32 $0x40;
	v16 =	vshll.u32 v17, $0x4;
	v14 =	vsel vm2, v63, v21;
	v15 =	vsel vm3, v4, v22  }
.LBB2_13:
0x38a: {  	s12 =	sshrl.u32 s4, $0x2;
	s13 =	sshra.s32 s4, $0x2;
	v4 =	vmin.u32 v15, $0x7F;
	v7 =	vmin.u32 v14, $0x7F;
	s10 =	sadd.s32 $0x20, s10;
	v11 =	vshll.u32 v11, $0x4  }
0x38b: {  	vm2 =	vlt.u32 v13, $0x7F;
	vm3 =	vle.f32 v20, v6;
	s14 =	sadd.s32 $0xFFFFFFF0, s10;
	s12 =	sand.u32 $0x1F00, s12;
	s15 =	sand.u32 $0xF0, s10;
	v17 =	vor.u32 $0x107, v7  }
0x38c: {  	v18 =	vor.u32 $0x107, v4;
	v7 =	vadd.s32 $0x2, v13;
	vm2 =	vmand vm3, vm2;
	s14 =	sand.u32 $0xE0, s14;
	s15 =	sor.u32 s15, s12  }
0x38d: {  	v13 =	vsel vm2, v7, v13;
	vm2 =	vlt.u32 v12, $0x7F;
	vm3 =	vle.f32 v19, v5;
	s12 =	sor.u32 s14, s12;
	v4 =	vld [tilespmem:s15+$0x0]  }
0x38e: {  	v20 =	vadd.s32 $0x2, v12;
	v19 =	vmin.u32 v13, $0x7F;
	vm2 =	vmand vm3, vm2;
	v7 =	vld [tilespmem:s12+$0x0]  }
0x38f: {  	v16 =	vor.u32 v0, v16;
	v19 =	vor.u32 $0x100, v19;
	v12 =	vsel vm2, v20, v12  }
0x390: {  	v16 =	vsel vm1, v16, v38;
	v11 =	vor.u32 v0, v11;
	v20 =	vmin.u32 v12, $0x7F  }
0x391: {  	v11 =	vsel vm0, v11, v38;
	v20 =	vor.u32 $0x100, v20;
	v17 =	vld.idx.msk [tilespmem:v17+s18+$0x0], $0xffff;
	[tilespmem:s9+$0x4C20] =	vst v16  }
0x392: {  	vm0 =	vge.f32 v5, $1.000000050e-03;
	vm1 =	vle.f32 v50, v4;
	vm3 =	vle.f32 v51, v4;
	v16 =	vld.idx.msk [tilespmem:v18+s18+$0x0], $0xffff;
	[tilespmem:s9+$0x4C30] =	vst v11;
	s9 =	smov.u32 s8;
	s8 =	smov.u32 s2;
	s2 =	smov.u32 s13  }
0x393: {  	vm2 =	vle.f32 v50, v7;
	vm4 =	vle.f32 v51, v7;
	v18 =	vsel vm3, $0x40, v36  }
0x394: {  	vm1 =	vmneg vm1;
	vm2 =	vmneg vm2;
	v21 =	vsel vm4, $0x40, v36;
	v11 =	vld.idx.msk [tilespmem:v19+s18+$0x0], $0xffff  }
0x395: {  	vm3 =	vmand vm1, vm3;
	v22 =	vor.u32 $0x20, v18;
	v19 =	vor.u32 $0x20, v21  }
0x396: {  	v24 =	vor.u32 $0x8, v14;
	vm4 =	vmand vm2, vm4;
	v23 =	vsel vm3, v53, v52;
	v20 =	vld.idx.msk [tilespmem:v20+s18+$0x0], $0xffff  }
0x397: {  	v25 =	vor.u32 $0x8, v15;
	vm3 =	vlt.u32 v24, $0x81;
	vm5 =	vle.f32 v17, v10  }
0x398: {  	vm6 =	vlt.u32 v25, $0x81;
	vm7 =	vle.f32 v16, v9;
	vm3 =	vmand vm5, vm3  }
0x399: {  	v16 =	vsel vm4, v53, v52;
	vm4 =	vmand vm7, vm6;
	v14 =	vsel vm3, v24, v14  }
0x39a: {  	vm3 =	vlt.u32 v13, $0x80;
	v15 =	vsel vm4, v25, v15;
	vm4 =	vle.f32 v11, v6  }
0x39b: {  	v17 =	vmin.u32 v14, $0x7C;
	v11 =	vmin.u32 v15, $0x7C;
	vm3 =	vmand vm4, vm3  }
0x39c: {  	v24 =	vsel vm3, $0x1, v36;
	vm3 =	vlt.u32 v12, $0x80;
	vm4 =	vle.f32 v20, v5  }
0x39d: {  	v17 =	vadd.s32 $0x103, v17;
	v24 =	vadd.s32 v24, v13;
	vm3 =	vmand vm4, vm3  }
0x39e: {  	v13 =	vadd.s32 $0x103, v11;
	v11 =	vmax.u32 v24, $0x1;
	v20 =	vsel vm3, $0x1, v36  }
0x39f: {  	v26 =	vmin.u32 v24, $0x7F;
	v25 =	vsub.s32 v11, v37;
	v11 =	vadd.s32 v20, v12  }
0x3a0: {  	v20 =	vor.u32 $0x100, v26;
	v12 =	vand.u32 $0x7FFFFFFF, v25;
	v25 =	vmax.u32 v11, $0x1  }
0x3a1: {  	v26 =	vmin.u32 v11, $0x7F;
	v12 =	vadd.s32 $0x100, v12;
	v25 =	vsub.s32 v25, v37  }
0x3a2: {  	vm3 =	vle.f32 v23, v4;
	v23 =	vand.u32 $0x7FFFFFFF, v25;
	v25 =	vor.u32 $0x100, v26;
	v17 =	vld.idx.msk [tilespmem:v17+s18+$0x0], $0xffff  }
0x3a3: {  	vm4 =	vle.f32 v16, v7;
	v16 =	vsel vm3, v22, v18;
	v18 =	vadd.s32 $0x100, v23;
	v13 =	vld.idx.msk [tilespmem:v13+s18+$0x0], $0xffff  }
0x3a4: {  	v19 =	vsel vm4, v19, v21;
	v16 =	vnsel vm1, $0x80, v16;
	vm1 =	vge.f32 v6, $1.000000050e-03  }
0x3a5: {  	v21 =	vnsel vm2, $0x80, v19;
	vm2 =	vlt.u32 v16, $0x61;
	v22 =	vor.u32 $0x10, v16;
	v19 =	vld.idx.msk [tilespmem:v20+s18+$0x0], $0xffff  }
0x3a6: {  	vm3 =	vgt.u32 v16, $0x3F;
	vm8 =	vgt.u32 v16, $0x5F;
	vm7 =	veq.s32 v16, $0x0;
	v20 =	vld.idx.msk [tilespmem:v12+s18+$0x0], $0xffff  }
0x3a7: {  	vm4 =	vgt.u32 v21, $0x3F;
	vm5 =	vgt.u32 v21, $0x5F;
	vm6 =	veq.s32 v21, $0x0;
	v23 =	vld.idx.msk [tilespmem:v25+s18+$0x0], $0xffff  }
0x3a8: {  	vm9 =	vlt.u32 v14, $0x7D;
	v12 =	vadd.s32 $0x4, v14;
	vm10 =	vle.f32 v17, v10;
	v17 =	vld.idx.msk [tilespmem:v18+s18+$0x0], $0xffff  }
0x3a9: {  	vm11 =	vlt.u32 v15, $0x7D;
	vm12 =	vle.f32 v13, v9;
	vm9 =	vmand vm10, vm9  }
0x3aa: {  	s11 =	sadd.s32 $0x2, s11;
	v13 =	vadd.s32 $0x4, v15;
	vm10 =	vmand vm12, vm11;
	v12 =	vsel vm9, v12, v14  }
0x3ab: {  	p5 =	slt.u32 s11, $0x17E;
	v14 =	vsel vm8, v57, v56;
	v13 =	vsel vm10, v13, v15;
	v15 =	vmin.u32 v12, $0x7E  }
0x3ac: {  	v19 =	vsub.f32 v19, v6;
	v18 =	vmin.u32 v13, $0x7E;
	v20 =	vsub.f32 v6, v20;
	v6 =	vmovc v9;
	v9 =	vmovc v7  }
0x3ad: {  	v15 =	vadd.s32 $0x101, v15;
	v7 =	vadd.s32 $0x101, v18;
	v18 =	vsub.f32 v23, v5  }
0x3ae: {  	v19 =	vmul.f32 v19, v19;
	v20 =	vmul.f32 v20, v20;
	v17 =	vsub.f32 v5, v17;
	v5 =	vmovc v10  }
0x3af: {  	vm8 =	veq.s32 v24, $0x0;
	vm9 =	vlt.u32 v24, $0x80;
	v10 =	vmovc v4;
	v18 =	vmul.f32 v18, v18  }
0x3b0: {  	v19 =	vnsel vm9, $0x501502F9, v19;
	v4 =	vsel vm8, $0x501502F9, v20;
	v17 =	vmul.f32 v17, v17  }
0x3b1: {  	vm9 =	vlt.u32 v11, $0x80;
	vm8 =	veq.s32 v11, $0x0;
	v4 =	vmin.f32 v4, v19  }
0x3b2: {  	v18 =	vnsel vm9, $0x501502F9, v18;
	v4 =	vnsel vm1, $0x0, v4;
	v17 =	vsel vm8, $0x501502F9, v17  }
0x3b3: {  	v19 =	vsel vm7, v54, v55;
	v4 =	vadd.f32 v4, v8;
	v8 =	vmin.f32 v17, v18  }
.Ltmp6:
0x3b4: {  	v17 =	vsel vm5, v57, v56;
	v18 =	vsel vm6, v54, v55;
	v20 =	vld.idx.msk [tilespmem:v7+s18+$0x0], $0xffff;
	v7 =	vnsel vm0, $0x0, v8;
	(pc) =	sbr.rel @p5 .LBB2_13-.Ltmp6, $4  }
0x3b5: {  	v14 =	vsel vm3, v14, v19;
	v17 =	vsel vm4, v17, v18;
	v8 =	vadd.f32 v7, v4  }
0x3b6: {  	vm3 =	vlt.u32 v21, $0x61;
	vm5 =	vle.f32 v14, v10;
	vm4 =	vle.f32 v17, v9;
	v19 =	vld.idx.msk [tilespmem:v15+s18+$0x0], $0xffff  }
0x3b7: {  	vm2 =	vmand vm2, vm5;
	vm3 =	vmand vm3, vm4;
	v4 =	vor.u32 $0x10, v21  }
0x3b8: {  	s4 =	sadd.s32 $0x80, s4;
	v14 =	vsel vm2, v22, v16;
	v16 =	vshll.u32 v24, $0x4;
	v15 =	vsel vm3, v4, v21  }
0x3b9: {  	s4 =	smov.u32 s8;
	v18 =	vmovc v6;
	v17 =	vmov v5;
	s8 =	smov.u32 s2;
	v4 =	vmov v10;
	v7 =	vmov v9  }
.LBB2_15:
0x3ba: {  	v5 =	vmin.u32 v15, $0x7F  }
0x3bb: {  	v5 =	vor.u32 $0x107, v5;
	_ =	sdelay $0x2  }
0x3bc: {  	v6 =	vmin.u32 v14, $0x7F  }
0x3bd: {  	v6 =	vor.u32 $0x107, v6  }
0x3be: {  	v5 =	vld.idx.msk [tilespmem:v5+s18+$0x0], $0xffff;
	_ =	sdelay $0x3  }
0x3bf: {  	v9 =	vor.u32 $0x8, v15;
	v6 =	vld.idx.msk [tilespmem:v6+s18+$0x0], $0xffff  }
0x3c0: {  	vm2 =	vlt.u32 v9, $0x81;
	vm3 =	vle.f32 v5, v7  }
0x3c1: {  	vm2 =	vmand vm3, vm2  }
0x3c2: {  	v5 =	vsel vm2, v9, v15  }
0x3c3: {  	v32 =	vor.u32 $0x8, v14;
	v10 =	vmin.u32 v5, $0x7C  }
0x3c4: {  	vm14 =	vlt.u32 v32, $0x81;
	vm15 =	vle.f32 v6, v4;
	v6 =	vadd.s32 $0x103, v10  }
0x3c5: {  	vm2 =	vmand vm15, vm14  }
0x3c6: {  	vm4 =	vle.f32 @p3 v20, v18;
	vm3 =	vlt.u32 @p3 v13, $0x7F;
	v9 =	vsel vm2, v32, v14  }
0x3c7: {  	vm2 =	vmand @p3 vm4, vm3;
	v10 =	vadd.s32 @p3 $0x2, v13;
	v14 =	vmin.u32 v9, $0x7C  }
0x3c8: {  	v10 =	vsel @p3 vm2, v10, v13;
	v13 =	vadd.s32 $0x103, v14  }
0x3c9: {  	v14 =	vmin.u32 @p3 v10, $0x7F;
	v6 =	vld.idx.msk [tilespmem:v6+s18+$0x0], $0xffff  }
0x3ca: {  	v14 =	vor.u32 @p3 $0x100, v14  }
0x3cb: {  	vm3 =	vle.f32 @p3 v19, v17;
	vm2 =	vlt.u32 @p3 v12, $0x7F  }
0x3cc: {  	v15 =	vadd.s32 @p3 $0x2, v12;
	vm2 =	vmand @p3 vm3, vm2  }
0x3cd: {  	v12 =	vsel @p3 vm2, v15, v12;
	v13 =	vld.idx.msk [tilespmem:v13+s18+$0x0], $0xffff  }
0x3ce: {  	vm6 =	vlt.u32 v5, $0x7D;
	v15 =	vmin.u32 @p3 v12, $0x7F;
	vm7 =	vle.f32 v6, v7  }
0x3cf: {  	v15 =	vor.u32 @p3 $0x100, v15;
	v6 =	vld.idx.msk @p3 [tilespmem:v14+s18+$0x0], $0xffff;
	v14 =	vadd.s32 $0x4, v5;
	vm2 =	vmand vm7, vm6  }
0x3d0: {  	v5 =	vsel vm2, v14, v5  }
0x3d1: {  	v14 =	vmin.u32 v5, $0x7E  }
0x3d2: {  	vm8 =	vlt.u32 v9, $0x7D;
	vm9 =	vle.f32 v13, v4;
	v13 =	vadd.s32 $0x101, v14  }
0x3d3: {  	vm2 =	vmand vm9, vm8;
	v14 =	vadd.s32 $0x4, v9  }
0x3d4: {  	v15 =	vld.idx.msk @p3 [tilespmem:v15+s18+$0x0], $0xffff;
	vm4 =	vle.f32 @p3 v6, v18;
	v6 =	vsel vm2, v14, v9  }
0x3d5: {  	v9 =	vmin.u32 v6, $0x7E  }
0x3d6: {  	v9 =	vadd.s32 $0x101, v9  }
0x3d7: {  	vm3 =	vlt.u32 @p3 v10, $0x80;
	v13 =	vld.idx.msk [tilespmem:v13+s18+$0x0], $0xffff  }
0x3d8: {  	vm10 =	vlt.u32 v5, $0x7F;
	vm2 =	vmand @p3 vm4, vm3  }
0x3d9: {  	vm3 =	vle.f32 @p3 v15, v17;
	v14 =	vsel @p3 vm2, $0x1, v36;
	vm2 =	vlt.u32 @p3 v12, $0x80  }
0x3da: {  	v33 =	vadd.s32 $0x2, v5;
	v10 =	vadd.s32 @p3 v14, v10;
	vm2 =	vmand @p3 vm3, vm2  }
0x3db: {  	v14 =	vmax.u32 @p3 v10, $0x1;
	v15 =	vsel @p3 vm2, $0x1, v36;
	v19 =	vmin.u32 @p3 v10, $0x7F;
	v9 =	vld.idx.msk [tilespmem:v9+s18+$0x0], $0xffff  }
0x3dc: {  	v14 =	vsub.s32 @p3 v14, v37;
	v12 =	vadd.s32 @p3 v15, v12;
	vm11 =	vle.f32 v13, v7  }
0x3dd: {  	v15 =	vor.u32 @p3 $0x100, v19;
	v14 =	vand.u32 @p3 $0x7FFFFFFF, v14;
	vm2 =	vmand vm11, vm10  }
0x3de: {  	v14 =	vadd.s32 @p3 $0x100, v14;
	v13 =	vmin.u32 @p3 v12, $0x7F;
	v5 =	vsel vm2, v33, v5  }
0x3df: {  	v13 =	vor.u32 @p3 $0x100, v13;
	v20 =	vmin.u32 v5, $0x7F  }
0x3e0: {  	vm12 =	vlt.u32 v6, $0x7F;
	vm13 =	vle.f32 v9, v4;
	v34 =	vor.u32 $0x100, v20  }
0x3e1: {  	v35 =	vadd.s32 $0x2, v6;
	vm2 =	vmand vm13, vm12  }
0x3e2: {  	v19 =	vmax.u32 @p3 v12, $0x1;
	v15 =	vld.idx.msk @p3 [tilespmem:v15+s18+$0x0], $0xffff;
	v6 =	vsel vm2, v35, v6  }
0x3e3: {  	v19 =	vsub.s32 @p3 v19, v37;
	v14 =	vld.idx.msk @p3 [tilespmem:v14+s18+$0x0], $0xffff;
	v20 =	vmin.u32 v6, $0x7F  }
0x3e4: {  	v19 =	vand.u32 @p3 $0x7FFFFFFF, v19;
	v13 =	vld.idx.msk @p3 [tilespmem:v13+s18+$0x0], $0xffff;
	v20 =	vor.u32 $0x100, v20  }
0x3e5: {  	v11 =	vshll.u32 @p4 v11, $0x4;
	v19 =	vadd.s32 @p3 $0x100, v19;
	v9 =	vld.idx.msk [tilespmem:v34+s18+$0x0], $0xffff  }
0x3e6: {  	v16 =	vor.u32 @p4 v0, v16;
	v11 =	vor.u32 @p4 v0, v11  }
0x3e7: {  	v16 =	vsel @p4 vm1, v16, v38;
	v11 =	vsel @p4 vm0, v11, v38;
	vm0 =	vge.f32 @p3 v17, $1.000000050e-03  }
0x3e8: {  	vm8 =	vge.f32 v7, $1.000000050e-03;
	vm4 =	veq.s32 @p3 v10, $0x0;
	v14 =	vsub.f32 @p3 v18, v14  }
0x3e9: {  	vm14 =	vlt.u32 v5, $0x80;
	vm2 =	vge.f32 @p3 v18, $1.000000050e-03;
	v15 =	vsub.f32 @p3 v15, v18;
	v18 =	vld.idx.msk [tilespmem:v20+s18+$0x0], $0xffff  }
0x3ea: {  	v19 =	vld.idx.msk @p3 [tilespmem:v19+s18+$0x0], $0xffff;
	v14 =	vmul.f32 @p3 v14, v14;
	v13 =	vsub.f32 @p3 v13, v17;
	vm15 =	vle.f32 v9, v7  }
0x3eb: {  	vm5 =	vlt.u32 @p3 v10, $0x80;
	v15 =	vmul.f32 @p3 v15, v15;
	vm1 =	vmand vm15, vm14  }
0x3ec: {  	v9 =	vmul.f32 @p3 v13, v13;
	v13 =	vsel @p3 vm4, $0x501502F9, v14;
	v14 =	vsel vm1, $0x1, v36  }
0x3ed: {  	v10 =	vshll.u32 @p3 v10, $0x4;
	vm6 =	vlt.u32 v6, $0x80;
	v5 =	vadd.s32 v14, v5  }
0x3ee: {  	v15 =	vnsel @p3 vm5, $0x501502F9, v15;
	vm7 =	vle.f32 v18, v4;
	v14 =	vmax.u32 v5, $0x1  }
0x3ef: {  	v17 =	vsub.f32 @p3 v17, v19;
	vm1 =	vmand vm7, vm6;
	v14 =	vsub.s32 v14, v37  }
0x3f0: {  	v13 =	vmin.f32 @p3 v13, v15;
	v15 =	vsel vm1, $0x1, v36;
	v14 =	vand.u32 $0x7FFFFFFF, v14  }
0x3f1: {  	v18 =	vmin.u32 v5, $0x7F;
	v15 =	vadd.s32 v15, v6;
	v6 =	vadd.s32 $0x100, v14  }
0x3f2: {  	v10 =	vpsel p3, v10, v0;
	v14 =	vor.u32 $0x100, v18;
	v18 =	vmax.u32 v15, $0x1  }
0x3f3: {  	v17 =	vmul.f32 @p3 v17, v17;
	v19 =	vmin.u32 v15, $0x7F;
	v18 =	vsub.s32 v18, v37  }
0x3f4: {  	v13 =	vnsel @p3 vm2, $0x0, v13;
	v19 =	vor.u32 $0x100, v19;
	v18 =	vand.u32 $0x7FFFFFFF, v18  }
0x3f5: {  	vm3 =	veq.s32 @p3 v12, $0x0;
	v8 =	vadd.f32 @p3 v13, v8;
	v13 =	vadd.s32 $0x100, v18  }
0x3f6: {  	v10 =	vor.u32 @p3 v0, v10;
	v17 =	vsel @p3 vm3, $0x501502F9, v17;
	vm1 =	vlt.u32 @p3 v12, $0x80;
	v6 =	vld.idx.msk [tilespmem:v6+s18+$0x0], $0xffff  }
0x3f7: {  	v12 =	vpsel p3, v12, v0;
	v9 =	vnsel @p3 vm1, $0x501502F9, v9;
	vm1 =	vmmov @p3 vm2;
	v14 =	vld.idx.msk [tilespmem:v14+s18+$0x0], $0xffff  }
0x3f8: {  	s2 =	smov.u32 @p3 s4;
	v12 =	vshll.u32 @p3 v12, $0x4;
	vm2 =	vmmov @p3 vm0;
	v9 =	vmin.f32 @p3 v17, v9  }
0x3f9: {  	s2 =	smov.u32 @p3 s2;
	[tilespmem:s9+$0x4C20] =	vst @p4 v16;
	v12 =	vor.u32 @p3 v0, v12;
	v10 =	vsel @p3 vm1, v10, v38;
	v51 =	vshll.u32 v15, $0x4;
	v16 =	vld.idx.msk [tilespmem:v19+s18+$0x0], $0xffff  }
0x3fa: {  	v9 =	vnsel @p3 vm0, $0x0, v9;
	vm0 =	vge.f32 v4, $1.000000050e-03;
	[tilespmem:s2+$0x4C20] =	vst @p3 v10;
	v10 =	vor.u32 v0, v51;
	v50 =	vld.idx.msk [tilespmem:v13+s18+$0x0], $0xffff  }
0x3fb: {  	[tilespmem:s9+$0x4C30] =	vst @p4 v11;
	v12 =	vsel @p3 vm2, v12, v38;
	v52 =	vsel vm0, v10, v38;
	v13 =	vshll.u32 v5, $0x4  }
0x3fc: {  	[tilespmem:s2+$0x4C30] =	vst @p3 v12;
	v13 =	vor.u32 v0, v13;
	v6 =	vsub.f32 v7, v6;
	v7 =	vsub.f32 v14, v7  }
0x3fd: {  	vm9 =	veq.s32 v5, $0x0;
	[tilespmem:s8+$0x4C30] =	vst v52;
	v12 =	vsel vm8, v13, v38  }
0x3fe: {  	vm10 =	vlt.u32 v5, $0x80;
	[tilespmem:s8+$0x4C20] =	vst v12;
	v6 =	vmul.f32 v6, v6;
	v7 =	vmul.f32 v7, v7  }
0x3ff: {  	vm11 =	veq.s32 v15, $0x0;
	v53 =	vsub.f32 v16, v4;
	v5 =	vld [tilespmem:s6+$0x0];
	v4 =	vsub.f32 v4, v50  }
0x400: {  	v8 =	vadd.f32 @p3 v9, v8;
	v54 =	vsel vm9, $0x501502F9, v6;
	v7 =	vnsel vm10, $0x501502F9, v7;
	v6 =	vld [tilespmem:s7+$0x0]  }
0x401: {  	v10 =	vmul.f32 v53, v53;
	v4 =	vmul.f32 v4, v4;
	v7 =	vmin.f32 v54, v7  }
0x402: {  	vm12 =	vlt.u32 v15, $0x80;
	v8 =	vpsel p3, v8, v58;
	v7 =	vnsel vm8, $0x0, v7  }
0x403: {  	v55 =	vnsel vm12, $0x501502F9, v10;
	v4 =	vsel vm11, $0x501502F9, v4;
	v7 =	vadd.f32 v7, v8  }
0x404: {  	vm13 =	vle.f32 v39, v5;
	vm14 =	vle.f32 v40, v5;
	v4 =	vmin.f32 v4, v55  }
0x405: {  	vm1 =	vmneg vm13;
	v8 =	vsel vm14, $0x40, v36;
	vm15 =	vle.f32 v39, v6  }
0x406: {  	vm8 =	vle.f32 v40, v6;
	vm2 =	vmand vm1, vm14;
	vm3 =	vmneg vm15  }
0x407: {  	v59 =	vor.u32 $0x20, v8;
	v57 =	vsel vm2, v42, v41;
	vm4 =	vmand vm3, vm8  }
0x408: {  	v56 =	vsel vm8, $0x40, v36;
	vm2 =	vle.f32 v57, v5;
	v12 =	vsel vm4, v42, v41  }
0x409: {  	v60 =	vor.u32 $0x20, v56;
	v8 =	vsel vm2, v59, v8;
	vm4 =	vle.f32 v12, v6  }
0x40a: {  	v4 =	vnsel vm0, $0x0, v4;
	v8 =	vnsel vm1, $0x80, v8;
	v9 =	vsel vm4, v60, v56  }
0x40b: {  	vm0 =	vlt.u32 v8, $0x61;
	vm1 =	vgt.u32 v8, $0x3F;
	vm9 =	vgt.u32 v8, $0x5F  }
0x40c: {  	vm10 =	veq.s32 v8, $0x0;
	v9 =	vnsel vm3, $0x80, v9;
	v61 =	vsel vm9, v46, v45  }
0x40d: {  	v62 =	vsel vm10, v43, v44;
	vm12 =	vgt.u32 v9, $0x5F;
	vm6 =	veq.s32 v9, $0x0  }
.Ltmp7:
0x40e: {  	vm11 =	vgt.u32 v9, $0x3F;
	v12 =	vsel vm12, v46, v45;
	v13 =	vsel vm6, v43, v44;
	(pc) =	sbr.rel @!p2 .LBB2_16-.Ltmp7, $4  }
0x40f: {  	v14 =	vor.u32 $0x10, v8;
	v10 =	vsel vm1, v61, v62;
	v12 =	vsel vm11, v12, v13  }
0x410: {  	vm13 =	vlt.u32 v9, $0x61;
	vm15 =	vle.f32 v10, v5;
	vm14 =	vle.f32 v12, v6  }
0x411: {  	v63 =	vor.u32 $0x10, v9;
	vm0 =	vmand vm0, vm15;
	vm1 =	vmand vm13, vm14  }
0x412: {  	v4 =	vadd.f32 v4, v7;
	v16 =	vsel vm0, v14, v8;
	v15 =	vsel vm1, v63, v9  }
0x413: {  	v7 =	vmin.u32 v15, $0x7F  }
0x414: {  	v8 =	vmin.u32 v16, $0x7F;
	v7 =	vor.u32 $0x187, v7  }
0x415: {  	v8 =	vor.u32 $0x187, v8;
	_ =	sdelay $0x3  }
0x416: {  	v9 =	vld.idx.msk [tilespmem:v7+s18+$0x0], $0xffff  }
0x417: {  	v10 =	vld.idx.msk [tilespmem:v8+s18+$0x0], $0xffff  }
0x418: {  	s2 =	simm.s32 $0x20;
	s4 =	simm.s32 $0x30  }
0x419: {  	s6 =	simm.s32 $0x20;
	s2 =	sand.u32 $0x1F00, s2;
	s4 =	sand.u32 $0xF0, s4  }
0x41a: {  	v11 =	vor.u32 $0x8, v15;
	s6 =	sand.u32 $0xE0, s6;
	s4 =	sor.u32 s4, s2  }
0x41b: {  	v12 =	vor.u32 $0x8, v16;
	vm0 =	vlt.u32 v11, $0x81;
	s2 =	sor.u32 s6, s2;
	v7 =	vld [tilespmem:s4+$0x0];
	vm1 =	vle.f32 v9, v6  }
0x41c: {  	vm2 =	vlt.u32 v12, $0x81;
	v8 =	vld [tilespmem:s2+$0x0];
	vm3 =	vle.f32 v10, v5;
	vm0 =	vmand vm1, vm0  }
0x41d: {  	vm9 =	vmand vm3, vm2;
	v9 =	vsel vm0, v11, v15  }
0x41e: {  	v10 =	vsel vm9, v12, v16;
	v11 =	vmin.u32 v9, $0x7C  }
0x41f: {  	v12 =	vmin.u32 v10, $0x7C;
	v11 =	vadd.s32 $0x183, v11  }
0x420: {  	v12 =	vadd.s32 $0x183, v12  }
0x421: {  	vm10 =	vle.f32 v39, v7;
	vm11 =	vle.f32 v40, v7;
	vm12 =	vle.f32 v39, v8  }
0x422: {  	vm13 =	vle.f32 v40, v8;
	v13 =	vsel vm11, $0x40, v36;
	vm0 =	vmneg vm10  }
0x423: {  	vm2 =	vmneg vm12;
	v14 =	vsel vm13, $0x40, v36;
	vm1 =	vmand vm0, vm11  }
0x424: {  	vm3 =	vmand vm2, vm13;
	v16 =	vor.u32 $0x20, v13;
	v15 =	vsel vm1, v42, v41;
	v11 =	vld.idx.msk [tilespmem:v11+s18+$0x0], $0xffff  }
0x425: {  	v17 =	vsel vm3, v42, v41;
	vm4 =	vlt.u32 v10, $0x7D;
	vm1 =	vle.f32 v15, v7;
	v12 =	vld.idx.msk [tilespmem:v12+s18+$0x0], $0xffff  }
0x426: {  	vm3 =	vle.f32 v17, v8;
	v15 =	vor.u32 $0x20, v14;
	v13 =	vsel vm1, v16, v13  }
0x427: {  	vm5 =	vlt.u32 v9, $0x7D;
	v14 =	vsel vm3, v15, v14;
	v16 =	vnsel vm0, $0x80, v13  }
0x428: {  	v15 =	vnsel vm2, $0x80, v14;
	vm0 =	vlt.u32 v16, $0x61;
	vm14 =	vgt.u32 v16, $0x3F  }
0x429: {  	vm15 =	vgt.u32 v16, $0x5F;
	vm9 =	veq.s32 v16, $0x0;
	vm6 =	vle.f32 v11, v6  }
0x42a: {  	vm7 =	vle.f32 v12, v5;
	v11 =	vadd.s32 $0x4, v9;
	vm5 =	vmand vm6, vm5  }
0x42b: {  	v12 =	vadd.s32 $0x4, v10;
	vm4 =	vmand vm7, vm4;
	v14 =	vsel vm5, v11, v9  }
0x42c: {  	vm10 =	vgt.u32 v15, $0x3F;
	v13 =	vsel vm4, v12, v10;
	v9 =	vmin.u32 v14, $0x7E  }
0x42d: {  	vm11 =	vgt.u32 v15, $0x5F;
	v10 =	vmin.u32 v13, $0x7E;
	v9 =	vadd.s32 $0x181, v9  }
0x42e: {  	p3 =	por $0x1, $0x1;
	vm12 =	veq.s32 v15, $0x0;
	v17 =	vsel vm11, v46, v45;
	v10 =	vadd.s32 $0x181, v10  }
.Ltmp8:
0x42f: {  	v18 =	vsel vm12, v43, v44;
	v11 =	vsel vm15, v46, v45;
	v12 =	vsel vm9, v43, v44;
	(pc) =	sbr.rel @!p3 .LBB2_18-.Ltmp8, $4  }
0x430: {  	v21 =	vor.u32 $0x10, v16;
	v17 =	vsel vm10, v17, v18;
	v11 =	vsel vm14, v11, v12  }
0x431: {  	vm13 =	vlt.u32 v15, $0x61;
	vm14 =	vle.f32 v17, v8;
	vm15 =	vle.f32 v11, v7  }
0x432: {  	vm1 =	vmand vm13, vm14;
	vm0 =	vmand vm0, vm15;
	v20 =	vld.idx.msk [tilespmem:v9+s18+$0x0], $0xffff;
	v9 =	vor.u32 $0x10, v15  }
0x433: {  	p2 =	por $0x1, $0x1;
	s6 =	simm.s32 $0x20;
	v16 =	vsel vm0, v21, v16;
	v19 =	vld.idx.msk [tilespmem:v10+s18+$0x0], $0xffff;
	v15 =	vsel vm1, v9, v15  }
0x434: {  	_ = 	snop  }
0x435: {  	s2 =	simm.s32 $0x40;
	v9 =	vmin.u32 v16, $0x7F;
	s7 =	simm.s32 $0x50  }
0x436: {  	v10 =	vmin.u32 v15, $0x7F;
	s4 =	simm.s32 $0x40;
	s2 =	sand.u32 $0x1F00, s2;
	s8 =	sand.u32 $0xF0, s7;
	v9 =	vor.u32 $0x187, v9  }
0x437: {  	vm0 =	vlt.u32 v14, $0x7F;
	s4 =	sand.u32 $0xE0, s4;
	v12 =	vor.u32 $0x187, v10;
	s8 =	sor.u32 s8, s2;
	vm1 =	vle.f32 v20, v6  }
0x438: {  	v17 =	vadd.s32 $0x2, v13;
	v10 =	vadd.s32 $0x2, v14;
	s2 =	sor.u32 s4, s2;
	v11 =	vld [tilespmem:s8+$0x0];
	vm0 =	vmand vm1, vm0  }
0x439: {  	vm1 =	vlt.u32 v13, $0x7F;
	vm2 =	vle.f32 v19, v5;
	v14 =	vsel vm0, v10, v14;
	v10 =	vld [tilespmem:s2+$0x0]  }
0x43a: {  	v24 =	vor.u32 $0x8, v16;
	vm0 =	vmand vm2, vm1;
	v18 =	vmin.u32 v14, $0x7F  }
0x43b: {  	v25 =	vor.u32 $0x8, v15;
	v13 =	vsel vm0, v17, v13;
	v9 =	vld.idx.msk [tilespmem:v9+s18+$0x0], $0xffff;
	v17 =	vor.u32 $0x180, v18  }
0x43c: {  	vm6 =	vlt.u32 v25, $0x81;
	vm0 =	vge.f32 v5, $1.000000050e-03;
	v12 =	vld.idx.msk [tilespmem:v12+s18+$0x0], $0xffff;
	v18 =	vmin.u32 v13, $0x7F  }
0x43d: {  	v18 =	vor.u32 $0x180, v18;
	vm1 =	vle.f32 v39, v11;
	vm3 =	vle.f32 v40, v11  }
0x43e: {  	v19 =	vsel vm3, $0x40, v36;
	vm1 =	vmneg vm1;
	vm2 =	vle.f32 v39, v10  }
0x43f: {  	vm4 =	vle.f32 v40, v10;
	vm3 =	vmand vm1, vm3;
	v22 =	vor.u32 $0x20, v19  }
0x440: {  	vm2 =	vmneg vm2;
	v20 =	vsel vm4, $0x40, v36;
	v23 =	vsel vm3, v42, v41;
	v17 =	vld.idx.msk [tilespmem:v17+s18+$0x0], $0xffff  }
0x441: {  	vm3 =	vlt.u32 v24, $0x81;
	vm5 =	vle.f32 v9, v7;
	vm7 =	vle.f32 v12, v8  }
0x442: {  	v21 =	vor.u32 $0x20, v20;
	vm4 =	vmand vm2, vm4;
	vm10 =	vmand vm7, vm6;
	v18 =	vld.idx.msk [tilespmem:v18+s18+$0x0], $0xffff  }
0x443: {  	vm3 =	vmand vm5, vm3;
	v9 =	vsel vm4, v42, v41;
	v15 =	vsel vm10, v25, v15  }
0x444: {  	v16 =	vsel vm3, v24, v16;
	vm3 =	vlt.u32 v14, $0x80;
	v12 =	vmin.u32 v15, $0x7C  }
0x445: {  	vm13 =	vle.f32 v9, v10;
	vm9 =	vlt.u32 v16, $0x7D;
	vm11 =	vle.f32 v17, v6  }
0x446: {  	v20 =	vsel vm13, v21, v20;
	v17 =	vmin.u32 v16, $0x7C;
	vm3 =	vmand vm11, vm3  }
0x447: {  	vm12 =	vle.f32 v18, v5;
	v55 =	vsel vm3, $0x1, v36;
	vm3 =	vlt.u32 v13, $0x80  }
0x448: {  	v17 =	vadd.s32 $0x183, v17;
	v18 =	vadd.s32 v55, v14;
	vm3 =	vmand vm12, vm3  }
0x449: {  	v14 =	vadd.s32 $0x183, v12;
	v12 =	vmax.u32 v18, $0x1;
	v56 =	vsel vm3, $0x1, v36  }
0x44a: {  	v26 =	vmin.u32 v18, $0x7F;
	v57 =	vsub.s32 v12, v37;
	v12 =	vadd.s32 v56, v13  }
0x44b: {  	v59 =	vor.u32 $0x180, v26;
	v13 =	vand.u32 $0x7FFFFFFF, v57;
	v60 =	vmax.u32 v12, $0x1  }
0x44c: {  	v61 =	vmin.u32 v12, $0x7F;
	v13 =	vadd.s32 $0x180, v13;
	v25 =	vsub.s32 v60, v37  }
0x44d: {  	vm3 =	vle.f32 v23, v11;
	v62 =	vor.u32 $0x180, v61;
	v23 =	vand.u32 $0x7FFFFFFF, v25  }
0x44e: {  	vm11 =	vlt.u32 v15, $0x7D;
	v9 =	vsel vm3, v22, v19;
	v17 =	vld.idx.msk [tilespmem:v17+s18+$0x0], $0xffff;
	v19 =	vadd.s32 $0x180, v23  }
0x44f: {  	vm15 =	veq.s32 v18, $0x0;
	v22 =	vnsel vm2, $0x80, v20;
	v21 =	vnsel vm1, $0x80, v9;
	v14 =	vld.idx.msk [tilespmem:v14+s18+$0x0], $0xffff  }
0x450: {  	vm1 =	vge.f32 v6, $1.000000050e-03;
	vm4 =	vgt.u32 v22, $0x3F;
	vm6 =	vgt.u32 v22, $0x5F;
	v9 =	vld.idx.msk [tilespmem:v59+s18+$0x0], $0xffff  }
0x451: {  	vm7 =	veq.s32 v22, $0x0;
	vm13 =	veq.s32 v12, $0x0;
	vm2 =	vlt.u32 v21, $0x61;
	v20 =	vld.idx.msk [tilespmem:v13+s18+$0x0], $0xffff  }
0x452: {  	vm3 =	vgt.u32 v21, $0x3F;
	vm8 =	vgt.u32 v21, $0x5F;
	vm5 =	veq.s32 v21, $0x0;
	v63 =	vld.idx.msk [tilespmem:v62+s18+$0x0], $0xffff  }
0x453: {  	v23 =	vor.u32 $0x10, v21;
	vm10 =	vle.f32 v17, v7;
	v13 =	vadd.s32 $0x4, v16;
	v17 =	vld.idx.msk [tilespmem:v19+s18+$0x0], $0xffff  }
0x454: {  	vm9 =	vmand vm10, vm9;
	vm12 =	vle.f32 v14, v8;
	v14 =	vadd.s32 $0x4, v15  }
0x455: {  	v13 =	vsel vm9, v13, v16;
	v16 =	vsel vm8, v46, v45;
	vm14 =	vmand vm12, vm11  }
0x456: {  	vm12 =	vlt.u32 v18, $0x80;
	v14 =	vsel vm14, v14, v15;
	v20 =	vsub.f32 v6, v20  }
0x457: {  	v15 =	vmin.u32 v13, $0x7E;
	v6 =	vsub.f32 v9, v6;
	v9 =	vsub.f32 v63, v5  }
0x458: {  	vm14 =	vlt.u32 v12, $0x80;
	v20 =	vmul.f32 v20, v20;
	v5 =	vsub.f32 v5, v17  }
0x459: {  	v19 =	vmin.u32 v14, $0x7E;
	v6 =	vmul.f32 v6, v6;
	v9 =	vmul.f32 v9, v9  }
0x45a: {  	v15 =	vadd.s32 $0x181, v15;
	v19 =	vadd.s32 $0x181, v19;
	v5 =	vmul.f32 v5, v5  }
0x45b: {  	v17 =	vsel vm15, $0x501502F9, v20;
	v6 =	vnsel vm12, $0x501502F9, v6;
	v9 =	vnsel vm14, $0x501502F9, v9  }
0x45c: {  	v20 =	vsel vm7, v43, v44;
	v6 =	vmin.f32 v17, v6;
	v5 =	vsel vm13, $0x501502F9, v5  }
0x45d: {  	p3 =	por $0x1, $0x1;
	v17 =	vsel vm5, v43, v44;
	v5 =	vmin.f32 v5, v9;
	v9 =	vsel vm6, v46, v45  }
.Ltmp9:
0x45e: {  	v6 =	vnsel vm1, $0x0, v6;
	v16 =	vsel vm3, v16, v17;
	v20 =	vsel vm4, v9, v20;
	(pc) =	sbr.rel @!p3 .LBB2_20-.Ltmp9, $4  }
0x45f: {  	v6 =	vadd.f32 v6, v58;
	vm15 =	vle.f32 v16, v11;
	vm4 =	vle.f32 v20, v10;
	v20 =	vld.idx.msk [tilespmem:v19+s18+$0x0], $0xffff  }
0x460: {  	vm3 =	vlt.u32 v22, $0x61;
	v5 =	vnsel vm0, $0x0, v5;
	vm2 =	vmand vm2, vm15  }
0x461: {  	p1 =	por $0x1, $0x1;
	v9 =	vadd.f32 v5, v6;
	v5 =	vor.u32 $0x10, v22;
	v19 =	vld.idx.msk [tilespmem:v15+s18+$0x0], $0xffff;
	vm3 =	vmand vm3, vm4  }
0x462: {  	s4 =	simm.s32 $0x4;
	s8 =	simm.s32 $0x180;
	s2 =	simm.s32 $0x40;
	v16 =	vsel vm2, v23, v21;
	v21 =	vshll.u32 v18, $0x4;
	v15 =	vsel vm3, v5, v22  }
.LBB2_21:
0x463: {  	s9 =	sshrl.u32 s8, $0x2;
	s10 =	sshra.s32 s8, $0x2;
	v5 =	vmin.u32 v15, $0x7F;
	v6 =	vmin.u32 v16, $0x7F;
	s7 =	sadd.s32 $0x20, s7;
	v12 =	vshll.u32 v12, $0x4  }
0x464: {  	vm2 =	vlt.u32 v14, $0x7F;
	vm3 =	vle.f32 v20, v8;
	s11 =	sadd.s32 $0xFFFFFFF0, s7;
	s9 =	sand.u32 $0x1F00, s9;
	s12 =	sand.u32 $0xF0, s7;
	v17 =	vor.u32 $0x187, v6  }
0x465: {  	v18 =	vor.u32 $0x187, v5;
	v6 =	vadd.s32 $0x2, v14;
	vm2 =	vmand vm3, vm2;
	s11 =	sand.u32 $0xE0, s11;
	s12 =	sor.u32 s12, s9  }
0x466: {  	v14 =	vsel vm2, v6, v14;
	vm2 =	vlt.u32 v13, $0x7F;
	vm3 =	vle.f32 v19, v7;
	s9 =	sor.u32 s11, s9;
	v5 =	vld [tilespmem:s12+$0x0]  }
0x467: {  	v20 =	vadd.s32 $0x2, v13;
	v19 =	vmin.u32 v14, $0x7F;
	vm2 =	vmand vm3, vm2;
	v6 =	vld [tilespmem:s9+$0x0]  }
0x468: {  	v19 =	vor.u32 $0x180, v19;
	v13 =	vsel vm2, v20, v13;
	v20 =	vor.u32 v0, v21  }
0x469: {  	v12 =	vor.u32 v0, v12;
	v21 =	vmin.u32 v13, $0x7F;
	v20 =	vsel vm1, v20, v38  }
0x46a: {  	v12 =	vsel vm0, v12, v38;
	v21 =	vor.u32 $0x180, v21;
	v17 =	vld.idx.msk [tilespmem:v17+s18+$0x0], $0xffff;
	[tilespmem:s5+$0x6420] =	vst v20  }
0x46b: {  	vm0 =	vge.f32 v7, $1.000000050e-03;
	vm1 =	vle.f32 v39, v5;
	vm3 =	vle.f32 v40, v5;
	v18 =	vld.idx.msk [tilespmem:v18+s18+$0x0], $0xffff;
	[tilespmem:s5+$0x6430] =	vst v12;
	s5 =	smov.u32 s6;
	s6 =	smov.u32 s2;
	s2 =	smov.u32 s10  }
0x46c: {  	vm2 =	vle.f32 v39, v6;
	vm4 =	vle.f32 v40, v6;
	v20 =	vsel vm3, $0x40, v36  }
0x46d: {  	vm1 =	vmneg vm1;
	vm2 =	vmneg vm2;
	v22 =	vsel vm4, $0x40, v36;
	v12 =	vld.idx.msk [tilespmem:v19+s18+$0x0], $0xffff  }
0x46e: {  	vm3 =	vmand vm1, vm3;
	v23 =	vor.u32 $0x20, v20;
	v19 =	vor.u32 $0x20, v22  }
0x46f: {  	v25 =	vor.u32 $0x8, v16;
	vm4 =	vmand vm2, vm4;
	v24 =	vsel vm3, v42, v41;
	v21 =	vld.idx.msk [tilespmem:v21+s18+$0x0], $0xffff  }
0x470: {  	v26 =	vor.u32 $0x8, v15;
	vm3 =	vlt.u32 v25, $0x81;
	vm5 =	vle.f32 v17, v11  }
0x471: {  	vm6 =	vlt.u32 v26, $0x81;
	vm7 =	vle.f32 v18, v10;
	vm3 =	vmand vm5, vm3  }
0x472: {  	v17 =	vsel vm4, v42, v41;
	vm4 =	vmand vm7, vm6;
	v16 =	vsel vm3, v25, v16  }
0x473: {  	vm3 =	vlt.u32 v14, $0x80;
	v15 =	vsel vm4, v26, v15;
	vm4 =	vle.f32 v12, v8  }
0x474: {  	v18 =	vmin.u32 v16, $0x7C;
	v12 =	vmin.u32 v15, $0x7C;
	vm3 =	vmand vm4, vm3  }
0x475: {  	v25 =	vsel vm3, $0x1, v36;
	vm3 =	vlt.u32 v13, $0x80;
	vm4 =	vle.f32 v21, v7  }
0x476: {  	v18 =	vadd.s32 $0x183, v18;
	v21 =	vadd.s32 v25, v14;
	vm3 =	vmand vm4, vm3  }
0x477: {  	v14 =	vadd.s32 $0x183, v12;
	v12 =	vmax.u32 v21, $0x1;
	v25 =	vsel vm3, $0x1, v36  }
0x478: {  	v27 =	vmin.u32 v21, $0x7F;
	v26 =	vsub.s32 v12, v37;
	v12 =	vadd.s32 v25, v13  }
0x479: {  	v25 =	vor.u32 $0x180, v27;
	v13 =	vand.u32 $0x7FFFFFFF, v26;
	v26 =	vmax.u32 v12, $0x1  }
0x47a: {  	v27 =	vmin.u32 v12, $0x7F;
	v13 =	vadd.s32 $0x180, v13;
	v26 =	vsub.s32 v26, v37  }
0x47b: {  	vm3 =	vle.f32 v24, v5;
	v24 =	vand.u32 $0x7FFFFFFF, v26;
	v26 =	vor.u32 $0x180, v27;
	v18 =	vld.idx.msk [tilespmem:v18+s18+$0x0], $0xffff  }
0x47c: {  	vm4 =	vle.f32 v17, v6;
	v17 =	vsel vm3, v23, v20;
	v20 =	vadd.s32 $0x180, v24;
	v14 =	vld.idx.msk [tilespmem:v14+s18+$0x0], $0xffff  }
0x47d: {  	v19 =	vsel vm4, v19, v22;
	v17 =	vnsel vm1, $0x80, v17;
	vm1 =	vge.f32 v8, $1.000000050e-03  }
0x47e: {  	v22 =	vnsel vm2, $0x80, v19;
	vm2 =	vlt.u32 v17, $0x61;
	v23 =	vor.u32 $0x10, v17;
	v19 =	vld.idx.msk [tilespmem:v25+s18+$0x0], $0xffff  }
0x47f: {  	vm3 =	vgt.u32 v17, $0x3F;
	vm8 =	vgt.u32 v17, $0x5F;
	vm7 =	veq.s32 v17, $0x0;
	v24 =	vld.idx.msk [tilespmem:v13+s18+$0x0], $0xffff  }
0x480: {  	vm4 =	vgt.u32 v22, $0x3F;
	vm5 =	vgt.u32 v22, $0x5F;
	vm6 =	veq.s32 v22, $0x0;
	v25 =	vld.idx.msk [tilespmem:v26+s18+$0x0], $0xffff  }
0x481: {  	vm9 =	vlt.u32 v16, $0x7D;
	v13 =	vadd.s32 $0x4, v16;
	vm10 =	vle.f32 v18, v11;
	v18 =	vld.idx.msk [tilespmem:v20+s18+$0x0], $0xffff  }
0x482: {  	vm11 =	vlt.u32 v15, $0x7D;
	vm12 =	vle.f32 v14, v10;
	vm9 =	vmand vm10, vm9  }
0x483: {  	s4 =	sadd.s32 $0x2, s4;
	v14 =	vadd.s32 $0x4, v15;
	vm10 =	vmand vm12, vm11;
	v13 =	vsel vm9, v13, v16  }
0x484: {  	p3 =	slt.u32 s4, $0x17E;
	v16 =	vsel vm8, v46, v45;
	v14 =	vsel vm10, v14, v15;
	v15 =	vmin.u32 v13, $0x7E  }
0x485: {  	v19 =	vsub.f32 v19, v8;
	v20 =	vmin.u32 v14, $0x7E;
	v24 =	vsub.f32 v8, v24;
	v8 =	vmovc v10;
	v10 =	vmovc v6  }
0x486: {  	v15 =	vadd.s32 $0x181, v15;
	v6 =	vadd.s32 $0x181, v20;
	v20 =	vsub.f32 v25, v7  }
0x487: {  	v19 =	vmul.f32 v19, v19;
	v24 =	vmul.f32 v24, v24;
	v18 =	vsub.f32 v7, v18;
	v7 =	vmovc v11  }
0x488: {  	vm8 =	veq.s32 v21, $0x0;
	vm9 =	vlt.u32 v21, $0x80;
	v11 =	vmovc v5;
	v20 =	vmul.f32 v20, v20  }
0x489: {  	v19 =	vnsel vm9, $0x501502F9, v19;
	v5 =	vsel vm8, $0x501502F9, v24;
	v18 =	vmul.f32 v18, v18  }
0x48a: {  	vm9 =	vlt.u32 v12, $0x80;
	vm8 =	veq.s32 v12, $0x0;
	v5 =	vmin.f32 v5, v19  }
0x48b: {  	v19 =	vnsel vm9, $0x501502F9, v20;
	v5 =	vnsel vm1, $0x0, v5;
	v18 =	vsel vm8, $0x501502F9, v18  }
0x48c: {  	v24 =	vsel vm7, v43, v44;
	v5 =	vadd.f32 v5, v9;
	v9 =	vmin.f32 v18, v19  }
.Ltmp10:
0x48d: {  	v18 =	vsel vm5, v46, v45;
	v19 =	vsel vm6, v43, v44;
	v20 =	vld.idx.msk [tilespmem:v6+s18+$0x0], $0xffff;
	v6 =	vnsel vm0, $0x0, v9;
	(pc) =	sbr.rel @p3 .LBB2_21-.Ltmp10, $4  }
0x48e: {  	v16 =	vsel vm3, v16, v24;
	v18 =	vsel vm4, v18, v19;
	v9 =	vadd.f32 v6, v5  }
0x48f: {  	vm3 =	vlt.u32 v22, $0x61;
	vm5 =	vle.f32 v16, v11;
	vm4 =	vle.f32 v18, v10;
	v19 =	vld.idx.msk [tilespmem:v15+s18+$0x0], $0xffff  }
0x490: {  	vm2 =	vmand vm2, vm5;
	vm3 =	vmand vm3, vm4;
	v5 =	vor.u32 $0x10, v22  }
0x491: {  	s8 =	sadd.s32 $0x80, s8;
	v21 =	vshll.u32 v21, $0x4;
	v16 =	vsel vm2, v23, v17;
	v15 =	vsel vm3, v5, v22  }
0x492: {  	s4 =	smov.u32 s5;
	v17 =	vmovc v8;
	v18 =	vmov v7;
	s5 =	smov.u32 s2;
	v5 =	vmov v11;
	v6 =	vmov v10  }
.LBB2_23:
0x493: {  	v7 =	vmin.u32 v15, $0x7F  }
0x494: {  	v7 =	vor.u32 $0x187, v7  }
0x495: {  	v8 =	vmin.u32 v16, $0x7F  }
0x496: {  	v8 =	vor.u32 $0x187, v8;
	_ =	sdelay $0x2  }
0x497: {  	v7 =	vld.idx.msk [tilespmem:v7+s18+$0x0], $0xffff;
	_ =	sdelay $0x1  }
0x498: {  	v8 =	vld.idx.msk [tilespmem:v8+s18+$0x0], $0xffff;
	_ =	sdelay $0x1  }
0x499: {  	v10 =	vor.u32 $0x8, v15  }
0x49a: {  	vm2 =	vlt.u32 v10, $0x81;
	vm3 =	vle.f32 v7, v6  }
0x49b: {  	v7 =	vor.u32 $0x8, v16;
	vm2 =	vmand vm3, vm2  }
0x49c: {  	vm4 =	vle.f32 v8, v5;
	vm15 =	vlt.u32 v7, $0x81;
	v8 =	vsel vm2, v10, v15  }
0x49d: {  	vm7 =	vmand vm4, vm15;
	v10 =	vmin.u32 v8, $0x7C  }
0x49e: {  	v7 =	vsel vm7, v7, v16;
	v10 =	vadd.s32 $0x183, v10  }
0x49f: {  	v11 =	vmin.u32 v7, $0x7C  }
0x4a0: {  	v11 =	vadd.s32 $0x183, v11;
	_ =	sdelay $0x2  }
0x4a1: {  	v10 =	vld.idx.msk [tilespmem:v10+s18+$0x0], $0xffff;
	_ =	sdelay $0x1  }
0x4a2: {  	v11 =	vld.idx.msk [tilespmem:v11+s18+$0x0], $0xffff;
	_ =	sdelay $0x2  }
0x4a3: {  	vm8 =	vlt.u32 v8, $0x7D;
	vm9 =	vle.f32 v10, v6  }
0x4a4: {  	v10 =	vadd.s32 $0x4, v8;
	vm2 =	vmand vm9, vm8  }
0x4a5: {  	vm10 =	vlt.u32 v7, $0x7D;
	vm11 =	vle.f32 v11, v5;
	v8 =	vsel vm2, v10, v8  }
0x4a6: {  	v10 =	vadd.s32 $0x4, v7;
	vm12 =	vmand vm11, vm10;
	v11 =	vmin.u32 v8, $0x7E  }
0x4a7: {  	v7 =	vsel vm12, v10, v7;
	v10 =	vadd.s32 $0x181, v11;
	_ =	sdelay $0x1  }
0x4a8: {  	vm3 =	vle.f32 @p2 v20, v17;
	vm2 =	vlt.u32 @p2 v14, $0x7F;
	v11 =	vmin.u32 v7, $0x7E  }
0x4a9: {  	v15 =	vadd.s32 @p2 $0x2, v14;
	vm2 =	vmand @p2 vm3, vm2;
	v11 =	vadd.s32 $0x181, v11  }
0x4aa: {  	vm4 =	vle.f32 @p2 v19, v18;
	vm3 =	vlt.u32 @p2 v13, $0x7F;
	v14 =	vsel @p2 vm2, v15, v14  }
0x4ab: {  	v15 =	vadd.s32 @p2 $0x2, v13;
	vm2 =	vmand @p2 vm4, vm3;
	v16 =	vmin.u32 @p2 v14, $0x7F;
	v10 =	vld.idx.msk [tilespmem:v10+s18+$0x0], $0xffff  }
0x4ac: {  	v13 =	vsel @p2 vm2, v15, v13;
	v15 =	vor.u32 @p2 $0x180, v16  }
0x4ad: {  	v16 =	vmin.u32 @p2 v13, $0x7F  }
0x4ae: {  	v16 =	vor.u32 @p2 $0x180, v16;
	v11 =	vld.idx.msk [tilespmem:v11+s18+$0x0], $0xffff;
	_ =	sdelay $0x1  }
0x4af: {  	vm13 =	vlt.u32 v8, $0x7F;
	vm14 =	vle.f32 v10, v6  }
0x4b0: {  	v12 =	vshll.u32 @p1 v12, $0x4;
	v10 =	vld.idx.msk @p2 [tilespmem:v15+s18+$0x0], $0xffff;
	v15 =	vadd.s32 $0x2, v8;
	vm2 =	vmand vm14, vm13  }
0x4b1: {  	v12 =	vor.u32 @p1 v0, v12;
	v8 =	vsel vm2, v15, v8  }
0x4b2: {  	vm15 =	vlt.u32 v7, $0x7F;
	v16 =	vld.idx.msk @p2 [tilespmem:v16+s18+$0x0], $0xffff;
	vm6 =	vle.f32 v11, v5;
	v11 =	vmin.u32 v8, $0x7F  }
0x4b3: {  	v15 =	vadd.s32 $0x2, v7;
	vm2 =	vmand vm6, vm15;
	v11 =	vor.u32 $0x180, v11  }
0x4b4: {  	v12 =	vsel @p1 vm0, v12, v38;
	v19 =	vor.u32 @p1 v0, v21;
	v7 =	vsel vm2, v15, v7  }
0x4b5: {  	vm0 =	vge.f32 @p2 v18, $1.000000050e-03;
	v15 =	vsel @p1 vm1, v19, v38;
	v19 =	vmin.u32 v7, $0x7F  }
0x4b6: {  	vm1 =	vlt.u32 @p2 v14, $0x80;
	vm2 =	vle.f32 @p2 v10, v17;
	v10 =	vor.u32 $0x180, v19  }
0x4b7: {  	vm10 =	vge.f32 v6, $1.000000050e-03;
	vm3 =	vle.f32 @p2 v16, v18;
	vm1 =	vmand @p2 vm2, vm1  }
0x4b8: {  	vm7 =	vlt.u32 v8, $0x80;
	vm2 =	vlt.u32 @p2 v13, $0x80;
	v16 =	vsel @p2 vm1, $0x1, v36;
	v11 =	vld.idx.msk [tilespmem:v11+s18+$0x0], $0xffff  }
0x4b9: {  	vm9 =	vlt.u32 v7, $0x80;
	vm1 =	vmand @p2 vm3, vm2;
	v20 =	vadd.s32 @p2 v16, v14  }
0x4ba: {  	v14 =	vsel @p2 vm1, $0x1, v36;
	vm1 =	vge.f32 @p2 v17, $1.000000050e-03;
	v16 =	vmax.u32 @p2 v20, $0x1  }
0x4bb: {  	v21 =	vadd.s32 @p2 v14, v13;
	v14 =	vmin.u32 @p2 v20, $0x7F;
	v13 =	vsub.s32 @p2 v16, v37;
	v10 =	vld.idx.msk [tilespmem:v10+s18+$0x0], $0xffff  }
0x4bc: {  	v16 =	vmax.u32 @p2 v21, $0x1;
	v14 =	vor.u32 @p2 $0x180, v14;
	v19 =	vmin.u32 @p2 v21, $0x7F  }
0x4bd: {  	v13 =	vand.u32 @p2 $0x7FFFFFFF, v13;
	v16 =	vsub.s32 @p2 v16, v37;
	vm8 =	vle.f32 v11, v6  }
0x4be: {  	v19 =	vor.u32 @p2 $0x180, v19;
	v16 =	vand.u32 @p2 $0x7FFFFFFF, v16;
	vm2 =	vmand vm8, vm7  }
0x4bf: {  	v13 =	vadd.s32 @p2 $0x180, v13;
	v11 =	vadd.s32 @p2 $0x180, v16;
	v16 =	vsel vm2, $0x1, v36  }
0x4c0: {  	vm3 =	vle.f32 v10, v5;
	v10 =	vshll.u32 @p2 v20, $0x4;
	v22 =	vadd.s32 v16, v8  }
0x4c1: {  	vm2 =	vmand vm3, vm9;
	v10 =	vpsel p2, v10, v0;
	v16 =	vmax.u32 v22, $0x1  }
0x4c2: {  	vm3 =	vmmov @p2 vm0;
	v23 =	vsel vm2, $0x1, v36;
	v16 =	vsub.s32 v16, v37  }
0x4c3: {  	v24 =	vmin.u32 v22, $0x7F;
	v23 =	vadd.s32 v23, v7;
	v7 =	vand.u32 $0x7FFFFFFF, v16  }
0x4c4: {  	v16 =	vor.u32 $0x180, v24;
	v24 =	vmax.u32 v23, $0x1;
	v7 =	vadd.s32 $0x180, v7  }
0x4c5: {  	v14 =	vld.idx.msk @p2 [tilespmem:v14+s18+$0x0], $0xffff;
	v8 =	vpsel p2, v21, v0;
	v25 =	vmin.u32 v23, $0x7F;
	v24 =	vsub.s32 v24, v37  }
0x4c6: {  	v26 =	vld.idx.msk @p2 [tilespmem:v13+s18+$0x0], $0xffff;
	vm2 =	vmmov @p2 vm1;
	v13 =	vand.u32 $0x7FFFFFFF, v24;
	v24 =	vor.u32 $0x180, v25  }
0x4c7: {  	s2 =	smov.u32 @p2 s6;
	[tilespmem:s4+$0x6430] =	vst @p1 v12;
	v10 =	vor.u32 @p2 v0, v10;
	v8 =	vshll.u32 @p2 v8, $0x4;
	v27 =	vld.idx.msk @p2 [tilespmem:v11+s18+$0x0], $0xffff;
	v13 =	vadd.s32 $0x180, v13  }
0x4c8: {  	s2 =	smov.u32 @p2 s2;
	[tilespmem:s4+$0x6420] =	vst @p1 v15;
	v10 =	vsel @p2 vm2, v10, v38;
	v8 =	vor.u32 @p2 v0, v8;
	v11 =	vshll.u32 v22, $0x4;
	v25 =	vld.idx.msk @p2 [tilespmem:v19+s18+$0x0], $0xffff  }
0x4c9: {  	[tilespmem:s2+$0x6420] =	vst @p2 v10;
	v8 =	vsel @p2 vm3, v8, v38;
	v10 =	vor.u32 v0, v11;
	v29 =	vld.idx.msk [tilespmem:v7+s18+$0x0], $0xffff;
	v7 =	vshll.u32 v23, $0x4  }
0x4ca: {  	s13 =	simm.s32 $0x0;
	s14 =	simm.s32 $0x0;
	vm11 =	vge.f32 v5, $1.000000050e-03;
	[tilespmem:s2+$0x6430] =	vst @p2 v8;
	v8 =	vsel vm10, v10, v38;
	v28 =	vld.idx.msk [tilespmem:v16+s18+$0x0], $0xffff;
	v7 =	vor.u32 v0, v7  }
0x4cb: {  	s4 =	sand.u32 $0x1F00, s14;
	s2 =	sand.u32 $0xE0, s13;
	[tilespmem:s5+$0x6420] =	vst v8;
	v24 =	vld.idx.msk [tilespmem:v24+s18+$0x0], $0xffff;
	v7 =	vsel vm11, v7, v38  }
0x4cc: {  	s2 =	sor.u32 s2, s4;
	v30 =	vld.idx.msk [tilespmem:v13+s18+$0x0], $0xffff;
	[tilespmem:s5+$0x6430] =	vst v7  }
0x4cd: {  	v15 =	vld [tilespmem:s2+$0x0];
	s2 =	simm.s32 $0x0  }
0x4ce: {  	v7 =	vld [tilespmem:s2+$0x6430]  }
0x4cf: {  	v31 =	vld [tilespmem:s2+$0x1C20]  }
0x4d0: {  	v32 =	vld [tilespmem:s2+$0x3420]  }
0x4d1: {  	v8 =	vld [tilespmem:s2+$0x4C30]  }
0x4d2: {  	v19 =	vld [tilespmem:s2+$0x4C20]  }
0x4d3: {  	s15 =	simm.s32 $0x10;
	v13 =	vld [tilespmem:s2+$0x1C30]  }
0x4d4: {  	s5 =	sand.u32 $0xF0, s15;
	v16 =	vld [tilespmem:s2+$0x6420]  }
0x4d5: {  	s4 =	sor.u32 s5, s4;
	v12 =	vld [tilespmem:s2+$0x3430]  }
0x4d6: {  	v10 =	vld [tilespmem:s4+$0x0]  }
0x4d7: {  	v26 =	vsub.f32 @p2 v17, v26;
	v17 =	vsub.f32 @p2 v14, v17;
	v11 =	vld.idx.msk [tilespmem:v7+s3+$0x0], $0xffff  }
0x4d8: {  	v25 =	vsub.f32 @p2 v25, v18;
	v14 =	vld.idx.msk [tilespmem:v7+s17+$0x0], $0xffff  }
0x4d9: {  	v26 =	vmul.f32 @p2 v26, v26;
	v17 =	vmul.f32 @p2 v17, v17;
	v18 =	vsub.f32 @p2 v18, v27;
	v27 =	vld.idx.msk [tilespmem:v31+s19+$0x0], $0xffff  }
0x4da: {  	vm4 =	veq.s32 @p2 v20, $0x0;
	vm5 =	vlt.u32 @p2 v20, $0x80;
	v20 =	vmul.f32 @p2 v25, v25;
	v25 =	vld.idx.msk [tilespmem:v31+s20+$0x0], $0xffff  }
0x4db: {  	v26 =	vsel @p2 vm4, $0x501502F9, v26;
	v17 =	vnsel @p2 vm5, $0x501502F9, v17;
	v18 =	vmul.f32 @p2 v18, v18;
	v33 =	vld.idx.msk [tilespmem:v32+s21+$0x0], $0xffff  }
0x4dc: {  	vm4 =	veq.s32 @p2 v21, $0x0;
	vm5 =	vlt.u32 @p2 v21, $0x80;
	v26 =	vmin.f32 @p2 v26, v17;
	v17 =	vld.idx.msk [tilespmem:v8+s0+$0x0], $0xffff  }
0x4dd: {  	v21 =	vnsel @p2 vm1, $0x0, v26;
	v18 =	vsel @p2 vm4, $0x501502F9, v18;
	v20 =	vnsel @p2 vm5, $0x501502F9, v20;
	v26 =	vld.idx.msk [tilespmem:v32+s22+$0x0], $0xffff  }
0x4de: {  	v21 =	vadd.f32 @p2 v21, v9;
	v18 =	vmin.f32 @p2 v18, v20;
	v9 =	vld.idx.msk [tilespmem:v8+s1+$0x0], $0xffff  }
0x4df: {  	v28 =	vsub.f32 v28, v6;
	v18 =	vnsel @p2 vm0, $0x0, v18;
	v34 =	vld.idx.msk [tilespmem:v19+s23+$0x0], $0xffff  }
0x4e0: {  	v29 =	vsub.f32 v6, v29;
	v21 =	vadd.f32 @p2 v18, v21;
	v18 =	vld.idx.msk [tilespmem:v13+s29+$0x0], $0xffff  }
0x4e1: {  	vm12 =	veq.s32 v22, $0x0;
	v24 =	vsub.f32 v24, v5;
	v28 =	vmul.f32 v28, v28;
	v20 =	vld.idx.msk [tilespmem:v13+s28+$0x0], $0xffff  }
0x4e2: {  	vm13 =	vlt.u32 v22, $0x80;
	v29 =	vmul.f32 v29, v29;
	v5 =	vsub.f32 v5, v30;
	v6 =	vld.idx.msk [tilespmem:v12+s31+$0x0], $0xffff  }
0x4e3: {  	vm14 =	veq.s32 v23, $0x0;
	v24 =	vmul.f32 v24, v24;
	v28 =	vnsel vm13, $0x501502F9, v28;
	v62 =	vld.idx.msk [tilespmem:v19+s24+$0x0], $0xffff  }
0x4e4: {  	v22 =	vsel vm12, $0x501502F9, v29;
	v5 =	vmul.f32 v5, v5;
	v35 =	vpsel p2, v21, v58;
	v21 =	vld.idx.msk [tilespmem:v12+s30+$0x0], $0xffff  }
0x4e5: {  	p1 =	por $0x1, $0x1;
	vm15 =	vlt.u32 v23, $0x80;
	v28 =	vmin.f32 v22, v28;
	v63 =	vld.idx.msk [tilespmem:v16+s26+$0x0], $0xffff;
	v27 =	vmax.f32 v27, v15  }
.Ltmp11:
0x4e6: {  	v24 =	vnsel vm15, $0x501502F9, v24;
	v5 =	vsel vm14, $0x501502F9, v5;
	v22 =	vld.idx.msk [tilespmem:v16+s25+$0x0], $0xffff;
	v23 =	vmin.f32 v25, v15;
	[tilespmem:v31+s19+$0x0] =	vst.idx.msk $0xffff, v27;
	(pc) =	sbr.rel @!p1 .LBB2_25-.Ltmp11, $4  }
0x4e7: {  	v5 =	vmin.f32 v5, v24;
	v24 =	vmax.f32 v33, v15;
	[tilespmem:v31+s20+$0x0] =	vst.idx.msk $0xffff, v23;
	v23 =	vnsel vm10, $0x0, v28  }
0x4e8: {  	v25 =	vmin.f32 v26, v15;
	v23 =	vadd.f32 v23, v35;
	[tilespmem:v32+s21+$0x0] =	vst.idx.msk $0xffff, v24  }
0x4e9: {  	v5 =	vnsel vm11, $0x0, v5;
	v26 =	vmax.f32 v34, v15;
	v24 =	vmin.f32 v62, v15;
	[tilespmem:v32+s22+$0x0] =	vst.idx.msk $0xffff, v25  }
0x4ea: {  	s5 =	simm.s32 $0x30;
	s4 =	simm.s32 $0x0;
	v5 =	vadd.f32 v5, v23;
	v23 =	vmin.f32 v63, v15;
	[tilespmem:v19+s23+$0x0] =	vst.idx.msk $0xffff, v26  }
.LBB2_24:
0x4eb: {  	p1 =	sne.s32 s5, $0x17F0  }
0x4ec: {  	v15 =	vmax.f32 v22, v15;
	[tilespmem:v19+s24+$0x0] =	vst.idx.msk $0xffff, v24;
	s4 =	sadd.s32 $0x80, s4;
	s6 =	smov.u32 s5;
	s5 =	sadd.s32 $0x20, s5  }
0x4ed: {  	[tilespmem:v16+s25+$0x0] =	vst.idx.msk $0xffff, v15  }
0x4ee: {  	v15 =	vmax.f32 v20, v10;
	[tilespmem:v16+s26+$0x0] =	vst.idx.msk $0xffff, v23  }
0x4ef: {  	v16 =	vmin.f32 v18, v10;
	[tilespmem:v13+s28+$0x0] =	vst.idx.msk $0xffff, v15  }
0x4f0: {  	v15 =	vmax.f32 v21, v10;
	[tilespmem:v13+s29+$0x0] =	vst.idx.msk $0xffff, v16  }
0x4f1: {  	v6 =	vmin.f32 v6, v10;
	[tilespmem:v12+s30+$0x0] =	vst.idx.msk $0xffff, v15  }
0x4f2: {  	v9 =	vmax.f32 v9, v10;
	[tilespmem:v12+s31+$0x0] =	vst.idx.msk $0xffff, v6  }
0x4f3: {  	v6 =	vmin.f32 v17, v10;
	[tilespmem:v8+s1+$0x0] =	vst.idx.msk $0xffff, v9  }
0x4f4: {  	s7 =	sadd.s32 $0xFFFFFFF0, s6;
	s8 =	sshrl.u32 s4, $0x2;
	v9 =	vmax.f32 v14, v10;
	[tilespmem:v8+s0+$0x0] =	vst.idx.msk $0xffff, v6  }
0x4f5: {  	s6 =	sand.u32 $0xF0, s6;
	s7 =	sand.u32 $0xE0, s7;
	s8 =	sand.u32 $0x1F00, s8;
	v6 =	vmin.f32 v11, v10;
	[tilespmem:v7+s17+$0x0] =	vst.idx.msk $0xffff, v9  }
0x4f6: {  	s7 =	sor.u32 s7, s8;
	s6 =	sor.u32 s6, s8;
	[tilespmem:v7+s3+$0x0] =	vst.idx.msk $0xffff, v6  }
0x4f7: {  	v15 =	vld [tilespmem:s7+$0x0];
	s7 =	sshra.s32 s4, $0x2  }
0x4f8: {  	v7 =	vld [tilespmem:s7+$0x6430]  }
0x4f9: {  	v23 =	vld [tilespmem:s7+$0x1C20]  }
0x4fa: {  	v25 =	vld [tilespmem:s7+$0x3420]  }
0x4fb: {  	v8 =	vld [tilespmem:s7+$0x4C30]  }
0x4fc: {  	v19 =	vld [tilespmem:s7+$0x4C20]  }
0x4fd: {  	v13 =	vld [tilespmem:s7+$0x1C30]  }
0x4fe: {  	v16 =	vld [tilespmem:s7+$0x6420]  }
0x4ff: {  	v12 =	vld [tilespmem:s7+$0x3430]  }
0x500: {  	v10 =	vld [tilespmem:s6+$0x0]  }
0x501: {  	v11 =	vld.idx.msk [tilespmem:v7+s3+$0x0], $0xffff  }
0x502: {  	v14 =	vld.idx.msk [tilespmem:v7+s17+$0x0], $0xffff  }
0x503: {  	v6 =	vld.idx.msk [tilespmem:v23+s19+$0x0], $0xffff  }
0x504: {  	v18 =	vld.idx.msk [tilespmem:v23+s20+$0x0], $0xffff  }
0x505: {  	v20 =	vld.idx.msk [tilespmem:v25+s21+$0x0], $0xffff  }
0x506: {  	v17 =	vld.idx.msk [tilespmem:v8+s0+$0x0], $0xffff  }
0x507: {  	v21 =	vld.idx.msk [tilespmem:v25+s22+$0x0], $0xffff  }
0x508: {  	v9 =	vld.idx.msk [tilespmem:v8+s1+$0x0], $0xffff  }
0x509: {  	v24 =	vmax.f32 v6, v15;
	v22 =	vld.idx.msk [tilespmem:v19+s23+$0x0], $0xffff  }
0x50a: {  	v26 =	vmin.f32 v18, v15;
	v18 =	vld.idx.msk [tilespmem:v13+s29+$0x0], $0xffff  }
0x50b: {  	v27 =	vmax.f32 v20, v15;
	v20 =	vld.idx.msk [tilespmem:v13+s28+$0x0], $0xffff  }
0x50c: {  	v6 =	vld.idx.msk [tilespmem:v12+s31+$0x0], $0xffff  }
0x50d: {  	v28 =	vmin.f32 v21, v15;
	v29 =	vld.idx.msk [tilespmem:v19+s24+$0x0], $0xffff  }
0x50e: {  	v21 =	vld.idx.msk [tilespmem:v12+s30+$0x0], $0xffff  }
0x50f: {  	v30 =	vmax.f32 v22, v15;
	v31 =	vld.idx.msk [tilespmem:v16+s26+$0x0], $0xffff  }
0x510: {  	v22 =	vld.idx.msk [tilespmem:v16+s25+$0x0], $0xffff  }
.Ltmp12:
0x511: {  	[tilespmem:v23+s19+$0x0] =	vst.idx.msk $0xffff, v24;
	(pc) =	sbr.rel @p1 .LBB2_24-.Ltmp12, $4  }
0x512: {  	[tilespmem:v23+s20+$0x0] =	vst.idx.msk $0xffff, v26  }
0x513: {  	v24 =	vmin.f32 v29, v15;
	[tilespmem:v25+s21+$0x0] =	vst.idx.msk $0xffff, v27  }
0x514: {  	[tilespmem:v25+s22+$0x0] =	vst.idx.msk $0xffff, v28  }
0x515: {  	v23 =	vmin.f32 v31, v15;
	[tilespmem:v19+s23+$0x0] =	vst.idx.msk $0xffff, v30  }
.LBB2_25:
0x516: {  	_ =	sdelay $0x3  }
0x517: {  	v15 =	vmax.f32 v22, v15;
	[tilespmem:v19+s24+$0x0] =	vst.idx.msk $0xffff, v24  }
0x518: {  	[tilespmem:v16+s25+$0x0] =	vst.idx.msk $0xffff, v15  }
0x519: {  	v15 =	vmax.f32 v20, v10;
	[tilespmem:v16+s26+$0x0] =	vst.idx.msk $0xffff, v23  }
0x51a: {  	v16 =	vmin.f32 v18, v10;
	[tilespmem:v13+s28+$0x0] =	vst.idx.msk $0xffff, v15  }
0x51b: {  	v15 =	vmax.f32 v21, v10;
	[tilespmem:v13+s29+$0x0] =	vst.idx.msk $0xffff, v16  }
0x51c: {  	v6 =	vmin.f32 v6, v10;
	[tilespmem:v12+s30+$0x0] =	vst.idx.msk $0xffff, v15  }
0x51d: {  	v9 =	vmax.f32 v9, v10;
	[tilespmem:v12+s31+$0x0] =	vst.idx.msk $0xffff, v6  }
0x51e: {  	v6 =	vmin.f32 v17, v10;
	[tilespmem:v8+s1+$0x0] =	vst.idx.msk $0xffff, v9  }
0x51f: {  	v9 =	vmax.f32 v14, v10;
	[tilespmem:v8+s0+$0x0] =	vst.idx.msk $0xffff, v6  }
0x520: {  	v6 =	vmin.f32 v11, v10;
	[tilespmem:v7+s17+$0x0] =	vst.idx.msk $0xffff, v9  }
0x521: {  	[tilespmem:v7+s3+$0x0] =	vst.idx.msk $0xffff, v6  }
0x522: {  	v12 =	vld [tilespmem:s2+$0x9E20]  }
0x523: {  	v14 =	vld [tilespmem:s2+$0xE220]  }
0x524: {  	v11 =	vld [tilespmem:s2+$0xA6A0]  }
0x525: {  	v10 =	vld [tilespmem:s2+$0xEAA0]  }
0x526: {  	v9 =	vld [tilespmem:s2+$0xAF20]  }
0x527: {  	v8 =	vld [tilespmem:s2+$0xF320]  }
0x528: {  	v7 =	vld [tilespmem:s2+$0xB7A0]  }
0x529: {  	v6 =	vld [tilespmem:s2+$0xFBA0]  }
0x52a: {  	v17 =	vld [tilespmem:s2+$0x7C20]  }
0x52b: {  	p1 =	por $0x1, $0x1;
	v18 =	vld [tilespmem:s2+$0xC020]  }
.Ltmp13:
0x52c: {  	v16 =	vld [tilespmem:s2+$0x84A0];
	(pc) =	sbr.rel @!p1 .LBB2_27-.Ltmp13, $4  }
0x52d: {  	v15 =	vld [tilespmem:s2+$0xC8A0]  }
0x52e: {  	v13 =	vld [tilespmem:s2+$0x8D20]  }
0x52f: {  	v17 =	vmax.f32 v17, v12;
	v12 =	vld [tilespmem:s2+$0xD120]  }
0x530: {  	s4 =	simm.s32 $0x40;
	[tilespmem:s2+$0x7C20] =	vst v17;
	v17 =	vmin.f32 v18, v14;
	v14 =	vld [tilespmem:s2+$0x95A0]  }
.LBB2_26:
0x531: {  	s5 =	sshra.s32 s4, $0x2;
	p1 =	sne.s32 s4, $0x21C0;
	[tilespmem:s2+$0xC020] =	vst v17;
	v11 =	vmax.f32 v16, v11;
	v16 =	vld [tilespmem:s2+$0xD9A0]  }
0x532: {  	v17 =	vld [tilespmem:s5+$0x9E20];
	[tilespmem:s2+$0x84A0] =	vst v11;
	v10 =	vmin.f32 v15, v10  }
0x533: {  	v18 =	vld [tilespmem:s5+$0xE220];
	[tilespmem:s2+$0xC8A0] =	vst v10;
	v9 =	vmax.f32 v13, v9  }
0x534: {  	v11 =	vld [tilespmem:s5+$0xA6A0];
	[tilespmem:s2+$0x8D20] =	vst v9;
	v8 =	vmin.f32 v12, v8  }
0x535: {  	v10 =	vld [tilespmem:s5+$0xEAA0];
	[tilespmem:s2+$0xD120] =	vst v8;
	v7 =	vmax.f32 v14, v7  }
0x536: {  	v9 =	vld [tilespmem:s5+$0xAF20];
	[tilespmem:s2+$0x95A0] =	vst v7;
	v6 =	vmin.f32 v16, v6  }
0x537: {  	v8 =	vld [tilespmem:s5+$0xF320];
	[tilespmem:s2+$0xD9A0] =	vst v6;
	s2 =	smov.u32 s5  }
0x538: {  	v7 =	vld [tilespmem:s2+$0xB7A0]  }
0x539: {  	v6 =	vld [tilespmem:s2+$0xFBA0]  }
0x53a: {  	v12 =	vld [tilespmem:s2+$0x7C20]  }
0x53b: {  	v14 =	vld [tilespmem:s2+$0xC020]  }
.Ltmp14:
0x53c: {  	v16 =	vld [tilespmem:s2+$0x84A0];
	(pc) =	sbr.rel @p1 .LBB2_26-.Ltmp14, $4  }
0x53d: {  	v15 =	vld [tilespmem:s2+$0xC8A0]  }
0x53e: {  	v13 =	vld [tilespmem:s2+$0x8D20]  }
0x53f: {  	v17 =	vmax.f32 v12, v17;
	v12 =	vld [tilespmem:s2+$0xD120]  }
0x540: {  	s4 =	sadd.s32 $0x40, s4;
	[tilespmem:s2+$0x7C20] =	vst v17;
	v17 =	vmin.f32 v14, v18;
	v14 =	vld [tilespmem:s2+$0x95A0]  }
.LBB2_27:
0x541: {  	[tilespmem:s2+$0xC020] =	vst v17;
	v11 =	vmax.f32 v16, v11;
	v63 =	vld [tilespmem:s2+$0xD9A0]  }
0x542: {  	[tilespmem:s2+$0x84A0] =	vst v11;
	v10 =	vmin.f32 v15, v10  }
0x543: {  	[tilespmem:s2+$0xC8A0] =	vst v10;
	v9 =	vmax.f32 v13, v9  }
0x544: {  	[tilespmem:s2+$0x8D20] =	vst v9;
	v8 =	vmin.f32 v12, v8  }
0x545: {  	[tilespmem:s2+$0xD120] =	vst v8;
	v7 =	vmax.f32 v14, v7  }
0x546: {  	[tilespmem:s2+$0x95A0] =	vst v7;
	v6 =	vmin.f32 v63, v6  }
0x547: {  	[tilespmem:s2+$0xD9A0] =	vst v6  }
0x548: {  	[tilespmem:$0x10420] =	vst v48  }
0x549: {  	[tilespmem:$0x10430] =	vst v49  }
0x54a: {  	[tilespmem:$0x10440] =	vst v4  }
0x54b: {  	[tilespmem:$0x10450] =	vst v5  }
0x54c: {  	s5 =	rddreg [dreg:$0x5];
	s4 =	simm.s32 $0x1;
	[tilespmem:$0x10460] =	vst v47  }
0x54d: {  	[hbm4b:s5+s16] =	stream.linear.scatter [tilespmem:s19], [sflag:$0x1], $0x880, $0x38;
	[tilespmem:$0x10470] =	vst v63  }
0x54e: {  	_ =	swait.ge [sflag:s4], $0x880  }
0x54f: {  	[sflag:s4] =	ssyncset.done $0x0  }
0x550: {  	s6 =	rddreg [dreg:$0x6];
	[sflag:s4] =	ssyncadd.s32 $0xFFFFF780  }
0x551: {  	[hbm4b:s6+s16] =	stream.linear.scatter [tilespmem:s20], [sflag:$0x1], $0x880, $0x38;
	[tilespmem:$0x10470] =	vst v63  }
0x552: {  	_ =	swait.ge [sflag:s4], $0x880  }
0x553: {  	[sflag:s4] =	ssyncset.done $0x0  }
0x554: {  	s7 =	rddreg [dreg:$0x7];
	[sflag:s4] =	ssyncadd.s32 $0xFFFFF780  }
0x555: {  	[hbm4b:s7+s16] =	stream.linear.scatter [tilespmem:s21], [sflag:$0x1], $0x880, $0x38;
	[tilespmem:$0x10470] =	vst v63  }
0x556: {  	_ =	swait.ge [sflag:s4], $0x880  }
0x557: {  	[sflag:s4] =	ssyncset.done $0x0  }
0x558: {  	s8 =	rddreg [dreg:$0x8];
	[sflag:s4] =	ssyncadd.s32 $0xFFFFF780  }
0x559: {  	[hbm4b:s8+s16] =	stream.linear.scatter [tilespmem:s22], [sflag:$0x1], $0x880, $0x38;
	[tilespmem:$0x10470] =	vst v63  }
0x55a: {  	_ =	swait.ge [sflag:s4], $0x880  }
0x55b: {  	[sflag:s4] =	ssyncset.done $0x0  }
0x55c: {  	s9 =	rddreg [dreg:$0x9];
	[sflag:s4] =	ssyncadd.s32 $0xFFFFF780  }
0x55d: {  	[hbm4b:s9+s16] =	stream.linear.scatter [tilespmem:s23], [sflag:$0x1], $0x880, $0x38;
	[tilespmem:$0x10470] =	vst v63  }
0x55e: {  	_ =	swait.ge [sflag:s4], $0x880  }
0x55f: {  	[sflag:s4] =	ssyncset.done $0x0  }
0x560: {  	s10 =	rddreg [dreg:$0xa];
	[sflag:s4] =	ssyncadd.s32 $0xFFFFF780  }
0x561: {  	[hbm4b:s10+s16] =	stream.linear.scatter [tilespmem:s24], [sflag:$0x1], $0x880, $0x38;
	[tilespmem:$0x10470] =	vst v63  }
0x562: {  	_ =	swait.ge [sflag:s4], $0x880  }
0x563: {  	[sflag:s4] =	ssyncset.done $0x0  }
0x564: {  	s11 =	rddreg [dreg:$0xb];
	[sflag:s4] =	ssyncadd.s32 $0xFFFFF780  }
0x565: {  	[hbm4b:s11+s16] =	stream.linear.scatter [tilespmem:s25], [sflag:$0x1], $0x880, $0x38;
	[tilespmem:$0x10470] =	vst v63  }
0x566: {  	_ =	swait.ge [sflag:s4], $0x880  }
0x567: {  	[sflag:s4] =	ssyncset.done $0x0  }
0x568: {  	s12 =	rddreg [dreg:$0xc];
	[sflag:s4] =	ssyncadd.s32 $0xFFFFF780  }
0x569: {  	[hbm4b:s12+s16] =	stream.linear.scatter [tilespmem:s26], [sflag:$0x1], $0x880, $0x38;
	[tilespmem:$0x10470] =	vst v63  }
0x56a: {  	_ =	swait.ge [sflag:s4], $0x880  }
0x56b: {  	[sflag:s4] =	ssyncset.done $0x0  }
0x56c: {  	s5 =	simm.s32 $0x10420;
	s13 =	rddreg [dreg:$0xd];
	[sflag:s4] =	ssyncadd.s32 $0xFFFFF780  }
0x56d: {  	[hbm4b:s13+s16] =	stream.linear.scatter [tilespmem:s5], [sflag:$0x1], $0x50, $0x38;
	[tilespmem:$0x10470] =	vst v63  }
0x56e: {  	_ =	swait.ge [sflag:s4], $0x50  }
0x56f: {  	s14 =	rddreg [dreg:$0xf]  }
0x570: {  	s15 =	rddreg [dreg:$0xe];
	s5 =	sadd.s32 $0x1, s14  }
0x571: {  	p1 =	sne.s32 s5, s15  }
.Ltmp15:
0x572: {  	_ = 	snop;
	(pc) =	sbr.rel @p1 .LBB2_1-.Ltmp15, $4  }
.Ltmp16:
0x573: {  	_ = 	snop;
	(pc) =	sbr.rel @!p1 .LBB2_28-.Ltmp16, $4  }
0x574: {  	_ = 	snop  }
0x575: {  	[sflag:s4] =	ssyncset.done $0x0  }
0x576: {  	[sflag:s4] =	ssyncadd.s32 $0xFFFFFFB0  }
0x577: {  	_ = 	snop  }
.LBB2_8:
.Ltmp17:
0x578: {  	(pc) =	sbr.rel .LBB2_15-.Ltmp17, $2  }
0x579: {  	_ =	sdelay $0x2  }
0x57a: {  	s8 =	simm.s32 $0x0;
	v8 =	vimm.f32 $0.0e+00;
	p4 =	por $0x0, $0x0  }
.LBB2_16:
.Ltmp18:
0x57b: {  	(pc) =	sbr.rel .LBB2_23-.Ltmp18, $2  }
0x57c: {  	_ =	sdelay $0x2  }
0x57d: {  	v9 =	vimm.f32 $0.0e+00;
	p2 =	por $0x0, $0x0  }
.LBB2_10:
.Ltmp19:
0x57e: {  	(pc) =	sbr.rel .LBB2_15-.Ltmp19, $2  }
0x57f: {  	_ =	sdelay $0x2  }
0x580: {  	v18 =	vmovc v7;
	v17 =	vmovc v4;
	s4 =	simm.s32 $0x0;
	v4 =	vmov v5;
	v7 =	vmov v6;
	v8 =	vimm.f32 $0.0e+00;
	p4 =	por $0x0, $0x0  }
.LBB2_18:
.Ltmp20:
0x581: {  	(pc) =	sbr.rel .LBB2_23-.Ltmp20, $2  }
0x582: {  	_ =	sdelay $0x2  }
0x583: {  	v17 =	vmovc v6;
	v18 =	vmovc v5;
	s6 =	simm.s32 $0x0;
	s5 =	simm.s32 $0x20;
	v5 =	vmov v7;
	v6 =	vmov v8;
	v9 =	vimm.f32 $0.0e+00  }
.LBB2_12:
.Ltmp21:
0x584: {  	(pc) =	sbr.rel .LBB2_15-.Ltmp21, $2  }
0x585: {  	_ =	sdelay $0x2  }
0x586: {  	v18 =	vmovc v6;
	v17 =	vmov v5;
	s9 =	simm.s32 $0x0;
	s4 =	simm.s32 $0x20;
	s8 =	simm.s32 $0x40;
	v4 =	vmov v10;
	v7 =	vmov v9  }
.LBB2_20:
.Ltmp22:
0x587: {  	(pc) =	sbr.rel .LBB2_23-.Ltmp22, $2  }
0x588: {  	_ =	sdelay $0x2  }
0x589: {  	v17 =	vmovc v8;
	v18 =	vmov v7;
	s4 =	simm.s32 $0x0;
	s5 =	simm.s32 $0x40;
	v5 =	vmov v11;
	v6 =	vmov v10  }
.LBB2_28:
0x58a: {  	_ =	sfence.sel $0x180000  }
0x58b: {  	[bflag:$0x0] =	sbarrier.arrive $0xFFFF  }
0x58c: {  	_ =	strace $0x90000047  }
0x58d: {  	s0 =	stileid.u32;
	[bflag:$0x2] =	sbarrier.arrive $0xFFFF  }
0x58e: {  	p0 =	sne.s32 s0, $0x0;
	s0 =	rddreg [dreg:$0x1]  }
0x58f: {  	s0 =	sadd.s32 @!p0 $0x100000, s0  }
0x590: {  	[sflag:s0] =	ssyncadd.tile.s32 @!p0 $0x1;
	_ =	shalt  }
.Lfunc_end2:
_tile_overlayer_lowered:
.L_overlay_start_2:
0x591: {  	(tag) =	ssettag $0x2  }
0x592: {  	s0 =	rddreg [dreg:$0x0];
	s2 =	stileid.u32  }
0x593: {  	s1 =	rddreg [dreg:$0x1];
	p0 =	sne.s32 s2, $0x0  }
0x594: {  	s3 =	rddreg [dreg:$0x2];
	[bflag:$0x3] =	sbarrier.arrive $0xFFFF;
	s2 =	simm.s32 @!p0 $0x1C01  }
0x595: {  	[timem:s3], [sflag:s2] =	dma.local @!p0 [hbm:s0], s1  }
0x596: {  	s0 =	simm.s32 @!p0 $0x1  }
0x597: {  	_ =	swait.ge @!p0 [sflag:s0], s1  }
0x598: {  	s1 =	ssub.s32 @!p0 $0x0, s1;
	[sflag:s0] =	ssyncset.done @!p0 $0x0  }
0x599: {  	[sflag:s0] =	ssyncadd.s32 @!p0 s1  }
0x59a: {  	[bflag:$0x3] =	sbarrier.arrive $0xFFFF  }
0x59b: {  	_ =	shalt  }

</sc_bundles>
